<compile_context>
chip_gen: v7x
topology: tpu7x:2x2x1
jax: 0.10.2.dev20260603
libtpu: 0.0.44.dev20260713+nightly
codegen_flags: <defaults>
</compile_context>

<pallas_src>
import functools

import jax
import jax.numpy as jnp
import numpy as np
from jax import lax
from jax.experimental import pallas as pl
from jax.experimental.pallas import tpu as pltpu
from jax.experimental.pallas import tpu_sc as plsc

NUM_NODES = 116
KEEP_RATIO = 0.6
N_NODES = 3712
NPAD = 3840
DUMMY = 3712



def _make_pair_agg(P, D, C):
    assert P % (32 * C) == 0
    NT = P // (32 * C)
    mesh = plsc.VectorSubcoreMesh(core_axis_name="c", subcore_axis_name="s")
    rows_per = NPAD // 16

    @functools.partial(
        pl.kernel, mesh=mesh,
        compiler_params=pltpu.CompilerParams(needs_layout_passes=False),
        out_type=[
            jax.ShapeDtypeStruct((2, NPAD, D), jnp.float32),
            jax.ShapeDtypeStruct((2, NPAD, 16), jnp.float32),
        ],
        scratch_types=[
            pltpu.VMEM((C,), jnp.int32),
            pltpu.VMEM((C,), jnp.int32),
            pltpu.VMEM((C, D), jnp.float32),
            pltpu.VMEM((C, D), jnp.float32),
            pltpu.VMEM((C, 16), jnp.float32),
            pltpu.VMEM_SHARED((NPAD, D), jnp.float32),
            pltpu.VMEM_SHARED((NPAD, 16), jnp.float32),
            pltpu.SemaphoreType.DMA,
            pltpu.SemaphoreType.DMA,
        ],
    )
    def agg(src_hbm, dst_hbm, x_hbm, zfeat_hbm, zcnt_hbm, ones_hbm,
            acc_out, cnt_out,
            idx_s, idx_d, rows_a, rows_b, ones_v, acc_sh, cnt_sh, sem1, sem2):
        c = lax.axis_index("c")
        s = lax.axis_index("s")
        wid = c * 16 + s
        pltpu.sync_copy(zfeat_hbm.at[pl.ds(s * rows_per, rows_per)],
                        acc_sh.at[pl.ds(s * rows_per, rows_per)])
        pltpu.sync_copy(zcnt_hbm.at[pl.ds(s * rows_per, rows_per)],
                        cnt_sh.at[pl.ds(s * rows_per, rows_per)])
        pltpu.sync_copy(ones_hbm, ones_v)
        plsc.subcore_barrier()
        base0 = wid * (NT * C)

        def chunk(i, carry):
            base = base0 + i * C
            pltpu.sync_copy(src_hbm.at[pl.ds(base, C)], idx_s)
            pltpu.sync_copy(dst_hbm.at[pl.ds(base, C)], idx_d)
            cp1 = pltpu.async_copy(x_hbm.at[idx_s], rows_a, sem1)
            cp2 = pltpu.async_copy(x_hbm.at[idx_d], rows_b, sem2)
            cp1.wait()
            cp2.wait()
            pltpu.sync_copy(rows_a, acc_sh.at[idx_d], add=True)
            pltpu.sync_copy(rows_b, acc_sh.at[idx_s], add=True)
            pltpu.sync_copy(ones_v, cnt_sh.at[idx_d], add=True)
            pltpu.sync_copy(ones_v, cnt_sh.at[idx_s], add=True)
            return carry

        lax.fori_loop(0, NT, chunk, 0)
        plsc.subcore_barrier()
        pltpu.sync_copy(acc_sh.at[pl.ds(s * rows_per, rows_per)],
                        acc_out.at[c].at[pl.ds(s * rows_per, rows_per)])
        pltpu.sync_copy(cnt_sh.at[pl.ds(s * rows_per, rows_per)],
                        cnt_out.at[c].at[pl.ds(s * rows_per, rows_per)])

    return agg


def _pair_agg(src, dst, x_pad, D, C=160):
    P = src.shape[0]
    zfeat = jnp.zeros((NPAD, D), jnp.float32)
    zcnt = jnp.zeros((NPAD, 16), jnp.float32)
    ones = jnp.zeros((C, 16), jnp.float32).at[:, 0].set(1.0)
    return _make_pair_agg(P, D, C)(src, dst, x_pad, zfeat, zcnt, ones)



ET = 102400
GMUL = 565
TOPK_CC = 2048
KCAP = 81920
SENT = -2147483648


def _count_ge(pbuf, nv, t):
    def body(i, acc):
        v = pbuf[pl.ds(i * 16, 16)]
        return acc + jnp.where(v >= t, 1, 0)

    accv = lax.fori_loop(0, nv, body, jnp.zeros((16,), jnp.int32))
    return jnp.sum(accv)


def _make_topk_stats():
    mesh = plsc.VectorSubcoreMesh(core_axis_name="c", subcore_axis_name="s")
    NCH = ET // TOPK_CC

    @functools.partial(
        pl.kernel, mesh=mesh,
        compiler_params=pltpu.CompilerParams(needs_layout_passes=False),
        out_type=[jax.ShapeDtypeStruct((32, 16), jnp.int32)],
        scratch_types=[
            pltpu.VMEM((ET + 32,), jnp.int32),
            pltpu.VMEM((TOPK_CC,), jnp.int32),
            pltpu.VMEM((TOPK_CC,), jnp.int32),
            pltpu.VMEM((16,), jnp.int32),
        ],
    )
    def stats(src_hbm, pbits_hbm, info_out, pbuf, srcv, probv, infov):
        g = lax.axis_index("c") * 16 + lax.axis_index("s")
        lanes = lax.iota(jnp.int32, 16)
        dump = jnp.int32(ET + 31)

        def chunk(i, cnt):
            base = i * TOPK_CC
            pltpu.sync_copy(src_hbm.at[pl.ds(base, TOPK_CC)], srcv)
            pltpu.sync_copy(pbits_hbm.at[pl.ds(base, TOPK_CC)], probv)

            def vreg(j, cnt):
                s = srcv[pl.ds(j * 16, 16)]
                pb = probv[pl.ds(j * 16, 16)]
                m = lax.shift_right_logical(s * GMUL, 16) == g
                pc = plsc.cumsum(jnp.where(m, 1, 0))
                plsc.store_scatter(pbuf, [jnp.where(m, cnt + pc - 1, dump)], pb)
                return cnt + jnp.max(pc)

            return lax.fori_loop(0, TOPK_CC // 16, vreg, cnt)

        cnt = lax.fori_loop(0, NCH, chunk, jnp.int32(0))
        pbuf[pl.ds(cnt, 16)] = jnp.full((16,), SENT, jnp.int32)
        nv = (cnt + 15) // 16
        k = jnp.maximum(1, (jnp.float32(KEEP_RATIO) * cnt.astype(jnp.float32)).astype(jnp.int32))

        def bstep(_, lohi):
            lo, hi = lohi
            mid = (lo + hi) // 2
            go = hi - lo > 1
            c = _count_ge(pbuf, nv, mid)
            take = jnp.logical_and(go, c >= k)
            lo2 = jnp.where(take, mid, lo)
            hi2 = jnp.where(jnp.logical_and(go, jnp.logical_not(c >= k)), mid, hi)
            return lo2, hi2

        vk, _ = lax.fori_loop(0, 31, bstep, (jnp.int32(0), jnp.int32(0x3F800001)))
        c_gt = _count_ge(pbuf, nv, vk + 1)
        kc = jnp.where(cnt > 0, k, 0)
        ntie = k - c_gt
        row = jnp.where(lanes == 0, kc,
                        jnp.where(lanes == 1, vk,
                                  jnp.where(lanes == 2, ntie, 0)))
        infov[...] = row
        pltpu.sync_copy(infov, info_out.at[g])

    return stats


def _make_topk_emit():
    mesh = plsc.VectorSubcoreMesh(core_axis_name="c", subcore_axis_name="s")
    NCH = ET // TOPK_CC
    SCAP = 1040

    @functools.partial(
        pl.kernel, mesh=mesh,
        compiler_params=pltpu.CompilerParams(needs_layout_passes=False),
        out_type=[
            jax.ShapeDtypeStruct((KCAP,), jnp.int32),
            jax.ShapeDtypeStruct((KCAP,), jnp.int32),
        ],
        scratch_types=[
            pltpu.VMEM((TOPK_CC,), jnp.int32),
            pltpu.VMEM((TOPK_CC,), jnp.int32),
            pltpu.VMEM((TOPK_CC,), jnp.int32),
            pltpu.VMEM((SCAP,), jnp.int32),
            pltpu.VMEM((SCAP,), jnp.int32),
            pltpu.VMEM((32, 16), jnp.int32),
        ],
    )
    def emit(src_hbm, dst_hbm, pbits_hbm, info_hbm, ksrc_out, kdst_out,
             srcv, dstv, probv, stag_s, stag_d, infov):
        g = lax.axis_index("c") * 16 + lax.axis_index("s")
        lanes = lax.iota(jnp.int32, 16)
        zeros16 = jnp.zeros((16,), jnp.int32)
        pltpu.sync_copy(info_hbm, infov)
        kc_lo = plsc.load_gather(infov, [lanes, zeros16])
        kc_hi = plsc.load_gather(infov, [lanes + 16, zeros16])
        pad_lo = ((kc_lo + 511) >> 9) << 9
        pad_hi = ((kc_hi + 511) >> 9) << 9
        off = (jnp.sum(jnp.where(lanes < g, pad_lo, 0))
               + jnp.sum(jnp.where(lanes + 16 < g, pad_hi, 0)))
        grow = plsc.load_gather(infov, [jnp.full((16,), g, jnp.int32), lanes])
        vk = jnp.sum(jnp.where(lanes == 1, grow, 0))
        ntie = jnp.sum(jnp.where(lanes == 2, grow, 0))
        dummyv = jnp.full((16,), DUMMY, jnp.int32)
        off = pl.multiple_of(off, 512)

        def chunk(i, carry):
            base = i * TOPK_CC
            pltpu.sync_copy(src_hbm.at[pl.ds(base, TOPK_CC)], srcv)
            pltpu.sync_copy(dst_hbm.at[pl.ds(base, TOPK_CC)], dstv)
            pltpu.sync_copy(pbits_hbm.at[pl.ds(base, TOPK_CC)], probv)

            def vreg(j, carry):
                cur, fl, tiecnt = carry
                s = srcv[pl.ds(j * 16, 16)]
                d = dstv[pl.ds(j * 16, 16)]
                pb = probv[pl.ds(j * 16, 16)]
                m = lax.shift_right_logical(s * GMUL, 16) == g
                gt = jnp.logical_and(m, pb > vk)
                tie = jnp.logical_and(m, pb == vk)
                tie_i = jnp.where(tie, 1, 0)
                pc = plsc.cumsum(tie_i)
                keep_tie = jnp.logical_and(tie, tiecnt + pc - 1 < ntie)
                keep = jnp.logical_or(gt, keep_tie)
                kcum = plsc.cumsum(jnp.where(keep, 1, 0))
                kidx = jnp.where(keep, cur + kcum - 1, jnp.int32(SCAP - 1))
                plsc.store_scatter(stag_s, [kidx], s)
                plsc.store_scatter(stag_d, [kidx], d)
                cur = cur + jnp.max(kcum)
                tiecnt = tiecnt + jnp.max(pc)

                def flush():
                    fo = pl.multiple_of(off + fl * 512, 512)
                    pltpu.sync_copy(stag_s.at[pl.ds(0, 512)],
                                    ksrc_out.at[pl.ds(fo, 512)])
                    pltpu.sync_copy(stag_d.at[pl.ds(0, 512)],
                                    kdst_out.at[pl.ds(fo, 512)])
                    stag_s[pl.ds(0, 16)] = stag_s[pl.ds(512, 16)]
                    stag_d[pl.ds(0, 16)] = stag_d[pl.ds(512, 16)]

                do = cur >= 512
                lax.cond(do, flush, lambda: None)
                cur = jnp.where(do, cur - 512, cur)
                fl = jnp.where(do, fl + 1, fl)
                return cur, fl, tiecnt

            return lax.fori_loop(0, TOPK_CC // 16, vreg, carry)

        cur, fl, _ = lax.fori_loop(0, NCH, chunk,
                                   (jnp.int32(0), jnp.int32(0), jnp.int32(0)))

        def padstore(j, cur):
            stag_s[pl.ds(cur + j * 16, 16)] = dummyv
            stag_d[pl.ds(cur + j * 16, 16)] = dummyv
            return cur

        lax.fori_loop(0, 32, padstore, cur)

        def final_flush():
            fo = pl.multiple_of(off + fl * 512, 512)
            pltpu.sync_copy(stag_s.at[pl.ds(0, 512)],
                            ksrc_out.at[pl.ds(fo, 512)])
            pltpu.sync_copy(stag_d.at[pl.ds(0, 512)],
                            kdst_out.at[pl.ds(fo, 512)])

        lax.cond(cur > 0, final_flush, lambda: None)

    return emit



def _make_pair_agg_dyn(D):
    C = 512
    mesh = plsc.VectorSubcoreMesh(core_axis_name="c", subcore_axis_name="s")
    rows_per = NPAD // 16

    @functools.partial(
        pl.kernel, mesh=mesh,
        compiler_params=pltpu.CompilerParams(needs_layout_passes=False,
                                             use_tc_tiling_on_sc=False),
        out_type=[
            jax.ShapeDtypeStruct((2, NPAD, D), jnp.float32),
            jax.ShapeDtypeStruct((2, NPAD, 16), jnp.float32),
        ],
        scratch_types=[
            pltpu.VMEM((C,), jnp.int32),
            pltpu.VMEM((C,), jnp.int32),
            pltpu.VMEM((C, D), jnp.float32),
            pltpu.VMEM((C, D), jnp.float32),
            pltpu.VMEM((C, 16), jnp.float32),
            pltpu.VMEM((32, 16), jnp.int32),
            pltpu.VMEM_SHARED((NPAD, D), jnp.float32),
            pltpu.VMEM_SHARED((NPAD, 16), jnp.float32),
            pltpu.SemaphoreType.DMA,
            pltpu.SemaphoreType.DMA,
        ],
    )
    def agg(src_hbm, dst_hbm, x_hbm, info_hbm, zfeat_hbm, zcnt_hbm, ones_hbm,
            acc_out, cnt_out,
            idx_s, idx_d, rows_a, rows_b, ones_v, infov, acc_sh, cnt_sh, sem1, sem2):
        c = lax.axis_index("c")
        s = lax.axis_index("s")
        wid = c * 16 + s
        lanes = lax.iota(jnp.int32, 16)
        zeros16 = jnp.zeros((16,), jnp.int32)
        pltpu.sync_copy(info_hbm, infov)
        kc_lo = plsc.load_gather(infov, [lanes, zeros16])
        kc_hi = plsc.load_gather(infov, [lanes + 16, zeros16])
        total = (jnp.sum(((kc_lo + 511) >> 9) << 9)
                 + jnp.sum(((kc_hi + 511) >> 9) << 9))
        nchunks = total // C
        pltpu.sync_copy(zfeat_hbm.at[pl.ds(s * rows_per, rows_per)],
                        acc_sh.at[pl.ds(s * rows_per, rows_per)])
        pltpu.sync_copy(zcnt_hbm.at[pl.ds(s * rows_per, rows_per)],
                        cnt_sh.at[pl.ds(s * rows_per, rows_per)])
        pltpu.sync_copy(ones_hbm, ones_v)
        plsc.subcore_barrier()

        def chunk(i, carry):
            base = (wid + 32 * i) * C
            pltpu.sync_copy(src_hbm.at[pl.ds(base, C)], idx_s)
            pltpu.sync_copy(dst_hbm.at[pl.ds(base, C)], idx_d)
            cp1 = pltpu.async_copy(x_hbm.at[idx_s], rows_a, sem1)
            cp2 = pltpu.async_copy(x_hbm.at[idx_d], rows_b, sem2)
            cp1.wait()
            cp2.wait()
            pltpu.sync_copy(rows_a, acc_sh.at[idx_d], add=True)
            pltpu.sync_copy(rows_b, acc_sh.at[idx_s], add=True)
            pltpu.sync_copy(ones_v, cnt_sh.at[idx_d], add=True)
            pltpu.sync_copy(ones_v, cnt_sh.at[idx_s], add=True)
            return carry

        nmine = (nchunks - wid + 31) // 32
        lax.fori_loop(0, nmine, chunk, 0)
        plsc.subcore_barrier()
        pltpu.sync_copy(acc_sh.at[pl.ds(s * rows_per, rows_per)],
                        acc_out.at[c].at[pl.ds(s * rows_per, rows_per)])
        pltpu.sync_copy(cnt_sh.at[pl.ds(s * rows_per, rows_per)],
                        cnt_out.at[c].at[pl.ds(s * rows_per, rows_per)])

    return agg



def _make_edge_gather(D=128, C=200):
    mesh = plsc.VectorSubcoreMesh(core_axis_name="c", subcore_axis_name="s")
    PT = ET // 32
    NT = PT // C

    @functools.partial(
        pl.kernel, mesh=mesh,
        compiler_params=pltpu.CompilerParams(needs_layout_passes=False),
        out_type=[
            jax.ShapeDtypeStruct((ET, D), jnp.float32),
            jax.ShapeDtypeStruct((ET, D), jnp.float32),
        ],
        scratch_types=[
            pltpu.VMEM((C,), jnp.int32),
            pltpu.VMEM((C,), jnp.int32),
            pltpu.VMEM((C, D), jnp.float32),
            pltpu.VMEM((C, D), jnp.float32),
            pltpu.SemaphoreType.DMA,
            pltpu.SemaphoreType.DMA,
        ],
    )
    def gat(src_hbm, dst_hbm, z_hbm, s_out, d_out,
            idx_s, idx_d, rows_a, rows_b, sem1, sem2):
        wid = lax.axis_index("c") * 16 + lax.axis_index("s")
        base0 = wid * PT

        def chunk(i, carry):
            base = base0 + i * C
            pltpu.sync_copy(src_hbm.at[pl.ds(base, C)], idx_s)
            pltpu.sync_copy(dst_hbm.at[pl.ds(base, C)], idx_d)
            cp1 = pltpu.async_copy(z_hbm.at[idx_s], rows_a, sem1)
            cp2 = pltpu.async_copy(z_hbm.at[idx_d], rows_b, sem2)
            cp1.wait()
            cp2.wait()
            pltpu.sync_copy(rows_a, s_out.at[pl.ds(base, C)])
            pltpu.sync_copy(rows_b, d_out.at[pl.ds(base, C)])
            return carry

        lax.fori_loop(0, NT, chunk, 0)

    return gat



EDB = 2048


def _edge_decode_body(s_ref, d_ref, w1s_ref, w1a_ref, w1m_ref, b1_ref, g_ref,
                      beta_ref, w2_ref, b2_ref, logit_ref, prob_ref):
    i = pl.program_id(0)
    s = s_ref[:, :64]
    d = d_ref[:, :64]
    acc = (jnp.dot(s + d, w1s_ref[...], preferred_element_type=jnp.float32)
           + jnp.dot(jnp.abs(s - d), w1a_ref[...], preferred_element_type=jnp.float32)
           + jnp.dot(s * d, w1m_ref[...], preferred_element_type=jnp.float32)
           + b1_ref[...])
    mu = jnp.mean(acc, axis=-1, keepdims=True)
    var = jnp.mean((acc - mu) ** 2, axis=-1, keepdims=True)
    h = (acc - mu) / jnp.sqrt(var + 1e-5) * g_ref[...] + beta_ref[...]
    h = _mish(h)
    logit = jnp.sum(h * w2_ref[...], axis=-1, keepdims=True) + b2_ref[...]
    logit_ref[...] = logit
    prob_ref[...] = jax.nn.sigmoid(logit)
    del i


def _edge_decode_tc(s_rows, d_rows, p):
    W1 = p['ed_W1']
    w1s, w1a, w1m = W1[0:64], W1[64:128], W1[128:192]
    logit, prob = pl.pallas_call(
        _edge_decode_body,
        grid=(ET // EDB,),
        in_specs=[
            pl.BlockSpec((EDB, 128), lambda i: (i, 0)),
            pl.BlockSpec((EDB, 128), lambda i: (i, 0)),
            pl.BlockSpec((64, 64), lambda i: (0, 0)),
            pl.BlockSpec((64, 64), lambda i: (0, 0)),
            pl.BlockSpec((64, 64), lambda i: (0, 0)),
            pl.BlockSpec((64,), lambda i: (0,)),
            pl.BlockSpec((64,), lambda i: (0,)),
            pl.BlockSpec((64,), lambda i: (0,)),
            pl.BlockSpec((1, 64), lambda i: (0, 0)),
            pl.BlockSpec((1, 1), lambda i: (0, 0)),
        ],
        out_specs=[
            pl.BlockSpec((EDB, 1), lambda i: (i, 0)),
            pl.BlockSpec((EDB, 1), lambda i: (i, 0)),
        ],
        out_shape=[
            jax.ShapeDtypeStruct((ET, 1), jnp.float32),
            jax.ShapeDtypeStruct((ET, 1), jnp.float32),
        ],
    )(s_rows, d_rows, w1s, w1a, w1m, p['ed_b1'], p['ed_g'], p['ed_beta'],
      p['ed_W2'].reshape(1, 64), p['ed_b2'].reshape(1, 1))
    return logit[:, 0], prob



def _sage_body(acc_ref, cnt_ref, x_ref, wl_ref, bl_ref, wr_ref, o_ref):
    acc = acc_ref[0] + acc_ref[1]
    cnt = (cnt_ref[0] + cnt_ref[1])[:, 0:1]
    mean = acc / jnp.clip(cnt, 1.0)
    o_ref[...] = _mish(jnp.dot(mean, wl_ref[...], preferred_element_type=jnp.float32)
                       + bl_ref[...]
                       + jnp.dot(x_ref[...], wr_ref[...], preferred_element_type=jnp.float32))


def _sage_tc(acc2, cnt2, x_pad, Wl, bl, Wr):
    DO = Wl.shape[1]
    return pl.pallas_call(
        _sage_body,
        out_shape=jax.ShapeDtypeStruct((NPAD, DO), jnp.float32),
    )(acc2, cnt2, x_pad, Wl, bl, Wr)



def _heads_body(h_ref, nmw_ref, nmb_ref, nlw_ref, nlb_ref, epw_ref, epb_ref,
                emw_ref, emb_ref, elw_ref, elb_ref, n42_ref, n43_ref,
                zn_ref, ze_ref, kl_ref):
    h = h_ref[...]
    dot = lambda a, w: jnp.dot(a, w, preferred_element_type=jnp.float32)
    n_mu = dot(h, nmw_ref[...]) + nmb_ref[...]
    n_lv = dot(h, nlw_ref[...]) + nlb_ref[...]
    zn_ref[...] = n_mu + n42_ref[...] * jnp.exp(0.5 * n_lv)
    eh = _mish(dot(h, epw_ref[...]) + epb_ref[...])
    e_mu = dot(eh, emw_ref[...]) + emb_ref[...]
    e_lv = dot(eh, elw_ref[...]) + elb_ref[...]
    ze_ref[...] = e_mu + n43_ref[...] * jnp.exp(0.5 * e_lv)
    rows = jax.lax.broadcasted_iota(jnp.int32, (NPAD, 1), 0)
    mask = rows < N_NODES
    s_e = jnp.sum(jnp.where(mask, 1.0 + e_lv - e_mu * e_mu - jnp.exp(e_lv), 0.0))
    s_n = jnp.sum(jnp.where(mask, 1.0 + n_lv - n_mu * n_mu - jnp.exp(n_lv), 0.0))
    col = jax.lax.broadcasted_iota(jnp.int32, (1, 2), 1)
    kl_ref[...] = jnp.where(col == 0, s_e, s_n)


def _heads_tc(h_pad, p, n42, n43):
    zn, ze, kl = pl.pallas_call(
        _heads_body,
        out_shape=[
            jax.ShapeDtypeStruct((NPAD, 64), jnp.float32),
            jax.ShapeDtypeStruct((NPAD, 64), jnp.float32),
            jax.ShapeDtypeStruct((1, 2), jnp.float32),
        ],
    )(h_pad, p['nm_W'], p['nm_b'], p['nl_W'], p['nl_b'], p['ep_W'], p['ep_b'],
      p['em_W'], p['em_b'], p['el_W'], p['el_b'], n42, n43)
    return zn, ze, kl


def _mish(x):
    return x * jnp.tanh(jax.nn.softplus(x))


def _layernorm(x, g, b):
    mu = jnp.mean(x, axis=-1, keepdims=True)
    var = jnp.mean((x - mu) ** 2, axis=-1, keepdims=True)
    return (x - mu) / jnp.sqrt(var + 1e-5) * g + b


def _sage(x, ei, Wl, bl, Wr):
    n = x.shape[0]
    src, dst = ei[0], ei[1]
    agg = jnp.zeros((n, x.shape[1]), x.dtype).at[dst].add(x[src])
    cnt = jnp.zeros((n,), x.dtype).at[dst].add(1.0)
    mean = agg / jnp.clip(cnt, 1.0)[:, None]
    return mean @ Wl + bl + x @ Wr


def _sage_w(x, ei, w, Wl, bl, Wr):
    n = x.shape[0]
    src, dst = ei[0], ei[1]
    agg = jnp.zeros((n, x.shape[1]), x.dtype).at[dst].add(x[src] * w[:, None])
    cnt = jnp.zeros((n,), x.dtype).at[dst].add(w)
    mean = agg / jnp.clip(cnt, 1.0)[:, None]
    return mean @ Wl + bl + x @ Wr


def _bce_logits(l, y):
    return jnp.mean(jnp.maximum(l, 0.0) - l * y + jnp.log1p(jnp.exp(-jnp.abs(l))))


def _edge_decode(z, ei, p):
    s = z[ei[0]]
    d = z[ei[1]]
    feat = jnp.concatenate([s + d, jnp.abs(s - d), s * d], axis=1)
    h = _mish(_layernorm(feat @ p['ed_W1'] + p['ed_b1'], p['ed_g'], p['ed_beta']))
    return (h @ p['ed_W2'] + p['ed_b2'])[:, 0]



def _mm_mish_body(a_ref, w_ref, b_ref, o_ref):
    acc = jnp.dot(a_ref[...], w_ref[...], preferred_element_type=jnp.float32)
    o_ref[...] = _mish(acc + b_ref[...])


def _mm_body(a_ref, w_ref, b_ref, o_ref):
    acc = jnp.dot(a_ref[...], w_ref[...], preferred_element_type=jnp.float32)
    o_ref[...] = acc + b_ref[...]


def _big_mlp(zf, W1, b1, W2, b2):
    Bn, K1 = zf.shape
    N1 = W1.shape[1]
    N2 = W2.shape[1]
    BN1 = 512
    BN2 = 512
    hid = pl.pallas_call(
        _mm_mish_body,
        grid=(pl.cdiv(N1, BN1),),
        in_specs=[
            pl.BlockSpec((Bn, K1), lambda j: (0, 0)),
            pl.BlockSpec((K1, BN1), lambda j: (0, j)),
            pl.BlockSpec((BN1,), lambda j: (j,)),
        ],
        out_specs=pl.BlockSpec((Bn, BN1), lambda j: (0, j)),
        out_shape=jax.ShapeDtypeStruct((Bn, N1), jnp.float32),
    )(zf, W1, b1)
    xr = pl.pallas_call(
        _mm_body,
        grid=(pl.cdiv(N2, BN2),),
        in_specs=[
            pl.BlockSpec((Bn, N1), lambda j: (0, 0)),
            pl.BlockSpec((N1, BN2), lambda j: (0, j)),
            pl.BlockSpec((BN2,), lambda j: (j,)),
        ],
        out_specs=pl.BlockSpec((Bn, BN2), lambda j: (0, j)),
        out_shape=jax.ShapeDtypeStruct((Bn, N2), jnp.float32),
    )(hid, W2, b2)
    return xr


def kernel(x, pos_edge_index, neg_edge_index, original_features, batch, y, sw_ratio, params):
    p = params
    Bn = y.shape[0]
    pos_src = pos_edge_index[0]
    pos_dst = pos_edge_index[1]
    x_pad = jnp.zeros((NPAD, 128), jnp.float32).at[:N_NODES, :x.shape[1]].set(x)
    acc2a, cnt2a = _pair_agg(pos_src, pos_dst, x_pad, 128)
    Wl1 = jnp.zeros((128, 128), jnp.float32).at[:116].set(p['c1_Wl'])
    Wr1 = jnp.zeros((128, 128), jnp.float32).at[:116].set(p['c1_Wr'])
    h1 = _sage_tc(acc2a, cnt2a, x_pad, Wl1, p['c1_bl'], Wr1)
    acc2b, cnt2b = _pair_agg(pos_src, pos_dst, h1, 128)
    h2 = _sage_tc(acc2b, cnt2b, h1, p['c2_Wl'], p['c2_bl'], p['c2_Wr'])
    n42 = jnp.zeros((NPAD, 64), jnp.float32).at[:N_NODES].set(
        jax.random.normal(jax.random.key(42), (N_NODES, 64), jnp.float32))
    n43 = jnp.zeros((NPAD, 64), jnp.float32).at[:N_NODES].set(
        jax.random.normal(jax.random.key(43), (N_NODES, 64), jnp.float32))
    znp, zep, klp = _heads_tc(h2, p, n42, n43)
    src_all = jnp.concatenate([pos_edge_index[0], neg_edge_index[0]])
    dst_all = jnp.concatenate([pos_edge_index[1], neg_edge_index[1]])
    zep128 = jnp.zeros((NPAD, 128), jnp.float32).at[:, :64].set(zep)
    s_rows, d_rows = _make_edge_gather()(src_all, dst_all, zep128)
    logits, probs2d = _edge_decode_tc(s_rows, d_rows, p)
    labels = jnp.concatenate([jnp.ones((ET // 2,), jnp.float32),
                              jnp.zeros((ET // 2,), jnp.float32)])
    loss_edges = _bce_logits(logits, labels)
    pbits = lax.bitcast_convert_type(probs2d[:, 0], jnp.int32)
    info = _make_topk_stats()(src_all, pbits)
    if isinstance(info, (tuple, list)):
        info = info[0]
    ksrc, kdst = _make_topk_emit()(src_all, dst_all, pbits, info)
    z64 = jnp.zeros((NPAD, 64), jnp.float32)
    z16 = jnp.zeros((NPAD, 16), jnp.float32)
    ones512 = jnp.zeros((512, 16), jnp.float32).at[:, 0].set(1.0)
    accC, cntC = _make_pair_agg_dyn(64)(ksrc, kdst, znp, info, z64, z16, ones512)
    z1 = _sage_tc(accC, cntC, znp, p['d1_Wl'], p['d1_bl'], p['d1_Wr'])
    accD, cntD = _make_pair_agg_dyn(64)(ksrc, kdst, z1, info, z64, z16, ones512)
    z2 = _sage_tc(accD, cntD, z1, p['d2_Wl'], p['d2_bl'], p['d2_Wr'])
    zf = z2[:N_NODES].reshape(Bn, NUM_NODES * 64)
    xr = _big_mlp(zf, p['f1_W'], p['f1_b'], p['f2_W'], p['f2_b']).reshape(Bn, NUM_NODES, -1)
    sym = (xr + jnp.transpose(xr, (0, 2, 1))) / 2.0
    eye = jnp.eye(NUM_NODES, dtype=bool)[None, :, :]
    x_rec = jnp.where(eye, 1.0, sym).reshape(Bn * NUM_NODES, -1)
    loss_nodes = jnp.mean((x_rec - original_features) ** 2)
    denom = jnp.float32(N_NODES * 64)
    kl = 0.5 * (-0.5 * klp[0, 0] / denom + -0.5 * klp[0, 1] / denom)
    total = loss_edges + loss_nodes + 0.1 * kl
    return (total, logits, labels, x_rec)

# --- scband reference (transcript-rebuilt; emitter-appended) ---
"""Pipeline reference for scband-pt-graph-vae-23733989278150 (READ-ONLY COPY).

The authoritative reference and input builder live on the scoring server;
editing this copy changes nothing except your own understanding.
"""

import jax, jax.numpy as jnp
import numpy as np

NUM_NODES = 116
B = 32
N = B * NUM_NODES
EPOS = 51200
ENEG = 51200
IN_CH = 116
HID = 128
EMB = 64
ORIG = 116
EDH = 64
KEEP_RATIO = 0.6


def mish(x):
    return x * jnp.tanh(jax.nn.softplus(x))


def layernorm(x, g, b):
    mu = jnp.mean(x, axis=-1, keepdims=True)
    var = jnp.mean((x - mu) ** 2, axis=-1, keepdims=True)
    return (x - mu) / jnp.sqrt(var + 1e-5) * g + b


def sage(x, ei, Wl, bl, Wr):
    n = x.shape[0]
    src, dst = ei[0], ei[1]
    agg = jnp.zeros((n, x.shape[1]), x.dtype).at[dst].add(x[src])
    cnt = jnp.zeros((n,), x.dtype).at[dst].add(1.0)
    mean = agg / jnp.clip(cnt, 1.0)[:, None]
    return mean @ Wl + bl + x @ Wr


def sage_w(x, ei, w, Wl, bl, Wr):
    n = x.shape[0]
    src, dst = ei[0], ei[1]
    agg = jnp.zeros((n, x.shape[1]), x.dtype).at[dst].add(x[src] * w[:, None])
    cnt = jnp.zeros((n,), x.dtype).at[dst].add(w)
    mean = agg / jnp.clip(cnt, 1.0)[:, None]
    return mean @ Wl + bl + x @ Wr


def bce_logits(l, y):
    return jnp.mean(jnp.maximum(l, 0.0) - l * y + jnp.log1p(jnp.exp(-jnp.abs(l))))


def edge_decode(z, ei, p):
    s = z[ei[0]]
    d = z[ei[1]]
    feat = jnp.concatenate([s + d, jnp.abs(s - d), s * d], axis=1)
    h = mish(layernorm(feat @ p['ed_W1'] + p['ed_b1'], p['ed_g'], p['ed_beta']))
    return (h @ p['ed_W2'] + p['ed_b2'])[:, 0]


def _w(k, i, o):
    return jax.random.normal(k, (i, o), jnp.float32) * (1.0 / np.sqrt(i))


def setup_inputs(seed: int = 0):
    key = jax.random.key(seed)
    ks = jax.random.split(key, 32)
    inp = {}
    inp['x'] = jax.random.normal(ks[0], (N, IN_CH), jnp.float32)
    inp['pos_edge_index'] = jax.random.randint(ks[1], (2, EPOS), 0, N, jnp.int32)
    inp['neg_edge_index'] = jax.random.randint(ks[2], (2, ENEG), 0, N, jnp.int32)
    inp['original_features'] = jax.random.normal(ks[3], (N, ORIG), jnp.float32)
    inp['batch'] = jnp.repeat(jnp.arange(B, dtype=jnp.int32), NUM_NODES)
    inp['y'] = jax.random.randint(ks[4], (B,), 0, 2, jnp.int32)
    inp['sw_ratio'] = 1
    z64 = lambda n: jnp.zeros((n,), jnp.float32)
    params = {
        'c1_Wl': _w(ks[5], IN_CH, HID), 'c1_bl': z64(HID), 'c1_Wr': _w(ks[6], IN_CH, HID),
        'c2_Wl': _w(ks[7], HID, HID), 'c2_bl': z64(HID), 'c2_Wr': _w(ks[8], HID, HID),
        'nm_W': _w(ks[9], HID, EMB), 'nm_b': z64(EMB),
        'nl_W': _w(ks[10], HID, EMB), 'nl_b': z64(EMB),
        'ep_W': _w(ks[11], HID, EMB), 'ep_b': z64(EMB),
        'em_W': _w(ks[12], EMB, EMB), 'em_b': z64(EMB),
        'el_W': _w(ks[13], EMB, EMB), 'el_b': z64(EMB),
        'ed_W1': _w(ks[14], 3 * EMB, EDH), 'ed_b1': z64(EDH),
        'ed_g': jnp.ones((EDH,), jnp.float32), 'ed_beta': z64(EDH),
        'ed_W2': _w(ks[15], EDH, 1), 'ed_b2': z64(1),
        'd1_Wl': _w(ks[16], EMB, EMB), 'd1_bl': z64(EMB), 'd1_Wr': _w(ks[17], EMB, EMB),
        'd2_Wl': _w(ks[18], EMB, EMB), 'd2_bl': z64(EMB), 'd2_Wr': _w(ks[19], EMB, EMB),
        'f1_W': _w(ks[20], EMB * NUM_NODES, 64 * NUM_NODES), 'f1_b': z64(64 * NUM_NODES),
        'f2_W': _w(ks[21], 64 * NUM_NODES, ORIG * NUM_NODES), 'f2_b': z64(ORIG * NUM_NODES),
    }
    inp['params'] = params
    return inp


def reference(x, pos_edge_index, neg_edge_index, original_features, batch, y, sw_ratio, params):
    p = params
    flip = jnp.array([1, 0])
    # encode_graph
    edge_full = jnp.concatenate([pos_edge_index, pos_edge_index[flip]], axis=1)
    h = mish(sage(x, edge_full, p['c1_Wl'], p['c1_bl'], p['c1_Wr']))
    h = mish(sage(h, edge_full, p['c2_Wl'], p['c2_bl'], p['c2_Wr']))
    n_mu = h @ p['nm_W'] + p['nm_b']
    n_lv = h @ p['nl_W'] + p['nl_b']
    z_node = n_mu + jax.random.normal(jax.random.key(42), n_mu.shape, jnp.float32) * jnp.exp(0.5 * n_lv)
    eh = mish(h @ p['ep_W'] + p['ep_b'])
    e_mu = eh @ p['em_W'] + p['em_b']
    e_lv = eh @ p['el_W'] + p['el_b']
    z_edge = e_mu + jax.random.normal(jax.random.key(43), e_mu.shape, jnp.float32) * jnp.exp(0.5 * e_lv)
    # edge decoder
    pos_logit = edge_decode(z_edge, pos_edge_index, p)
    neg_logit = edge_decode(z_edge, neg_edge_index, p)
    logits = jnp.concatenate([pos_logit, neg_logit])
    labels = jnp.concatenate([jnp.ones_like(pos_logit), jnp.zeros_like(neg_logit)])
    loss_edges = bce_logits(logits, labels)
    # per-graph top-k edge keep (the topk_masking core)
    probs_all = jax.nn.sigmoid(logits)
    edges_all = jnp.concatenate([pos_edge_index, neg_edge_index], axis=1)
    gids = batch[edges_all[0]]
    Bn = y.shape[0]
    E_tot = edges_all.shape[1]
    cnt_i = jnp.zeros((Bn,), jnp.int32).at[gids].add(1)
    k_g = jnp.maximum(1, jnp.floor(KEEP_RATIO * cnt_i.astype(jnp.float32)).astype(jnp.int32))
    starts = jnp.cumsum(cnt_i) - cnt_i
    order = jnp.lexsort((-probs_all, gids))
    gs = gids[order]
    rank = jnp.arange(E_tot, dtype=jnp.int32) - starts[gs]
    w_keep = (rank < k_g[gs]).astype(jnp.float32)
    rec_upper = edges_all[:, order]
    ef2 = jnp.concatenate([rec_upper, rec_upper[flip]], axis=1)
    w2 = jnp.concatenate([w_keep, w_keep])
    # node decoder
    z = mish(sage_w(z_node, ef2, w2, p['d1_Wl'], p['d1_bl'], p['d1_Wr']))
    z = mish(sage_w(z, ef2, w2, p['d2_Wl'], p['d2_bl'], p['d2_Wr']))
    zf = z.reshape(Bn, NUM_NODES * EMB)
    hid = mish(zf @ p['f1_W'] + p['f1_b'])
    xr = (hid @ p['f2_W'] + p['f2_b']).reshape(Bn, NUM_NODES, ORIG)
    sym = (xr + jnp.transpose(xr, (0, 2, 1))) / 2.0
    eye = jnp.eye(NUM_NODES, dtype=bool)[None, :, :]
    x_rec = jnp.where(eye, 1.0, sym).reshape(Bn * NUM_NODES, ORIG)
    loss_nodes = jnp.mean((x_rec - original_features) ** 2)
    kl = (-0.5 * jnp.mean(1 + e_lv - e_mu ** 2 - jnp.exp(e_lv))
          + -0.5 * jnp.mean(1 + n_lv - n_mu ** 2 - jnp.exp(n_lv)))
    kl = kl * 0.5
    total = loss_edges + loss_nodes + 0.1 * kl
    return (total, logits, labels, x_rec)

if __name__ == "__main__":
    import jax
    _d = setup_inputs()
    print(jax.jit(kernel)(*tuple(_d.values())))

</pallas_src>

<mosaic_0001>
#map = affine_map<(d0, d1) -> (0)>
#map1 = affine_map<(d0, d1) -> (0, 0)>
module attributes {stable_mosaic.version = 14 : i64} {
  func.func @stats(%arg0: i32, %arg1: i32, %arg2: memref<102400xi32, #tpu.memory_space<hbm>>, %arg3: memref<102400xi32, #tpu.memory_space<hbm>>, %arg4: memref<32x16xi32, #tpu.memory_space<hbm>>, %arg5: memref<102432xi32, #tpu.memory_space<vmem>>, %arg6: memref<2048xi32, #tpu.memory_space<vmem>>, %arg7: memref<2048xi32, #tpu.memory_space<vmem>>, %arg8: memref<16xi32, #tpu.memory_space<vmem>>) attributes {dimension_semantics = [#tpu.dimension_semantics<core_parallel>, #tpu.dimension_semantics<subcore_parallel>], iteration_bounds = array<i64: 2, 16>, scalar_prefetch = 0 : i64, scratch_operands = 4 : i64, tpu.core_type = #tpu.core_type<sc_vector_subcore>, window_params = [{transform_indices = #map}, {transform_indices = #map}, {transform_indices = #map1}]} {
    %mul3A = arith.constant 16 : i32
    %mul3A_0 = arith.muli %arg0, %mul3A : i32
    %add3A = arith.addi %mul3A_0, %arg1 : i32
    %iota3A = tpu.iota {dimensions = array<i32: 0>} : vector<16xi32>
    %scan3A = arith.constant 102431 : i32
    %scan3A_1 = arith.constant 0 : i32
    %scan3A_2 = arith.constant 0 : i32
    %scan3A_3 = arith.constant 50 : i32
    %scan3A_4 = arith.addi %scan3A_2, %scan3A_3 : i32
    %scan3A_5 = arith.constant 1 : i32
    %scan3A_6 = scf.for %scan3A_79 = %scan3A_2 to %scan3A_4 step %scan3A_5 iter_args(%scan3A_80 = %scan3A_1) -> (i32)  : i32 {
      %mul3A_81 = arith.constant 2048 : i32
      %mul3A_82 = arith.muli %scan3A_79, %mul3A_81 : i32
      "tpu.region"() ({
        %run_scoped3A = tpu.sem_alloc : memref<!tpu.dma_semaphore, #tpu.memory_space<semaphore_mem>>
        %dma_start3A = tpu.memref_slice %arg2[%mul3A_82] : memref<102400xi32, #tpu.memory_space<hbm>> -> memref<2048xi32, #tpu.memory_space<hbm>>
        %dma_start3A_89 = tpu.memref_slice %arg2[%mul3A_82] : memref<102400xi32, #tpu.memory_space<hbm>> -> memref<2048xi32, #tpu.memory_space<hbm>>
        tpu.enqueue_dma source(%dma_start3A_89 : memref<2048xi32, #tpu.memory_space<hbm>>) target(%arg6 : memref<2048xi32, #tpu.memory_space<vmem>>) target_semaphore(%run_scoped3A : memref<!tpu.dma_semaphore, #tpu.memory_space<semaphore_mem>>)
        %dma_wait3A = tpu.memref_slice %arg2[%mul3A_82] : memref<102400xi32, #tpu.memory_space<hbm>> -> memref<2048xi32, #tpu.memory_space<hbm>>
        %dma_wait3A_90 = tpu.memref_slice %arg2[%mul3A_82] : memref<102400xi32, #tpu.memory_space<hbm>> -> memref<2048xi32, #tpu.memory_space<hbm>>
        tpu.wait_dma2 semaphore(%run_scoped3A : memref<!tpu.dma_semaphore, #tpu.memory_space<semaphore_mem>>) src(%dma_wait3A_90 : memref<2048xi32, #tpu.memory_space<hbm>>) dst(%arg6 : memref<2048xi32, #tpu.memory_space<vmem>>)
        tpu.yield
      }) : () -> ()
      "tpu.region"() ({
        %run_scoped3A = tpu.sem_alloc : memref<!tpu.dma_semaphore, #tpu.memory_space<semaphore_mem>>
        %dma_start3A = tpu.memref_slice %arg3[%mul3A_82] : memref<102400xi32, #tpu.memory_space<hbm>> -> memref<2048xi32, #tpu.memory_space<hbm>>
        %dma_start3A_89 = tpu.memref_slice %arg3[%mul3A_82] : memref<102400xi32, #tpu.memory_space<hbm>> -> memref<2048xi32, #tpu.memory_space<hbm>>
        tpu.enqueue_dma source(%dma_start3A_89 : memref<2048xi32, #tpu.memory_space<hbm>>) target(%arg7 : memref<2048xi32, #tpu.memory_space<vmem>>) target_semaphore(%run_scoped3A : memref<!tpu.dma_semaphore, #tpu.memory_space<semaphore_mem>>)
        %dma_wait3A = tpu.memref_slice %arg3[%mul3A_82] : memref<102400xi32, #tpu.memory_space<hbm>> -> memref<2048xi32, #tpu.memory_space<hbm>>
        %dma_wait3A_90 = tpu.memref_slice %arg3[%mul3A_82] : memref<102400xi32, #tpu.memory_space<hbm>> -> memref<2048xi32, #tpu.memory_space<hbm>>
        tpu.wait_dma2 semaphore(%run_scoped3A : memref<!tpu.dma_semaphore, #tpu.memory_space<semaphore_mem>>) src(%dma_wait3A_90 : memref<2048xi32, #tpu.memory_space<hbm>>) dst(%arg7 : memref<2048xi32, #tpu.memory_space<vmem>>)
        tpu.yield
      }) : () -> ()
      %scan3A_83 = arith.constant 0 : i32
      %scan3A_84 = arith.constant 128 : i32
      %scan3A_85 = arith.addi %scan3A_83, %scan3A_84 : i32
      %scan3A_86 = arith.constant 1 : i32
      %scan3A_87 = scf.for %scan3A_89 = %scan3A_83 to %scan3A_85 step %scan3A_86 iter_args(%scan3A_90 = %scan3A_80) -> (i32)  : i32 {
        %mul3A_91 = arith.constant 16 : i32
        %mul3A_92 = arith.muli %scan3A_89, %mul3A_91 : i32
        %get3A = arith.index_cast %mul3A_92 : i32 to index
        %get3A_93 = tpu.vector_load %arg6[%get3A] {strides = array<i32>} : memref<2048xi32, #tpu.memory_space<vmem>>, vector<16xi32>,
        %mul3A_94 = arith.constant 16 : i32
        %mul3A_95 = arith.muli %scan3A_89, %mul3A_94 : i32
        %get3A_96 = arith.index_cast %mul3A_95 : i32 to index
        %get3A_97 = tpu.vector_load %arg7[%get3A_96] {strides = array<i32>} : memref<2048xi32, #tpu.memory_space<vmem>>, vector<16xi32>,
        %mul3A_98 = arith.constant 565 : i32
        %mul3A_99 = vector.broadcast %mul3A_98 : i32 to vector<16xi32>
        %mul3A_100 = arith.muli %get3A_93, %mul3A_99 : vector<16xi32>
        %shift_right_logical3A = arith.constant 16 : i32
        %shift_right_logical3A_101 = vector.broadcast %shift_right_logical3A : i32 to vector<16xi32>
        %shift_right_logical3A_102 = arith.shrui %mul3A_100, %shift_right_logical3A_101 : vector<16xi32>
        %eq3A_103 = vector.broadcast %add3A : i32 to vector<16xi32>
        %eq3A_104 = arith.cmpi eq, %shift_right_logical3A_102, %eq3A_103 : vector<16xi32>
        %jit3A_105 = arith.constant 1 : i32
        %jit3A_106 = arith.constant 0 : i32
        %broadcast_in_dim3A_107 = vector.broadcast %jit3A_105 : i32 to vector<16xi32>
        %broadcast_in_dim3A_108 = vector.broadcast %jit3A_106 : i32 to vector<16xi32>
        %select_n3A_109 = arith.select %eq3A_104, %broadcast_in_dim3A_107, %broadcast_in_dim3A_108 : vector<16xi1>, vector<16xi32>
        %broadcast_in_dim3A_110 = arith.constant true
        %broadcast_in_dim3A_111 = vector.broadcast %broadcast_in_dim3A_110 : i1 to vector<16xi1>
        %masked_cumsum3A = tpu.scan <sum>, %select_n3A_109 masked %broadcast_in_dim3A_111 : vector<16xi32>, vector<16xi1> -> vector<16xi32>
        %add3A_112 = vector.broadcast %scan3A_90 : i32 to vector<16xi32>
        %add3A_113 = arith.addi %add3A_112, %masked_cumsum3A : vector<16xi32>
        %sub3A_114 = arith.constant 1 : i32
        %sub3A_115 = vector.broadcast %sub3A_114 : i32 to vector<16xi32>
        %sub3A_116 = arith.subi %add3A_113, %sub3A_115 : vector<16xi32>
        %broadcast_in_dim3A_117 = vector.broadcast %scan3A : i32 to vector<16xi32>
        %select_n3A_118 = arith.select %eq3A_104, %sub3A_116, %broadcast_in_dim3A_117 : vector<16xi1>, vector<16xi32>
        tpu.vector_store_idx %arg5[%select_n3A_118], %get3A_97 : memref<102432xi32, #tpu.memory_space<vmem>>[vector<16xi32>], vector<16xi32>,
        %reduce_max3A = arith.constant true
        %reduce_max3A_119 = vector.broadcast %reduce_max3A : i1 to vector<16xi1>
        %reduce_max3A_120 = arith.constant -2147483648 : i32
        %reduce_max3A_121 = vector.broadcast %reduce_max3A_120 : i32 to vector<16xi32>
        %reduce_max3A_122 = arith.xori %masked_cumsum3A, %reduce_max3A_121 : vector<16xi32>
        %reduce_max3A_123 = tpu.scan <max>, %reduce_max3A_122 masked %reduce_max3A_119 : vector<16xi32>, vector<16xi1> -> vector<16xi32>
        %reduce_max3A_124 = arith.xori %reduce_max3A_123, %reduce_max3A_121 : vector<16xi32>
        %reduce_max3A_125 = vector.extract %reduce_max3A_124[15] : i32 from vector<16xi32>
        %add3A_126 = arith.addi %scan3A_90, %reduce_max3A_125 : i32
        scf.yield %add3A_126 : i32
      }
      %scan3A_88 = arith.constant 128 : i32
      scf.yield %scan3A_87 : i32
    }
    %scan3A_7 = arith.constant 50 : i32
    %broadcast_in_dim3A = arith.constant -2147483648 : i32
    %broadcast_in_dim3A_8 = vector.broadcast %broadcast_in_dim3A : i32 to vector<16xi32>
    %swap3A = arith.index_cast %scan3A_6 : i32 to index
    %swap3A_9 = tpu.vector_load %arg5[%swap3A] {strides = array<i32>} : memref<102432xi32, #tpu.memory_space<vmem>>, vector<16xi32>,
    tpu.vector_store %arg5[%swap3A], %broadcast_in_dim3A_8 {strides = array<i32>} : memref<102432xi32, #tpu.memory_space<vmem>>, vector<16xi32>,
    %add3A_10 = arith.constant 15 : i32
    %add3A_11 = arith.addi %scan3A_6, %add3A_10 : i32
    %jit3A = arith.constant 16 : i32
    %div3A = arith.divsi %add3A_11, %jit3A : i32
    %sign3A = arith.constant 0 : i32
    %sign3A_12 = arith.cmpi sgt, %add3A_11, %sign3A : i32
    %sign3A_13 = arith.extui %sign3A_12 : i1 to i32
    %sign3A_14 = arith.constant 0 : i32
    %sign3A_15 = arith.cmpi slt, %add3A_11, %sign3A_14 : i32
    %sign3A_16 = arith.extui %sign3A_15 : i1 to i32
    %sign3A_17 = arith.subi %sign3A_13, %sign3A_16 : i32
    %sign3A_18 = arith.constant 0 : i32
    %sign3A_19 = arith.cmpi sgt, %jit3A, %sign3A_18 : i32
    %sign3A_20 = arith.extui %sign3A_19 : i1 to i32
    %sign3A_21 = arith.constant 0 : i32
    %sign3A_22 = arith.cmpi slt, %jit3A, %sign3A_21 : i32
    %sign3A_23 = arith.extui %sign3A_22 : i1 to i32
    %sign3A_24 = arith.subi %sign3A_20, %sign3A_23 : i32
    %ne3A = arith.cmpi ne, %sign3A_17, %sign3A_24 : i32
    %rem3A = arith.remsi %add3A_11, %jit3A : i32
    %ne3A_25 = arith.constant 0 : i32
    %ne3A_26 = arith.cmpi ne, %rem3A, %ne3A_25 : i32
    %and3A = arith.andi %ne3A, %ne3A_26 : i1
    %sub3A = arith.constant 1 : i32
    %sub3A_27 = arith.subi %div3A, %sub3A : i32
    %select_n3A = arith.select %and3A, %sub3A_27, %div3A : i32
    %convert_element_type3A = arith.sitofp %scan3A_6 : i32 to f32
    %mul3A_28 = arith.constant 6.000000e-01 : f32
    %mul3A_29 = arith.mulf %mul3A_28, %convert_element_type3A : f32
    %convert_element_type3A_30 = arith.fptosi %mul3A_29 : f32 to i32
    %max3A = arith.constant 1 : i32
    %max3A_31 = arith.maxsi %max3A, %convert_element_type3A_30 : i32
    %scan3A_32 = arith.constant 0 : i32
    %scan3A_33 = arith.constant 1065353217 : i32
    %scan3A_34 = arith.constant 0 : i32
    %scan3A_35 = arith.constant 31 : i32
    %scan3A_36 = arith.addi %scan3A_34, %scan3A_35 : i32
    %scan3A_37 = arith.constant 1 : i32
    %scan3A_38:2 = scf.for %scan3A_79 = %scan3A_34 to %scan3A_36 step %scan3A_37 iter_args(%scan3A_80 = %scan3A_32, %scan3A_81 = %scan3A_33) -> (i32, i32)  : i32 {
      %add3A_82 = arith.addi %scan3A_80, %scan3A_81 : i32
      %jit3A_83 = arith.constant 2 : i32
      %div3A_84 = arith.divsi %add3A_82, %jit3A_83 : i32
      %sign3A_85 = arith.constant 0 : i32
      %sign3A_86 = arith.cmpi sgt, %add3A_82, %sign3A_85 : i32
      %sign3A_87 = arith.extui %sign3A_86 : i1 to i32
      %sign3A_88 = arith.constant 0 : i32
      %sign3A_89 = arith.cmpi slt, %add3A_82, %sign3A_88 : i32
      %sign3A_90 = arith.extui %sign3A_89 : i1 to i32
      %sign3A_91 = arith.subi %sign3A_87, %sign3A_90 : i32
      %sign3A_92 = arith.constant 0 : i32
      %sign3A_93 = arith.cmpi sgt, %jit3A_83, %sign3A_92 : i32
      %sign3A_94 = arith.extui %sign3A_93 : i1 to i32
      %sign3A_95 = arith.constant 0 : i32
      %sign3A_96 = arith.cmpi slt, %jit3A_83, %sign3A_95 : i32
      %sign3A_97 = arith.extui %sign3A_96 : i1 to i32
      %sign3A_98 = arith.subi %sign3A_94, %sign3A_97 : i32
      %ne3A_99 = arith.cmpi ne, %sign3A_91, %sign3A_98 : i32
      %rem3A_100 = arith.remsi %add3A_82, %jit3A_83 : i32
      %ne3A_101 = arith.constant 0 : i32
      %ne3A_102 = arith.cmpi ne, %rem3A_100, %ne3A_101 : i32
      %and3A_103 = arith.andi %ne3A_99, %ne3A_102 : i1
      %sub3A_104 = arith.constant 1 : i32
      %sub3A_105 = arith.subi %div3A_84, %sub3A_104 : i32
      %select_n3A_106 = arith.select %and3A_103, %sub3A_105, %div3A_84 : i32
      %sub3A_107 = arith.subi %scan3A_81, %scan3A_80 : i32
      %gt3A_108 = arith.constant 1 : i32
      %gt3A_109 = arith.cmpi sgt, %sub3A_107, %gt3A_108 : i32
      %broadcast_in_dim3A_110 = arith.constant 0 : i32
      %broadcast_in_dim3A_111 = vector.broadcast %broadcast_in_dim3A_110 : i32 to vector<16xi32>
      %while3A_112 = arith.constant 0 : i32
      %while3A_113 = arith.subi %select_n3A, %while3A_112 : i32
      %while3A_114 = arith.addi %while3A_112, %while3A_113 : i32
      %while3A_115 = arith.constant 1 : i32
      %while3A_116 = arith.divsi %while3A_113, %while3A_115 : i32
      %while3A_117 = arith.muli %while3A_116, %while3A_115 : i32
      %while3A_118 = arith.addi %while3A_112, %while3A_117 : i32
      %while3A_119 = arith.constant 1 : i32
      %while3A_120 = scf.for %while3A_133 = %while3A_112 to %while3A_118 step %while3A_119 iter_args(%while3A_134 = %broadcast_in_dim3A_111) -> (vector<16xi32>)  : i32 {
        %mul3A_135 = arith.constant 16 : i32
        %mul3A_136 = arith.muli %while3A_133, %mul3A_135 : i32
        %get3A = arith.index_cast %mul3A_136 : i32 to index
        %get3A_137 = tpu.vector_load %arg5[%get3A] {strides = array<i32>} : memref<102432xi32, #tpu.memory_space<vmem>>, vector<16xi32>,
        %ge3A_138 = vector.broadcast %select_n3A_106 : i32 to vector<16xi32>
        %ge3A_139 = arith.cmpi sge, %get3A_137, %ge3A_138 : vector<16xi32>
        %jit3A_140 = arith.constant 1 : i32
        %jit3A_141 = arith.constant 0 : i32
        %broadcast_in_dim3A_142 = vector.broadcast %jit3A_140 : i32 to vector<16xi32>
        %broadcast_in_dim3A_143 = vector.broadcast %jit3A_141 : i32 to vector<16xi32>
        %select_n3A_144 = arith.select %ge3A_139, %broadcast_in_dim3A_142, %broadcast_in_dim3A_143 : vector<16xi1>, vector<16xi32>
        %add3A_145 = arith.addi %while3A_134, %select_n3A_144 : vector<16xi32>
        scf.yield %add3A_145 : vector<16xi32>
      }
      %while3A_121 = arith.constant 1 : i32
      %while3A_122 = scf.for %while3A_133 = %while3A_118 to %while3A_114 step %while3A_121 iter_args(%while3A_134 = %while3A_120) -> (vector<16xi32>)  : i32 {
        %mul3A_135 = arith.constant 16 : i32
        %mul3A_136 = arith.muli %while3A_133, %mul3A_135 : i32
        %get3A = arith.index_cast %mul3A_136 : i32 to index
        %get3A_137 = tpu.vector_load %arg5[%get3A] {strides = array<i32>} : memref<102432xi32, #tpu.memory_space<vmem>>, vector<16xi32>,
        %ge3A_138 = vector.broadcast %select_n3A_106 : i32 to vector<16xi32>
        %ge3A_139 = arith.cmpi sge, %get3A_137, %ge3A_138 : vector<16xi32>
        %jit3A_140 = arith.constant 1 : i32
        %jit3A_141 = arith.constant 0 : i32
        %broadcast_in_dim3A_142 = vector.broadcast %jit3A_140 : i32 to vector<16xi32>
        %broadcast_in_dim3A_143 = vector.broadcast %jit3A_141 : i32 to vector<16xi32>
        %select_n3A_144 = arith.select %ge3A_139, %broadcast_in_dim3A_142, %broadcast_in_dim3A_143 : vector<16xi1>, vector<16xi32>
        %add3A_145 = arith.addi %while3A_134, %select_n3A_144 : vector<16xi32>
        scf.yield %add3A_145 : vector<16xi32>
      }
      %reduce_sum3A_123 = arith.constant true
      %reduce_sum3A_124 = vector.broadcast %reduce_sum3A_123 : i1 to vector<16xi1>
      %reduce_sum3A_125 = tpu.scan <sum>, %while3A_122 masked %reduce_sum3A_124 : vector<16xi32>, vector<16xi1> -> vector<16xi32>
      %reduce_sum3A_126 = vector.extract %reduce_sum3A_125[15] : i32 from vector<16xi32>
      %ge3A = arith.cmpi sge, %reduce_sum3A_126, %max3A_31 : i32
      %and3A_127 = arith.andi %gt3A_109, %ge3A : i1
      %select_n3A_128 = arith.select %and3A_127, %select_n3A_106, %scan3A_80 : i32
      %ge3A_129 = arith.cmpi sge, %reduce_sum3A_126, %max3A_31 : i32
      %not3A = arith.constant true
      %not3A_130 = arith.xori %ge3A_129, %not3A : i1
      %and3A_131 = arith.andi %gt3A_109, %not3A_130 : i1
      %select_n3A_132 = arith.select %and3A_131, %select_n3A_106, %scan3A_81 : i32
      scf.yield %select_n3A_128, %select_n3A_132 : i32, i32
    }
    %scan3A_39 = arith.constant 31 : i32
    %add3A_40 = arith.constant 1 : i32
    %add3A_41 = arith.addi %scan3A_38#0, %add3A_40 : i32
    %broadcast_in_dim3A_42 = arith.constant 0 : i32
    %broadcast_in_dim3A_43 = vector.broadcast %broadcast_in_dim3A_42 : i32 to vector<16xi32>
    %while3A = arith.constant 0 : i32
    %while3A_44 = arith.subi %select_n3A, %while3A : i32
    %while3A_45 = arith.addi %while3A, %while3A_44 : i32
    %while3A_46 = arith.constant 1 : i32
    %while3A_47 = arith.divsi %while3A_44, %while3A_46 : i32
    %while3A_48 = arith.muli %while3A_47, %while3A_46 : i32
    %while3A_49 = arith.addi %while3A, %while3A_48 : i32
    %while3A_50 = arith.constant 1 : i32
    %while3A_51 = scf.for %while3A_79 = %while3A to %while3A_49 step %while3A_50 iter_args(%while3A_80 = %broadcast_in_dim3A_43) -> (vector<16xi32>)  : i32 {
      %mul3A_81 = arith.constant 16 : i32
      %mul3A_82 = arith.muli %while3A_79, %mul3A_81 : i32
      %get3A = arith.index_cast %mul3A_82 : i32 to index
      %get3A_83 = tpu.vector_load %arg5[%get3A] {strides = array<i32>} : memref<102432xi32, #tpu.memory_space<vmem>>, vector<16xi32>,
      %ge3A = vector.broadcast %add3A_41 : i32 to vector<16xi32>
      %ge3A_84 = arith.cmpi sge, %get3A_83, %ge3A : vector<16xi32>
      %jit3A_85 = arith.constant 1 : i32
      %jit3A_86 = arith.constant 0 : i32
      %broadcast_in_dim3A_87 = vector.broadcast %jit3A_85 : i32 to vector<16xi32>
      %broadcast_in_dim3A_88 = vector.broadcast %jit3A_86 : i32 to vector<16xi32>
      %select_n3A_89 = arith.select %ge3A_84, %broadcast_in_dim3A_87, %broadcast_in_dim3A_88 : vector<16xi1>, vector<16xi32>
      %add3A_90 = arith.addi %while3A_80, %select_n3A_89 : vector<16xi32>
      scf.yield %add3A_90 : vector<16xi32>
    }
    %while3A_52 = arith.constant 1 : i32
    %while3A_53 = scf.for %while3A_79 = %while3A_49 to %while3A_45 step %while3A_52 iter_args(%while3A_80 = %while3A_51) -> (vector<16xi32>)  : i32 {
      %mul3A_81 = arith.constant 16 : i32
      %mul3A_82 = arith.muli %while3A_79, %mul3A_81 : i32
      %get3A = arith.index_cast %mul3A_82 : i32 to index
      %get3A_83 = tpu.vector_load %arg5[%get3A] {strides = array<i32>} : memref<102432xi32, #tpu.memory_space<vmem>>, vector<16xi32>,
      %ge3A = vector.broadcast %add3A_41 : i32 to vector<16xi32>
      %ge3A_84 = arith.cmpi sge, %get3A_83, %ge3A : vector<16xi32>
      %jit3A_85 = arith.constant 1 : i32
      %jit3A_86 = arith.constant 0 : i32
      %broadcast_in_dim3A_87 = vector.broadcast %jit3A_85 : i32 to vector<16xi32>
      %broadcast_in_dim3A_88 = vector.broadcast %jit3A_86 : i32 to vector<16xi32>
      %select_n3A_89 = arith.select %ge3A_84, %broadcast_in_dim3A_87, %broadcast_in_dim3A_88 : vector<16xi1>, vector<16xi32>
      %add3A_90 = arith.addi %while3A_80, %select_n3A_89 : vector<16xi32>
      scf.yield %add3A_90 : vector<16xi32>
    }
    %reduce_sum3A = arith.constant true
    %reduce_sum3A_54 = vector.broadcast %reduce_sum3A : i1 to vector<16xi1>
    %reduce_sum3A_55 = tpu.scan <sum>, %while3A_53 masked %reduce_sum3A_54 : vector<16xi32>, vector<16xi1> -> vector<16xi32>
    %reduce_sum3A_56 = vector.extract %reduce_sum3A_55[15] : i32 from vector<16xi32>
    %gt3A = arith.constant 0 : i32
    %gt3A_57 = arith.cmpi sgt, %scan3A_6, %gt3A : i32
    %jit3A_58 = arith.constant 0 : i32
    %select_n3A_59 = arith.select %gt3A_57, %max3A_31, %jit3A_58 : i32
    %sub3A_60 = arith.subi %max3A_31, %reduce_sum3A_56 : i32
    %eq3A = arith.constant 0 : i32
    %eq3A_61 = vector.broadcast %eq3A : i32 to vector<16xi32>
    %eq3A_62 = arith.cmpi eq, %iota3A, %eq3A_61 : vector<16xi32>
    %eq3A_63 = arith.constant 1 : i32
    %eq3A_64 = vector.broadcast %eq3A_63 : i32 to vector<16xi32>
    %eq3A_65 = arith.cmpi eq, %iota3A, %eq3A_64 : vector<16xi32>
    %eq3A_66 = arith.constant 2 : i32
    %eq3A_67 = vector.broadcast %eq3A_66 : i32 to vector<16xi32>
    %eq3A_68 = arith.cmpi eq, %iota3A, %eq3A_67 : vector<16xi32>
    %jit3A_69 = arith.constant 0 : i32
    %broadcast_in_dim3A_70 = vector.broadcast %sub3A_60 : i32 to vector<16xi32>
    %broadcast_in_dim3A_71 = vector.broadcast %jit3A_69 : i32 to vector<16xi32>
    %select_n3A_72 = arith.select %eq3A_68, %broadcast_in_dim3A_70, %broadcast_in_dim3A_71 : vector<16xi1>, vector<16xi32>
    %broadcast_in_dim3A_73 = vector.broadcast %scan3A_38#0 : i32 to vector<16xi32>
    %select_n3A_74 = arith.select %eq3A_65, %broadcast_in_dim3A_73, %select_n3A_72 : vector<16xi1>, vector<16xi32>
    %broadcast_in_dim3A_75 = vector.broadcast %select_n3A_59 : i32 to vector<16xi32>
    %select_n3A_76 = arith.select %eq3A_62, %broadcast_in_dim3A_75, %select_n3A_74 : vector<16xi1>, vector<16xi32>
    %swap3A_77 = arith.constant 0 : index
    %swap3A_78 = tpu.vector_load %arg8[%swap3A_77] {strides = array<i32>} : memref<16xi32, #tpu.memory_space<vmem>>, vector<16xi32>,
    tpu.vector_store %arg8[%swap3A_77], %select_n3A_76 {strides = array<i32>} : memref<16xi32, #tpu.memory_space<vmem>>, vector<16xi32>,
    "tpu.region"() ({
      %run_scoped3A = tpu.sem_alloc : memref<!tpu.dma_semaphore, #tpu.memory_space<semaphore_mem>>
      %dma_start3A = arith.constant 0 : i32
      %dma_start3A_79 = tpu.memref_slice %arg4[%add3A, %dma_start3A] : memref<32x16xi32, #tpu.memory_space<hbm>> -> memref<1x16xi32, #tpu.memory_space<hbm>>
      %dma_start3A_80 = tpu.memref_squeeze %dma_start3A_79 : memref<1x16xi32, #tpu.memory_space<hbm>> -> memref<16xi32, #tpu.memory_space<hbm>>
      %dma_start3A_81 = arith.constant 0 : i32
      %dma_start3A_82 = tpu.memref_slice %arg4[%add3A, %dma_start3A_81] : memref<32x16xi32, #tpu.memory_space<hbm>> -> memref<1x16xi32, #tpu.memory_space<hbm>>
      %dma_start3A_83 = tpu.memref_squeeze %dma_start3A_82 : memref<1x16xi32, #tpu.memory_space<hbm>> -> memref<16xi32, #tpu.memory_space<hbm>>
      tpu.enqueue_dma source(%arg8 : memref<16xi32, #tpu.memory_space<vmem>>) target(%dma_start3A_83 : memref<16xi32, #tpu.memory_space<hbm>>) target_semaphore(%run_scoped3A : memref<!tpu.dma_semaphore, #tpu.memory_space<semaphore_mem>>)
      %dma_wait3A = arith.constant 0 : i32
      %dma_wait3A_84 = tpu.memref_slice %arg4[%add3A, %dma_wait3A] : memref<32x16xi32, #tpu.memory_space<hbm>> -> memref<1x16xi32, #tpu.memory_space<hbm>>
      %dma_wait3A_85 = tpu.memref_squeeze %dma_wait3A_84 : memref<1x16xi32, #tpu.memory_space<hbm>> -> memref<16xi32, #tpu.memory_space<hbm>>
      %dma_wait3A_86 = arith.constant 0 : i32
      %dma_wait3A_87 = tpu.memref_slice %arg4[%add3A, %dma_wait3A_86] : memref<32x16xi32, #tpu.memory_space<hbm>> -> memref<1x16xi32, #tpu.memory_space<hbm>>
      %dma_wait3A_88 = tpu.memref_squeeze %dma_wait3A_87 : memref<1x16xi32, #tpu.memory_space<hbm>> -> memref<16xi32, #tpu.memory_space<hbm>>
      tpu.wait_dma2 semaphore(%run_scoped3A : memref<!tpu.dma_semaphore, #tpu.memory_space<semaphore_mem>>) src(%arg8 : memref<16xi32, #tpu.memory_space<vmem>>) dst(%dma_wait3A_88 : memref<16xi32, #tpu.memory_space<hbm>>)
      tpu.yield
    }) : () -> ()
    return
  }
}

#map = affine_map<(d0, d1) -> (0)>
#map1 = affine_map<(d0, d1) -> (0, 0)>
#map2 = affine_map<(d0, d1) -> (0, 0, 0)>
module attributes {stable_mosaic.version = 14 : i64} {
  func.func @agg(%arg0: i32, %arg1: i32, %arg2: memref<51200xi32, #tpu.memory_space<hbm>>, %arg3: memref<51200xi32, #tpu.memory_space<hbm>>, %arg4: memref<3840x128xf32, #tpu.memory_space<hbm>>, %arg5: memref<3840x128xf32, #tpu.memory_space<hbm>>, %arg6: memref<3840x16xf32, #tpu.memory_space<hbm>>, %arg7: memref<160x16xf32, #tpu.memory_space<hbm>>, %arg8: memref<2x3840x128xf32, #tpu.memory_space<hbm>>, %arg9: memref<2x3840x16xf32, #tpu.memory_space<hbm>>, %arg10: memref<160xi32, #tpu.memory_space<vmem>>, %arg11: memref<160xi32, #tpu.memory_space<vmem>>, %arg12: memref<160x128xf32, #tpu.memory_space<vmem>>, %arg13: memref<160x128xf32, #tpu.memory_space<vmem>>, %arg14: memref<160x16xf32, #tpu.memory_space<vmem>>, %arg15: memref<3840x128xf32, #tpu.memory_space<vmem_shared>>, %arg16: memref<3840x16xf32, #tpu.memory_space<vmem_shared>>, %arg17: memref<!tpu.dma_semaphore, #tpu.memory_space<semaphore_mem>>, %arg18: memref<!tpu.dma_semaphore, #tpu.memory_space<semaphore_mem>>) attributes {dimension_semantics = [#tpu.dimension_semantics<core_parallel>, #tpu.dimension_semantics<subcore_parallel>], iteration_bounds = array<i64: 2, 16>, scalar_prefetch = 0 : i64, scratch_operands = 9 : i64, tpu.core_type = #tpu.core_type<sc_vector_subcore>, window_params = [{transform_indices = #map}, {transform_indices = #map}, {transform_indices = #map1}, {transform_indices = #map1}, {transform_indices = #map1}, {transform_indices = #map1}, {transform_indices = #map2}, {transform_indices = #map2}]} {
    %mul3A = arith.constant 16 : i32
    %mul3A_0 = arith.muli %arg0, %mul3A : i32
    %add3A = arith.addi %mul3A_0, %arg1 : i32
    %mul3A_1 = arith.constant 240 : i32
    %mul3A_2 = arith.muli %arg1, %mul3A_1 : i32
    %mul3A_3 = arith.constant 240 : i32
    %mul3A_4 = arith.muli %arg1, %mul3A_3 : i32
    "tpu.region"() ({
      %run_scoped3A = tpu.sem_alloc : memref<!tpu.dma_semaphore, #tpu.memory_space<semaphore_mem>>
      %dma_start3A = arith.constant 0 : i32
      %dma_start3A_25 = tpu.memref_slice %arg15[%mul3A_4, %dma_start3A] : memref<3840x128xf32, #tpu.memory_space<vmem_shared>> -> memref<240x128xf32, #tpu.memory_space<vmem_shared>>
      %dma_start3A_26 = arith.constant 0 : i32
      %dma_start3A_27 = tpu.memref_slice %arg5[%mul3A_2, %dma_start3A_26] : memref<3840x128xf32, #tpu.memory_space<hbm>> -> memref<240x128xf32, #tpu.memory_space<hbm>>
      tpu.enqueue_dma source(%dma_start3A_27 : memref<240x128xf32, #tpu.memory_space<hbm>>) target(%dma_start3A_25 : memref<240x128xf32, #tpu.memory_space<vmem_shared>>) target_semaphore(%run_scoped3A : memref<!tpu.dma_semaphore, #tpu.memory_space<semaphore_mem>>)
      %dma_wait3A = arith.constant 0 : i32
      %dma_wait3A_28 = tpu.memref_slice %arg15[%mul3A_4, %dma_wait3A] : memref<3840x128xf32, #tpu.memory_space<vmem_shared>> -> memref<240x128xf32, #tpu.memory_space<vmem_shared>>
      %dma_wait3A_29 = arith.constant 0 : i32
      %dma_wait3A_30 = tpu.memref_slice %arg5[%mul3A_2, %dma_wait3A_29] : memref<3840x128xf32, #tpu.memory_space<hbm>> -> memref<240x128xf32, #tpu.memory_space<hbm>>
      tpu.wait_dma2 semaphore(%run_scoped3A : memref<!tpu.dma_semaphore, #tpu.memory_space<semaphore_mem>>) src(%dma_wait3A_30 : memref<240x128xf32, #tpu.memory_space<hbm>>) dst(%dma_wait3A_28 : memref<240x128xf32, #tpu.memory_space<vmem_shared>>)
      tpu.yield
    }) : () -> ()
    %mul3A_5 = arith.constant 240 : i32
    %mul3A_6 = arith.muli %arg1, %mul3A_5 : i32
    %mul3A_7 = arith.constant 240 : i32
    %mul3A_8 = arith.muli %arg1, %mul3A_7 : i32
    "tpu.region"() ({
      %run_scoped3A = tpu.sem_alloc : memref<!tpu.dma_semaphore, #tpu.memory_space<semaphore_mem>>
      %dma_start3A = arith.constant 0 : i32
      %dma_start3A_25 = tpu.memref_slice %arg16[%mul3A_8, %dma_start3A] : memref<3840x16xf32, #tpu.memory_space<vmem_shared>> -> memref<240x16xf32, #tpu.memory_space<vmem_shared>>
      %dma_start3A_26 = arith.constant 0 : i32
      %dma_start3A_27 = tpu.memref_slice %arg6[%mul3A_6, %dma_start3A_26] : memref<3840x16xf32, #tpu.memory_space<hbm>> -> memref<240x16xf32, #tpu.memory_space<hbm>>
      tpu.enqueue_dma source(%dma_start3A_27 : memref<240x16xf32, #tpu.memory_space<hbm>>) target(%dma_start3A_25 : memref<240x16xf32, #tpu.memory_space<vmem_shared>>) target_semaphore(%run_scoped3A : memref<!tpu.dma_semaphore, #tpu.memory_space<semaphore_mem>>)
      %dma_wait3A = arith.constant 0 : i32
      %dma_wait3A_28 = tpu.memref_slice %arg16[%mul3A_8, %dma_wait3A] : memref<3840x16xf32, #tpu.memory_space<vmem_shared>> -> memref<240x16xf32, #tpu.memory_space<vmem_shared>>
      %dma_wait3A_29 = arith.constant 0 : i32
      %dma_wait3A_30 = tpu.memref_slice %arg6[%mul3A_6, %dma_wait3A_29] : memref<3840x16xf32, #tpu.memory_space<hbm>> -> memref<240x16xf32, #tpu.memory_space<hbm>>
      tpu.wait_dma2 semaphore(%run_scoped3A : memref<!tpu.dma_semaphore, #tpu.memory_space<semaphore_mem>>) src(%dma_wait3A_30 : memref<240x16xf32, #tpu.memory_space<hbm>>) dst(%dma_wait3A_28 : memref<240x16xf32, #tpu.memory_space<vmem_shared>>)
      tpu.yield
    }) : () -> ()
    "tpu.region"() ({
      %run_scoped3A = tpu.sem_alloc : memref<!tpu.dma_semaphore, #tpu.memory_space<semaphore_mem>>
      tpu.enqueue_dma source(%arg7 : memref<160x16xf32, #tpu.memory_space<hbm>>) target(%arg14 : memref<160x16xf32, #tpu.memory_space<vmem>>) target_semaphore(%run_scoped3A : memref<!tpu.dma_semaphore, #tpu.memory_space<semaphore_mem>>)
      tpu.wait_dma2 semaphore(%run_scoped3A : memref<!tpu.dma_semaphore, #tpu.memory_space<semaphore_mem>>) src(%arg7 : memref<160x16xf32, #tpu.memory_space<hbm>>) dst(%arg14 : memref<160x16xf32, #tpu.memory_space<vmem>>)
      tpu.yield
    }) : () -> ()
    %barrier3A = arith.constant 0 : index
    tpu.barrier barrier_id(%barrier3A)
    %mul3A_9 = arith.constant 1600 : i32
    %mul3A_10 = arith.muli %add3A, %mul3A_9 : i32
    %scan3A = arith.constant 0 : i32
    %scan3A_11 = arith.constant 0 : i32
    %scan3A_12 = arith.constant 10 : i32
    %scan3A_13 = arith.addi %scan3A_11, %scan3A_12 : i32
    %scan3A_14 = arith.constant 1 : i32
    scf.for %scan3A_25 = %scan3A_11 to %scan3A_13 step %scan3A_14  : i32 {
      %mul3A_26 = arith.constant 160 : i32
      %mul3A_27 = arith.muli %scan3A_25, %mul3A_26 : i32
      %add3A_28 = arith.addi %mul3A_10, %mul3A_27 : i32
      "tpu.region"() ({
        %run_scoped3A = tpu.sem_alloc : memref<!tpu.dma_semaphore, #tpu.memory_space<semaphore_mem>>
        %dma_start3A_39 = tpu.memref_slice %arg2[%add3A_28] : memref<51200xi32, #tpu.memory_space<hbm>> -> memref<160xi32, #tpu.memory_space<hbm>>
        %dma_start3A_40 = tpu.memref_slice %arg2[%add3A_28] : memref<51200xi32, #tpu.memory_space<hbm>> -> memref<160xi32, #tpu.memory_space<hbm>>
        tpu.enqueue_dma source(%dma_start3A_40 : memref<160xi32, #tpu.memory_space<hbm>>) target(%arg10 : memref<160xi32, #tpu.memory_space<vmem>>) target_semaphore(%run_scoped3A : memref<!tpu.dma_semaphore, #tpu.memory_space<semaphore_mem>>)
        %dma_wait3A_41 = tpu.memref_slice %arg2[%add3A_28] : memref<51200xi32, #tpu.memory_space<hbm>> -> memref<160xi32, #tpu.memory_space<hbm>>
        %dma_wait3A_42 = tpu.memref_slice %arg2[%add3A_28] : memref<51200xi32, #tpu.memory_space<hbm>> -> memref<160xi32, #tpu.memory_space<hbm>>
        tpu.wait_dma2 semaphore(%run_scoped3A : memref<!tpu.dma_semaphore, #tpu.memory_space<semaphore_mem>>) src(%dma_wait3A_42 : memref<160xi32, #tpu.memory_space<hbm>>) dst(%arg10 : memref<160xi32, #tpu.memory_space<vmem>>)
        tpu.yield
      }) : () -> ()
      "tpu.region"() ({
        %run_scoped3A = tpu.sem_alloc : memref<!tpu.dma_semaphore, #tpu.memory_space<semaphore_mem>>
        %dma_start3A_39 = tpu.memref_slice %arg3[%add3A_28] : memref<51200xi32, #tpu.memory_space<hbm>> -> memref<160xi32, #tpu.memory_space<hbm>>
        %dma_start3A_40 = tpu.memref_slice %arg3[%add3A_28] : memref<51200xi32, #tpu.memory_space<hbm>> -> memref<160xi32, #tpu.memory_space<hbm>>
        tpu.enqueue_dma source(%dma_start3A_40 : memref<160xi32, #tpu.memory_space<hbm>>) target(%arg11 : memref<160xi32, #tpu.memory_space<vmem>>) target_semaphore(%run_scoped3A : memref<!tpu.dma_semaphore, #tpu.memory_space<semaphore_mem>>)
        %dma_wait3A_41 = tpu.memref_slice %arg3[%add3A_28] : memref<51200xi32, #tpu.memory_space<hbm>> -> memref<160xi32, #tpu.memory_space<hbm>>
        %dma_wait3A_42 = tpu.memref_slice %arg3[%add3A_28] : memref<51200xi32, #tpu.memory_space<hbm>> -> memref<160xi32, #tpu.memory_space<hbm>>
        tpu.wait_dma2 semaphore(%run_scoped3A : memref<!tpu.dma_semaphore, #tpu.memory_space<semaphore_mem>>) src(%dma_wait3A_42 : memref<160xi32, #tpu.memory_space<hbm>>) dst(%arg11 : memref<160xi32, #tpu.memory_space<vmem>>)
        tpu.yield
      }) : () -> ()
      %dma_start3A = arith.constant 0 : i32
      %dma_start3A_29 = arith.constant 0 : i32
      %dma_start3A_30 = tpu.memref_slice %arg4[%dma_start3A, %dma_start3A_29] : memref<3840x128xf32, #tpu.memory_space<hbm>> -> memref<3840x128xf32, #tpu.memory_space<hbm>>
      tpu.enqueue_indirect_dma source(%dma_start3A_30 : memref<3840x128xf32, #tpu.memory_space<hbm>>) target(%arg12 : memref<160x128xf32, #tpu.memory_space<vmem>>) offsets(%arg10 : memref<160xi32, #tpu.memory_space<vmem>>) semaphore(%arg17 : memref<!tpu.dma_semaphore, #tpu.memory_space<semaphore_mem>>)
      %dma_start3A_31 = arith.constant 0 : i32
      %dma_start3A_32 = arith.constant 0 : i32
      %dma_start3A_33 = tpu.memref_slice %arg4[%dma_start3A_31, %dma_start3A_32] : memref<3840x128xf32, #tpu.memory_space<hbm>> -> memref<3840x128xf32, #tpu.memory_space<hbm>>
      tpu.enqueue_indirect_dma source(%dma_start3A_33 : memref<3840x128xf32, #tpu.memory_space<hbm>>) target(%arg13 : memref<160x128xf32, #tpu.memory_space<vmem>>) offsets(%arg11 : memref<160xi32, #tpu.memory_space<vmem>>) semaphore(%arg18 : memref<!tpu.dma_semaphore, #tpu.memory_space<semaphore_mem>>)
      %dma_wait3A = arith.constant 0 : i32
      %dma_wait3A_34 = arith.constant 0 : i32
      %dma_wait3A_35 = tpu.memref_slice %arg4[%dma_wait3A, %dma_wait3A_34] : memref<3840x128xf32, #tpu.memory_space<hbm>> -> memref<3840x128xf32, #tpu.memory_space<hbm>>
      tpu.wait_indirect_dma semaphore(%arg17 : memref<!tpu.dma_semaphore, #tpu.memory_space<semaphore_mem>>) src(%dma_wait3A_35 : memref<3840x128xf32, #tpu.memory_space<hbm>>) dst(%arg12 : memref<160x128xf32, #tpu.memory_space<vmem>>)
      %dma_wait3A_36 = arith.constant 0 : i32
      %dma_wait3A_37 = arith.constant 0 : i32
      %dma_wait3A_38 = tpu.memref_slice %arg4[%dma_wait3A_36, %dma_wait3A_37] : memref<3840x128xf32, #tpu.memory_space<hbm>> -> memref<3840x128xf32, #tpu.memory_space<hbm>>
      tpu.wait_indirect_dma semaphore(%arg18 : memref<!tpu.dma_semaphore, #tpu.memory_space<semaphore_mem>>) src(%dma_wait3A_38 : memref<3840x128xf32, #tpu.memory_space<hbm>>) dst(%arg13 : memref<160x128xf32, #tpu.memory_space<vmem>>)
      "tpu.region"() ({
        %run_scoped3A = tpu.sem_alloc : memref<!tpu.dma_semaphore, #tpu.memory_space<semaphore_mem>>
        %dma_start3A_39 = arith.constant 0 : i32
        %dma_start3A_40 = arith.constant 0 : i32
        %dma_start3A_41 = tpu.memref_slice %arg15[%dma_start3A_39, %dma_start3A_40] : memref<3840x128xf32, #tpu.memory_space<vmem_shared>> -> memref<3840x128xf32, #tpu.memory_space<vmem_shared>>
        tpu.enqueue_indirect_dma source(%arg12 : memref<160x128xf32, #tpu.memory_space<vmem>>) target(%dma_start3A_41 : memref<3840x128xf32, #tpu.memory_space<vmem_shared>>) offsets(%arg11 : memref<160xi32, #tpu.memory_space<vmem>>) semaphore(%run_scoped3A : memref<!tpu.dma_semaphore, #tpu.memory_space<semaphore_mem>>) {add = true}
        %dma_wait3A_42 = arith.constant 0 : i32
        %dma_wait3A_43 = arith.constant 0 : i32
        %dma_wait3A_44 = tpu.memref_slice %arg15[%dma_wait3A_42, %dma_wait3A_43] : memref<3840x128xf32, #tpu.memory_space<vmem_shared>> -> memref<3840x128xf32, #tpu.memory_space<vmem_shared>>
        tpu.wait_indirect_dma semaphore(%run_scoped3A : memref<!tpu.dma_semaphore, #tpu.memory_space<semaphore_mem>>) src(%arg12 : memref<160x128xf32, #tpu.memory_space<vmem>>) dst(%dma_wait3A_44 : memref<3840x128xf32, #tpu.memory_space<vmem_shared>>)
        tpu.yield
      }) : () -> ()
      "tpu.region"() ({
        %run_scoped3A = tpu.sem_alloc : memref<!tpu.dma_semaphore, #tpu.memory_space<semaphore_mem>>
        %dma_start3A_39 = arith.constant 0 : i32
        %dma_start3A_40 = arith.constant 0 : i32
        %dma_start3A_41 = tpu.memref_slice %arg15[%dma_start3A_39, %dma_start3A_40] : memref<3840x128xf32, #tpu.memory_space<vmem_shared>> -> memref<3840x128xf32, #tpu.memory_space<vmem_shared>>
        tpu.enqueue_indirect_dma source(%arg13 : memref<160x128xf32, #tpu.memory_space<vmem>>) target(%dma_start3A_41 : memref<3840x128xf32, #tpu.memory_space<vmem_shared>>) offsets(%arg10 : memref<160xi32, #tpu.memory_space<vmem>>) semaphore(%run_scoped3A : memref<!tpu.dma_semaphore, #tpu.memory_space<semaphore_mem>>) {add = true}
        %dma_wait3A_42 = arith.constant 0 : i32
        %dma_wait3A_43 = arith.constant 0 : i32
        %dma_wait3A_44 = tpu.memref_slice %arg15[%dma_wait3A_42, %dma_wait3A_43] : memref<3840x128xf32, #tpu.memory_space<vmem_shared>> -> memref<3840x128xf32, #tpu.memory_space<vmem_shared>>
        tpu.wait_indirect_dma semaphore(%run_scoped3A : memref<!tpu.dma_semaphore, #tpu.memory_space<semaphore_mem>>) src(%arg13 : memref<160x128xf32, #tpu.memory_space<vmem>>) dst(%dma_wait3A_44 : memref<3840x128xf32, #tpu.memory_space<vmem_shared>>)
        tpu.yield
      }) : () -> ()
      "tpu.region"() ({
        %run_scoped3A = tpu.sem_alloc : memref<!tpu.dma_semaphore, #tpu.memory_space<semaphore_mem>>
        %dma_start3A_39 = arith.constant 0 : i32
        %dma_start3A_40 = arith.constant 0 : i32
        %dma_start3A_41 = tpu.memref_slice %arg16[%dma_start3A_39, %dma_start3A_40] : memref<3840x16xf32, #tpu.memory_space<vmem_shared>> -> memref<3840x16xf32, #tpu.memory_space<vmem_shared>>
        tpu.enqueue_indirect_dma source(%arg14 : memref<160x16xf32, #tpu.memory_space<vmem>>) target(%dma_start3A_41 : memref<3840x16xf32, #tpu.memory_space<vmem_shared>>) offsets(%arg11 : memref<160xi32, #tpu.memory_space<vmem>>) semaphore(%run_scoped3A : memref<!tpu.dma_semaphore, #tpu.memory_space<semaphore_mem>>) {add = true}
        %dma_wait3A_42 = arith.constant 0 : i32
        %dma_wait3A_43 = arith.constant 0 : i32
        %dma_wait3A_44 = tpu.memref_slice %arg16[%dma_wait3A_42, %dma_wait3A_43] : memref<3840x16xf32, #tpu.memory_space<vmem_shared>> -> memref<3840x16xf32, #tpu.memory_space<vmem_shared>>
        tpu.wait_indirect_dma semaphore(%run_scoped3A : memref<!tpu.dma_semaphore, #tpu.memory_space<semaphore_mem>>) src(%arg14 : memref<160x16xf32, #tpu.memory_space<vmem>>) dst(%dma_wait3A_44 : memref<3840x16xf32, #tpu.memory_space<vmem_shared>>)
        tpu.yield
      }) : () -> ()
      "tpu.region"() ({
        %run_scoped3A = tpu.sem_alloc : memref<!tpu.dma_semaphore, #tpu.memory_space<semaphore_mem>>
        %dma_start3A_39 = arith.constant 0 : i32
        %dma_start3A_40 = arith.constant 0 : i32
        %dma_start3A_41 = tpu.memref_slice %arg16[%dma_start3A_39, %dma_start3A_40] : memref<3840x16xf32, #tpu.memory_space<vmem_shared>> -> memref<3840x16xf32, #tpu.memory_space<vmem_shared>>
        tpu.enqueue_indirect_dma source(%arg14 : memref<160x16xf32, #tpu.memory_space<vmem>>) target(%dma_start3A_41 : memref<3840x16xf32, #tpu.memory_space<vmem_shared>>) offsets(%arg10 : memref<160xi32, #tpu.memory_space<vmem>>) semaphore(%run_scoped3A : memref<!tpu.dma_semaphore, #tpu.memory_space<semaphore_mem>>) {add = true}
        %dma_wait3A_42 = arith.constant 0 : i32
        %dma_wait3A_43 = arith.constant 0 : i32
        %dma_wait3A_44 = tpu.memref_slice %arg16[%dma_wait3A_42, %dma_wait3A_43] : memref<3840x16xf32, #tpu.memory_space<vmem_shared>> -> memref<3840x16xf32, #tpu.memory_space<vmem_shared>>
        tpu.wait_indirect_dma semaphore(%run_scoped3A : memref<!tpu.dma_semaphore, #tpu.memory_space<semaphore_mem>>) src(%arg14 : memref<160x16xf32, #tpu.memory_space<vmem>>) dst(%dma_wait3A_44 : memref<3840x16xf32, #tpu.memory_space<vmem_shared>>)
        tpu.yield
      }) : () -> ()
    }
    %scan3A_15 = arith.constant 10 : i32
    %barrier3A_16 = arith.constant 0 : index
    tpu.barrier barrier_id(%barrier3A_16)
    %mul3A_17 = arith.constant 240 : i32
    %mul3A_18 = arith.muli %arg1, %mul3A_17 : i32
    %mul3A_19 = arith.constant 240 : i32
    %mul3A_20 = arith.muli %arg1, %mul3A_19 : i32
    "tpu.region"() ({
      %run_scoped3A = tpu.sem_alloc : memref<!tpu.dma_semaphore, #tpu.memory_space<semaphore_mem>>
      %dma_start3A = arith.constant 0 : i32
      %dma_start3A_25 = arith.constant 0 : i32
      %dma_start3A_26 = tpu.memref_slice %arg8[%arg0, %dma_start3A, %dma_start3A_25] : memref<2x3840x128xf32, #tpu.memory_space<hbm>> -> memref<1x3840x128xf32, #tpu.memory_space<hbm>>
      %dma_start3A_27 = tpu.memref_squeeze %dma_start3A_26 : memref<1x3840x128xf32, #tpu.memory_space<hbm>> -> memref<3840x128xf32, #tpu.memory_space<hbm>>
      %dma_start3A_28 = arith.constant 0 : i32
      %dma_start3A_29 = tpu.memref_slice %dma_start3A_27[%mul3A_20, %dma_start3A_28] : memref<3840x128xf32, #tpu.memory_space<hbm>> -> memref<240x128xf32, #tpu.memory_space<hbm>>
      %dma_start3A_30 = arith.constant 0 : i32
      %dma_start3A_31 = tpu.memref_slice %arg15[%mul3A_18, %dma_start3A_30] : memref<3840x128xf32, #tpu.memory_space<vmem_shared>> -> memref<240x128xf32, #tpu.memory_space<vmem_shared>>
      tpu.enqueue_dma source(%dma_start3A_31 : memref<240x128xf32, #tpu.memory_space<vmem_shared>>) target(%dma_start3A_29 : memref<240x128xf32, #tpu.memory_space<hbm>>) target_semaphore(%run_scoped3A : memref<!tpu.dma_semaphore, #tpu.memory_space<semaphore_mem>>)
      %dma_wait3A = arith.constant 0 : i32
      %dma_wait3A_32 = arith.constant 0 : i32
      %dma_wait3A_33 = tpu.memref_slice %arg8[%arg0, %dma_wait3A, %dma_wait3A_32] : memref<2x3840x128xf32, #tpu.memory_space<hbm>> -> memref<1x3840x128xf32, #tpu.memory_space<hbm>>
      %dma_wait3A_34 = tpu.memref_squeeze %dma_wait3A_33 : memref<1x3840x128xf32, #tpu.memory_space<hbm>> -> memref<3840x128xf32, #tpu.memory_space<hbm>>
      %dma_wait3A_35 = arith.constant 0 : i32
      %dma_wait3A_36 = tpu.memref_slice %dma_wait3A_34[%mul3A_20, %dma_wait3A_35] : memref<3840x128xf32, #tpu.memory_space<hbm>> -> memref<240x128xf32, #tpu.memory_space<hbm>>
      %dma_wait3A_37 = arith.constant 0 : i32
      %dma_wait3A_38 = tpu.memref_slice %arg15[%mul3A_18, %dma_wait3A_37] : memref<3840x128xf32, #tpu.memory_space<vmem_shared>> -> memref<240x128xf32, #tpu.memory_space<vmem_shared>>
      tpu.wait_dma2 semaphore(%run_scoped3A : memref<!tpu.dma_semaphore, #tpu.memory_space<semaphore_mem>>) src(%dma_wait3A_38 : memref<240x128xf32, #tpu.memory_space<vmem_shared>>) dst(%dma_wait3A_36 : memref<240x128xf32, #tpu.memory_space<hbm>>)
      tpu.yield
    }) : () -> ()
    %mul3A_21 = arith.constant 240 : i32
    %mul3A_22 = arith.muli %arg1, %mul3A_21 : i32
    %mul3A_23 = arith.constant 240 : i32
    %mul3A_24 = arith.muli %arg1, %mul3A_23 : i32
    "tpu.region"() ({
      %run_scoped3A = tpu.sem_alloc : memref<!tpu.dma_semaphore, #tpu.memory_space<semaphore_mem>>
      %dma_start3A = arith.constant 0 : i32
      %dma_start3A_25 = arith.constant 0 : i32
      %dma_start3A_26 = tpu.memref_slice %arg9[%arg0, %dma_start3A, %dma_start3A_25] : memref<2x3840x16xf32, #tpu.memory_space<hbm>> -> memref<1x3840x16xf32, #tpu.memory_space<hbm>>
      %dma_start3A_27 = tpu.memref_squeeze %dma_start3A_26 : memref<1x3840x16xf32, #tpu.memory_space<hbm>> -> memref<3840x16xf32, #tpu.memory_space<hbm>>
      %dma_start3A_28 = arith.constant 0 : i32
      %dma_start3A_29 = tpu.memref_slice %dma_start3A_27[%mul3A_24, %dma_start3A_28] : memref<3840x16xf32, #tpu.memory_space<hbm>> -> memref<240x16xf32, #tpu.memory_space<hbm>>
      %dma_start3A_30 = arith.constant 0 : i32
      %dma_start3A_31 = tpu.memref_slice %arg16[%mul3A_22, %dma_start3A_30] : memref<3840x16xf32, #tpu.memory_space<vmem_shared>> -> memref<240x16xf32, #tpu.memory_space<vmem_shared>>
      tpu.enqueue_dma source(%dma_start3A_31 : memref<240x16xf32, #tpu.memory_space<vmem_shared>>) target(%dma_start3A_29 : memref<240x16xf32, #tpu.memory_space<hbm>>) target_semaphore(%run_scoped3A : memref<!tpu.dma_semaphore, #tpu.memory_space<semaphore_mem>>)
      %dma_wait3A = arith.constant 0 : i32
      %dma_wait3A_32 = arith.constant 0 : i32
      %dma_wait3A_33 = tpu.memref_slice %arg9[%arg0, %dma_wait3A, %dma_wait3A_32] : memref<2x3840x16xf32, #tpu.memory_space<hbm>> -> memref<1x3840x16xf32, #tpu.memory_space<hbm>>
      %dma_wait3A_34 = tpu.memref_squeeze %dma_wait3A_33 : memref<1x3840x16xf32, #tpu.memory_space<hbm>> -> memref<3840x16xf32, #tpu.memory_space<hbm>>
      %dma_wait3A_35 = arith.constant 0 : i32
      %dma_wait3A_36 = tpu.memref_slice %dma_wait3A_34[%mul3A_24, %dma_wait3A_35] : memref<3840x16xf32, #tpu.memory_space<hbm>> -> memref<240x16xf32, #tpu.memory_space<hbm>>
      %dma_wait3A_37 = arith.constant 0 : i32
      %dma_wait3A_38 = tpu.memref_slice %arg16[%mul3A_22, %dma_wait3A_37] : memref<3840x16xf32, #tpu.memory_space<vmem_shared>> -> memref<240x16xf32, #tpu.memory_space<vmem_shared>>
      tpu.wait_dma2 semaphore(%run_scoped3A : memref<!tpu.dma_semaphore, #tpu.memory_space<semaphore_mem>>) src(%dma_wait3A_38 : memref<240x16xf32, #tpu.memory_space<vmem_shared>>) dst(%dma_wait3A_36 : memref<240x16xf32, #tpu.memory_space<hbm>>)
      tpu.yield
    }) : () -> ()
    return
  }
}

#map = affine_map<(d0, d1) -> (0)>
#map1 = affine_map<(d0, d1) -> (0, 0)>
module attributes {stable_mosaic.version = 14 : i64} {
  func.func @gat(%arg0: i32, %arg1: i32, %arg2: memref<102400xi32, #tpu.memory_space<hbm>>, %arg3: memref<102400xi32, #tpu.memory_space<hbm>>, %arg4: memref<3840x128xf32, #tpu.memory_space<hbm>>, %arg5: memref<102400x128xf32, #tpu.memory_space<hbm>>, %arg6: memref<102400x128xf32, #tpu.memory_space<hbm>>, %arg7: memref<200xi32, #tpu.memory_space<vmem>>, %arg8: memref<200xi32, #tpu.memory_space<vmem>>, %arg9: memref<200x128xf32, #tpu.memory_space<vmem>>, %arg10: memref<200x128xf32, #tpu.memory_space<vmem>>, %arg11: memref<!tpu.dma_semaphore, #tpu.memory_space<semaphore_mem>>, %arg12: memref<!tpu.dma_semaphore, #tpu.memory_space<semaphore_mem>>) attributes {dimension_semantics = [#tpu.dimension_semantics<core_parallel>, #tpu.dimension_semantics<subcore_parallel>], iteration_bounds = array<i64: 2, 16>, scalar_prefetch = 0 : i64, scratch_operands = 6 : i64, tpu.core_type = #tpu.core_type<sc_vector_subcore>, window_params = [{transform_indices = #map}, {transform_indices = #map}, {transform_indices = #map1}, {transform_indices = #map1}, {transform_indices = #map1}]} {
    %mul3A = arith.constant 16 : i32
    %mul3A_0 = arith.muli %arg0, %mul3A : i32
    %add3A = arith.addi %mul3A_0, %arg1 : i32
    %mul3A_1 = arith.constant 3200 : i32
    %mul3A_2 = arith.muli %add3A, %mul3A_1 : i32
    %scan3A = arith.constant 0 : i32
    %scan3A_3 = arith.constant 0 : i32
    %scan3A_4 = arith.constant 16 : i32
    %scan3A_5 = arith.addi %scan3A_3, %scan3A_4 : i32
    %scan3A_6 = arith.constant 1 : i32
    scf.for %scan3A_8 = %scan3A_3 to %scan3A_5 step %scan3A_6  : i32 {
      %mul3A_9 = arith.constant 200 : i32
      %mul3A_10 = arith.muli %scan3A_8, %mul3A_9 : i32
      %add3A_11 = arith.addi %mul3A_2, %mul3A_10 : i32
      "tpu.region"() ({
        %run_scoped3A = tpu.sem_alloc : memref<!tpu.dma_semaphore, #tpu.memory_space<semaphore_mem>>
        %dma_start3A_22 = tpu.memref_slice %arg2[%add3A_11] : memref<102400xi32, #tpu.memory_space<hbm>> -> memref<200xi32, #tpu.memory_space<hbm>>
        %dma_start3A_23 = tpu.memref_slice %arg2[%add3A_11] : memref<102400xi32, #tpu.memory_space<hbm>> -> memref<200xi32, #tpu.memory_space<hbm>>
        tpu.enqueue_dma source(%dma_start3A_23 : memref<200xi32, #tpu.memory_space<hbm>>) target(%arg7 : memref<200xi32, #tpu.memory_space<vmem>>) target_semaphore(%run_scoped3A : memref<!tpu.dma_semaphore, #tpu.memory_space<semaphore_mem>>)
        %dma_wait3A_24 = tpu.memref_slice %arg2[%add3A_11] : memref<102400xi32, #tpu.memory_space<hbm>> -> memref<200xi32, #tpu.memory_space<hbm>>
        %dma_wait3A_25 = tpu.memref_slice %arg2[%add3A_11] : memref<102400xi32, #tpu.memory_space<hbm>> -> memref<200xi32, #tpu.memory_space<hbm>>
        tpu.wait_dma2 semaphore(%run_scoped3A : memref<!tpu.dma_semaphore, #tpu.memory_space<semaphore_mem>>) src(%dma_wait3A_25 : memref<200xi32, #tpu.memory_space<hbm>>) dst(%arg7 : memref<200xi32, #tpu.memory_space<vmem>>)
        tpu.yield
      }) : () -> ()
      "tpu.region"() ({
        %run_scoped3A = tpu.sem_alloc : memref<!tpu.dma_semaphore, #tpu.memory_space<semaphore_mem>>
        %dma_start3A_22 = tpu.memref_slice %arg3[%add3A_11] : memref<102400xi32, #tpu.memory_space<hbm>> -> memref<200xi32, #tpu.memory_space<hbm>>
        %dma_start3A_23 = tpu.memref_slice %arg3[%add3A_11] : memref<102400xi32, #tpu.memory_space<hbm>> -> memref<200xi32, #tpu.memory_space<hbm>>
        tpu.enqueue_dma source(%dma_start3A_23 : memref<200xi32, #tpu.memory_space<hbm>>) target(%arg8 : memref<200xi32, #tpu.memory_space<vmem>>) target_semaphore(%run_scoped3A : memref<!tpu.dma_semaphore, #tpu.memory_space<semaphore_mem>>)
        %dma_wait3A_24 = tpu.memref_slice %arg3[%add3A_11] : memref<102400xi32, #tpu.memory_space<hbm>> -> memref<200xi32, #tpu.memory_space<hbm>>
        %dma_wait3A_25 = tpu.memref_slice %arg3[%add3A_11] : memref<102400xi32, #tpu.memory_space<hbm>> -> memref<200xi32, #tpu.memory_space<hbm>>
        tpu.wait_dma2 semaphore(%run_scoped3A : memref<!tpu.dma_semaphore, #tpu.memory_space<semaphore_mem>>) src(%dma_wait3A_25 : memref<200xi32, #tpu.memory_space<hbm>>) dst(%arg8 : memref<200xi32, #tpu.memory_space<vmem>>)
        tpu.yield
      }) : () -> ()
      %dma_start3A = arith.constant 0 : i32
      %dma_start3A_12 = arith.constant 0 : i32
      %dma_start3A_13 = tpu.memref_slice %arg4[%dma_start3A, %dma_start3A_12] : memref<3840x128xf32, #tpu.memory_space<hbm>> -> memref<3840x128xf32, #tpu.memory_space<hbm>>
      tpu.enqueue_indirect_dma source(%dma_start3A_13 : memref<3840x128xf32, #tpu.memory_space<hbm>>) target(%arg9 : memref<200x128xf32, #tpu.memory_space<vmem>>) offsets(%arg7 : memref<200xi32, #tpu.memory_space<vmem>>) semaphore(%arg11 : memref<!tpu.dma_semaphore, #tpu.memory_space<semaphore_mem>>)
      %dma_start3A_14 = arith.constant 0 : i32
      %dma_start3A_15 = arith.constant 0 : i32
      %dma_start3A_16 = tpu.memref_slice %arg4[%dma_start3A_14, %dma_start3A_15] : memref<3840x128xf32, #tpu.memory_space<hbm>> -> memref<3840x128xf32, #tpu.memory_space<hbm>>
      tpu.enqueue_indirect_dma source(%dma_start3A_16 : memref<3840x128xf32, #tpu.memory_space<hbm>>) target(%arg10 : memref<200x128xf32, #tpu.memory_space<vmem>>) offsets(%arg8 : memref<200xi32, #tpu.memory_space<vmem>>) semaphore(%arg12 : memref<!tpu.dma_semaphore, #tpu.memory_space<semaphore_mem>>)
      %dma_wait3A = arith.constant 0 : i32
      %dma_wait3A_17 = arith.constant 0 : i32
      %dma_wait3A_18 = tpu.memref_slice %arg4[%dma_wait3A, %dma_wait3A_17] : memref<3840x128xf32, #tpu.memory_space<hbm>> -> memref<3840x128xf32, #tpu.memory_space<hbm>>
      tpu.wait_indirect_dma semaphore(%arg11 : memref<!tpu.dma_semaphore, #tpu.memory_space<semaphore_mem>>) src(%dma_wait3A_18 : memref<3840x128xf32, #tpu.memory_space<hbm>>) dst(%arg9 : memref<200x128xf32, #tpu.memory_space<vmem>>)
      %dma_wait3A_19 = arith.constant 0 : i32
      %dma_wait3A_20 = arith.constant 0 : i32
      %dma_wait3A_21 = tpu.memref_slice %arg4[%dma_wait3A_19, %dma_wait3A_20] : memref<3840x128xf32, #tpu.memory_space<hbm>> -> memref<3840x128xf32, #tpu.memory_space<hbm>>
      tpu.wait_indirect_dma semaphore(%arg12 : memref<!tpu.dma_semaphore, #tpu.memory_space<semaphore_mem>>) src(%dma_wait3A_21 : memref<3840x128xf32, #tpu.memory_space<hbm>>) dst(%arg10 : memref<200x128xf32, #tpu.memory_space<vmem>>)
      "tpu.region"() ({
        %run_scoped3A = tpu.sem_alloc : memref<!tpu.dma_semaphore, #tpu.memory_space<semaphore_mem>>
        %dma_start3A_22 = arith.constant 0 : i32
        %dma_start3A_23 = tpu.memref_slice %arg5[%add3A_11, %dma_start3A_22] : memref<102400x128xf32, #tpu.memory_space<hbm>> -> memref<200x128xf32, #tpu.memory_space<hbm>>
        %dma_start3A_24 = arith.constant 0 : i32
        %dma_start3A_25 = tpu.memref_slice %arg5[%add3A_11, %dma_start3A_24] : memref<102400x128xf32, #tpu.memory_space<hbm>> -> memref<200x128xf32, #tpu.memory_space<hbm>>
        tpu.enqueue_dma source(%arg9 : memref<200x128xf32, #tpu.memory_space<vmem>>) target(%dma_start3A_25 : memref<200x128xf32, #tpu.memory_space<hbm>>) target_semaphore(%run_scoped3A : memref<!tpu.dma_semaphore, #tpu.memory_space<semaphore_mem>>)
        %dma_wait3A_26 = arith.constant 0 : i32
        %dma_wait3A_27 = tpu.memref_slice %arg5[%add3A_11, %dma_wait3A_26] : memref<102400x128xf32, #tpu.memory_space<hbm>> -> memref<200x128xf32, #tpu.memory_space<hbm>>
        %dma_wait3A_28 = arith.constant 0 : i32
        %dma_wait3A_29 = tpu.memref_slice %arg5[%add3A_11, %dma_wait3A_28] : memref<102400x128xf32, #tpu.memory_space<hbm>> -> memref<200x128xf32, #tpu.memory_space<hbm>>
        tpu.wait_dma2 semaphore(%run_scoped3A : memref<!tpu.dma_semaphore, #tpu.memory_space<semaphore_mem>>) src(%arg9 : memref<200x128xf32, #tpu.memory_space<vmem>>) dst(%dma_wait3A_29 : memref<200x128xf32, #tpu.memory_space<hbm>>)
        tpu.yield
      }) : () -> ()
      "tpu.region"() ({
        %run_scoped3A = tpu.sem_alloc : memref<!tpu.dma_semaphore, #tpu.memory_space<semaphore_mem>>
        %dma_start3A_22 = arith.constant 0 : i32
        %dma_start3A_23 = tpu.memref_slice %arg6[%add3A_11, %dma_start3A_22] : memref<102400x128xf32, #tpu.memory_space<hbm>> -> memref<200x128xf32, #tpu.memory_space<hbm>>
        %dma_start3A_24 = arith.constant 0 : i32
        %dma_start3A_25 = tpu.memref_slice %arg6[%add3A_11, %dma_start3A_24] : memref<102400x128xf32, #tpu.memory_space<hbm>> -> memref<200x128xf32, #tpu.memory_space<hbm>>
        tpu.enqueue_dma source(%arg10 : memref<200x128xf32, #tpu.memory_space<vmem>>) target(%dma_start3A_25 : memref<200x128xf32, #tpu.memory_space<hbm>>) target_semaphore(%run_scoped3A : memref<!tpu.dma_semaphore, #tpu.memory_space<semaphore_mem>>)
        %dma_wait3A_26 = arith.constant 0 : i32
        %dma_wait3A_27 = tpu.memref_slice %arg6[%add3A_11, %dma_wait3A_26] : memref<102400x128xf32, #tpu.memory_space<hbm>> -> memref<200x128xf32, #tpu.memory_space<hbm>>
        %dma_wait3A_28 = arith.constant 0 : i32
        %dma_wait3A_29 = tpu.memref_slice %arg6[%add3A_11, %dma_wait3A_28] : memref<102400x128xf32, #tpu.memory_space<hbm>> -> memref<200x128xf32, #tpu.memory_space<hbm>>
        tpu.wait_dma2 semaphore(%run_scoped3A : memref<!tpu.dma_semaphore, #tpu.memory_space<semaphore_mem>>) src(%arg10 : memref<200x128xf32, #tpu.memory_space<vmem>>) dst(%dma_wait3A_29 : memref<200x128xf32, #tpu.memory_space<hbm>>)
        tpu.yield
      }) : () -> ()
    }
    %scan3A_7 = arith.constant 16 : i32
    return
  }
}

#map = affine_map<(d0, d1) -> (0)>
#map1 = affine_map<(d0, d1) -> (0, 0)>
#map2 = affine_map<(d0, d1) -> (0, 0, 0)>
module attributes {stable_mosaic.version = 14 : i64} {
  func.func @agg(%arg0: i32, %arg1: i32, %arg2: memref<51200xi32, #tpu.memory_space<hbm>>, %arg3: memref<51200xi32, #tpu.memory_space<hbm>>, %arg4: memref<3840x128xf32, #tpu.memory_space<hbm>>, %arg5: memref<3840x128xf32, #tpu.memory_space<hbm>>, %arg6: memref<3840x16xf32, #tpu.memory_space<hbm>>, %arg7: memref<160x16xf32, #tpu.memory_space<hbm>>, %arg8: memref<2x3840x128xf32, #tpu.memory_space<hbm>>, %arg9: memref<2x3840x16xf32, #tpu.memory_space<hbm>>, %arg10: memref<160xi32, #tpu.memory_space<vmem>>, %arg11: memref<160xi32, #tpu.memory_space<vmem>>, %arg12: memref<160x128xf32, #tpu.memory_space<vmem>>, %arg13: memref<160x128xf32, #tpu.memory_space<vmem>>, %arg14: memref<160x16xf32, #tpu.memory_space<vmem>>, %arg15: memref<3840x128xf32, #tpu.memory_space<vmem_shared>>, %arg16: memref<3840x16xf32, #tpu.memory_space<vmem_shared>>, %arg17: memref<!tpu.dma_semaphore, #tpu.memory_space<semaphore_mem>>, %arg18: memref<!tpu.dma_semaphore, #tpu.memory_space<semaphore_mem>>) attributes {dimension_semantics = [#tpu.dimension_semantics<core_parallel>, #tpu.dimension_semantics<subcore_parallel>], iteration_bounds = array<i64: 2, 16>, scalar_prefetch = 0 : i64, scratch_operands = 9 : i64, tpu.core_type = #tpu.core_type<sc_vector_subcore>, window_params = [{transform_indices = #map}, {transform_indices = #map}, {transform_indices = #map1}, {transform_indices = #map1}, {transform_indices = #map1}, {transform_indices = #map1}, {transform_indices = #map2}, {transform_indices = #map2}]} {
    %mul3A = arith.constant 16 : i32
    %mul3A_0 = arith.muli %arg0, %mul3A : i32
    %add3A = arith.addi %mul3A_0, %arg1 : i32
    %mul3A_1 = arith.constant 240 : i32
    %mul3A_2 = arith.muli %arg1, %mul3A_1 : i32
    %mul3A_3 = arith.constant 240 : i32
    %mul3A_4 = arith.muli %arg1, %mul3A_3 : i32
    "tpu.region"() ({
      %run_scoped3A = tpu.sem_alloc : memref<!tpu.dma_semaphore, #tpu.memory_space<semaphore_mem>>
      %dma_start3A = arith.constant 0 : i32
      %dma_start3A_25 = tpu.memref_slice %arg15[%mul3A_4, %dma_start3A] : memref<3840x128xf32, #tpu.memory_space<vmem_shared>> -> memref<240x128xf32, #tpu.memory_space<vmem_shared>>
      %dma_start3A_26 = arith.constant 0 : i32
      %dma_start3A_27 = tpu.memref_slice %arg5[%mul3A_2, %dma_start3A_26] : memref<3840x128xf32, #tpu.memory_space<hbm>> -> memref<240x128xf32, #tpu.memory_space<hbm>>
      tpu.enqueue_dma source(%dma_start3A_27 : memref<240x128xf32, #tpu.memory_space<hbm>>) target(%dma_start3A_25 : memref<240x128xf32, #tpu.memory_space<vmem_shared>>) target_semaphore(%run_scoped3A : memref<!tpu.dma_semaphore, #tpu.memory_space<semaphore_mem>>)
      %dma_wait3A = arith.constant 0 : i32
      %dma_wait3A_28 = tpu.memref_slice %arg15[%mul3A_4, %dma_wait3A] : memref<3840x128xf32, #tpu.memory_space<vmem_shared>> -> memref<240x128xf32, #tpu.memory_space<vmem_shared>>
      %dma_wait3A_29 = arith.constant 0 : i32
      %dma_wait3A_30 = tpu.memref_slice %arg5[%mul3A_2, %dma_wait3A_29] : memref<3840x128xf32, #tpu.memory_space<hbm>> -> memref<240x128xf32, #tpu.memory_space<hbm>>
      tpu.wait_dma2 semaphore(%run_scoped3A : memref<!tpu.dma_semaphore, #tpu.memory_space<semaphore_mem>>) src(%dma_wait3A_30 : memref<240x128xf32, #tpu.memory_space<hbm>>) dst(%dma_wait3A_28 : memref<240x128xf32, #tpu.memory_space<vmem_shared>>)
      tpu.yield
    }) : () -> ()
    %mul3A_5 = arith.constant 240 : i32
    %mul3A_6 = arith.muli %arg1, %mul3A_5 : i32
    %mul3A_7 = arith.constant 240 : i32
    %mul3A_8 = arith.muli %arg1, %mul3A_7 : i32
    "tpu.region"() ({
      %run_scoped3A = tpu.sem_alloc : memref<!tpu.dma_semaphore, #tpu.memory_space<semaphore_mem>>
      %dma_start3A = arith.constant 0 : i32
      %dma_start3A_25 = tpu.memref_slice %arg16[%mul3A_8, %dma_start3A] : memref<3840x16xf32, #tpu.memory_space<vmem_shared>> -> memref<240x16xf32, #tpu.memory_space<vmem_shared>>
      %dma_start3A_26 = arith.constant 0 : i32
      %dma_start3A_27 = tpu.memref_slice %arg6[%mul3A_6, %dma_start3A_26] : memref<3840x16xf32, #tpu.memory_space<hbm>> -> memref<240x16xf32, #tpu.memory_space<hbm>>
      tpu.enqueue_dma source(%dma_start3A_27 : memref<240x16xf32, #tpu.memory_space<hbm>>) target(%dma_start3A_25 : memref<240x16xf32, #tpu.memory_space<vmem_shared>>) target_semaphore(%run_scoped3A : memref<!tpu.dma_semaphore, #tpu.memory_space<semaphore_mem>>)
      %dma_wait3A = arith.constant 0 : i32
      %dma_wait3A_28 = tpu.memref_slice %arg16[%mul3A_8, %dma_wait3A] : memref<3840x16xf32, #tpu.memory_space<vmem_shared>> -> memref<240x16xf32, #tpu.memory_space<vmem_shared>>
      %dma_wait3A_29 = arith.constant 0 : i32
      %dma_wait3A_30 = tpu.memref_slice %arg6[%mul3A_6, %dma_wait3A_29] : memref<3840x16xf32, #tpu.memory_space<hbm>> -> memref<240x16xf32, #tpu.memory_space<hbm>>
      tpu.wait_dma2 semaphore(%run_scoped3A : memref<!tpu.dma_semaphore, #tpu.memory_space<semaphore_mem>>) src(%dma_wait3A_30 : memref<240x16xf32, #tpu.memory_space<hbm>>) dst(%dma_wait3A_28 : memref<240x16xf32, #tpu.memory_space<vmem_shared>>)
      tpu.yield
    }) : () -> ()
    "tpu.region"() ({
      %run_scoped3A = tpu.sem_alloc : memref<!tpu.dma_semaphore, #tpu.memory_space<semaphore_mem>>
      tpu.enqueue_dma source(%arg7 : memref<160x16xf32, #tpu.memory_space<hbm>>) target(%arg14 : memref<160x16xf32, #tpu.memory_space<vmem>>) target_semaphore(%run_scoped3A : memref<!tpu.dma_semaphore, #tpu.memory_space<semaphore_mem>>)
      tpu.wait_dma2 semaphore(%run_scoped3A : memref<!tpu.dma_semaphore, #tpu.memory_space<semaphore_mem>>) src(%arg7 : memref<160x16xf32, #tpu.memory_space<hbm>>) dst(%arg14 : memref<160x16xf32, #tpu.memory_space<vmem>>)
      tpu.yield
    }) : () -> ()
    %barrier3A = arith.constant 0 : index
    tpu.barrier barrier_id(%barrier3A)
    %mul3A_9 = arith.constant 1600 : i32
    %mul3A_10 = arith.muli %add3A, %mul3A_9 : i32
    %scan3A = arith.constant 0 : i32
    %scan3A_11 = arith.constant 0 : i32
    %scan3A_12 = arith.constant 10 : i32
    %scan3A_13 = arith.addi %scan3A_11, %scan3A_12 : i32
    %scan3A_14 = arith.constant 1 : i32
    scf.for %scan3A_25 = %scan3A_11 to %scan3A_13 step %scan3A_14  : i32 {
      %mul3A_26 = arith.constant 160 : i32
      %mul3A_27 = arith.muli %scan3A_25, %mul3A_26 : i32
      %add3A_28 = arith.addi %mul3A_10, %mul3A_27 : i32
      "tpu.region"() ({
        %run_scoped3A = tpu.sem_alloc : memref<!tpu.dma_semaphore, #tpu.memory_space<semaphore_mem>>
        %dma_start3A_39 = tpu.memref_slice %arg2[%add3A_28] : memref<51200xi32, #tpu.memory_space<hbm>> -> memref<160xi32, #tpu.memory_space<hbm>>
        %dma_start3A_40 = tpu.memref_slice %arg2[%add3A_28] : memref<51200xi32, #tpu.memory_space<hbm>> -> memref<160xi32, #tpu.memory_space<hbm>>
        tpu.enqueue_dma source(%dma_start3A_40 : memref<160xi32, #tpu.memory_space<hbm>>) target(%arg10 : memref<160xi32, #tpu.memory_space<vmem>>) target_semaphore(%run_scoped3A : memref<!tpu.dma_semaphore, #tpu.memory_space<semaphore_mem>>)
        %dma_wait3A_41 = tpu.memref_slice %arg2[%add3A_28] : memref<51200xi32, #tpu.memory_space<hbm>> -> memref<160xi32, #tpu.memory_space<hbm>>
        %dma_wait3A_42 = tpu.memref_slice %arg2[%add3A_28] : memref<51200xi32, #tpu.memory_space<hbm>> -> memref<160xi32, #tpu.memory_space<hbm>>
        tpu.wait_dma2 semaphore(%run_scoped3A : memref<!tpu.dma_semaphore, #tpu.memory_space<semaphore_mem>>) src(%dma_wait3A_42 : memref<160xi32, #tpu.memory_space<hbm>>) dst(%arg10 : memref<160xi32, #tpu.memory_space<vmem>>)
        tpu.yield
      }) : () -> ()
      "tpu.region"() ({
        %run_scoped3A = tpu.sem_alloc : memref<!tpu.dma_semaphore, #tpu.memory_space<semaphore_mem>>
        %dma_start3A_39 = tpu.memref_slice %arg3[%add3A_28] : memref<51200xi32, #tpu.memory_space<hbm>> -> memref<160xi32, #tpu.memory_space<hbm>>
        %dma_start3A_40 = tpu.memref_slice %arg3[%add3A_28] : memref<51200xi32, #tpu.memory_space<hbm>> -> memref<160xi32, #tpu.memory_space<hbm>>
        tpu.enqueue_dma source(%dma_start3A_40 : memref<160xi32, #tpu.memory_space<hbm>>) target(%arg11 : memref<160xi32, #tpu.memory_space<vmem>>) target_semaphore(%run_scoped3A : memref<!tpu.dma_semaphore, #tpu.memory_space<semaphore_mem>>)
        %dma_wait3A_41 = tpu.memref_slice %arg3[%add3A_28] : memref<51200xi32, #tpu.memory_space<hbm>> -> memref<160xi32, #tpu.memory_space<hbm>>
        %dma_wait3A_42 = tpu.memref_slice %arg3[%add3A_28] : memref<51200xi32, #tpu.memory_space<hbm>> -> memref<160xi32, #tpu.memory_space<hbm>>
        tpu.wait_dma2 semaphore(%run_scoped3A : memref<!tpu.dma_semaphore, #tpu.memory_space<semaphore_mem>>) src(%dma_wait3A_42 : memref<160xi32, #tpu.memory_space<hbm>>) dst(%arg11 : memref<160xi32, #tpu.memory_space<vmem>>)
        tpu.yield
      }) : () -> ()
      %dma_start3A = arith.constant 0 : i32
      %dma_start3A_29 = arith.constant 0 : i32
      %dma_start3A_30 = tpu.memref_slice %arg4[%dma_start3A, %dma_start3A_29] : memref<3840x128xf32, #tpu.memory_space<hbm>> -> memref<3840x128xf32, #tpu.memory_space<hbm>>
      tpu.enqueue_indirect_dma source(%dma_start3A_30 : memref<3840x128xf32, #tpu.memory_space<hbm>>) target(%arg12 : memref<160x128xf32, #tpu.memory_space<vmem>>) offsets(%arg10 : memref<160xi32, #tpu.memory_space<vmem>>) semaphore(%arg17 : memref<!tpu.dma_semaphore, #tpu.memory_space<semaphore_mem>>)
      %dma_start3A_31 = arith.constant 0 : i32
      %dma_start3A_32 = arith.constant 0 : i32
      %dma_start3A_33 = tpu.memref_slice %arg4[%dma_start3A_31, %dma_start3A_32] : memref<3840x128xf32, #tpu.memory_space<hbm>> -> memref<3840x128xf32, #tpu.memory_space<hbm>>
      tpu.enqueue_indirect_dma source(%dma_start3A_33 : memref<3840x128xf32, #tpu.memory_space<hbm>>) target(%arg13 : memref<160x128xf32, #tpu.memory_space<vmem>>) offsets(%arg11 : memref<160xi32, #tpu.memory_space<vmem>>) semaphore(%arg18 : memref<!tpu.dma_semaphore, #tpu.memory_space<semaphore_mem>>)
      %dma_wait3A = arith.constant 0 : i32
      %dma_wait3A_34 = arith.constant 0 : i32
      %dma_wait3A_35 = tpu.memref_slice %arg4[%dma_wait3A, %dma_wait3A_34] : memref<3840x128xf32, #tpu.memory_space<hbm>> -> memref<3840x128xf32, #tpu.memory_space<hbm>>
      tpu.wait_indirect_dma semaphore(%arg17 : memref<!tpu.dma_semaphore, #tpu.memory_space<semaphore_mem>>) src(%dma_wait3A_35 : memref<3840x128xf32, #tpu.memory_space<hbm>>) dst(%arg12 : memref<160x128xf32, #tpu.memory_space<vmem>>)
      %dma_wait3A_36 = arith.constant 0 : i32
      %dma_wait3A_37 = arith.constant 0 : i32
      %dma_wait3A_38 = tpu.memref_slice %arg4[%dma_wait3A_36, %dma_wait3A_37] : memref<3840x128xf32, #tpu.memory_space<hbm>> -> memref<3840x128xf32, #tpu.memory_space<hbm>>
      tpu.wait_indirect_dma semaphore(%arg18 : memref<!tpu.dma_semaphore, #tpu.memory_space<semaphore_mem>>) src(%dma_wait3A_38 : memref<3840x128xf32, #tpu.memory_space<hbm>>) dst(%arg13 : memref<160x128xf32, #tpu.memory_space<vmem>>)
      "tpu.region"() ({
        %run_scoped3A = tpu.sem_alloc : memref<!tpu.dma_semaphore, #tpu.memory_space<semaphore_mem>>
        %dma_start3A_39 = arith.constant 0 : i32
        %dma_start3A_40 = arith.constant 0 : i32
        %dma_start3A_41 = tpu.memref_slice %arg15[%dma_start3A_39, %dma_start3A_40] : memref<3840x128xf32, #tpu.memory_space<vmem_shared>> -> memref<3840x128xf32, #tpu.memory_space<vmem_shared>>
        tpu.enqueue_indirect_dma source(%arg12 : memref<160x128xf32, #tpu.memory_space<vmem>>) target(%dma_start3A_41 : memref<3840x128xf32, #tpu.memory_space<vmem_shared>>) offsets(%arg11 : memref<160xi32, #tpu.memory_space<vmem>>) semaphore(%run_scoped3A : memref<!tpu.dma_semaphore, #tpu.memory_space<semaphore_mem>>) {add = true}
        %dma_wait3A_42 = arith.constant 0 : i32
        %dma_wait3A_43 = arith.constant 0 : i32
        %dma_wait3A_44 = tpu.memref_slice %arg15[%dma_wait3A_42, %dma_wait3A_43] : memref<3840x128xf32, #tpu.memory_space<vmem_shared>> -> memref<3840x128xf32, #tpu.memory_space<vmem_shared>>
        tpu.wait_indirect_dma semaphore(%run_scoped3A : memref<!tpu.dma_semaphore, #tpu.memory_space<semaphore_mem>>) src(%arg12 : memref<160x128xf32, #tpu.memory_space<vmem>>) dst(%dma_wait3A_44 : memref<3840x128xf32, #tpu.memory_space<vmem_shared>>)
        tpu.yield
      }) : () -> ()
      "tpu.region"() ({
        %run_scoped3A = tpu.sem_alloc : memref<!tpu.dma_semaphore, #tpu.memory_space<semaphore_mem>>
        %dma_start3A_39 = arith.constant 0 : i32
        %dma_start3A_40 = arith.constant 0 : i32
        %dma_start3A_41 = tpu.memref_slice %arg15[%dma_start3A_39, %dma_start3A_40] : memref<3840x128xf32, #tpu.memory_space<vmem_shared>> -> memref<3840x128xf32, #tpu.memory_space<vmem_shared>>
        tpu.enqueue_indirect_dma source(%arg13 : memref<160x128xf32, #tpu.memory_space<vmem>>) target(%dma_start3A_41 : memref<3840x128xf32, #tpu.memory_space<vmem_shared>>) offsets(%arg10 : memref<160xi32, #tpu.memory_space<vmem>>) semaphore(%run_scoped3A : memref<!tpu.dma_semaphore, #tpu.memory_space<semaphore_mem>>) {add = true}
        %dma_wait3A_42 = arith.constant 0 : i32
        %dma_wait3A_43 = arith.constant 0 : i32
        %dma_wait3A_44 = tpu.memref_slice %arg15[%dma_wait3A_42, %dma_wait3A_43] : memref<3840x128xf32, #tpu.memory_space<vmem_shared>> -> memref<3840x128xf32, #tpu.memory_space<vmem_shared>>
        tpu.wait_indirect_dma semaphore(%run_scoped3A : memref<!tpu.dma_semaphore, #tpu.memory_space<semaphore_mem>>) src(%arg13 : memref<160x128xf32, #tpu.memory_space<vmem>>) dst(%dma_wait3A_44 : memref<3840x128xf32, #tpu.memory_space<vmem_shared>>)
        tpu.yield
      }) : () -> ()
      "tpu.region"() ({
        %run_scoped3A = tpu.sem_alloc : memref<!tpu.dma_semaphore, #tpu.memory_space<semaphore_mem>>
        %dma_start3A_39 = arith.constant 0 : i32
        %dma_start3A_40 = arith.constant 0 : i32
        %dma_start3A_41 = tpu.memref_slice %arg16[%dma_start3A_39, %dma_start3A_40] : memref<3840x16xf32, #tpu.memory_space<vmem_shared>> -> memref<3840x16xf32, #tpu.memory_space<vmem_shared>>
        tpu.enqueue_indirect_dma source(%arg14 : memref<160x16xf32, #tpu.memory_space<vmem>>) target(%dma_start3A_41 : memref<3840x16xf32, #tpu.memory_space<vmem_shared>>) offsets(%arg11 : memref<160xi32, #tpu.memory_space<vmem>>) semaphore(%run_scoped3A : memref<!tpu.dma_semaphore, #tpu.memory_space<semaphore_mem>>) {add = true}
        %dma_wait3A_42 = arith.constant 0 : i32
        %dma_wait3A_43 = arith.constant 0 : i32
        %dma_wait3A_44 = tpu.memref_slice %arg16[%dma_wait3A_42, %dma_wait3A_43] : memref<3840x16xf32, #tpu.memory_space<vmem_shared>> -> memref<3840x16xf32, #tpu.memory_space<vmem_shared>>
        tpu.wait_indirect_dma semaphore(%run_scoped3A : memref<!tpu.dma_semaphore, #tpu.memory_space<semaphore_mem>>) src(%arg14 : memref<160x16xf32, #tpu.memory_space<vmem>>) dst(%dma_wait3A_44 : memref<3840x16xf32, #tpu.memory_space<vmem_shared>>)
        tpu.yield
      }) : () -> ()
      "tpu.region"() ({
        %run_scoped3A = tpu.sem_alloc : memref<!tpu.dma_semaphore, #tpu.memory_space<semaphore_mem>>
        %dma_start3A_39 = arith.constant 0 : i32
        %dma_start3A_40 = arith.constant 0 : i32
        %dma_start3A_41 = tpu.memref_slice %arg16[%dma_start3A_39, %dma_start3A_40] : memref<3840x16xf32, #tpu.memory_space<vmem_shared>> -> memref<3840x16xf32, #tpu.memory_space<vmem_shared>>
        tpu.enqueue_indirect_dma source(%arg14 : memref<160x16xf32, #tpu.memory_space<vmem>>) target(%dma_start3A_41 : memref<3840x16xf32, #tpu.memory_space<vmem_shared>>) offsets(%arg10 : memref<160xi32, #tpu.memory_space<vmem>>) semaphore(%run_scoped3A : memref<!tpu.dma_semaphore, #tpu.memory_space<semaphore_mem>>) {add = true}
        %dma_wait3A_42 = arith.constant 0 : i32
        %dma_wait3A_43 = arith.constant 0 : i32
        %dma_wait3A_44 = tpu.memref_slice %arg16[%dma_wait3A_42, %dma_wait3A_43] : memref<3840x16xf32, #tpu.memory_space<vmem_shared>> -> memref<3840x16xf32, #tpu.memory_space<vmem_shared>>
        tpu.wait_indirect_dma semaphore(%run_scoped3A : memref<!tpu.dma_semaphore, #tpu.memory_space<semaphore_mem>>) src(%arg14 : memref<160x16xf32, #tpu.memory_space<vmem>>) dst(%dma_wait3A_44 : memref<3840x16xf32, #tpu.memory_space<vmem_shared>>)
        tpu.yield
      }) : () -> ()
    }
    %scan3A_15 = arith.constant 10 : i32
    %barrier3A_16 = arith.constant 0 : index
    tpu.barrier barrier_id(%barrier3A_16)
    %mul3A_17 = arith.constant 240 : i32
    %mul3A_18 = arith.muli %arg1, %mul3A_17 : i32
    %mul3A_19 = arith.constant 240 : i32
    %mul3A_20 = arith.muli %arg1, %mul3A_19 : i32
    "tpu.region"() ({
      %run_scoped3A = tpu.sem_alloc : memref<!tpu.dma_semaphore, #tpu.memory_space<semaphore_mem>>
      %dma_start3A = arith.constant 0 : i32
      %dma_start3A_25 = arith.constant 0 : i32
      %dma_start3A_26 = tpu.memref_slice %arg8[%arg0, %dma_start3A, %dma_start3A_25] : memref<2x3840x128xf32, #tpu.memory_space<hbm>> -> memref<1x3840x128xf32, #tpu.memory_space<hbm>>
      %dma_start3A_27 = tpu.memref_squeeze %dma_start3A_26 : memref<1x3840x128xf32, #tpu.memory_space<hbm>> -> memref<3840x128xf32, #tpu.memory_space<hbm>>
      %dma_start3A_28 = arith.constant 0 : i32
      %dma_start3A_29 = tpu.memref_slice %dma_start3A_27[%mul3A_20, %dma_start3A_28] : memref<3840x128xf32, #tpu.memory_space<hbm>> -> memref<240x128xf32, #tpu.memory_space<hbm>>
      %dma_start3A_30 = arith.constant 0 : i32
      %dma_start3A_31 = tpu.memref_slice %arg15[%mul3A_18, %dma_start3A_30] : memref<3840x128xf32, #tpu.memory_space<vmem_shared>> -> memref<240x128xf32, #tpu.memory_space<vmem_shared>>
      tpu.enqueue_dma source(%dma_start3A_31 : memref<240x128xf32, #tpu.memory_space<vmem_shared>>) target(%dma_start3A_29 : memref<240x128xf32, #tpu.memory_space<hbm>>) target_semaphore(%run_scoped3A : memref<!tpu.dma_semaphore, #tpu.memory_space<semaphore_mem>>)
      %dma_wait3A = arith.constant 0 : i32
      %dma_wait3A_32 = arith.constant 0 : i32
      %dma_wait3A_33 = tpu.memref_slice %arg8[%arg0, %dma_wait3A, %dma_wait3A_32] : memref<2x3840x128xf32, #tpu.memory_space<hbm>> -> memref<1x3840x128xf32, #tpu.memory_space<hbm>>
      %dma_wait3A_34 = tpu.memref_squeeze %dma_wait3A_33 : memref<1x3840x128xf32, #tpu.memory_space<hbm>> -> memref<3840x128xf32, #tpu.memory_space<hbm>>
      %dma_wait3A_35 = arith.constant 0 : i32
      %dma_wait3A_36 = tpu.memref_slice %dma_wait3A_34[%mul3A_20, %dma_wait3A_35] : memref<3840x128xf32, #tpu.memory_space<hbm>> -> memref<240x128xf32, #tpu.memory_space<hbm>>
      %dma_wait3A_37 = arith.constant 0 : i32
      %dma_wait3A_38 = tpu.memref_slice %arg15[%mul3A_18, %dma_wait3A_37] : memref<3840x128xf32, #tpu.memory_space<vmem_shared>> -> memref<240x128xf32, #tpu.memory_space<vmem_shared>>
      tpu.wait_dma2 semaphore(%run_scoped3A : memref<!tpu.dma_semaphore, #tpu.memory_space<semaphore_mem>>) src(%dma_wait3A_38 : memref<240x128xf32, #tpu.memory_space<vmem_shared>>) dst(%dma_wait3A_36 : memref<240x128xf32, #tpu.memory_space<hbm>>)
      tpu.yield
    }) : () -> ()
    %mul3A_21 = arith.constant 240 : i32
    %mul3A_22 = arith.muli %arg1, %mul3A_21 : i32
    %mul3A_23 = arith.constant 240 : i32
    %mul3A_24 = arith.muli %arg1, %mul3A_23 : i32
    "tpu.region"() ({
      %run_scoped3A = tpu.sem_alloc : memref<!tpu.dma_semaphore, #tpu.memory_space<semaphore_mem>>
      %dma_start3A = arith.constant 0 : i32
      %dma_start3A_25 = arith.constant 0 : i32
      %dma_start3A_26 = tpu.memref_slice %arg9[%arg0, %dma_start3A, %dma_start3A_25] : memref<2x3840x16xf32, #tpu.memory_space<hbm>> -> memref<1x3840x16xf32, #tpu.memory_space<hbm>>
      %dma_start3A_27 = tpu.memref_squeeze %dma_start3A_26 : memref<1x3840x16xf32, #tpu.memory_space<hbm>> -> memref<3840x16xf32, #tpu.memory_space<hbm>>
      %dma_start3A_28 = arith.constant 0 : i32
      %dma_start3A_29 = tpu.memref_slice %dma_start3A_27[%mul3A_24, %dma_start3A_28] : memref<3840x16xf32, #tpu.memory_space<hbm>> -> memref<240x16xf32, #tpu.memory_space<hbm>>
      %dma_start3A_30 = arith.constant 0 : i32
      %dma_start3A_31 = tpu.memref_slice %arg16[%mul3A_22, %dma_start3A_30] : memref<3840x16xf32, #tpu.memory_space<vmem_shared>> -> memref<240x16xf32, #tpu.memory_space<vmem_shared>>
      tpu.enqueue_dma source(%dma_start3A_31 : memref<240x16xf32, #tpu.memory_space<vmem_shared>>) target(%dma_start3A_29 : memref<240x16xf32, #tpu.memory_space<hbm>>) target_semaphore(%run_scoped3A : memref<!tpu.dma_semaphore, #tpu.memory_space<semaphore_mem>>)
      %dma_wait3A = arith.constant 0 : i32
      %dma_wait3A_32 = arith.constant 0 : i32
      %dma_wait3A_33 = tpu.memref_slice %arg9[%arg0, %dma_wait3A, %dma_wait3A_32] : memref<2x3840x16xf32, #tpu.memory_space<hbm>> -> memref<1x3840x16xf32, #tpu.memory_space<hbm>>
      %dma_wait3A_34 = tpu.memref_squeeze %dma_wait3A_33 : memref<1x3840x16xf32, #tpu.memory_space<hbm>> -> memref<3840x16xf32, #tpu.memory_space<hbm>>
      %dma_wait3A_35 = arith.constant 0 : i32
      %dma_wait3A_36 = tpu.memref_slice %dma_wait3A_34[%mul3A_24, %dma_wait3A_35] : memref<3840x16xf32, #tpu.memory_space<hbm>> -> memref<240x16xf32, #tpu.memory_space<hbm>>
      %dma_wait3A_37 = arith.constant 0 : i32
      %dma_wait3A_38 = tpu.memref_slice %arg16[%mul3A_22, %dma_wait3A_37] : memref<3840x16xf32, #tpu.memory_space<vmem_shared>> -> memref<240x16xf32, #tpu.memory_space<vmem_shared>>
      tpu.wait_dma2 semaphore(%run_scoped3A : memref<!tpu.dma_semaphore, #tpu.memory_space<semaphore_mem>>) src(%dma_wait3A_38 : memref<240x16xf32, #tpu.memory_space<vmem_shared>>) dst(%dma_wait3A_36 : memref<240x16xf32, #tpu.memory_space<hbm>>)
      tpu.yield
    }) : () -> ()
    return
  }
}

#map = affine_map<(d0, d1) -> (0)>
#map1 = affine_map<(d0, d1) -> (0, 0)>
module attributes {stable_mosaic.version = 14 : i64} {
  func.func @emit(%arg0: i32, %arg1: i32, %arg2: memref<102400xi32, #tpu.memory_space<hbm>>, %arg3: memref<102400xi32, #tpu.memory_space<hbm>>, %arg4: memref<102400xi32, #tpu.memory_space<hbm>>, %arg5: memref<32x16xi32, #tpu.memory_space<hbm>>, %arg6: memref<81920xi32, #tpu.memory_space<hbm>>, %arg7: memref<81920xi32, #tpu.memory_space<hbm>>, %arg8: memref<2048xi32, #tpu.memory_space<vmem>>, %arg9: memref<2048xi32, #tpu.memory_space<vmem>>, %arg10: memref<2048xi32, #tpu.memory_space<vmem>>, %arg11: memref<1040xi32, #tpu.memory_space<vmem>>, %arg12: memref<1040xi32, #tpu.memory_space<vmem>>, %arg13: memref<32x16xi32, #tpu.memory_space<vmem>>) attributes {dimension_semantics = [#tpu.dimension_semantics<core_parallel>, #tpu.dimension_semantics<subcore_parallel>], iteration_bounds = array<i64: 2, 16>, scalar_prefetch = 0 : i64, scratch_operands = 6 : i64, tpu.core_type = #tpu.core_type<sc_vector_subcore>, window_params = [{transform_indices = #map}, {transform_indices = #map}, {transform_indices = #map}, {transform_indices = #map1}, {transform_indices = #map}, {transform_indices = #map}]} {
    %mul3A = arith.constant 16 : i32
    %mul3A_0 = arith.muli %arg0, %mul3A : i32
    %add3A = arith.addi %mul3A_0, %arg1 : i32
    %iota3A = tpu.iota {dimensions = array<i32: 0>} : vector<16xi32>
    %broadcast_in_dim3A = arith.constant 0 : i32
    %broadcast_in_dim3A_1 = vector.broadcast %broadcast_in_dim3A : i32 to vector<16xi32>
    "tpu.region"() ({
      %run_scoped3A = tpu.sem_alloc : memref<!tpu.dma_semaphore, #tpu.memory_space<semaphore_mem>>
      tpu.enqueue_dma source(%arg5 : memref<32x16xi32, #tpu.memory_space<hbm>>) target(%arg13 : memref<32x16xi32, #tpu.memory_space<vmem>>) target_semaphore(%run_scoped3A : memref<!tpu.dma_semaphore, #tpu.memory_space<semaphore_mem>>)
      tpu.wait_dma2 semaphore(%run_scoped3A : memref<!tpu.dma_semaphore, #tpu.memory_space<semaphore_mem>>) src(%arg5 : memref<32x16xi32, #tpu.memory_space<hbm>>) dst(%arg13 : memref<32x16xi32, #tpu.memory_space<vmem>>)
      tpu.yield
    }) : () -> ()
    %gather3A = tpu.vector_load_idx %arg13[%iota3A, %broadcast_in_dim3A_1] : memref<32x16xi32, #tpu.memory_space<vmem>>[vector<16xi32>, vector<16xi32>], vector<16xi32>,
    %add3A_2 = arith.constant 16 : i32
    %add3A_3 = vector.broadcast %add3A_2 : i32 to vector<16xi32>
    %add3A_4 = arith.addi %iota3A, %add3A_3 : vector<16xi32>
    %gather3A_5 = tpu.vector_load_idx %arg13[%add3A_4, %broadcast_in_dim3A_1] : memref<32x16xi32, #tpu.memory_space<vmem>>[vector<16xi32>, vector<16xi32>], vector<16xi32>,
    %add3A_6 = arith.constant 511 : i32
    %add3A_7 = vector.broadcast %add3A_6 : i32 to vector<16xi32>
    %add3A_8 = arith.addi %gather3A, %add3A_7 : vector<16xi32>
    %shift_right_arithmetic3A = arith.constant 9 : i32
    %shift_right_arithmetic3A_9 = vector.broadcast %shift_right_arithmetic3A : i32 to vector<16xi32>
    %shift_right_arithmetic3A_10 = arith.shrsi %add3A_8, %shift_right_arithmetic3A_9 : vector<16xi32>
    %shift_left3A = arith.constant 9 : i32
    %shift_left3A_11 = vector.broadcast %shift_left3A : i32 to vector<16xi32>
    %shift_left3A_12 = arith.shli %shift_right_arithmetic3A_10, %shift_left3A_11 : vector<16xi32>
    %add3A_13 = arith.constant 511 : i32
    %add3A_14 = vector.broadcast %add3A_13 : i32 to vector<16xi32>
    %add3A_15 = arith.addi %gather3A_5, %add3A_14 : vector<16xi32>
    %shift_right_arithmetic3A_16 = arith.constant 9 : i32
    %shift_right_arithmetic3A_17 = vector.broadcast %shift_right_arithmetic3A_16 : i32 to vector<16xi32>
    %shift_right_arithmetic3A_18 = arith.shrsi %add3A_15, %shift_right_arithmetic3A_17 : vector<16xi32>
    %shift_left3A_19 = arith.constant 9 : i32
    %shift_left3A_20 = vector.broadcast %shift_left3A_19 : i32 to vector<16xi32>
    %shift_left3A_21 = arith.shli %shift_right_arithmetic3A_18, %shift_left3A_20 : vector<16xi32>
    %lt3A = vector.broadcast %add3A : i32 to vector<16xi32>
    %lt3A_22 = arith.cmpi slt, %iota3A, %lt3A : vector<16xi32>
    %jit3A = arith.constant 0 : i32
    %broadcast_in_dim3A_23 = vector.broadcast %jit3A : i32 to vector<16xi32>
    %select_n3A = arith.select %lt3A_22, %shift_left3A_12, %broadcast_in_dim3A_23 : vector<16xi1>, vector<16xi32>
    %reduce_sum3A = arith.constant true
    %reduce_sum3A_24 = vector.broadcast %reduce_sum3A : i1 to vector<16xi1>
    %reduce_sum3A_25 = tpu.scan <sum>, %select_n3A masked %reduce_sum3A_24 : vector<16xi32>, vector<16xi1> -> vector<16xi32>
    %reduce_sum3A_26 = vector.extract %reduce_sum3A_25[15] : i32 from vector<16xi32>
    %add3A_27 = arith.constant 16 : i32
    %add3A_28 = vector.broadcast %add3A_27 : i32 to vector<16xi32>
    %add3A_29 = arith.addi %iota3A, %add3A_28 : vector<16xi32>
    %lt3A_30 = vector.broadcast %add3A : i32 to vector<16xi32>
    %lt3A_31 = arith.cmpi slt, %add3A_29, %lt3A_30 : vector<16xi32>
    %jit3A_32 = arith.constant 0 : i32
    %broadcast_in_dim3A_33 = vector.broadcast %jit3A_32 : i32 to vector<16xi32>
    %select_n3A_34 = arith.select %lt3A_31, %shift_left3A_21, %broadcast_in_dim3A_33 : vector<16xi1>, vector<16xi32>
    %reduce_sum3A_35 = arith.constant true
    %reduce_sum3A_36 = vector.broadcast %reduce_sum3A_35 : i1 to vector<16xi1>
    %reduce_sum3A_37 = tpu.scan <sum>, %select_n3A_34 masked %reduce_sum3A_36 : vector<16xi32>, vector<16xi1> -> vector<16xi32>
    %reduce_sum3A_38 = vector.extract %reduce_sum3A_37[15] : i32 from vector<16xi32>
    %add3A_39 = arith.addi %reduce_sum3A_26, %reduce_sum3A_38 : i32
    %broadcast_in_dim3A_40 = vector.broadcast %add3A : i32 to vector<16xi32>
    %gather3A_41 = tpu.vector_load_idx %arg13[%broadcast_in_dim3A_40, %iota3A] : memref<32x16xi32, #tpu.memory_space<vmem>>[vector<16xi32>, vector<16xi32>], vector<16xi32>,
    %eq3A = arith.constant 1 : i32
    %eq3A_42 = vector.broadcast %eq3A : i32 to vector<16xi32>
    %eq3A_43 = arith.cmpi eq, %iota3A, %eq3A_42 : vector<16xi32>
    %jit3A_44 = arith.constant 0 : i32
    %broadcast_in_dim3A_45 = vector.broadcast %jit3A_44 : i32 to vector<16xi32>
    %select_n3A_46 = arith.select %eq3A_43, %gather3A_41, %broadcast_in_dim3A_45 : vector<16xi1>, vector<16xi32>
    %reduce_sum3A_47 = arith.constant true
    %reduce_sum3A_48 = vector.broadcast %reduce_sum3A_47 : i1 to vector<16xi1>
    %reduce_sum3A_49 = tpu.scan <sum>, %select_n3A_46 masked %reduce_sum3A_48 : vector<16xi32>, vector<16xi1> -> vector<16xi32>
    %reduce_sum3A_50 = vector.extract %reduce_sum3A_49[15] : i32 from vector<16xi32>
    %eq3A_51 = arith.constant 2 : i32
    %eq3A_52 = vector.broadcast %eq3A_51 : i32 to vector<16xi32>
    %eq3A_53 = arith.cmpi eq, %iota3A, %eq3A_52 : vector<16xi32>
    %jit3A_54 = arith.constant 0 : i32
    %broadcast_in_dim3A_55 = vector.broadcast %jit3A_54 : i32 to vector<16xi32>
    %select_n3A_56 = arith.select %eq3A_53, %gather3A_41, %broadcast_in_dim3A_55 : vector<16xi1>, vector<16xi32>
    %reduce_sum3A_57 = arith.constant true
    %reduce_sum3A_58 = vector.broadcast %reduce_sum3A_57 : i1 to vector<16xi1>
    %reduce_sum3A_59 = tpu.scan <sum>, %select_n3A_56 masked %reduce_sum3A_58 : vector<16xi32>, vector<16xi1> -> vector<16xi32>
    %reduce_sum3A_60 = vector.extract %reduce_sum3A_59[15] : i32 from vector<16xi32>
    %broadcast_in_dim3A_61 = arith.constant 3712 : i32
    %broadcast_in_dim3A_62 = vector.broadcast %broadcast_in_dim3A_61 : i32 to vector<16xi32>
    %multiple_of3A = tpu.assume_multiple %add3A_39, 512 : i32
    %scan3A = arith.constant 0 : i32
    %scan3A_63 = arith.constant 0 : i32
    %scan3A_64 = arith.constant 0 : i32
    %scan3A_65 = arith.constant 0 : i32
    %scan3A_66 = arith.constant 50 : i32
    %scan3A_67 = arith.addi %scan3A_65, %scan3A_66 : i32
    %scan3A_68 = arith.constant 1 : i32
    %scan3A_69:3 = scf.for %scan3A_78 = %scan3A_65 to %scan3A_67 step %scan3A_68 iter_args(%scan3A_79 = %scan3A, %scan3A_80 = %scan3A_63, %scan3A_81 = %scan3A_64) -> (i32, i32, i32)  : i32 {
      %mul3A_82 = arith.constant 2048 : i32
      %mul3A_83 = arith.muli %scan3A_78, %mul3A_82 : i32
      "tpu.region"() ({
        %run_scoped3A = tpu.sem_alloc : memref<!tpu.dma_semaphore, #tpu.memory_space<semaphore_mem>>
        %dma_start3A = tpu.memref_slice %arg2[%mul3A_83] : memref<102400xi32, #tpu.memory_space<hbm>> -> memref<2048xi32, #tpu.memory_space<hbm>>
        %dma_start3A_90 = tpu.memref_slice %arg2[%mul3A_83] : memref<102400xi32, #tpu.memory_space<hbm>> -> memref<2048xi32, #tpu.memory_space<hbm>>
        tpu.enqueue_dma source(%dma_start3A_90 : memref<2048xi32, #tpu.memory_space<hbm>>) target(%arg8 : memref<2048xi32, #tpu.memory_space<vmem>>) target_semaphore(%run_scoped3A : memref<!tpu.dma_semaphore, #tpu.memory_space<semaphore_mem>>)
        %dma_wait3A = tpu.memref_slice %arg2[%mul3A_83] : memref<102400xi32, #tpu.memory_space<hbm>> -> memref<2048xi32, #tpu.memory_space<hbm>>
        %dma_wait3A_91 = tpu.memref_slice %arg2[%mul3A_83] : memref<102400xi32, #tpu.memory_space<hbm>> -> memref<2048xi32, #tpu.memory_space<hbm>>
        tpu.wait_dma2 semaphore(%run_scoped3A : memref<!tpu.dma_semaphore, #tpu.memory_space<semaphore_mem>>) src(%dma_wait3A_91 : memref<2048xi32, #tpu.memory_space<hbm>>) dst(%arg8 : memref<2048xi32, #tpu.memory_space<vmem>>)
        tpu.yield
      }) : () -> ()
      "tpu.region"() ({
        %run_scoped3A = tpu.sem_alloc : memref<!tpu.dma_semaphore, #tpu.memory_space<semaphore_mem>>
        %dma_start3A = tpu.memref_slice %arg3[%mul3A_83] : memref<102400xi32, #tpu.memory_space<hbm>> -> memref<2048xi32, #tpu.memory_space<hbm>>
        %dma_start3A_90 = tpu.memref_slice %arg3[%mul3A_83] : memref<102400xi32, #tpu.memory_space<hbm>> -> memref<2048xi32, #tpu.memory_space<hbm>>
        tpu.enqueue_dma source(%dma_start3A_90 : memref<2048xi32, #tpu.memory_space<hbm>>) target(%arg9 : memref<2048xi32, #tpu.memory_space<vmem>>) target_semaphore(%run_scoped3A : memref<!tpu.dma_semaphore, #tpu.memory_space<semaphore_mem>>)
        %dma_wait3A = tpu.memref_slice %arg3[%mul3A_83] : memref<102400xi32, #tpu.memory_space<hbm>> -> memref<2048xi32, #tpu.memory_space<hbm>>
        %dma_wait3A_91 = tpu.memref_slice %arg3[%mul3A_83] : memref<102400xi32, #tpu.memory_space<hbm>> -> memref<2048xi32, #tpu.memory_space<hbm>>
        tpu.wait_dma2 semaphore(%run_scoped3A : memref<!tpu.dma_semaphore, #tpu.memory_space<semaphore_mem>>) src(%dma_wait3A_91 : memref<2048xi32, #tpu.memory_space<hbm>>) dst(%arg9 : memref<2048xi32, #tpu.memory_space<vmem>>)
        tpu.yield
      }) : () -> ()
      "tpu.region"() ({
        %run_scoped3A = tpu.sem_alloc : memref<!tpu.dma_semaphore, #tpu.memory_space<semaphore_mem>>
        %dma_start3A = tpu.memref_slice %arg4[%mul3A_83] : memref<102400xi32, #tpu.memory_space<hbm>> -> memref<2048xi32, #tpu.memory_space<hbm>>
        %dma_start3A_90 = tpu.memref_slice %arg4[%mul3A_83] : memref<102400xi32, #tpu.memory_space<hbm>> -> memref<2048xi32, #tpu.memory_space<hbm>>
        tpu.enqueue_dma source(%dma_start3A_90 : memref<2048xi32, #tpu.memory_space<hbm>>) target(%arg10 : memref<2048xi32, #tpu.memory_space<vmem>>) target_semaphore(%run_scoped3A : memref<!tpu.dma_semaphore, #tpu.memory_space<semaphore_mem>>)
        %dma_wait3A = tpu.memref_slice %arg4[%mul3A_83] : memref<102400xi32, #tpu.memory_space<hbm>> -> memref<2048xi32, #tpu.memory_space<hbm>>
        %dma_wait3A_91 = tpu.memref_slice %arg4[%mul3A_83] : memref<102400xi32, #tpu.memory_space<hbm>> -> memref<2048xi32, #tpu.memory_space<hbm>>
        tpu.wait_dma2 semaphore(%run_scoped3A : memref<!tpu.dma_semaphore, #tpu.memory_space<semaphore_mem>>) src(%dma_wait3A_91 : memref<2048xi32, #tpu.memory_space<hbm>>) dst(%arg10 : memref<2048xi32, #tpu.memory_space<vmem>>)
        tpu.yield
      }) : () -> ()
      %scan3A_84 = arith.constant 0 : i32
      %scan3A_85 = arith.constant 128 : i32
      %scan3A_86 = arith.addi %scan3A_84, %scan3A_85 : i32
      %scan3A_87 = arith.constant 1 : i32
      %scan3A_88:3 = scf.for %scan3A_90 = %scan3A_84 to %scan3A_86 step %scan3A_87 iter_args(%scan3A_91 = %scan3A_79, %scan3A_92 = %scan3A_80, %scan3A_93 = %scan3A_81) -> (i32, i32, i32)  : i32 {
        %mul3A_94 = arith.constant 16 : i32
        %mul3A_95 = arith.muli %scan3A_90, %mul3A_94 : i32
        %get3A = arith.index_cast %mul3A_95 : i32 to index
        %get3A_96 = tpu.vector_load %arg8[%get3A] {strides = array<i32>} : memref<2048xi32, #tpu.memory_space<vmem>>, vector<16xi32>,
        %mul3A_97 = arith.constant 16 : i32
        %mul3A_98 = arith.muli %scan3A_90, %mul3A_97 : i32
        %get3A_99 = arith.index_cast %mul3A_98 : i32 to index
        %get3A_100 = tpu.vector_load %arg9[%get3A_99] {strides = array<i32>} : memref<2048xi32, #tpu.memory_space<vmem>>, vector<16xi32>,
        %mul3A_101 = arith.constant 16 : i32
        %mul3A_102 = arith.muli %scan3A_90, %mul3A_101 : i32
        %get3A_103 = arith.index_cast %mul3A_102 : i32 to index
        %get3A_104 = tpu.vector_load %arg10[%get3A_103] {strides = array<i32>} : memref<2048xi32, #tpu.memory_space<vmem>>, vector<16xi32>,
        %mul3A_105 = arith.constant 565 : i32
        %mul3A_106 = vector.broadcast %mul3A_105 : i32 to vector<16xi32>
        %mul3A_107 = arith.muli %get3A_96, %mul3A_106 : vector<16xi32>
        %shift_right_logical3A = arith.constant 16 : i32
        %shift_right_logical3A_108 = vector.broadcast %shift_right_logical3A : i32 to vector<16xi32>
        %shift_right_logical3A_109 = arith.shrui %mul3A_107, %shift_right_logical3A_108 : vector<16xi32>
        %eq3A_110 = vector.broadcast %add3A : i32 to vector<16xi32>
        %eq3A_111 = arith.cmpi eq, %shift_right_logical3A_109, %eq3A_110 : vector<16xi32>
        %gt3A_112 = vector.broadcast %reduce_sum3A_50 : i32 to vector<16xi32>
        %gt3A_113 = arith.cmpi sgt, %get3A_104, %gt3A_112 : vector<16xi32>
        %and3A = arith.andi %eq3A_111, %gt3A_113 : vector<16xi1>
        %eq3A_114 = vector.broadcast %reduce_sum3A_50 : i32 to vector<16xi32>
        %eq3A_115 = arith.cmpi eq, %get3A_104, %eq3A_114 : vector<16xi32>
        %and3A_116 = arith.andi %eq3A_111, %eq3A_115 : vector<16xi1>
        %jit3A_117 = arith.constant 1 : i32
        %jit3A_118 = arith.constant 0 : i32
        %broadcast_in_dim3A_119 = vector.broadcast %jit3A_117 : i32 to vector<16xi32>
        %broadcast_in_dim3A_120 = vector.broadcast %jit3A_118 : i32 to vector<16xi32>
        %select_n3A_121 = arith.select %and3A_116, %broadcast_in_dim3A_119, %broadcast_in_dim3A_120 : vector<16xi1>, vector<16xi32>
        %broadcast_in_dim3A_122 = arith.constant true
        %broadcast_in_dim3A_123 = vector.broadcast %broadcast_in_dim3A_122 : i1 to vector<16xi1>
        %masked_cumsum3A = tpu.scan <sum>, %select_n3A_121 masked %broadcast_in_dim3A_123 : vector<16xi32>, vector<16xi1> -> vector<16xi32>
        %add3A_124 = vector.broadcast %scan3A_93 : i32 to vector<16xi32>
        %add3A_125 = arith.addi %add3A_124, %masked_cumsum3A : vector<16xi32>
        %sub3A = arith.constant 1 : i32
        %sub3A_126 = vector.broadcast %sub3A : i32 to vector<16xi32>
        %sub3A_127 = arith.subi %add3A_125, %sub3A_126 : vector<16xi32>
        %lt3A_128 = vector.broadcast %reduce_sum3A_60 : i32 to vector<16xi32>
        %lt3A_129 = arith.cmpi slt, %sub3A_127, %lt3A_128 : vector<16xi32>
        %and3A_130 = arith.andi %and3A_116, %lt3A_129 : vector<16xi1>
        %or3A = arith.ori %and3A, %and3A_130 : vector<16xi1>
        %jit3A_131 = arith.constant 1 : i32
        %jit3A_132 = arith.constant 0 : i32
        %broadcast_in_dim3A_133 = vector.broadcast %jit3A_131 : i32 to vector<16xi32>
        %broadcast_in_dim3A_134 = vector.broadcast %jit3A_132 : i32 to vector<16xi32>
        %select_n3A_135 = arith.select %or3A, %broadcast_in_dim3A_133, %broadcast_in_dim3A_134 : vector<16xi1>, vector<16xi32>
        %broadcast_in_dim3A_136 = arith.constant true
        %broadcast_in_dim3A_137 = vector.broadcast %broadcast_in_dim3A_136 : i1 to vector<16xi1>
        %masked_cumsum3A_138 = tpu.scan <sum>, %select_n3A_135 masked %broadcast_in_dim3A_137 : vector<16xi32>, vector<16xi1> -> vector<16xi32>
        %add3A_139 = vector.broadcast %scan3A_91 : i32 to vector<16xi32>
        %add3A_140 = arith.addi %add3A_139, %masked_cumsum3A_138 : vector<16xi32>
        %sub3A_141 = arith.constant 1 : i32
        %sub3A_142 = vector.broadcast %sub3A_141 : i32 to vector<16xi32>
        %sub3A_143 = arith.subi %add3A_140, %sub3A_142 : vector<16xi32>
        %jit3A_144 = arith.constant 1039 : i32
        %broadcast_in_dim3A_145 = vector.broadcast %jit3A_144 : i32 to vector<16xi32>
        %select_n3A_146 = arith.select %or3A, %sub3A_143, %broadcast_in_dim3A_145 : vector<16xi1>, vector<16xi32>
        tpu.vector_store_idx %arg11[%select_n3A_146], %get3A_96 : memref<1040xi32, #tpu.memory_space<vmem>>[vector<16xi32>], vector<16xi32>,
        tpu.vector_store_idx %arg12[%select_n3A_146], %get3A_100 : memref<1040xi32, #tpu.memory_space<vmem>>[vector<16xi32>], vector<16xi32>,
        %reduce_max3A = arith.constant true
        %reduce_max3A_147 = vector.broadcast %reduce_max3A : i1 to vector<16xi1>
        %reduce_max3A_148 = arith.constant -2147483648 : i32
        %reduce_max3A_149 = vector.broadcast %reduce_max3A_148 : i32 to vector<16xi32>
        %reduce_max3A_150 = arith.xori %masked_cumsum3A_138, %reduce_max3A_149 : vector<16xi32>
        %reduce_max3A_151 = tpu.scan <max>, %reduce_max3A_150 masked %reduce_max3A_147 : vector<16xi32>, vector<16xi1> -> vector<16xi32>
        %reduce_max3A_152 = arith.xori %reduce_max3A_151, %reduce_max3A_149 : vector<16xi32>
        %reduce_max3A_153 = vector.extract %reduce_max3A_152[15] : i32 from vector<16xi32>
        %add3A_154 = arith.addi %scan3A_91, %reduce_max3A_153 : i32
        %reduce_max3A_155 = arith.constant true
        %reduce_max3A_156 = vector.broadcast %reduce_max3A_155 : i1 to vector<16xi1>
        %reduce_max3A_157 = arith.constant -2147483648 : i32
        %reduce_max3A_158 = vector.broadcast %reduce_max3A_157 : i32 to vector<16xi32>
        %reduce_max3A_159 = arith.xori %masked_cumsum3A, %reduce_max3A_158 : vector<16xi32>
        %reduce_max3A_160 = tpu.scan <max>, %reduce_max3A_159 masked %reduce_max3A_156 : vector<16xi32>, vector<16xi1> -> vector<16xi32>
        %reduce_max3A_161 = arith.xori %reduce_max3A_160, %reduce_max3A_158 : vector<16xi32>
        %reduce_max3A_162 = vector.extract %reduce_max3A_161[15] : i32 from vector<16xi32>
        %add3A_163 = arith.addi %scan3A_93, %reduce_max3A_162 : i32
        %ge3A = arith.constant 512 : i32
        %ge3A_164 = arith.cmpi sge, %add3A_154, %ge3A : i32
        %convert_element_type3A_165 = arith.extui %ge3A_164 : i1 to i32
        %cond3A_166 = arith.constant 0 : i32
        %cond3A_167 = arith.cmpi ne, %convert_element_type3A_165, %cond3A_166 : i32
        scf.if %cond3A_167 {
          %mul3A_174 = arith.constant 512 : i32
          %mul3A_175 = arith.muli %scan3A_92, %mul3A_174 : i32
          %add3A_176 = arith.addi %multiple_of3A, %mul3A_175 : i32
          %multiple_of3A_177 = tpu.assume_multiple %add3A_176, 512 : i32
          "tpu.region"() ({
            %run_scoped3A = tpu.sem_alloc : memref<!tpu.dma_semaphore, #tpu.memory_space<semaphore_mem>>
            %dma_start3A = arith.constant 0 : i32
            %dma_start3A_185 = tpu.memref_slice %arg11[%dma_start3A] : memref<1040xi32, #tpu.memory_space<vmem>> -> memref<512xi32, #tpu.memory_space<vmem>>
            %dma_start3A_186 = tpu.memref_slice %arg6[%multiple_of3A_177] : memref<81920xi32, #tpu.memory_space<hbm>> -> memref<512xi32, #tpu.memory_space<hbm>>
            %dma_start3A_187 = tpu.memref_slice %arg6[%multiple_of3A_177] : memref<81920xi32, #tpu.memory_space<hbm>> -> memref<512xi32, #tpu.memory_space<hbm>>
            %dma_start3A_188 = arith.constant 0 : i32
            %dma_start3A_189 = tpu.memref_slice %arg11[%dma_start3A_188] : memref<1040xi32, #tpu.memory_space<vmem>> -> memref<512xi32, #tpu.memory_space<vmem>>
            tpu.enqueue_dma source(%dma_start3A_189 : memref<512xi32, #tpu.memory_space<vmem>>) target(%dma_start3A_187 : memref<512xi32, #tpu.memory_space<hbm>>) target_semaphore(%run_scoped3A : memref<!tpu.dma_semaphore, #tpu.memory_space<semaphore_mem>>)
            %dma_wait3A = arith.constant 0 : i32
            %dma_wait3A_190 = tpu.memref_slice %arg11[%dma_wait3A] : memref<1040xi32, #tpu.memory_space<vmem>> -> memref<512xi32, #tpu.memory_space<vmem>>
            %dma_wait3A_191 = tpu.memref_slice %arg6[%multiple_of3A_177] : memref<81920xi32, #tpu.memory_space<hbm>> -> memref<512xi32, #tpu.memory_space<hbm>>
            %dma_wait3A_192 = tpu.memref_slice %arg6[%multiple_of3A_177] : memref<81920xi32, #tpu.memory_space<hbm>> -> memref<512xi32, #tpu.memory_space<hbm>>
            %dma_wait3A_193 = arith.constant 0 : i32
            %dma_wait3A_194 = tpu.memref_slice %arg11[%dma_wait3A_193] : memref<1040xi32, #tpu.memory_space<vmem>> -> memref<512xi32, #tpu.memory_space<vmem>>
            tpu.wait_dma2 semaphore(%run_scoped3A : memref<!tpu.dma_semaphore, #tpu.memory_space<semaphore_mem>>) src(%dma_wait3A_194 : memref<512xi32, #tpu.memory_space<vmem>>) dst(%dma_wait3A_192 : memref<512xi32, #tpu.memory_space<hbm>>)
            tpu.yield
          }) : () -> ()
          "tpu.region"() ({
            %run_scoped3A = tpu.sem_alloc : memref<!tpu.dma_semaphore, #tpu.memory_space<semaphore_mem>>
            %dma_start3A = arith.constant 0 : i32
            %dma_start3A_185 = tpu.memref_slice %arg12[%dma_start3A] : memref<1040xi32, #tpu.memory_space<vmem>> -> memref<512xi32, #tpu.memory_space<vmem>>
            %dma_start3A_186 = tpu.memref_slice %arg7[%multiple_of3A_177] : memref<81920xi32, #tpu.memory_space<hbm>> -> memref<512xi32, #tpu.memory_space<hbm>>
            %dma_start3A_187 = tpu.memref_slice %arg7[%multiple_of3A_177] : memref<81920xi32, #tpu.memory_space<hbm>> -> memref<512xi32, #tpu.memory_space<hbm>>
            %dma_start3A_188 = arith.constant 0 : i32
            %dma_start3A_189 = tpu.memref_slice %arg12[%dma_start3A_188] : memref<1040xi32, #tpu.memory_space<vmem>> -> memref<512xi32, #tpu.memory_space<vmem>>
            tpu.enqueue_dma source(%dma_start3A_189 : memref<512xi32, #tpu.memory_space<vmem>>) target(%dma_start3A_187 : memref<512xi32, #tpu.memory_space<hbm>>) target_semaphore(%run_scoped3A : memref<!tpu.dma_semaphore, #tpu.memory_space<semaphore_mem>>)
            %dma_wait3A = arith.constant 0 : i32
            %dma_wait3A_190 = tpu.memref_slice %arg12[%dma_wait3A] : memref<1040xi32, #tpu.memory_space<vmem>> -> memref<512xi32, #tpu.memory_space<vmem>>
            %dma_wait3A_191 = tpu.memref_slice %arg7[%multiple_of3A_177] : memref<81920xi32, #tpu.memory_space<hbm>> -> memref<512xi32, #tpu.memory_space<hbm>>
            %dma_wait3A_192 = tpu.memref_slice %arg7[%multiple_of3A_177] : memref<81920xi32, #tpu.memory_space<hbm>> -> memref<512xi32, #tpu.memory_space<hbm>>
            %dma_wait3A_193 = arith.constant 0 : i32
            %dma_wait3A_194 = tpu.memref_slice %arg12[%dma_wait3A_193] : memref<1040xi32, #tpu.memory_space<vmem>> -> memref<512xi32, #tpu.memory_space<vmem>>
            tpu.wait_dma2 semaphore(%run_scoped3A : memref<!tpu.dma_semaphore, #tpu.memory_space<semaphore_mem>>) src(%dma_wait3A_194 : memref<512xi32, #tpu.memory_space<vmem>>) dst(%dma_wait3A_192 : memref<512xi32, #tpu.memory_space<hbm>>)
            tpu.yield
          }) : () -> ()
          %get3A_178 = arith.constant 512 : index
          %get3A_179 = tpu.vector_load %arg11[%get3A_178] {strides = array<i32>} : memref<1040xi32, #tpu.memory_space<vmem>>, vector<16xi32>,
          %swap3A = arith.constant 0 : index
          %swap3A_180 = tpu.vector_load %arg11[%swap3A] {strides = array<i32>} : memref<1040xi32, #tpu.memory_space<vmem>>, vector<16xi32>,
          tpu.vector_store %arg11[%swap3A], %get3A_179 {strides = array<i32>} : memref<1040xi32, #tpu.memory_space<vmem>>, vector<16xi32>,
          %get3A_181 = arith.constant 512 : index
          %get3A_182 = tpu.vector_load %arg12[%get3A_181] {strides = array<i32>} : memref<1040xi32, #tpu.memory_space<vmem>>, vector<16xi32>,
          %swap3A_183 = arith.constant 0 : index
          %swap3A_184 = tpu.vector_load %arg12[%swap3A_183] {strides = array<i32>} : memref<1040xi32, #tpu.memory_space<vmem>>, vector<16xi32>,
          tpu.vector_store %arg12[%swap3A_183], %get3A_182 {strides = array<i32>} : memref<1040xi32, #tpu.memory_space<vmem>>, vector<16xi32>,
        } else {
        }
        %sub3A_168 = arith.constant 512 : i32
        %sub3A_169 = arith.subi %add3A_154, %sub3A_168 : i32
        %select_n3A_170 = arith.select %ge3A_164, %sub3A_169, %add3A_154 : i32
        %add3A_171 = arith.constant 1 : i32
        %add3A_172 = arith.addi %scan3A_92, %add3A_171 : i32
        %select_n3A_173 = arith.select %ge3A_164, %add3A_172, %scan3A_92 : i32
        scf.yield %select_n3A_170, %select_n3A_173, %add3A_163 : i32, i32, i32
      }
      %scan3A_89 = arith.constant 128 : i32
      scf.yield %scan3A_88#0, %scan3A_88#1, %scan3A_88#2 : i32, i32, i32
    }
    %scan3A_70 = arith.constant 50 : i32
    %scan3A_71 = arith.constant 0 : i32
    %scan3A_72 = arith.constant 32 : i32
    %scan3A_73 = arith.addi %scan3A_71, %scan3A_72 : i32
    %scan3A_74 = arith.constant 1 : i32
    scf.for %scan3A_78 = %scan3A_71 to %scan3A_73 step %scan3A_74  : i32 {
      %mul3A_79 = arith.constant 16 : i32
      %mul3A_80 = arith.muli %scan3A_78, %mul3A_79 : i32
      %add3A_81 = arith.addi %scan3A_69#0, %mul3A_80 : i32
      %swap3A = arith.index_cast %add3A_81 : i32 to index
      %swap3A_82 = tpu.vector_load %arg11[%swap3A] {strides = array<i32>} : memref<1040xi32, #tpu.memory_space<vmem>>, vector<16xi32>,
      tpu.vector_store %arg11[%swap3A], %broadcast_in_dim3A_62 {strides = array<i32>} : memref<1040xi32, #tpu.memory_space<vmem>>, vector<16xi32>,
      %mul3A_83 = arith.constant 16 : i32
      %mul3A_84 = arith.muli %scan3A_78, %mul3A_83 : i32
      %add3A_85 = arith.addi %scan3A_69#0, %mul3A_84 : i32
      %swap3A_86 = arith.index_cast %add3A_85 : i32 to index
      %swap3A_87 = tpu.vector_load %arg12[%swap3A_86] {strides = array<i32>} : memref<1040xi32, #tpu.memory_space<vmem>>, vector<16xi32>,
      tpu.vector_store %arg12[%swap3A_86], %broadcast_in_dim3A_62 {strides = array<i32>} : memref<1040xi32, #tpu.memory_space<vmem>>, vector<16xi32>,
    }
    %scan3A_75 = arith.constant 32 : i32
    %gt3A = arith.constant 0 : i32
    %gt3A_76 = arith.cmpi sgt, %scan3A_69#0, %gt3A : i32
    %convert_element_type3A = arith.extui %gt3A_76 : i1 to i32
    %cond3A = arith.constant 0 : i32
    %cond3A_77 = arith.cmpi ne, %convert_element_type3A, %cond3A : i32
    scf.if %cond3A_77 {
      %mul3A_78 = arith.constant 512 : i32
      %mul3A_79 = arith.muli %scan3A_69#1, %mul3A_78 : i32
      %add3A_80 = arith.addi %multiple_of3A, %mul3A_79 : i32
      %multiple_of3A_81 = tpu.assume_multiple %add3A_80, 512 : i32
      "tpu.region"() ({
        %run_scoped3A = tpu.sem_alloc : memref<!tpu.dma_semaphore, #tpu.memory_space<semaphore_mem>>
        %dma_start3A = arith.constant 0 : i32
        %dma_start3A_82 = tpu.memref_slice %arg11[%dma_start3A] : memref<1040xi32, #tpu.memory_space<vmem>> -> memref<512xi32, #tpu.memory_space<vmem>>
        %dma_start3A_83 = tpu.memref_slice %arg6[%multiple_of3A_81] : memref<81920xi32, #tpu.memory_space<hbm>> -> memref<512xi32, #tpu.memory_space<hbm>>
        %dma_start3A_84 = tpu.memref_slice %arg6[%multiple_of3A_81] : memref<81920xi32, #tpu.memory_space<hbm>> -> memref<512xi32, #tpu.memory_space<hbm>>
        %dma_start3A_85 = arith.constant 0 : i32
        %dma_start3A_86 = tpu.memref_slice %arg11[%dma_start3A_85] : memref<1040xi32, #tpu.memory_space<vmem>> -> memref<512xi32, #tpu.memory_space<vmem>>
        tpu.enqueue_dma source(%dma_start3A_86 : memref<512xi32, #tpu.memory_space<vmem>>) target(%dma_start3A_84 : memref<512xi32, #tpu.memory_space<hbm>>) target_semaphore(%run_scoped3A : memref<!tpu.dma_semaphore, #tpu.memory_space<semaphore_mem>>)
        %dma_wait3A = arith.constant 0 : i32
        %dma_wait3A_87 = tpu.memref_slice %arg11[%dma_wait3A] : memref<1040xi32, #tpu.memory_space<vmem>> -> memref<512xi32, #tpu.memory_space<vmem>>
        %dma_wait3A_88 = tpu.memref_slice %arg6[%multiple_of3A_81] : memref<81920xi32, #tpu.memory_space<hbm>> -> memref<512xi32, #tpu.memory_space<hbm>>
        %dma_wait3A_89 = tpu.memref_slice %arg6[%multiple_of3A_81] : memref<81920xi32, #tpu.memory_space<hbm>> -> memref<512xi32, #tpu.memory_space<hbm>>
        %dma_wait3A_90 = arith.constant 0 : i32
        %dma_wait3A_91 = tpu.memref_slice %arg11[%dma_wait3A_90] : memref<1040xi32, #tpu.memory_space<vmem>> -> memref<512xi32, #tpu.memory_space<vmem>>
        tpu.wait_dma2 semaphore(%run_scoped3A : memref<!tpu.dma_semaphore, #tpu.memory_space<semaphore_mem>>) src(%dma_wait3A_91 : memref<512xi32, #tpu.memory_space<vmem>>) dst(%dma_wait3A_89 : memref<512xi32, #tpu.memory_space<hbm>>)
        tpu.yield
      }) : () -> ()
      "tpu.region"() ({
        %run_scoped3A = tpu.sem_alloc : memref<!tpu.dma_semaphore, #tpu.memory_space<semaphore_mem>>
        %dma_start3A = arith.constant 0 : i32
        %dma_start3A_82 = tpu.memref_slice %arg12[%dma_start3A] : memref<1040xi32, #tpu.memory_space<vmem>> -> memref<512xi32, #tpu.memory_space<vmem>>
        %dma_start3A_83 = tpu.memref_slice %arg7[%multiple_of3A_81] : memref<81920xi32, #tpu.memory_space<hbm>> -> memref<512xi32, #tpu.memory_space<hbm>>
        %dma_start3A_84 = tpu.memref_slice %arg7[%multiple_of3A_81] : memref<81920xi32, #tpu.memory_space<hbm>> -> memref<512xi32, #tpu.memory_space<hbm>>
        %dma_start3A_85 = arith.constant 0 : i32
        %dma_start3A_86 = tpu.memref_slice %arg12[%dma_start3A_85] : memref<1040xi32, #tpu.memory_space<vmem>> -> memref<512xi32, #tpu.memory_space<vmem>>
        tpu.enqueue_dma source(%dma_start3A_86 : memref<512xi32, #tpu.memory_space<vmem>>) target(%dma_start3A_84 : memref<512xi32, #tpu.memory_space<hbm>>) target_semaphore(%run_scoped3A : memref<!tpu.dma_semaphore, #tpu.memory_space<semaphore_mem>>)
        %dma_wait3A = arith.constant 0 : i32
        %dma_wait3A_87 = tpu.memref_slice %arg12[%dma_wait3A] : memref<1040xi32, #tpu.memory_space<vmem>> -> memref<512xi32, #tpu.memory_space<vmem>>
        %dma_wait3A_88 = tpu.memref_slice %arg7[%multiple_of3A_81] : memref<81920xi32, #tpu.memory_space<hbm>> -> memref<512xi32, #tpu.memory_space<hbm>>
        %dma_wait3A_89 = tpu.memref_slice %arg7[%multiple_of3A_81] : memref<81920xi32, #tpu.memory_space<hbm>> -> memref<512xi32, #tpu.memory_space<hbm>>
        %dma_wait3A_90 = arith.constant 0 : i32
        %dma_wait3A_91 = tpu.memref_slice %arg12[%dma_wait3A_90] : memref<1040xi32, #tpu.memory_space<vmem>> -> memref<512xi32, #tpu.memory_space<vmem>>
        tpu.wait_dma2 semaphore(%run_scoped3A : memref<!tpu.dma_semaphore, #tpu.memory_space<semaphore_mem>>) src(%dma_wait3A_91 : memref<512xi32, #tpu.memory_space<vmem>>) dst(%dma_wait3A_89 : memref<512xi32, #tpu.memory_space<hbm>>)
        tpu.yield
      }) : () -> ()
    } else {
    }
    return
  }
}

#map = affine_map<(d0, d1) -> (0)>
#map1 = affine_map<(d0, d1) -> (0, 0)>
#map2 = affine_map<(d0, d1) -> (0, 0, 0)>
module attributes {stable_mosaic.version = 14 : i64} {
  func.func @agg(%arg0: i32, %arg1: i32, %arg2: memref<81920xi32, #tpu.memory_space<hbm>>, %arg3: memref<81920xi32, #tpu.memory_space<hbm>>, %arg4: memref<3840x64xf32, #tpu.memory_space<hbm>>, %arg5: memref<32x16xi32, #tpu.memory_space<hbm>>, %arg6: memref<3840x64xf32, #tpu.memory_space<hbm>>, %arg7: memref<3840x16xf32, #tpu.memory_space<hbm>>, %arg8: memref<512x16xf32, #tpu.memory_space<hbm>>, %arg9: memref<2x3840x64xf32, #tpu.memory_space<hbm>>, %arg10: memref<2x3840x16xf32, #tpu.memory_space<hbm>>, %arg11: memref<512xi32, #tpu.memory_space<vmem>>, %arg12: memref<512xi32, #tpu.memory_space<vmem>>, %arg13: memref<512x64xf32, #tpu.memory_space<vmem>>, %arg14: memref<512x64xf32, #tpu.memory_space<vmem>>, %arg15: memref<512x16xf32, #tpu.memory_space<vmem>>, %arg16: memref<32x16xi32, #tpu.memory_space<vmem>>, %arg17: memref<3840x64xf32, #tpu.memory_space<vmem_shared>>, %arg18: memref<3840x16xf32, #tpu.memory_space<vmem_shared>>, %arg19: memref<!tpu.dma_semaphore, #tpu.memory_space<semaphore_mem>>, %arg20: memref<!tpu.dma_semaphore, #tpu.memory_space<semaphore_mem>>) attributes {dimension_semantics = [#tpu.dimension_semantics<core_parallel>, #tpu.dimension_semantics<subcore_parallel>], iteration_bounds = array<i64: 2, 16>, scalar_prefetch = 0 : i64, scratch_operands = 10 : i64, tpu.core_type = #tpu.core_type<sc_vector_subcore>, window_params = [{transform_indices = #map}, {transform_indices = #map}, {transform_indices = #map1}, {transform_indices = #map1}, {transform_indices = #map1}, {transform_indices = #map1}, {transform_indices = #map1}, {transform_indices = #map2}, {transform_indices = #map2}]} {
    %mul3A = arith.constant 16 : i32
    %mul3A_0 = arith.muli %arg0, %mul3A : i32
    %add3A = arith.addi %mul3A_0, %arg1 : i32
    %iota3A = tpu.iota {dimensions = array<i32: 0>} : vector<16xi32>
    %broadcast_in_dim3A = arith.constant 0 : i32
    %broadcast_in_dim3A_1 = vector.broadcast %broadcast_in_dim3A : i32 to vector<16xi32>
    "tpu.region"() ({
      %run_scoped3A = tpu.sem_alloc : memref<!tpu.dma_semaphore, #tpu.memory_space<semaphore_mem>>
      tpu.enqueue_dma source(%arg5 : memref<32x16xi32, #tpu.memory_space<hbm>>) target(%arg16 : memref<32x16xi32, #tpu.memory_space<vmem>>) target_semaphore(%run_scoped3A : memref<!tpu.dma_semaphore, #tpu.memory_space<semaphore_mem>>)
      tpu.wait_dma2 semaphore(%run_scoped3A : memref<!tpu.dma_semaphore, #tpu.memory_space<semaphore_mem>>) src(%arg5 : memref<32x16xi32, #tpu.memory_space<hbm>>) dst(%arg16 : memref<32x16xi32, #tpu.memory_space<vmem>>)
      tpu.yield
    }) : () -> ()
    %gather3A = tpu.vector_load_idx %arg16[%iota3A, %broadcast_in_dim3A_1] : memref<32x16xi32, #tpu.memory_space<vmem>>[vector<16xi32>, vector<16xi32>], vector<16xi32>,
    %add3A_2 = arith.constant 16 : i32
    %add3A_3 = vector.broadcast %add3A_2 : i32 to vector<16xi32>
    %add3A_4 = arith.addi %iota3A, %add3A_3 : vector<16xi32>
    %gather3A_5 = tpu.vector_load_idx %arg16[%add3A_4, %broadcast_in_dim3A_1] : memref<32x16xi32, #tpu.memory_space<vmem>>[vector<16xi32>, vector<16xi32>], vector<16xi32>,
    %add3A_6 = arith.constant 511 : i32
    %add3A_7 = vector.broadcast %add3A_6 : i32 to vector<16xi32>
    %add3A_8 = arith.addi %gather3A, %add3A_7 : vector<16xi32>
    %shift_right_arithmetic3A = arith.constant 9 : i32
    %shift_right_arithmetic3A_9 = vector.broadcast %shift_right_arithmetic3A : i32 to vector<16xi32>
    %shift_right_arithmetic3A_10 = arith.shrsi %add3A_8, %shift_right_arithmetic3A_9 : vector<16xi32>
    %shift_left3A = arith.constant 9 : i32
    %shift_left3A_11 = vector.broadcast %shift_left3A : i32 to vector<16xi32>
    %shift_left3A_12 = arith.shli %shift_right_arithmetic3A_10, %shift_left3A_11 : vector<16xi32>
    %reduce_sum3A = arith.constant true
    %reduce_sum3A_13 = vector.broadcast %reduce_sum3A : i1 to vector<16xi1>
    %reduce_sum3A_14 = tpu.scan <sum>, %shift_left3A_12 masked %reduce_sum3A_13 : vector<16xi32>, vector<16xi1> -> vector<16xi32>
    %reduce_sum3A_15 = vector.extract %reduce_sum3A_14[15] : i32 from vector<16xi32>
    %add3A_16 = arith.constant 511 : i32
    %add3A_17 = vector.broadcast %add3A_16 : i32 to vector<16xi32>
    %add3A_18 = arith.addi %gather3A_5, %add3A_17 : vector<16xi32>
    %shift_right_arithmetic3A_19 = arith.constant 9 : i32
    %shift_right_arithmetic3A_20 = vector.broadcast %shift_right_arithmetic3A_19 : i32 to vector<16xi32>
    %shift_right_arithmetic3A_21 = arith.shrsi %add3A_18, %shift_right_arithmetic3A_20 : vector<16xi32>
    %shift_left3A_22 = arith.constant 9 : i32
    %shift_left3A_23 = vector.broadcast %shift_left3A_22 : i32 to vector<16xi32>
    %shift_left3A_24 = arith.shli %shift_right_arithmetic3A_21, %shift_left3A_23 : vector<16xi32>
    %reduce_sum3A_25 = arith.constant true
    %reduce_sum3A_26 = vector.broadcast %reduce_sum3A_25 : i1 to vector<16xi1>
    %reduce_sum3A_27 = tpu.scan <sum>, %shift_left3A_24 masked %reduce_sum3A_26 : vector<16xi32>, vector<16xi1> -> vector<16xi32>
    %reduce_sum3A_28 = vector.extract %reduce_sum3A_27[15] : i32 from vector<16xi32>
    %add3A_29 = arith.addi %reduce_sum3A_15, %reduce_sum3A_28 : i32
    %jit3A = arith.constant 512 : i32
    %div3A = arith.divsi %add3A_29, %jit3A : i32
    %sign3A = arith.constant 0 : i32
    %sign3A_30 = arith.cmpi sgt, %add3A_29, %sign3A : i32
    %sign3A_31 = arith.extui %sign3A_30 : i1 to i32
    %sign3A_32 = arith.constant 0 : i32
    %sign3A_33 = arith.cmpi slt, %add3A_29, %sign3A_32 : i32
    %sign3A_34 = arith.extui %sign3A_33 : i1 to i32
    %sign3A_35 = arith.subi %sign3A_31, %sign3A_34 : i32
    %sign3A_36 = arith.constant 0 : i32
    %sign3A_37 = arith.cmpi sgt, %jit3A, %sign3A_36 : i32
    %sign3A_38 = arith.extui %sign3A_37 : i1 to i32
    %sign3A_39 = arith.constant 0 : i32
    %sign3A_40 = arith.cmpi slt, %jit3A, %sign3A_39 : i32
    %sign3A_41 = arith.extui %sign3A_40 : i1 to i32
    %sign3A_42 = arith.subi %sign3A_38, %sign3A_41 : i32
    %ne3A = arith.cmpi ne, %sign3A_35, %sign3A_42 : i32
    %rem3A = arith.remsi %add3A_29, %jit3A : i32
    %ne3A_43 = arith.constant 0 : i32
    %ne3A_44 = arith.cmpi ne, %rem3A, %ne3A_43 : i32
    %and3A = arith.andi %ne3A, %ne3A_44 : i1
    %sub3A = arith.constant 1 : i32
    %sub3A_45 = arith.subi %div3A, %sub3A : i32
    %select_n3A = arith.select %and3A, %sub3A_45, %div3A : i32
    %mul3A_46 = arith.constant 240 : i32
    %mul3A_47 = arith.muli %arg1, %mul3A_46 : i32
    %mul3A_48 = arith.constant 240 : i32
    %mul3A_49 = arith.muli %arg1, %mul3A_48 : i32
    "tpu.region"() ({
      %run_scoped3A = tpu.sem_alloc : memref<!tpu.dma_semaphore, #tpu.memory_space<semaphore_mem>>
      %dma_start3A = arith.constant 0 : i32
      %dma_start3A_99 = tpu.memref_slice %arg17[%mul3A_49, %dma_start3A] : memref<3840x64xf32, #tpu.memory_space<vmem_shared>> -> memref<240x64xf32, #tpu.memory_space<vmem_shared>>
      %dma_start3A_100 = arith.constant 0 : i32
      %dma_start3A_101 = tpu.memref_slice %arg6[%mul3A_47, %dma_start3A_100] : memref<3840x64xf32, #tpu.memory_space<hbm>> -> memref<240x64xf32, #tpu.memory_space<hbm>>
      tpu.enqueue_dma source(%dma_start3A_101 : memref<240x64xf32, #tpu.memory_space<hbm>>) target(%dma_start3A_99 : memref<240x64xf32, #tpu.memory_space<vmem_shared>>) target_semaphore(%run_scoped3A : memref<!tpu.dma_semaphore, #tpu.memory_space<semaphore_mem>>)
      %dma_wait3A = arith.constant 0 : i32
      %dma_wait3A_102 = tpu.memref_slice %arg17[%mul3A_49, %dma_wait3A] : memref<3840x64xf32, #tpu.memory_space<vmem_shared>> -> memref<240x64xf32, #tpu.memory_space<vmem_shared>>
      %dma_wait3A_103 = arith.constant 0 : i32
      %dma_wait3A_104 = tpu.memref_slice %arg6[%mul3A_47, %dma_wait3A_103] : memref<3840x64xf32, #tpu.memory_space<hbm>> -> memref<240x64xf32, #tpu.memory_space<hbm>>
      tpu.wait_dma2 semaphore(%run_scoped3A : memref<!tpu.dma_semaphore, #tpu.memory_space<semaphore_mem>>) src(%dma_wait3A_104 : memref<240x64xf32, #tpu.memory_space<hbm>>) dst(%dma_wait3A_102 : memref<240x64xf32, #tpu.memory_space<vmem_shared>>)
      tpu.yield
    }) : () -> ()
    %mul3A_50 = arith.constant 240 : i32
    %mul3A_51 = arith.muli %arg1, %mul3A_50 : i32
    %mul3A_52 = arith.constant 240 : i32
    %mul3A_53 = arith.muli %arg1, %mul3A_52 : i32
    "tpu.region"() ({
      %run_scoped3A = tpu.sem_alloc : memref<!tpu.dma_semaphore, #tpu.memory_space<semaphore_mem>>
      %dma_start3A = arith.constant 0 : i32
      %dma_start3A_99 = tpu.memref_slice %arg18[%mul3A_53, %dma_start3A] : memref<3840x16xf32, #tpu.memory_space<vmem_shared>> -> memref<240x16xf32, #tpu.memory_space<vmem_shared>>
      %dma_start3A_100 = arith.constant 0 : i32
      %dma_start3A_101 = tpu.memref_slice %arg7[%mul3A_51, %dma_start3A_100] : memref<3840x16xf32, #tpu.memory_space<hbm>> -> memref<240x16xf32, #tpu.memory_space<hbm>>
      tpu.enqueue_dma source(%dma_start3A_101 : memref<240x16xf32, #tpu.memory_space<hbm>>) target(%dma_start3A_99 : memref<240x16xf32, #tpu.memory_space<vmem_shared>>) target_semaphore(%run_scoped3A : memref<!tpu.dma_semaphore, #tpu.memory_space<semaphore_mem>>)
      %dma_wait3A = arith.constant 0 : i32
      %dma_wait3A_102 = tpu.memref_slice %arg18[%mul3A_53, %dma_wait3A] : memref<3840x16xf32, #tpu.memory_space<vmem_shared>> -> memref<240x16xf32, #tpu.memory_space<vmem_shared>>
      %dma_wait3A_103 = arith.constant 0 : i32
      %dma_wait3A_104 = tpu.memref_slice %arg7[%mul3A_51, %dma_wait3A_103] : memref<3840x16xf32, #tpu.memory_space<hbm>> -> memref<240x16xf32, #tpu.memory_space<hbm>>
      tpu.wait_dma2 semaphore(%run_scoped3A : memref<!tpu.dma_semaphore, #tpu.memory_space<semaphore_mem>>) src(%dma_wait3A_104 : memref<240x16xf32, #tpu.memory_space<hbm>>) dst(%dma_wait3A_102 : memref<240x16xf32, #tpu.memory_space<vmem_shared>>)
      tpu.yield
    }) : () -> ()
    "tpu.region"() ({
      %run_scoped3A = tpu.sem_alloc : memref<!tpu.dma_semaphore, #tpu.memory_space<semaphore_mem>>
      tpu.enqueue_dma source(%arg8 : memref<512x16xf32, #tpu.memory_space<hbm>>) target(%arg15 : memref<512x16xf32, #tpu.memory_space<vmem>>) target_semaphore(%run_scoped3A : memref<!tpu.dma_semaphore, #tpu.memory_space<semaphore_mem>>)
      tpu.wait_dma2 semaphore(%run_scoped3A : memref<!tpu.dma_semaphore, #tpu.memory_space<semaphore_mem>>) src(%arg8 : memref<512x16xf32, #tpu.memory_space<hbm>>) dst(%arg15 : memref<512x16xf32, #tpu.memory_space<vmem>>)
      tpu.yield
    }) : () -> ()
    %barrier3A = arith.constant 0 : index
    tpu.barrier barrier_id(%barrier3A)
    %sub3A_54 = arith.subi %select_n3A, %add3A : i32
    %add3A_55 = arith.constant 31 : i32
    %add3A_56 = arith.addi %sub3A_54, %add3A_55 : i32
    %jit3A_57 = arith.constant 32 : i32
    %div3A_58 = arith.divsi %add3A_56, %jit3A_57 : i32
    %sign3A_59 = arith.constant 0 : i32
    %sign3A_60 = arith.cmpi sgt, %add3A_56, %sign3A_59 : i32
    %sign3A_61 = arith.extui %sign3A_60 : i1 to i32
    %sign3A_62 = arith.constant 0 : i32
    %sign3A_63 = arith.cmpi slt, %add3A_56, %sign3A_62 : i32
    %sign3A_64 = arith.extui %sign3A_63 : i1 to i32
    %sign3A_65 = arith.subi %sign3A_61, %sign3A_64 : i32
    %sign3A_66 = arith.constant 0 : i32
    %sign3A_67 = arith.cmpi sgt, %jit3A_57, %sign3A_66 : i32
    %sign3A_68 = arith.extui %sign3A_67 : i1 to i32
    %sign3A_69 = arith.constant 0 : i32
    %sign3A_70 = arith.cmpi slt, %jit3A_57, %sign3A_69 : i32
    %sign3A_71 = arith.extui %sign3A_70 : i1 to i32
    %sign3A_72 = arith.subi %sign3A_68, %sign3A_71 : i32
    %ne3A_73 = arith.cmpi ne, %sign3A_65, %sign3A_72 : i32
    %rem3A_74 = arith.remsi %add3A_56, %jit3A_57 : i32
    %ne3A_75 = arith.constant 0 : i32
    %ne3A_76 = arith.cmpi ne, %rem3A_74, %ne3A_75 : i32
    %and3A_77 = arith.andi %ne3A_73, %ne3A_76 : i1
    %sub3A_78 = arith.constant 1 : i32
    %sub3A_79 = arith.subi %div3A_58, %sub3A_78 : i32
    %select_n3A_80 = arith.select %and3A_77, %sub3A_79, %div3A_58 : i32
    %while3A = arith.constant 0 : i32
    %while3A_81 = arith.constant 0 : i32
    %while3A_82 = arith.subi %select_n3A_80, %while3A_81 : i32
    %while3A_83 = arith.addi %while3A_81, %while3A_82 : i32
    %while3A_84 = arith.constant 1 : i32
    %while3A_85 = arith.divsi %while3A_82, %while3A_84 : i32
    %while3A_86 = arith.muli %while3A_85, %while3A_84 : i32
    %while3A_87 = arith.addi %while3A_81, %while3A_86 : i32
    %while3A_88 = arith.constant 1 : i32
    scf.for %while3A_99 = %while3A_81 to %while3A_87 step %while3A_88  : i32 {
      %mul3A_100 = arith.constant 32 : i32
      %mul3A_101 = arith.muli %mul3A_100, %while3A_99 : i32
      %add3A_102 = arith.addi %add3A, %mul3A_101 : i32
      %mul3A_103 = arith.constant 512 : i32
      %mul3A_104 = arith.muli %add3A_102, %mul3A_103 : i32
      "tpu.region"() ({
        %run_scoped3A = tpu.sem_alloc : memref<!tpu.dma_semaphore, #tpu.memory_space<semaphore_mem>>
        %dma_start3A_115 = tpu.memref_slice %arg2[%mul3A_104] : memref<81920xi32, #tpu.memory_space<hbm>> -> memref<512xi32, #tpu.memory_space<hbm>>
        %dma_start3A_116 = tpu.memref_slice %arg2[%mul3A_104] : memref<81920xi32, #tpu.memory_space<hbm>> -> memref<512xi32, #tpu.memory_space<hbm>>
        tpu.enqueue_dma source(%dma_start3A_116 : memref<512xi32, #tpu.memory_space<hbm>>) target(%arg11 : memref<512xi32, #tpu.memory_space<vmem>>) target_semaphore(%run_scoped3A : memref<!tpu.dma_semaphore, #tpu.memory_space<semaphore_mem>>)
        %dma_wait3A_117 = tpu.memref_slice %arg2[%mul3A_104] : memref<81920xi32, #tpu.memory_space<hbm>> -> memref<512xi32, #tpu.memory_space<hbm>>
        %dma_wait3A_118 = tpu.memref_slice %arg2[%mul3A_104] : memref<81920xi32, #tpu.memory_space<hbm>> -> memref<512xi32, #tpu.memory_space<hbm>>
        tpu.wait_dma2 semaphore(%run_scoped3A : memref<!tpu.dma_semaphore, #tpu.memory_space<semaphore_mem>>) src(%dma_wait3A_118 : memref<512xi32, #tpu.memory_space<hbm>>) dst(%arg11 : memref<512xi32, #tpu.memory_space<vmem>>)
        tpu.yield
      }) : () -> ()
      "tpu.region"() ({
        %run_scoped3A = tpu.sem_alloc : memref<!tpu.dma_semaphore, #tpu.memory_space<semaphore_mem>>
        %dma_start3A_115 = tpu.memref_slice %arg3[%mul3A_104] : memref<81920xi32, #tpu.memory_space<hbm>> -> memref<512xi32, #tpu.memory_space<hbm>>
        %dma_start3A_116 = tpu.memref_slice %arg3[%mul3A_104] : memref<81920xi32, #tpu.memory_space<hbm>> -> memref<512xi32, #tpu.memory_space<hbm>>
        tpu.enqueue_dma source(%dma_start3A_116 : memref<512xi32, #tpu.memory_space<hbm>>) target(%arg12 : memref<512xi32, #tpu.memory_space<vmem>>) target_semaphore(%run_scoped3A : memref<!tpu.dma_semaphore, #tpu.memory_space<semaphore_mem>>)
        %dma_wait3A_117 = tpu.memref_slice %arg3[%mul3A_104] : memref<81920xi32, #tpu.memory_space<hbm>> -> memref<512xi32, #tpu.memory_space<hbm>>
        %dma_wait3A_118 = tpu.memref_slice %arg3[%mul3A_104] : memref<81920xi32, #tpu.memory_space<hbm>> -> memref<512xi32, #tpu.memory_space<hbm>>
        tpu.wait_dma2 semaphore(%run_scoped3A : memref<!tpu.dma_semaphore, #tpu.memory_space<semaphore_mem>>) src(%dma_wait3A_118 : memref<512xi32, #tpu.memory_space<hbm>>) dst(%arg12 : memref<512xi32, #tpu.memory_space<vmem>>)
        tpu.yield
      }) : () -> ()
      %dma_start3A = arith.constant 0 : i32
      %dma_start3A_105 = arith.constant 0 : i32
      %dma_start3A_106 = tpu.memref_slice %arg4[%dma_start3A, %dma_start3A_105] : memref<3840x64xf32, #tpu.memory_space<hbm>> -> memref<3840x64xf32, #tpu.memory_space<hbm>>
      tpu.enqueue_indirect_dma source(%dma_start3A_106 : memref<3840x64xf32, #tpu.memory_space<hbm>>) target(%arg13 : memref<512x64xf32, #tpu.memory_space<vmem>>) offsets(%arg11 : memref<512xi32, #tpu.memory_space<vmem>>) semaphore(%arg19 : memref<!tpu.dma_semaphore, #tpu.memory_space<semaphore_mem>>)
      %dma_start3A_107 = arith.constant 0 : i32
      %dma_start3A_108 = arith.constant 0 : i32
      %dma_start3A_109 = tpu.memref_slice %arg4[%dma_start3A_107, %dma_start3A_108] : memref<3840x64xf32, #tpu.memory_space<hbm>> -> memref<3840x64xf32, #tpu.memory_space<hbm>>
      tpu.enqueue_indirect_dma source(%dma_start3A_109 : memref<3840x64xf32, #tpu.memory_space<hbm>>) target(%arg14 : memref<512x64xf32, #tpu.memory_space<vmem>>) offsets(%arg12 : memref<512xi32, #tpu.memory_space<vmem>>) semaphore(%arg20 : memref<!tpu.dma_semaphore, #tpu.memory_space<semaphore_mem>>)
      %dma_wait3A = arith.constant 0 : i32
      %dma_wait3A_110 = arith.constant 0 : i32
      %dma_wait3A_111 = tpu.memref_slice %arg4[%dma_wait3A, %dma_wait3A_110] : memref<3840x64xf32, #tpu.memory_space<hbm>> -> memref<3840x64xf32, #tpu.memory_space<hbm>>
      tpu.wait_indirect_dma semaphore(%arg19 : memref<!tpu.dma_semaphore, #tpu.memory_space<semaphore_mem>>) src(%dma_wait3A_111 : memref<3840x64xf32, #tpu.memory_space<hbm>>) dst(%arg13 : memref<512x64xf32, #tpu.memory_space<vmem>>)
      %dma_wait3A_112 = arith.constant 0 : i32
      %dma_wait3A_113 = arith.constant 0 : i32
      %dma_wait3A_114 = tpu.memref_slice %arg4[%dma_wait3A_112, %dma_wait3A_113] : memref<3840x64xf32, #tpu.memory_space<hbm>> -> memref<3840x64xf32, #tpu.memory_space<hbm>>
      tpu.wait_indirect_dma semaphore(%arg20 : memref<!tpu.dma_semaphore, #tpu.memory_space<semaphore_mem>>) src(%dma_wait3A_114 : memref<3840x64xf32, #tpu.memory_space<hbm>>) dst(%arg14 : memref<512x64xf32, #tpu.memory_space<vmem>>)
      "tpu.region"() ({
        %run_scoped3A = tpu.sem_alloc : memref<!tpu.dma_semaphore, #tpu.memory_space<semaphore_mem>>
        %dma_start3A_115 = arith.constant 0 : i32
        %dma_start3A_116 = arith.constant 0 : i32
        %dma_start3A_117 = tpu.memref_slice %arg17[%dma_start3A_115, %dma_start3A_116] : memref<3840x64xf32, #tpu.memory_space<vmem_shared>> -> memref<3840x64xf32, #tpu.memory_space<vmem_shared>>
        tpu.enqueue_indirect_dma source(%arg13 : memref<512x64xf32, #tpu.memory_space<vmem>>) target(%dma_start3A_117 : memref<3840x64xf32, #tpu.memory_space<vmem_shared>>) offsets(%arg12 : memref<512xi32, #tpu.memory_space<vmem>>) semaphore(%run_scoped3A : memref<!tpu.dma_semaphore, #tpu.memory_space<semaphore_mem>>) {add = true}
        %dma_wait3A_118 = arith.constant 0 : i32
        %dma_wait3A_119 = arith.constant 0 : i32
        %dma_wait3A_120 = tpu.memref_slice %arg17[%dma_wait3A_118, %dma_wait3A_119] : memref<3840x64xf32, #tpu.memory_space<vmem_shared>> -> memref<3840x64xf32, #tpu.memory_space<vmem_shared>>
        tpu.wait_indirect_dma semaphore(%run_scoped3A : memref<!tpu.dma_semaphore, #tpu.memory_space<semaphore_mem>>) src(%arg13 : memref<512x64xf32, #tpu.memory_space<vmem>>) dst(%dma_wait3A_120 : memref<3840x64xf32, #tpu.memory_space<vmem_shared>>)
        tpu.yield
      }) : () -> ()
      "tpu.region"() ({
        %run_scoped3A = tpu.sem_alloc : memref<!tpu.dma_semaphore, #tpu.memory_space<semaphore_mem>>
        %dma_start3A_115 = arith.constant 0 : i32
        %dma_start3A_116 = arith.constant 0 : i32
        %dma_start3A_117 = tpu.memref_slice %arg17[%dma_start3A_115, %dma_start3A_116] : memref<3840x64xf32, #tpu.memory_space<vmem_shared>> -> memref<3840x64xf32, #tpu.memory_space<vmem_shared>>
        tpu.enqueue_indirect_dma source(%arg14 : memref<512x64xf32, #tpu.memory_space<vmem>>) target(%dma_start3A_117 : memref<3840x64xf32, #tpu.memory_space<vmem_shared>>) offsets(%arg11 : memref<512xi32, #tpu.memory_space<vmem>>) semaphore(%run_scoped3A : memref<!tpu.dma_semaphore, #tpu.memory_space<semaphore_mem>>) {add = true}
        %dma_wait3A_118 = arith.constant 0 : i32
        %dma_wait3A_119 = arith.constant 0 : i32
        %dma_wait3A_120 = tpu.memref_slice %arg17[%dma_wait3A_118, %dma_wait3A_119] : memref<3840x64xf32, #tpu.memory_space<vmem_shared>> -> memref<3840x64xf32, #tpu.memory_space<vmem_shared>>
        tpu.wait_indirect_dma semaphore(%run_scoped3A : memref<!tpu.dma_semaphore, #tpu.memory_space<semaphore_mem>>) src(%arg14 : memref<512x64xf32, #tpu.memory_space<vmem>>) dst(%dma_wait3A_120 : memref<3840x64xf32, #tpu.memory_space<vmem_shared>>)
        tpu.yield
      }) : () -> ()
      "tpu.region"() ({
        %run_scoped3A = tpu.sem_alloc : memref<!tpu.dma_semaphore, #tpu.memory_space<semaphore_mem>>
        %dma_start3A_115 = arith.constant 0 : i32
        %dma_start3A_116 = arith.constant 0 : i32
        %dma_start3A_117 = tpu.memref_slice %arg18[%dma_start3A_115, %dma_start3A_116] : memref<3840x16xf32, #tpu.memory_space<vmem_shared>> -> memref<3840x16xf32, #tpu.memory_space<vmem_shared>>
        tpu.enqueue_indirect_dma source(%arg15 : memref<512x16xf32, #tpu.memory_space<vmem>>) target(%dma_start3A_117 : memref<3840x16xf32, #tpu.memory_space<vmem_shared>>) offsets(%arg12 : memref<512xi32, #tpu.memory_space<vmem>>) semaphore(%run_scoped3A : memref<!tpu.dma_semaphore, #tpu.memory_space<semaphore_mem>>) {add = true}
        %dma_wait3A_118 = arith.constant 0 : i32
        %dma_wait3A_119 = arith.constant 0 : i32
        %dma_wait3A_120 = tpu.memref_slice %arg18[%dma_wait3A_118, %dma_wait3A_119] : memref<3840x16xf32, #tpu.memory_space<vmem_shared>> -> memref<3840x16xf32, #tpu.memory_space<vmem_shared>>
        tpu.wait_indirect_dma semaphore(%run_scoped3A : memref<!tpu.dma_semaphore, #tpu.memory_space<semaphore_mem>>) src(%arg15 : memref<512x16xf32, #tpu.memory_space<vmem>>) dst(%dma_wait3A_120 : memref<3840x16xf32, #tpu.memory_space<vmem_shared>>)
        tpu.yield
      }) : () -> ()
      "tpu.region"() ({
        %run_scoped3A = tpu.sem_alloc : memref<!tpu.dma_semaphore, #tpu.memory_space<semaphore_mem>>
        %dma_start3A_115 = arith.constant 0 : i32
        %dma_start3A_116 = arith.constant 0 : i32
        %dma_start3A_117 = tpu.memref_slice %arg18[%dma_start3A_115, %dma_start3A_116] : memref<3840x16xf32, #tpu.memory_space<vmem_shared>> -> memref<3840x16xf32, #tpu.memory_space<vmem_shared>>
        tpu.enqueue_indirect_dma source(%arg15 : memref<512x16xf32, #tpu.memory_space<vmem>>) target(%dma_start3A_117 : memref<3840x16xf32, #tpu.memory_space<vmem_shared>>) offsets(%arg11 : memref<512xi32, #tpu.memory_space<vmem>>) semaphore(%run_scoped3A : memref<!tpu.dma_semaphore, #tpu.memory_space<semaphore_mem>>) {add = true}
        %dma_wait3A_118 = arith.constant 0 : i32
        %dma_wait3A_119 = arith.constant 0 : i32
        %dma_wait3A_120 = tpu.memref_slice %arg18[%dma_wait3A_118, %dma_wait3A_119] : memref<3840x16xf32, #tpu.memory_space<vmem_shared>> -> memref<3840x16xf32, #tpu.memory_space<vmem_shared>>
        tpu.wait_indirect_dma semaphore(%run_scoped3A : memref<!tpu.dma_semaphore, #tpu.memory_space<semaphore_mem>>) src(%arg15 : memref<512x16xf32, #tpu.memory_space<vmem>>) dst(%dma_wait3A_120 : memref<3840x16xf32, #tpu.memory_space<vmem_shared>>)
        tpu.yield
      }) : () -> ()
    }
    %while3A_89 = arith.constant 1 : i32
    scf.for %while3A_99 = %while3A_87 to %while3A_83 step %while3A_89  : i32 {
      %mul3A_100 = arith.constant 32 : i32
      %mul3A_101 = arith.muli %mul3A_100, %while3A_99 : i32
      %add3A_102 = arith.addi %add3A, %mul3A_101 : i32
      %mul3A_103 = arith.constant 512 : i32
      %mul3A_104 = arith.muli %add3A_102, %mul3A_103 : i32
      "tpu.region"() ({
        %run_scoped3A = tpu.sem_alloc : memref<!tpu.dma_semaphore, #tpu.memory_space<semaphore_mem>>
        %dma_start3A_115 = tpu.memref_slice %arg2[%mul3A_104] : memref<81920xi32, #tpu.memory_space<hbm>> -> memref<512xi32, #tpu.memory_space<hbm>>
        %dma_start3A_116 = tpu.memref_slice %arg2[%mul3A_104] : memref<81920xi32, #tpu.memory_space<hbm>> -> memref<512xi32, #tpu.memory_space<hbm>>
        tpu.enqueue_dma source(%dma_start3A_116 : memref<512xi32, #tpu.memory_space<hbm>>) target(%arg11 : memref<512xi32, #tpu.memory_space<vmem>>) target_semaphore(%run_scoped3A : memref<!tpu.dma_semaphore, #tpu.memory_space<semaphore_mem>>)
        %dma_wait3A_117 = tpu.memref_slice %arg2[%mul3A_104] : memref<81920xi32, #tpu.memory_space<hbm>> -> memref<512xi32, #tpu.memory_space<hbm>>
        %dma_wait3A_118 = tpu.memref_slice %arg2[%mul3A_104] : memref<81920xi32, #tpu.memory_space<hbm>> -> memref<512xi32, #tpu.memory_space<hbm>>
        tpu.wait_dma2 semaphore(%run_scoped3A : memref<!tpu.dma_semaphore, #tpu.memory_space<semaphore_mem>>) src(%dma_wait3A_118 : memref<512xi32, #tpu.memory_space<hbm>>) dst(%arg11 : memref<512xi32, #tpu.memory_space<vmem>>)
        tpu.yield
      }) : () -> ()
      "tpu.region"() ({
        %run_scoped3A = tpu.sem_alloc : memref<!tpu.dma_semaphore, #tpu.memory_space<semaphore_mem>>
        %dma_start3A_115 = tpu.memref_slice %arg3[%mul3A_104] : memref<81920xi32, #tpu.memory_space<hbm>> -> memref<512xi32, #tpu.memory_space<hbm>>
        %dma_start3A_116 = tpu.memref_slice %arg3[%mul3A_104] : memref<81920xi32, #tpu.memory_space<hbm>> -> memref<512xi32, #tpu.memory_space<hbm>>
        tpu.enqueue_dma source(%dma_start3A_116 : memref<512xi32, #tpu.memory_space<hbm>>) target(%arg12 : memref<512xi32, #tpu.memory_space<vmem>>) target_semaphore(%run_scoped3A : memref<!tpu.dma_semaphore, #tpu.memory_space<semaphore_mem>>)
        %dma_wait3A_117 = tpu.memref_slice %arg3[%mul3A_104] : memref<81920xi32, #tpu.memory_space<hbm>> -> memref<512xi32, #tpu.memory_space<hbm>>
        %dma_wait3A_118 = tpu.memref_slice %arg3[%mul3A_104] : memref<81920xi32, #tpu.memory_space<hbm>> -> memref<512xi32, #tpu.memory_space<hbm>>
        tpu.wait_dma2 semaphore(%run_scoped3A : memref<!tpu.dma_semaphore, #tpu.memory_space<semaphore_mem>>) src(%dma_wait3A_118 : memref<512xi32, #tpu.memory_space<hbm>>) dst(%arg12 : memref<512xi32, #tpu.memory_space<vmem>>)
        tpu.yield
      }) : () -> ()
      %dma_start3A = arith.constant 0 : i32
      %dma_start3A_105 = arith.constant 0 : i32
      %dma_start3A_106 = tpu.memref_slice %arg4[%dma_start3A, %dma_start3A_105] : memref<3840x64xf32, #tpu.memory_space<hbm>> -> memref<3840x64xf32, #tpu.memory_space<hbm>>
      tpu.enqueue_indirect_dma source(%dma_start3A_106 : memref<3840x64xf32, #tpu.memory_space<hbm>>) target(%arg13 : memref<512x64xf32, #tpu.memory_space<vmem>>) offsets(%arg11 : memref<512xi32, #tpu.memory_space<vmem>>) semaphore(%arg19 : memref<!tpu.dma_semaphore, #tpu.memory_space<semaphore_mem>>)
      %dma_start3A_107 = arith.constant 0 : i32
      %dma_start3A_108 = arith.constant 0 : i32
      %dma_start3A_109 = tpu.memref_slice %arg4[%dma_start3A_107, %dma_start3A_108] : memref<3840x64xf32, #tpu.memory_space<hbm>> -> memref<3840x64xf32, #tpu.memory_space<hbm>>
      tpu.enqueue_indirect_dma source(%dma_start3A_109 : memref<3840x64xf32, #tpu.memory_space<hbm>>) target(%arg14 : memref<512x64xf32, #tpu.memory_space<vmem>>) offsets(%arg12 : memref<512xi32, #tpu.memory_space<vmem>>) semaphore(%arg20 : memref<!tpu.dma_semaphore, #tpu.memory_space<semaphore_mem>>)
      %dma_wait3A = arith.constant 0 : i32
      %dma_wait3A_110 = arith.constant 0 : i32
      %dma_wait3A_111 = tpu.memref_slice %arg4[%dma_wait3A, %dma_wait3A_110] : memref<3840x64xf32, #tpu.memory_space<hbm>> -> memref<3840x64xf32, #tpu.memory_space<hbm>>
      tpu.wait_indirect_dma semaphore(%arg19 : memref<!tpu.dma_semaphore, #tpu.memory_space<semaphore_mem>>) src(%dma_wait3A_111 : memref<3840x64xf32, #tpu.memory_space<hbm>>) dst(%arg13 : memref<512x64xf32, #tpu.memory_space<vmem>>)
      %dma_wait3A_112 = arith.constant 0 : i32
      %dma_wait3A_113 = arith.constant 0 : i32
      %dma_wait3A_114 = tpu.memref_slice %arg4[%dma_wait3A_112, %dma_wait3A_113] : memref<3840x64xf32, #tpu.memory_space<hbm>> -> memref<3840x64xf32, #tpu.memory_space<hbm>>
      tpu.wait_indirect_dma semaphore(%arg20 : memref<!tpu.dma_semaphore, #tpu.memory_space<semaphore_mem>>) src(%dma_wait3A_114 : memref<3840x64xf32, #tpu.memory_space<hbm>>) dst(%arg14 : memref<512x64xf32, #tpu.memory_space<vmem>>)
      "tpu.region"() ({
        %run_scoped3A = tpu.sem_alloc : memref<!tpu.dma_semaphore, #tpu.memory_space<semaphore_mem>>
        %dma_start3A_115 = arith.constant 0 : i32
        %dma_start3A_116 = arith.constant 0 : i32
        %dma_start3A_117 = tpu.memref_slice %arg17[%dma_start3A_115, %dma_start3A_116] : memref<3840x64xf32, #tpu.memory_space<vmem_shared>> -> memref<3840x64xf32, #tpu.memory_space<vmem_shared>>
        tpu.enqueue_indirect_dma source(%arg13 : memref<512x64xf32, #tpu.memory_space<vmem>>) target(%dma_start3A_117 : memref<3840x64xf32, #tpu.memory_space<vmem_shared>>) offsets(%arg12 : memref<512xi32, #tpu.memory_space<vmem>>) semaphore(%run_scoped3A : memref<!tpu.dma_semaphore, #tpu.memory_space<semaphore_mem>>) {add = true}
        %dma_wait3A_118 = arith.constant 0 : i32
        %dma_wait3A_119 = arith.constant 0 : i32
        %dma_wait3A_120 = tpu.memref_slice %arg17[%dma_wait3A_118, %dma_wait3A_119] : memref<3840x64xf32, #tpu.memory_space<vmem_shared>> -> memref<3840x64xf32, #tpu.memory_space<vmem_shared>>
        tpu.wait_indirect_dma semaphore(%run_scoped3A : memref<!tpu.dma_semaphore, #tpu.memory_space<semaphore_mem>>) src(%arg13 : memref<512x64xf32, #tpu.memory_space<vmem>>) dst(%dma_wait3A_120 : memref<3840x64xf32, #tpu.memory_space<vmem_shared>>)
        tpu.yield
      }) : () -> ()
      "tpu.region"() ({
        %run_scoped3A = tpu.sem_alloc : memref<!tpu.dma_semaphore, #tpu.memory_space<semaphore_mem>>
        %dma_start3A_115 = arith.constant 0 : i32
        %dma_start3A_116 = arith.constant 0 : i32
        %dma_start3A_117 = tpu.memref_slice %arg17[%dma_start3A_115, %dma_start3A_116] : memref<3840x64xf32, #tpu.memory_space<vmem_shared>> -> memref<3840x64xf32, #tpu.memory_space<vmem_shared>>
        tpu.enqueue_indirect_dma source(%arg14 : memref<512x64xf32, #tpu.memory_space<vmem>>) target(%dma_start3A_117 : memref<3840x64xf32, #tpu.memory_space<vmem_shared>>) offsets(%arg11 : memref<512xi32, #tpu.memory_space<vmem>>) semaphore(%run_scoped3A : memref<!tpu.dma_semaphore, #tpu.memory_space<semaphore_mem>>) {add = true}
        %dma_wait3A_118 = arith.constant 0 : i32
        %dma_wait3A_119 = arith.constant 0 : i32
        %dma_wait3A_120 = tpu.memref_slice %arg17[%dma_wait3A_118, %dma_wait3A_119] : memref<3840x64xf32, #tpu.memory_space<vmem_shared>> -> memref<3840x64xf32, #tpu.memory_space<vmem_shared>>
        tpu.wait_indirect_dma semaphore(%run_scoped3A : memref<!tpu.dma_semaphore, #tpu.memory_space<semaphore_mem>>) src(%arg14 : memref<512x64xf32, #tpu.memory_space<vmem>>) dst(%dma_wait3A_120 : memref<3840x64xf32, #tpu.memory_space<vmem_shared>>)
        tpu.yield
      }) : () -> ()
      "tpu.region"() ({
        %run_scoped3A = tpu.sem_alloc : memref<!tpu.dma_semaphore, #tpu.memory_space<semaphore_mem>>
        %dma_start3A_115 = arith.constant 0 : i32
        %dma_start3A_116 = arith.constant 0 : i32
        %dma_start3A_117 = tpu.memref_slice %arg18[%dma_start3A_115, %dma_start3A_116] : memref<3840x16xf32, #tpu.memory_space<vmem_shared>> -> memref<3840x16xf32, #tpu.memory_space<vmem_shared>>
        tpu.enqueue_indirect_dma source(%arg15 : memref<512x16xf32, #tpu.memory_space<vmem>>) target(%dma_start3A_117 : memref<3840x16xf32, #tpu.memory_space<vmem_shared>>) offsets(%arg12 : memref<512xi32, #tpu.memory_space<vmem>>) semaphore(%run_scoped3A : memref<!tpu.dma_semaphore, #tpu.memory_space<semaphore_mem>>) {add = true}
        %dma_wait3A_118 = arith.constant 0 : i32
        %dma_wait3A_119 = arith.constant 0 : i32
        %dma_wait3A_120 = tpu.memref_slice %arg18[%dma_wait3A_118, %dma_wait3A_119] : memref<3840x16xf32, #tpu.memory_space<vmem_shared>> -> memref<3840x16xf32, #tpu.memory_space<vmem_shared>>
        tpu.wait_indirect_dma semaphore(%run_scoped3A : memref<!tpu.dma_semaphore, #tpu.memory_space<semaphore_mem>>) src(%arg15 : memref<512x16xf32, #tpu.memory_space<vmem>>) dst(%dma_wait3A_120 : memref<3840x16xf32, #tpu.memory_space<vmem_shared>>)
        tpu.yield
      }) : () -> ()
      "tpu.region"() ({
        %run_scoped3A = tpu.sem_alloc : memref<!tpu.dma_semaphore, #tpu.memory_space<semaphore_mem>>
        %dma_start3A_115 = arith.constant 0 : i32
        %dma_start3A_116 = arith.constant 0 : i32
        %dma_start3A_117 = tpu.memref_slice %arg18[%dma_start3A_115, %dma_start3A_116] : memref<3840x16xf32, #tpu.memory_space<vmem_shared>> -> memref<3840x16xf32, #tpu.memory_space<vmem_shared>>
        tpu.enqueue_indirect_dma source(%arg15 : memref<512x16xf32, #tpu.memory_space<vmem>>) target(%dma_start3A_117 : memref<3840x16xf32, #tpu.memory_space<vmem_shared>>) offsets(%arg11 : memref<512xi32, #tpu.memory_space<vmem>>) semaphore(%run_scoped3A : memref<!tpu.dma_semaphore, #tpu.memory_space<semaphore_mem>>) {add = true}
        %dma_wait3A_118 = arith.constant 0 : i32
        %dma_wait3A_119 = arith.constant 0 : i32
        %dma_wait3A_120 = tpu.memref_slice %arg18[%dma_wait3A_118, %dma_wait3A_119] : memref<3840x16xf32, #tpu.memory_space<vmem_shared>> -> memref<3840x16xf32, #tpu.memory_space<vmem_shared>>
        tpu.wait_indirect_dma semaphore(%run_scoped3A : memref<!tpu.dma_semaphore, #tpu.memory_space<semaphore_mem>>) src(%arg15 : memref<512x16xf32, #tpu.memory_space<vmem>>) dst(%dma_wait3A_120 : memref<3840x16xf32, #tpu.memory_space<vmem_shared>>)
        tpu.yield
      }) : () -> ()
    }
    %barrier3A_90 = arith.constant 0 : index
    tpu.barrier barrier_id(%barrier3A_90)
    %mul3A_91 = arith.constant 240 : i32
    %mul3A_92 = arith.muli %arg1, %mul3A_91 : i32
    %mul3A_93 = arith.constant 240 : i32
    %mul3A_94 = arith.muli %arg1, %mul3A_93 : i32
    "tpu.region"() ({
      %run_scoped3A = tpu.sem_alloc : memref<!tpu.dma_semaphore, #tpu.memory_space<semaphore_mem>>
      %dma_start3A = arith.constant 0 : i32
      %dma_start3A_99 = arith.constant 0 : i32
      %dma_start3A_100 = tpu.memref_slice %arg9[%arg0, %dma_start3A, %dma_start3A_99] : memref<2x3840x64xf32, #tpu.memory_space<hbm>> -> memref<1x3840x64xf32, #tpu.memory_space<hbm>>
      %dma_start3A_101 = tpu.memref_squeeze %dma_start3A_100 : memref<1x3840x64xf32, #tpu.memory_space<hbm>> -> memref<3840x64xf32, #tpu.memory_space<hbm>>
      %dma_start3A_102 = arith.constant 0 : i32
      %dma_start3A_103 = tpu.memref_slice %dma_start3A_101[%mul3A_94, %dma_start3A_102] : memref<3840x64xf32, #tpu.memory_space<hbm>> -> memref<240x64xf32, #tpu.memory_space<hbm>>
      %dma_start3A_104 = arith.constant 0 : i32
      %dma_start3A_105 = tpu.memref_slice %arg17[%mul3A_92, %dma_start3A_104] : memref<3840x64xf32, #tpu.memory_space<vmem_shared>> -> memref<240x64xf32, #tpu.memory_space<vmem_shared>>
      tpu.enqueue_dma source(%dma_start3A_105 : memref<240x64xf32, #tpu.memory_space<vmem_shared>>) target(%dma_start3A_103 : memref<240x64xf32, #tpu.memory_space<hbm>>) target_semaphore(%run_scoped3A : memref<!tpu.dma_semaphore, #tpu.memory_space<semaphore_mem>>)
      %dma_wait3A = arith.constant 0 : i32
      %dma_wait3A_106 = arith.constant 0 : i32
      %dma_wait3A_107 = tpu.memref_slice %arg9[%arg0, %dma_wait3A, %dma_wait3A_106] : memref<2x3840x64xf32, #tpu.memory_space<hbm>> -> memref<1x3840x64xf32, #tpu.memory_space<hbm>>
      %dma_wait3A_108 = tpu.memref_squeeze %dma_wait3A_107 : memref<1x3840x64xf32, #tpu.memory_space<hbm>> -> memref<3840x64xf32, #tpu.memory_space<hbm>>
      %dma_wait3A_109 = arith.constant 0 : i32
      %dma_wait3A_110 = tpu.memref_slice %dma_wait3A_108[%mul3A_94, %dma_wait3A_109] : memref<3840x64xf32, #tpu.memory_space<hbm>> -> memref<240x64xf32, #tpu.memory_space<hbm>>
      %dma_wait3A_111 = arith.constant 0 : i32
      %dma_wait3A_112 = tpu.memref_slice %arg17[%mul3A_92, %dma_wait3A_111] : memref<3840x64xf32, #tpu.memory_space<vmem_shared>> -> memref<240x64xf32, #tpu.memory_space<vmem_shared>>
      tpu.wait_dma2 semaphore(%run_scoped3A : memref<!tpu.dma_semaphore, #tpu.memory_space<semaphore_mem>>) src(%dma_wait3A_112 : memref<240x64xf32, #tpu.memory_space<vmem_shared>>) dst(%dma_wait3A_110 : memref<240x64xf32, #tpu.memory_space<hbm>>)
      tpu.yield
    }) : () -> ()
    %mul3A_95 = arith.constant 240 : i32
    %mul3A_96 = arith.muli %arg1, %mul3A_95 : i32
    %mul3A_97 = arith.constant 240 : i32
    %mul3A_98 = arith.muli %arg1, %mul3A_97 : i32
    "tpu.region"() ({
      %run_scoped3A = tpu.sem_alloc : memref<!tpu.dma_semaphore, #tpu.memory_space<semaphore_mem>>
      %dma_start3A = arith.constant 0 : i32
      %dma_start3A_99 = arith.constant 0 : i32
      %dma_start3A_100 = tpu.memref_slice %arg10[%arg0, %dma_start3A, %dma_start3A_99] : memref<2x3840x16xf32, #tpu.memory_space<hbm>> -> memref<1x3840x16xf32, #tpu.memory_space<hbm>>
      %dma_start3A_101 = tpu.memref_squeeze %dma_start3A_100 : memref<1x3840x16xf32, #tpu.memory_space<hbm>> -> memref<3840x16xf32, #tpu.memory_space<hbm>>
      %dma_start3A_102 = arith.constant 0 : i32
      %dma_start3A_103 = tpu.memref_slice %dma_start3A_101[%mul3A_98, %dma_start3A_102] : memref<3840x16xf32, #tpu.memory_space<hbm>> -> memref<240x16xf32, #tpu.memory_space<hbm>>
      %dma_start3A_104 = arith.constant 0 : i32
      %dma_start3A_105 = tpu.memref_slice %arg18[%mul3A_96, %dma_start3A_104] : memref<3840x16xf32, #tpu.memory_space<vmem_shared>> -> memref<240x16xf32, #tpu.memory_space<vmem_shared>>
      tpu.enqueue_dma source(%dma_start3A_105 : memref<240x16xf32, #tpu.memory_space<vmem_shared>>) target(%dma_start3A_103 : memref<240x16xf32, #tpu.memory_space<hbm>>) target_semaphore(%run_scoped3A : memref<!tpu.dma_semaphore, #tpu.memory_space<semaphore_mem>>)
      %dma_wait3A = arith.constant 0 : i32
      %dma_wait3A_106 = arith.constant 0 : i32
      %dma_wait3A_107 = tpu.memref_slice %arg10[%arg0, %dma_wait3A, %dma_wait3A_106] : memref<2x3840x16xf32, #tpu.memory_space<hbm>> -> memref<1x3840x16xf32, #tpu.memory_space<hbm>>
      %dma_wait3A_108 = tpu.memref_squeeze %dma_wait3A_107 : memref<1x3840x16xf32, #tpu.memory_space<hbm>> -> memref<3840x16xf32, #tpu.memory_space<hbm>>
      %dma_wait3A_109 = arith.constant 0 : i32
      %dma_wait3A_110 = tpu.memref_slice %dma_wait3A_108[%mul3A_98, %dma_wait3A_109] : memref<3840x16xf32, #tpu.memory_space<hbm>> -> memref<240x16xf32, #tpu.memory_space<hbm>>
      %dma_wait3A_111 = arith.constant 0 : i32
      %dma_wait3A_112 = tpu.memref_slice %arg18[%mul3A_96, %dma_wait3A_111] : memref<3840x16xf32, #tpu.memory_space<vmem_shared>> -> memref<240x16xf32, #tpu.memory_space<vmem_shared>>
      tpu.wait_dma2 semaphore(%run_scoped3A : memref<!tpu.dma_semaphore, #tpu.memory_space<semaphore_mem>>) src(%dma_wait3A_112 : memref<240x16xf32, #tpu.memory_space<vmem_shared>>) dst(%dma_wait3A_110 : memref<240x16xf32, #tpu.memory_space<hbm>>)
      tpu.yield
    }) : () -> ()
    return
  }
}

#map = affine_map<(d0, d1) -> (0)>
#map1 = affine_map<(d0, d1) -> (0, 0)>
#map2 = affine_map<(d0, d1) -> (0, 0, 0)>
module attributes {stable_mosaic.version = 14 : i64} {
  func.func @agg(%arg0: i32, %arg1: i32, %arg2: memref<81920xi32, #tpu.memory_space<hbm>>, %arg3: memref<81920xi32, #tpu.memory_space<hbm>>, %arg4: memref<3840x64xf32, #tpu.memory_space<hbm>>, %arg5: memref<32x16xi32, #tpu.memory_space<hbm>>, %arg6: memref<3840x64xf32, #tpu.memory_space<hbm>>, %arg7: memref<3840x16xf32, #tpu.memory_space<hbm>>, %arg8: memref<512x16xf32, #tpu.memory_space<hbm>>, %arg9: memref<2x3840x64xf32, #tpu.memory_space<hbm>>, %arg10: memref<2x3840x16xf32, #tpu.memory_space<hbm>>, %arg11: memref<512xi32, #tpu.memory_space<vmem>>, %arg12: memref<512xi32, #tpu.memory_space<vmem>>, %arg13: memref<512x64xf32, #tpu.memory_space<vmem>>, %arg14: memref<512x64xf32, #tpu.memory_space<vmem>>, %arg15: memref<512x16xf32, #tpu.memory_space<vmem>>, %arg16: memref<32x16xi32, #tpu.memory_space<vmem>>, %arg17: memref<3840x64xf32, #tpu.memory_space<vmem_shared>>, %arg18: memref<3840x16xf32, #tpu.memory_space<vmem_shared>>, %arg19: memref<!tpu.dma_semaphore, #tpu.memory_space<semaphore_mem>>, %arg20: memref<!tpu.dma_semaphore, #tpu.memory_space<semaphore_mem>>) attributes {dimension_semantics = [#tpu.dimension_semantics<core_parallel>, #tpu.dimension_semantics<subcore_parallel>], iteration_bounds = array<i64: 2, 16>, scalar_prefetch = 0 : i64, scratch_operands = 10 : i64, tpu.core_type = #tpu.core_type<sc_vector_subcore>, window_params = [{transform_indices = #map}, {transform_indices = #map}, {transform_indices = #map1}, {transform_indices = #map1}, {transform_indices = #map1}, {transform_indices = #map1}, {transform_indices = #map1}, {transform_indices = #map2}, {transform_indices = #map2}]} {
    %mul3A = arith.constant 16 : i32
    %mul3A_0 = arith.muli %arg0, %mul3A : i32
    %add3A = arith.addi %mul3A_0, %arg1 : i32
    %iota3A = tpu.iota {dimensions = array<i32: 0>} : vector<16xi32>
    %broadcast_in_dim3A = arith.constant 0 : i32
    %broadcast_in_dim3A_1 = vector.broadcast %broadcast_in_dim3A : i32 to vector<16xi32>
    "tpu.region"() ({
      %run_scoped3A = tpu.sem_alloc : memref<!tpu.dma_semaphore, #tpu.memory_space<semaphore_mem>>
      tpu.enqueue_dma source(%arg5 : memref<32x16xi32, #tpu.memory_space<hbm>>) target(%arg16 : memref<32x16xi32, #tpu.memory_space<vmem>>) target_semaphore(%run_scoped3A : memref<!tpu.dma_semaphore, #tpu.memory_space<semaphore_mem>>)
      tpu.wait_dma2 semaphore(%run_scoped3A : memref<!tpu.dma_semaphore, #tpu.memory_space<semaphore_mem>>) src(%arg5 : memref<32x16xi32, #tpu.memory_space<hbm>>) dst(%arg16 : memref<32x16xi32, #tpu.memory_space<vmem>>)
      tpu.yield
    }) : () -> ()
    %gather3A = tpu.vector_load_idx %arg16[%iota3A, %broadcast_in_dim3A_1] : memref<32x16xi32, #tpu.memory_space<vmem>>[vector<16xi32>, vector<16xi32>], vector<16xi32>,
    %add3A_2 = arith.constant 16 : i32
    %add3A_3 = vector.broadcast %add3A_2 : i32 to vector<16xi32>
    %add3A_4 = arith.addi %iota3A, %add3A_3 : vector<16xi32>
    %gather3A_5 = tpu.vector_load_idx %arg16[%add3A_4, %broadcast_in_dim3A_1] : memref<32x16xi32, #tpu.memory_space<vmem>>[vector<16xi32>, vector<16xi32>], vector<16xi32>,
    %add3A_6 = arith.constant 511 : i32
    %add3A_7 = vector.broadcast %add3A_6 : i32 to vector<16xi32>
    %add3A_8 = arith.addi %gather3A, %add3A_7 : vector<16xi32>
    %shift_right_arithmetic3A = arith.constant 9 : i32
    %shift_right_arithmetic3A_9 = vector.broadcast %shift_right_arithmetic3A : i32 to vector<16xi32>
    %shift_right_arithmetic3A_10 = arith.shrsi %add3A_8, %shift_right_arithmetic3A_9 : vector<16xi32>
    %shift_left3A = arith.constant 9 : i32
    %shift_left3A_11 = vector.broadcast %shift_left3A : i32 to vector<16xi32>
    %shift_left3A_12 = arith.shli %shift_right_arithmetic3A_10, %shift_left3A_11 : vector<16xi32>
    %reduce_sum3A = arith.constant true
    %reduce_sum3A_13 = vector.broadcast %reduce_sum3A : i1 to vector<16xi1>
    %reduce_sum3A_14 = tpu.scan <sum>, %shift_left3A_12 masked %reduce_sum3A_13 : vector<16xi32>, vector<16xi1> -> vector<16xi32>
    %reduce_sum3A_15 = vector.extract %reduce_sum3A_14[15] : i32 from vector<16xi32>
    %add3A_16 = arith.constant 511 : i32
    %add3A_17 = vector.broadcast %add3A_16 : i32 to vector<16xi32>
    %add3A_18 = arith.addi %gather3A_5, %add3A_17 : vector<16xi32>
    %shift_right_arithmetic3A_19 = arith.constant 9 : i32
    %shift_right_arithmetic3A_20 = vector.broadcast %shift_right_arithmetic3A_19 : i32 to vector<16xi32>
    %shift_right_arithmetic3A_21 = arith.shrsi %add3A_18, %shift_right_arithmetic3A_20 : vector<16xi32>
    %shift_left3A_22 = arith.constant 9 : i32
    %shift_left3A_23 = vector.broadcast %shift_left3A_22 : i32 to vector<16xi32>
    %shift_left3A_24 = arith.shli %shift_right_arithmetic3A_21, %shift_left3A_23 : vector<16xi32>
    %reduce_sum3A_25 = arith.constant true
    %reduce_sum3A_26 = vector.broadcast %reduce_sum3A_25 : i1 to vector<16xi1>
    %reduce_sum3A_27 = tpu.scan <sum>, %shift_left3A_24 masked %reduce_sum3A_26 : vector<16xi32>, vector<16xi1> -> vector<16xi32>
    %reduce_sum3A_28 = vector.extract %reduce_sum3A_27[15] : i32 from vector<16xi32>
    %add3A_29 = arith.addi %reduce_sum3A_15, %reduce_sum3A_28 : i32
    %jit3A = arith.constant 512 : i32
    %div3A = arith.divsi %add3A_29, %jit3A : i32
    %sign3A = arith.constant 0 : i32
    %sign3A_30 = arith.cmpi sgt, %add3A_29, %sign3A : i32
    %sign3A_31 = arith.extui %sign3A_30 : i1 to i32
    %sign3A_32 = arith.constant 0 : i32
    %sign3A_33 = arith.cmpi slt, %add3A_29, %sign3A_32 : i32
    %sign3A_34 = arith.extui %sign3A_33 : i1 to i32
    %sign3A_35 = arith.subi %sign3A_31, %sign3A_34 : i32
    %sign3A_36 = arith.constant 0 : i32
    %sign3A_37 = arith.cmpi sgt, %jit3A, %sign3A_36 : i32
    %sign3A_38 = arith.extui %sign3A_37 : i1 to i32
    %sign3A_39 = arith.constant 0 : i32
    %sign3A_40 = arith.cmpi slt, %jit3A, %sign3A_39 : i32
    %sign3A_41 = arith.extui %sign3A_40 : i1 to i32
    %sign3A_42 = arith.subi %sign3A_38, %sign3A_41 : i32
    %ne3A = arith.cmpi ne, %sign3A_35, %sign3A_42 : i32
    %rem3A = arith.remsi %add3A_29, %jit3A : i32
    %ne3A_43 = arith.constant 0 : i32
    %ne3A_44 = arith.cmpi ne, %rem3A, %ne3A_43 : i32
    %and3A = arith.andi %ne3A, %ne3A_44 : i1
    %sub3A = arith.constant 1 : i32
    %sub3A_45 = arith.subi %div3A, %sub3A : i32
    %select_n3A = arith.select %and3A, %sub3A_45, %div3A : i32
    %mul3A_46 = arith.constant 240 : i32
    %mul3A_47 = arith.muli %arg1, %mul3A_46 : i32
    %mul3A_48 = arith.constant 240 : i32
    %mul3A_49 = arith.muli %arg1, %mul3A_48 : i32
    "tpu.region"() ({
      %run_scoped3A = tpu.sem_alloc : memref<!tpu.dma_semaphore, #tpu.memory_space<semaphore_mem>>
      %dma_start3A = arith.constant 0 : i32
      %dma_start3A_99 = tpu.memref_slice %arg17[%mul3A_49, %dma_start3A] : memref<3840x64xf32, #tpu.memory_space<vmem_shared>> -> memref<240x64xf32, #tpu.memory_space<vmem_shared>>
      %dma_start3A_100 = arith.constant 0 : i32
      %dma_start3A_101 = tpu.memref_slice %arg6[%mul3A_47, %dma_start3A_100] : memref<3840x64xf32, #tpu.memory_space<hbm>> -> memref<240x64xf32, #tpu.memory_space<hbm>>
      tpu.enqueue_dma source(%dma_start3A_101 : memref<240x64xf32, #tpu.memory_space<hbm>>) target(%dma_start3A_99 : memref<240x64xf32, #tpu.memory_space<vmem_shared>>) target_semaphore(%run_scoped3A : memref<!tpu.dma_semaphore, #tpu.memory_space<semaphore_mem>>)
      %dma_wait3A = arith.constant 0 : i32
      %dma_wait3A_102 = tpu.memref_slice %arg17[%mul3A_49, %dma_wait3A] : memref<3840x64xf32, #tpu.memory_space<vmem_shared>> -> memref<240x64xf32, #tpu.memory_space<vmem_shared>>
      %dma_wait3A_103 = arith.constant 0 : i32
      %dma_wait3A_104 = tpu.memref_slice %arg6[%mul3A_47, %dma_wait3A_103] : memref<3840x64xf32, #tpu.memory_space<hbm>> -> memref<240x64xf32, #tpu.memory_space<hbm>>
      tpu.wait_dma2 semaphore(%run_scoped3A : memref<!tpu.dma_semaphore, #tpu.memory_space<semaphore_mem>>) src(%dma_wait3A_104 : memref<240x64xf32, #tpu.memory_space<hbm>>) dst(%dma_wait3A_102 : memref<240x64xf32, #tpu.memory_space<vmem_shared>>)
      tpu.yield
    }) : () -> ()
    %mul3A_50 = arith.constant 240 : i32
    %mul3A_51 = arith.muli %arg1, %mul3A_50 : i32
    %mul3A_52 = arith.constant 240 : i32
    %mul3A_53 = arith.muli %arg1, %mul3A_52 : i32
    "tpu.region"() ({
      %run_scoped3A = tpu.sem_alloc : memref<!tpu.dma_semaphore, #tpu.memory_space<semaphore_mem>>
      %dma_start3A = arith.constant 0 : i32
      %dma_start3A_99 = tpu.memref_slice %arg18[%mul3A_53, %dma_start3A] : memref<3840x16xf32, #tpu.memory_space<vmem_shared>> -> memref<240x16xf32, #tpu.memory_space<vmem_shared>>
      %dma_start3A_100 = arith.constant 0 : i32
      %dma_start3A_101 = tpu.memref_slice %arg7[%mul3A_51, %dma_start3A_100] : memref<3840x16xf32, #tpu.memory_space<hbm>> -> memref<240x16xf32, #tpu.memory_space<hbm>>
      tpu.enqueue_dma source(%dma_start3A_101 : memref<240x16xf32, #tpu.memory_space<hbm>>) target(%dma_start3A_99 : memref<240x16xf32, #tpu.memory_space<vmem_shared>>) target_semaphore(%run_scoped3A : memref<!tpu.dma_semaphore, #tpu.memory_space<semaphore_mem>>)
      %dma_wait3A = arith.constant 0 : i32
      %dma_wait3A_102 = tpu.memref_slice %arg18[%mul3A_53, %dma_wait3A] : memref<3840x16xf32, #tpu.memory_space<vmem_shared>> -> memref<240x16xf32, #tpu.memory_space<vmem_shared>>
      %dma_wait3A_103 = arith.constant 0 : i32
      %dma_wait3A_104 = tpu.memref_slice %arg7[%mul3A_51, %dma_wait3A_103] : memref<3840x16xf32, #tpu.memory_space<hbm>> -> memref<240x16xf32, #tpu.memory_space<hbm>>
      tpu.wait_dma2 semaphore(%run_scoped3A : memref<!tpu.dma_semaphore, #tpu.memory_space<semaphore_mem>>) src(%dma_wait3A_104 : memref<240x16xf32, #tpu.memory_space<hbm>>) dst(%dma_wait3A_102 : memref<240x16xf32, #tpu.memory_space<vmem_shared>>)
      tpu.yield
    }) : () -> ()
    "tpu.region"() ({
      %run_scoped3A = tpu.sem_alloc : memref<!tpu.dma_semaphore, #tpu.memory_space<semaphore_mem>>
      tpu.enqueue_dma source(%arg8 : memref<512x16xf32, #tpu.memory_space<hbm>>) target(%arg15 : memref<512x16xf32, #tpu.memory_space<vmem>>) target_semaphore(%run_scoped3A : memref<!tpu.dma_semaphore, #tpu.memory_space<semaphore_mem>>)
      tpu.wait_dma2 semaphore(%run_scoped3A : memref<!tpu.dma_semaphore, #tpu.memory_space<semaphore_mem>>) src(%arg8 : memref<512x16xf32, #tpu.memory_space<hbm>>) dst(%arg15 : memref<512x16xf32, #tpu.memory_space<vmem>>)
      tpu.yield
    }) : () -> ()
    %barrier3A = arith.constant 0 : index
    tpu.barrier barrier_id(%barrier3A)
    %sub3A_54 = arith.subi %select_n3A, %add3A : i32
    %add3A_55 = arith.constant 31 : i32
    %add3A_56 = arith.addi %sub3A_54, %add3A_55 : i32
    %jit3A_57 = arith.constant 32 : i32
    %div3A_58 = arith.divsi %add3A_56, %jit3A_57 : i32
    %sign3A_59 = arith.constant 0 : i32
    %sign3A_60 = arith.cmpi sgt, %add3A_56, %sign3A_59 : i32
    %sign3A_61 = arith.extui %sign3A_60 : i1 to i32
    %sign3A_62 = arith.constant 0 : i32
    %sign3A_63 = arith.cmpi slt, %add3A_56, %sign3A_62 : i32
    %sign3A_64 = arith.extui %sign3A_63 : i1 to i32
    %sign3A_65 = arith.subi %sign3A_61, %sign3A_64 : i32
    %sign3A_66 = arith.constant 0 : i32
    %sign3A_67 = arith.cmpi sgt, %jit3A_57, %sign3A_66 : i32
    %sign3A_68 = arith.extui %sign3A_67 : i1 to i32
    %sign3A_69 = arith.constant 0 : i32
    %sign3A_70 = arith.cmpi slt, %jit3A_57, %sign3A_69 : i32
    %sign3A_71 = arith.extui %sign3A_70 : i1 to i32
    %sign3A_72 = arith.subi %sign3A_68, %sign3A_71 : i32
    %ne3A_73 = arith.cmpi ne, %sign3A_65, %sign3A_72 : i32
    %rem3A_74 = arith.remsi %add3A_56, %jit3A_57 : i32
    %ne3A_75 = arith.constant 0 : i32
    %ne3A_76 = arith.cmpi ne, %rem3A_74, %ne3A_75 : i32
    %and3A_77 = arith.andi %ne3A_73, %ne3A_76 : i1
    %sub3A_78 = arith.constant 1 : i32
    %sub3A_79 = arith.subi %div3A_58, %sub3A_78 : i32
    %select_n3A_80 = arith.select %and3A_77, %sub3A_79, %div3A_58 : i32
    %while3A = arith.constant 0 : i32
    %while3A_81 = arith.constant 0 : i32
    %while3A_82 = arith.subi %select_n3A_80, %while3A_81 : i32
    %while3A_83 = arith.addi %while3A_81, %while3A_82 : i32
    %while3A_84 = arith.constant 1 : i32
    %while3A_85 = arith.divsi %while3A_82, %while3A_84 : i32
    %while3A_86 = arith.muli %while3A_85, %while3A_84 : i32
    %while3A_87 = arith.addi %while3A_81, %while3A_86 : i32
    %while3A_88 = arith.constant 1 : i32
    scf.for %while3A_99 = %while3A_81 to %while3A_87 step %while3A_88  : i32 {
      %mul3A_100 = arith.constant 32 : i32
      %mul3A_101 = arith.muli %mul3A_100, %while3A_99 : i32
      %add3A_102 = arith.addi %add3A, %mul3A_101 : i32
      %mul3A_103 = arith.constant 512 : i32
      %mul3A_104 = arith.muli %add3A_102, %mul3A_103 : i32
      "tpu.region"() ({
        %run_scoped3A = tpu.sem_alloc : memref<!tpu.dma_semaphore, #tpu.memory_space<semaphore_mem>>
        %dma_start3A_115 = tpu.memref_slice %arg2[%mul3A_104] : memref<81920xi32, #tpu.memory_space<hbm>> -> memref<512xi32, #tpu.memory_space<hbm>>
        %dma_start3A_116 = tpu.memref_slice %arg2[%mul3A_104] : memref<81920xi32, #tpu.memory_space<hbm>> -> memref<512xi32, #tpu.memory_space<hbm>>
        tpu.enqueue_dma source(%dma_start3A_116 : memref<512xi32, #tpu.memory_space<hbm>>) target(%arg11 : memref<512xi32, #tpu.memory_space<vmem>>) target_semaphore(%run_scoped3A : memref<!tpu.dma_semaphore, #tpu.memory_space<semaphore_mem>>)
        %dma_wait3A_117 = tpu.memref_slice %arg2[%mul3A_104] : memref<81920xi32, #tpu.memory_space<hbm>> -> memref<512xi32, #tpu.memory_space<hbm>>
        %dma_wait3A_118 = tpu.memref_slice %arg2[%mul3A_104] : memref<81920xi32, #tpu.memory_space<hbm>> -> memref<512xi32, #tpu.memory_space<hbm>>
        tpu.wait_dma2 semaphore(%run_scoped3A : memref<!tpu.dma_semaphore, #tpu.memory_space<semaphore_mem>>) src(%dma_wait3A_118 : memref<512xi32, #tpu.memory_space<hbm>>) dst(%arg11 : memref<512xi32, #tpu.memory_space<vmem>>)
        tpu.yield
      }) : () -> ()
      "tpu.region"() ({
        %run_scoped3A = tpu.sem_alloc : memref<!tpu.dma_semaphore, #tpu.memory_space<semaphore_mem>>
        %dma_start3A_115 = tpu.memref_slice %arg3[%mul3A_104] : memref<81920xi32, #tpu.memory_space<hbm>> -> memref<512xi32, #tpu.memory_space<hbm>>
        %dma_start3A_116 = tpu.memref_slice %arg3[%mul3A_104] : memref<81920xi32, #tpu.memory_space<hbm>> -> memref<512xi32, #tpu.memory_space<hbm>>
        tpu.enqueue_dma source(%dma_start3A_116 : memref<512xi32, #tpu.memory_space<hbm>>) target(%arg12 : memref<512xi32, #tpu.memory_space<vmem>>) target_semaphore(%run_scoped3A : memref<!tpu.dma_semaphore, #tpu.memory_space<semaphore_mem>>)
        %dma_wait3A_117 = tpu.memref_slice %arg3[%mul3A_104] : memref<81920xi32, #tpu.memory_space<hbm>> -> memref<512xi32, #tpu.memory_space<hbm>>
        %dma_wait3A_118 = tpu.memref_slice %arg3[%mul3A_104] : memref<81920xi32, #tpu.memory_space<hbm>> -> memref<512xi32, #tpu.memory_space<hbm>>
        tpu.wait_dma2 semaphore(%run_scoped3A : memref<!tpu.dma_semaphore, #tpu.memory_space<semaphore_mem>>) src(%dma_wait3A_118 : memref<512xi32, #tpu.memory_space<hbm>>) dst(%arg12 : memref<512xi32, #tpu.memory_space<vmem>>)
        tpu.yield
      }) : () -> ()
      %dma_start3A = arith.constant 0 : i32
      %dma_start3A_105 = arith.constant 0 : i32
      %dma_start3A_106 = tpu.memref_slice %arg4[%dma_start3A, %dma_start3A_105] : memref<3840x64xf32, #tpu.memory_space<hbm>> -> memref<3840x64xf32, #tpu.memory_space<hbm>>
      tpu.enqueue_indirect_dma source(%dma_start3A_106 : memref<3840x64xf32, #tpu.memory_space<hbm>>) target(%arg13 : memref<512x64xf32, #tpu.memory_space<vmem>>) offsets(%arg11 : memref<512xi32, #tpu.memory_space<vmem>>) semaphore(%arg19 : memref<!tpu.dma_semaphore, #tpu.memory_space<semaphore_mem>>)
      %dma_start3A_107 = arith.constant 0 : i32
      %dma_start3A_108 = arith.constant 0 : i32
      %dma_start3A_109 = tpu.memref_slice %arg4[%dma_start3A_107, %dma_start3A_108] : memref<3840x64xf32, #tpu.memory_space<hbm>> -> memref<3840x64xf32, #tpu.memory_space<hbm>>
      tpu.enqueue_indirect_dma source(%dma_start3A_109 : memref<3840x64xf32, #tpu.memory_space<hbm>>) target(%arg14 : memref<512x64xf32, #tpu.memory_space<vmem>>) offsets(%arg12 : memref<512xi32, #tpu.memory_space<vmem>>) semaphore(%arg20 : memref<!tpu.dma_semaphore, #tpu.memory_space<semaphore_mem>>)
      %dma_wait3A = arith.constant 0 : i32
      %dma_wait3A_110 = arith.constant 0 : i32
      %dma_wait3A_111 = tpu.memref_slice %arg4[%dma_wait3A, %dma_wait3A_110] : memref<3840x64xf32, #tpu.memory_space<hbm>> -> memref<3840x64xf32, #tpu.memory_space<hbm>>
      tpu.wait_indirect_dma semaphore(%arg19 : memref<!tpu.dma_semaphore, #tpu.memory_space<semaphore_mem>>) src(%dma_wait3A_111 : memref<3840x64xf32, #tpu.memory_space<hbm>>) dst(%arg13 : memref<512x64xf32, #tpu.memory_space<vmem>>)
      %dma_wait3A_112 = arith.constant 0 : i32
      %dma_wait3A_113 = arith.constant 0 : i32
      %dma_wait3A_114 = tpu.memref_slice %arg4[%dma_wait3A_112, %dma_wait3A_113] : memref<3840x64xf32, #tpu.memory_space<hbm>> -> memref<3840x64xf32, #tpu.memory_space<hbm>>
      tpu.wait_indirect_dma semaphore(%arg20 : memref<!tpu.dma_semaphore, #tpu.memory_space<semaphore_mem>>) src(%dma_wait3A_114 : memref<3840x64xf32, #tpu.memory_space<hbm>>) dst(%arg14 : memref<512x64xf32, #tpu.memory_space<vmem>>)
      "tpu.region"() ({
        %run_scoped3A = tpu.sem_alloc : memref<!tpu.dma_semaphore, #tpu.memory_space<semaphore_mem>>
        %dma_start3A_115 = arith.constant 0 : i32
        %dma_start3A_116 = arith.constant 0 : i32
        %dma_start3A_117 = tpu.memref_slice %arg17[%dma_start3A_115, %dma_start3A_116] : memref<3840x64xf32, #tpu.memory_space<vmem_shared>> -> memref<3840x64xf32, #tpu.memory_space<vmem_shared>>
        tpu.enqueue_indirect_dma source(%arg13 : memref<512x64xf32, #tpu.memory_space<vmem>>) target(%dma_start3A_117 : memref<3840x64xf32, #tpu.memory_space<vmem_shared>>) offsets(%arg12 : memref<512xi32, #tpu.memory_space<vmem>>) semaphore(%run_scoped3A : memref<!tpu.dma_semaphore, #tpu.memory_space<semaphore_mem>>) {add = true}
        %dma_wait3A_118 = arith.constant 0 : i32
        %dma_wait3A_119 = arith.constant 0 : i32
        %dma_wait3A_120 = tpu.memref_slice %arg17[%dma_wait3A_118, %dma_wait3A_119] : memref<3840x64xf32, #tpu.memory_space<vmem_shared>> -> memref<3840x64xf32, #tpu.memory_space<vmem_shared>>
        tpu.wait_indirect_dma semaphore(%run_scoped3A : memref<!tpu.dma_semaphore, #tpu.memory_space<semaphore_mem>>) src(%arg13 : memref<512x64xf32, #tpu.memory_space<vmem>>) dst(%dma_wait3A_120 : memref<3840x64xf32, #tpu.memory_space<vmem_shared>>)
        tpu.yield
      }) : () -> ()
      "tpu.region"() ({
        %run_scoped3A = tpu.sem_alloc : memref<!tpu.dma_semaphore, #tpu.memory_space<semaphore_mem>>
        %dma_start3A_115 = arith.constant 0 : i32
        %dma_start3A_116 = arith.constant 0 : i32
        %dma_start3A_117 = tpu.memref_slice %arg17[%dma_start3A_115, %dma_start3A_116] : memref<3840x64xf32, #tpu.memory_space<vmem_shared>> -> memref<3840x64xf32, #tpu.memory_space<vmem_shared>>
        tpu.enqueue_indirect_dma source(%arg14 : memref<512x64xf32, #tpu.memory_space<vmem>>) target(%dma_start3A_117 : memref<3840x64xf32, #tpu.memory_space<vmem_shared>>) offsets(%arg11 : memref<512xi32, #tpu.memory_space<vmem>>) semaphore(%run_scoped3A : memref<!tpu.dma_semaphore, #tpu.memory_space<semaphore_mem>>) {add = true}
        %dma_wait3A_118 = arith.constant 0 : i32
        %dma_wait3A_119 = arith.constant 0 : i32
        %dma_wait3A_120 = tpu.memref_slice %arg17[%dma_wait3A_118, %dma_wait3A_119] : memref<3840x64xf32, #tpu.memory_space<vmem_shared>> -> memref<3840x64xf32, #tpu.memory_space<vmem_shared>>
        tpu.wait_indirect_dma semaphore(%run_scoped3A : memref<!tpu.dma_semaphore, #tpu.memory_space<semaphore_mem>>) src(%arg14 : memref<512x64xf32, #tpu.memory_space<vmem>>) dst(%dma_wait3A_120 : memref<3840x64xf32, #tpu.memory_space<vmem_shared>>)
        tpu.yield
      }) : () -> ()
      "tpu.region"() ({
        %run_scoped3A = tpu.sem_alloc : memref<!tpu.dma_semaphore, #tpu.memory_space<semaphore_mem>>
        %dma_start3A_115 = arith.constant 0 : i32
        %dma_start3A_116 = arith.constant 0 : i32
        %dma_start3A_117 = tpu.memref_slice %arg18[%dma_start3A_115, %dma_start3A_116] : memref<3840x16xf32, #tpu.memory_space<vmem_shared>> -> memref<3840x16xf32, #tpu.memory_space<vmem_shared>>
        tpu.enqueue_indirect_dma source(%arg15 : memref<512x16xf32, #tpu.memory_space<vmem>>) target(%dma_start3A_117 : memref<3840x16xf32, #tpu.memory_space<vmem_shared>>) offsets(%arg12 : memref<512xi32, #tpu.memory_space<vmem>>) semaphore(%run_scoped3A : memref<!tpu.dma_semaphore, #tpu.memory_space<semaphore_mem>>) {add = true}
        %dma_wait3A_118 = arith.constant 0 : i32
        %dma_wait3A_119 = arith.constant 0 : i32
        %dma_wait3A_120 = tpu.memref_slice %arg18[%dma_wait3A_118, %dma_wait3A_119] : memref<3840x16xf32, #tpu.memory_space<vmem_shared>> -> memref<3840x16xf32, #tpu.memory_space<vmem_shared>>
        tpu.wait_indirect_dma semaphore(%run_scoped3A : memref<!tpu.dma_semaphore, #tpu.memory_space<semaphore_mem>>) src(%arg15 : memref<512x16xf32, #tpu.memory_space<vmem>>) dst(%dma_wait3A_120 : memref<3840x16xf32, #tpu.memory_space<vmem_shared>>)
        tpu.yield
      }) : () -> ()
      "tpu.region"() ({
        %run_scoped3A = tpu.sem_alloc : memref<!tpu.dma_semaphore, #tpu.memory_space<semaphore_mem>>
        %dma_start3A_115 = arith.constant 0 : i32
        %dma_start3A_116 = arith.constant 0 : i32
        %dma_start3A_117 = tpu.memref_slice %arg18[%dma_start3A_115, %dma_start3A_116] : memref<3840x16xf32, #tpu.memory_space<vmem_shared>> -> memref<3840x16xf32, #tpu.memory_space<vmem_shared>>
        tpu.enqueue_indirect_dma source(%arg15 : memref<512x16xf32, #tpu.memory_space<vmem>>) target(%dma_start3A_117 : memref<3840x16xf32, #tpu.memory_space<vmem_shared>>) offsets(%arg11 : memref<512xi32, #tpu.memory_space<vmem>>) semaphore(%run_scoped3A : memref<!tpu.dma_semaphore, #tpu.memory_space<semaphore_mem>>) {add = true}
        %dma_wait3A_118 = arith.constant 0 : i32
        %dma_wait3A_119 = arith.constant 0 : i32
        %dma_wait3A_120 = tpu.memref_slice %arg18[%dma_wait3A_118, %dma_wait3A_119] : memref<3840x16xf32, #tpu.memory_space<vmem_shared>> -> memref<3840x16xf32, #tpu.memory_space<vmem_shared>>
        tpu.wait_indirect_dma semaphore(%run_scoped3A : memref<!tpu.dma_semaphore, #tpu.memory_space<semaphore_mem>>) src(%arg15 : memref<512x16xf32, #tpu.memory_space<vmem>>) dst(%dma_wait3A_120 : memref<3840x16xf32, #tpu.memory_space<vmem_shared>>)
        tpu.yield
      }) : () -> ()
    }
    %while3A_89 = arith.constant 1 : i32
    scf.for %while3A_99 = %while3A_87 to %while3A_83 step %while3A_89  : i32 {
      %mul3A_100 = arith.constant 32 : i32
      %mul3A_101 = arith.muli %mul3A_100, %while3A_99 : i32
      %add3A_102 = arith.addi %add3A, %mul3A_101 : i32
      %mul3A_103 = arith.constant 512 : i32
      %mul3A_104 = arith.muli %add3A_102, %mul3A_103 : i32
      "tpu.region"() ({
        %run_scoped3A = tpu.sem_alloc : memref<!tpu.dma_semaphore, #tpu.memory_space<semaphore_mem>>
        %dma_start3A_115 = tpu.memref_slice %arg2[%mul3A_104] : memref<81920xi32, #tpu.memory_space<hbm>> -> memref<512xi32, #tpu.memory_space<hbm>>
        %dma_start3A_116 = tpu.memref_slice %arg2[%mul3A_104] : memref<81920xi32, #tpu.memory_space<hbm>> -> memref<512xi32, #tpu.memory_space<hbm>>
        tpu.enqueue_dma source(%dma_start3A_116 : memref<512xi32, #tpu.memory_space<hbm>>) target(%arg11 : memref<512xi32, #tpu.memory_space<vmem>>) target_semaphore(%run_scoped3A : memref<!tpu.dma_semaphore, #tpu.memory_space<semaphore_mem>>)
        %dma_wait3A_117 = tpu.memref_slice %arg2[%mul3A_104] : memref<81920xi32, #tpu.memory_space<hbm>> -> memref<512xi32, #tpu.memory_space<hbm>>
        %dma_wait3A_118 = tpu.memref_slice %arg2[%mul3A_104] : memref<81920xi32, #tpu.memory_space<hbm>> -> memref<512xi32, #tpu.memory_space<hbm>>
        tpu.wait_dma2 semaphore(%run_scoped3A : memref<!tpu.dma_semaphore, #tpu.memory_space<semaphore_mem>>) src(%dma_wait3A_118 : memref<512xi32, #tpu.memory_space<hbm>>) dst(%arg11 : memref<512xi32, #tpu.memory_space<vmem>>)
        tpu.yield
      }) : () -> ()
      "tpu.region"() ({
        %run_scoped3A = tpu.sem_alloc : memref<!tpu.dma_semaphore, #tpu.memory_space<semaphore_mem>>
        %dma_start3A_115 = tpu.memref_slice %arg3[%mul3A_104] : memref<81920xi32, #tpu.memory_space<hbm>> -> memref<512xi32, #tpu.memory_space<hbm>>
        %dma_start3A_116 = tpu.memref_slice %arg3[%mul3A_104] : memref<81920xi32, #tpu.memory_space<hbm>> -> memref<512xi32, #tpu.memory_space<hbm>>
        tpu.enqueue_dma source(%dma_start3A_116 : memref<512xi32, #tpu.memory_space<hbm>>) target(%arg12 : memref<512xi32, #tpu.memory_space<vmem>>) target_semaphore(%run_scoped3A : memref<!tpu.dma_semaphore, #tpu.memory_space<semaphore_mem>>)
        %dma_wait3A_117 = tpu.memref_slice %arg3[%mul3A_104] : memref<81920xi32, #tpu.memory_space<hbm>> -> memref<512xi32, #tpu.memory_space<hbm>>
        %dma_wait3A_118 = tpu.memref_slice %arg3[%mul3A_104] : memref<81920xi32, #tpu.memory_space<hbm>> -> memref<512xi32, #tpu.memory_space<hbm>>
        tpu.wait_dma2 semaphore(%run_scoped3A : memref<!tpu.dma_semaphore, #tpu.memory_space<semaphore_mem>>) src(%dma_wait3A_118 : memref<512xi32, #tpu.memory_space<hbm>>) dst(%arg12 : memref<512xi32, #tpu.memory_space<vmem>>)
        tpu.yield
      }) : () -> ()
      %dma_start3A = arith.constant 0 : i32
      %dma_start3A_105 = arith.constant 0 : i32
      %dma_start3A_106 = tpu.memref_slice %arg4[%dma_start3A, %dma_start3A_105] : memref<3840x64xf32, #tpu.memory_space<hbm>> -> memref<3840x64xf32, #tpu.memory_space<hbm>>
      tpu.enqueue_indirect_dma source(%dma_start3A_106 : memref<3840x64xf32, #tpu.memory_space<hbm>>) target(%arg13 : memref<512x64xf32, #tpu.memory_space<vmem>>) offsets(%arg11 : memref<512xi32, #tpu.memory_space<vmem>>) semaphore(%arg19 : memref<!tpu.dma_semaphore, #tpu.memory_space<semaphore_mem>>)
      %dma_start3A_107 = arith.constant 0 : i32
      %dma_start3A_108 = arith.constant 0 : i32
      %dma_start3A_109 = tpu.memref_slice %arg4[%dma_start3A_107, %dma_start3A_108] : memref<3840x64xf32, #tpu.memory_space<hbm>> -> memref<3840x64xf32, #tpu.memory_space<hbm>>
      tpu.enqueue_indirect_dma source(%dma_start3A_109 : memref<3840x64xf32, #tpu.memory_space<hbm>>) target(%arg14 : memref<512x64xf32, #tpu.memory_space<vmem>>) offsets(%arg12 : memref<512xi32, #tpu.memory_space<vmem>>) semaphore(%arg20 : memref<!tpu.dma_semaphore, #tpu.memory_space<semaphore_mem>>)
      %dma_wait3A = arith.constant 0 : i32
      %dma_wait3A_110 = arith.constant 0 : i32
      %dma_wait3A_111 = tpu.memref_slice %arg4[%dma_wait3A, %dma_wait3A_110] : memref<3840x64xf32, #tpu.memory_space<hbm>> -> memref<3840x64xf32, #tpu.memory_space<hbm>>
      tpu.wait_indirect_dma semaphore(%arg19 : memref<!tpu.dma_semaphore, #tpu.memory_space<semaphore_mem>>) src(%dma_wait3A_111 : memref<3840x64xf32, #tpu.memory_space<hbm>>) dst(%arg13 : memref<512x64xf32, #tpu.memory_space<vmem>>)
      %dma_wait3A_112 = arith.constant 0 : i32
      %dma_wait3A_113 = arith.constant 0 : i32
      %dma_wait3A_114 = tpu.memref_slice %arg4[%dma_wait3A_112, %dma_wait3A_113] : memref<3840x64xf32, #tpu.memory_space<hbm>> -> memref<3840x64xf32, #tpu.memory_space<hbm>>
      tpu.wait_indirect_dma semaphore(%arg20 : memref<!tpu.dma_semaphore, #tpu.memory_space<semaphore_mem>>) src(%dma_wait3A_114 : memref<3840x64xf32, #tpu.memory_space<hbm>>) dst(%arg14 : memref<512x64xf32, #tpu.memory_space<vmem>>)
      "tpu.region"() ({
        %run_scoped3A = tpu.sem_alloc : memref<!tpu.dma_semaphore, #tpu.memory_space<semaphore_mem>>
        %dma_start3A_115 = arith.constant 0 : i32
        %dma_start3A_116 = arith.constant 0 : i32
        %dma_start3A_117 = tpu.memref_slice %arg17[%dma_start3A_115, %dma_start3A_116] : memref<3840x64xf32, #tpu.memory_space<vmem_shared>> -> memref<3840x64xf32, #tpu.memory_space<vmem_shared>>
        tpu.enqueue_indirect_dma source(%arg13 : memref<512x64xf32, #tpu.memory_space<vmem>>) target(%dma_start3A_117 : memref<3840x64xf32, #tpu.memory_space<vmem_shared>>) offsets(%arg12 : memref<512xi32, #tpu.memory_space<vmem>>) semaphore(%run_scoped3A : memref<!tpu.dma_semaphore, #tpu.memory_space<semaphore_mem>>) {add = true}
        %dma_wait3A_118 = arith.constant 0 : i32
        %dma_wait3A_119 = arith.constant 0 : i32
        %dma_wait3A_120 = tpu.memref_slice %arg17[%dma_wait3A_118, %dma_wait3A_119] : memref<3840x64xf32, #tpu.memory_space<vmem_shared>> -> memref<3840x64xf32, #tpu.memory_space<vmem_shared>>
        tpu.wait_indirect_dma semaphore(%run_scoped3A : memref<!tpu.dma_semaphore, #tpu.memory_space<semaphore_mem>>) src(%arg13 : memref<512x64xf32, #tpu.memory_space<vmem>>) dst(%dma_wait3A_120 : memref<3840x64xf32, #tpu.memory_space<vmem_shared>>)
        tpu.yield
      }) : () -> ()
      "tpu.region"() ({
        %run_scoped3A = tpu.sem_alloc : memref<!tpu.dma_semaphore, #tpu.memory_space<semaphore_mem>>
        %dma_start3A_115 = arith.constant 0 : i32
        %dma_start3A_116 = arith.constant 0 : i32
        %dma_start3A_117 = tpu.memref_slice %arg17[%dma_start3A_115, %dma_start3A_116] : memref<3840x64xf32, #tpu.memory_space<vmem_shared>> -> memref<3840x64xf32, #tpu.memory_space<vmem_shared>>
        tpu.enqueue_indirect_dma source(%arg14 : memref<512x64xf32, #tpu.memory_space<vmem>>) target(%dma_start3A_117 : memref<3840x64xf32, #tpu.memory_space<vmem_shared>>) offsets(%arg11 : memref<512xi32, #tpu.memory_space<vmem>>) semaphore(%run_scoped3A : memref<!tpu.dma_semaphore, #tpu.memory_space<semaphore_mem>>) {add = true}
        %dma_wait3A_118 = arith.constant 0 : i32
        %dma_wait3A_119 = arith.constant 0 : i32
        %dma_wait3A_120 = tpu.memref_slice %arg17[%dma_wait3A_118, %dma_wait3A_119] : memref<3840x64xf32, #tpu.memory_space<vmem_shared>> -> memref<3840x64xf32, #tpu.memory_space<vmem_shared>>
        tpu.wait_indirect_dma semaphore(%run_scoped3A : memref<!tpu.dma_semaphore, #tpu.memory_space<semaphore_mem>>) src(%arg14 : memref<512x64xf32, #tpu.memory_space<vmem>>) dst(%dma_wait3A_120 : memref<3840x64xf32, #tpu.memory_space<vmem_shared>>)
        tpu.yield
      }) : () -> ()
      "tpu.region"() ({
        %run_scoped3A = tpu.sem_alloc : memref<!tpu.dma_semaphore, #tpu.memory_space<semaphore_mem>>
        %dma_start3A_115 = arith.constant 0 : i32
        %dma_start3A_116 = arith.constant 0 : i32
        %dma_start3A_117 = tpu.memref_slice %arg18[%dma_start3A_115, %dma_start3A_116] : memref<3840x16xf32, #tpu.memory_space<vmem_shared>> -> memref<3840x16xf32, #tpu.memory_space<vmem_shared>>
        tpu.enqueue_indirect_dma source(%arg15 : memref<512x16xf32, #tpu.memory_space<vmem>>) target(%dma_start3A_117 : memref<3840x16xf32, #tpu.memory_space<vmem_shared>>) offsets(%arg12 : memref<512xi32, #tpu.memory_space<vmem>>) semaphore(%run_scoped3A : memref<!tpu.dma_semaphore, #tpu.memory_space<semaphore_mem>>) {add = true}
        %dma_wait3A_118 = arith.constant 0 : i32
        %dma_wait3A_119 = arith.constant 0 : i32
        %dma_wait3A_120 = tpu.memref_slice %arg18[%dma_wait3A_118, %dma_wait3A_119] : memref<3840x16xf32, #tpu.memory_space<vmem_shared>> -> memref<3840x16xf32, #tpu.memory_space<vmem_shared>>
        tpu.wait_indirect_dma semaphore(%run_scoped3A : memref<!tpu.dma_semaphore, #tpu.memory_space<semaphore_mem>>) src(%arg15 : memref<512x16xf32, #tpu.memory_space<vmem>>) dst(%dma_wait3A_120 : memref<3840x16xf32, #tpu.memory_space<vmem_shared>>)
        tpu.yield
      }) : () -> ()
      "tpu.region"() ({
        %run_scoped3A = tpu.sem_alloc : memref<!tpu.dma_semaphore, #tpu.memory_space<semaphore_mem>>
        %dma_start3A_115 = arith.constant 0 : i32
        %dma_start3A_116 = arith.constant 0 : i32
        %dma_start3A_117 = tpu.memref_slice %arg18[%dma_start3A_115, %dma_start3A_116] : memref<3840x16xf32, #tpu.memory_space<vmem_shared>> -> memref<3840x16xf32, #tpu.memory_space<vmem_shared>>
        tpu.enqueue_indirect_dma source(%arg15 : memref<512x16xf32, #tpu.memory_space<vmem>>) target(%dma_start3A_117 : memref<3840x16xf32, #tpu.memory_space<vmem_shared>>) offsets(%arg11 : memref<512xi32, #tpu.memory_space<vmem>>) semaphore(%run_scoped3A : memref<!tpu.dma_semaphore, #tpu.memory_space<semaphore_mem>>) {add = true}
        %dma_wait3A_118 = arith.constant 0 : i32
        %dma_wait3A_119 = arith.constant 0 : i32
        %dma_wait3A_120 = tpu.memref_slice %arg18[%dma_wait3A_118, %dma_wait3A_119] : memref<3840x16xf32, #tpu.memory_space<vmem_shared>> -> memref<3840x16xf32, #tpu.memory_space<vmem_shared>>
        tpu.wait_indirect_dma semaphore(%run_scoped3A : memref<!tpu.dma_semaphore, #tpu.memory_space<semaphore_mem>>) src(%arg15 : memref<512x16xf32, #tpu.memory_space<vmem>>) dst(%dma_wait3A_120 : memref<3840x16xf32, #tpu.memory_space<vmem_shared>>)
        tpu.yield
      }) : () -> ()
    }
    %barrier3A_90 = arith.constant 0 : index
    tpu.barrier barrier_id(%barrier3A_90)
    %mul3A_91 = arith.constant 240 : i32
    %mul3A_92 = arith.muli %arg1, %mul3A_91 : i32
    %mul3A_93 = arith.constant 240 : i32
    %mul3A_94 = arith.muli %arg1, %mul3A_93 : i32
    "tpu.region"() ({
      %run_scoped3A = tpu.sem_alloc : memref<!tpu.dma_semaphore, #tpu.memory_space<semaphore_mem>>
      %dma_start3A = arith.constant 0 : i32
      %dma_start3A_99 = arith.constant 0 : i32
      %dma_start3A_100 = tpu.memref_slice %arg9[%arg0, %dma_start3A, %dma_start3A_99] : memref<2x3840x64xf32, #tpu.memory_space<hbm>> -> memref<1x3840x64xf32, #tpu.memory_space<hbm>>
      %dma_start3A_101 = tpu.memref_squeeze %dma_start3A_100 : memref<1x3840x64xf32, #tpu.memory_space<hbm>> -> memref<3840x64xf32, #tpu.memory_space<hbm>>
      %dma_start3A_102 = arith.constant 0 : i32
      %dma_start3A_103 = tpu.memref_slice %dma_start3A_101[%mul3A_94, %dma_start3A_102] : memref<3840x64xf32, #tpu.memory_space<hbm>> -> memref<240x64xf32, #tpu.memory_space<hbm>>
      %dma_start3A_104 = arith.constant 0 : i32
      %dma_start3A_105 = tpu.memref_slice %arg17[%mul3A_92, %dma_start3A_104] : memref<3840x64xf32, #tpu.memory_space<vmem_shared>> -> memref<240x64xf32, #tpu.memory_space<vmem_shared>>
      tpu.enqueue_dma source(%dma_start3A_105 : memref<240x64xf32, #tpu.memory_space<vmem_shared>>) target(%dma_start3A_103 : memref<240x64xf32, #tpu.memory_space<hbm>>) target_semaphore(%run_scoped3A : memref<!tpu.dma_semaphore, #tpu.memory_space<semaphore_mem>>)
      %dma_wait3A = arith.constant 0 : i32
      %dma_wait3A_106 = arith.constant 0 : i32
      %dma_wait3A_107 = tpu.memref_slice %arg9[%arg0, %dma_wait3A, %dma_wait3A_106] : memref<2x3840x64xf32, #tpu.memory_space<hbm>> -> memref<1x3840x64xf32, #tpu.memory_space<hbm>>
      %dma_wait3A_108 = tpu.memref_squeeze %dma_wait3A_107 : memref<1x3840x64xf32, #tpu.memory_space<hbm>> -> memref<3840x64xf32, #tpu.memory_space<hbm>>
      %dma_wait3A_109 = arith.constant 0 : i32
      %dma_wait3A_110 = tpu.memref_slice %dma_wait3A_108[%mul3A_94, %dma_wait3A_109] : memref<3840x64xf32, #tpu.memory_space<hbm>> -> memref<240x64xf32, #tpu.memory_space<hbm>>
      %dma_wait3A_111 = arith.constant 0 : i32
      %dma_wait3A_112 = tpu.memref_slice %arg17[%mul3A_92, %dma_wait3A_111] : memref<3840x64xf32, #tpu.memory_space<vmem_shared>> -> memref<240x64xf32, #tpu.memory_space<vmem_shared>>
      tpu.wait_dma2 semaphore(%run_scoped3A : memref<!tpu.dma_semaphore, #tpu.memory_space<semaphore_mem>>) src(%dma_wait3A_112 : memref<240x64xf32, #tpu.memory_space<vmem_shared>>) dst(%dma_wait3A_110 : memref<240x64xf32, #tpu.memory_space<hbm>>)
      tpu.yield
    }) : () -> ()
    %mul3A_95 = arith.constant 240 : i32
    %mul3A_96 = arith.muli %arg1, %mul3A_95 : i32
    %mul3A_97 = arith.constant 240 : i32
    %mul3A_98 = arith.muli %arg1, %mul3A_97 : i32
    "tpu.region"() ({
      %run_scoped3A = tpu.sem_alloc : memref<!tpu.dma_semaphore, #tpu.memory_space<semaphore_mem>>
      %dma_start3A = arith.constant 0 : i32
      %dma_start3A_99 = arith.constant 0 : i32
      %dma_start3A_100 = tpu.memref_slice %arg10[%arg0, %dma_start3A, %dma_start3A_99] : memref<2x3840x16xf32, #tpu.memory_space<hbm>> -> memref<1x3840x16xf32, #tpu.memory_space<hbm>>
      %dma_start3A_101 = tpu.memref_squeeze %dma_start3A_100 : memref<1x3840x16xf32, #tpu.memory_space<hbm>> -> memref<3840x16xf32, #tpu.memory_space<hbm>>
      %dma_start3A_102 = arith.constant 0 : i32
      %dma_start3A_103 = tpu.memref_slice %dma_start3A_101[%mul3A_98, %dma_start3A_102] : memref<3840x16xf32, #tpu.memory_space<hbm>> -> memref<240x16xf32, #tpu.memory_space<hbm>>
      %dma_start3A_104 = arith.constant 0 : i32
      %dma_start3A_105 = tpu.memref_slice %arg18[%mul3A_96, %dma_start3A_104] : memref<3840x16xf32, #tpu.memory_space<vmem_shared>> -> memref<240x16xf32, #tpu.memory_space<vmem_shared>>
      tpu.enqueue_dma source(%dma_start3A_105 : memref<240x16xf32, #tpu.memory_space<vmem_shared>>) target(%dma_start3A_103 : memref<240x16xf32, #tpu.memory_space<hbm>>) target_semaphore(%run_scoped3A : memref<!tpu.dma_semaphore, #tpu.memory_space<semaphore_mem>>)
      %dma_wait3A = arith.constant 0 : i32
      %dma_wait3A_106 = arith.constant 0 : i32
      %dma_wait3A_107 = tpu.memref_slice %arg10[%arg0, %dma_wait3A, %dma_wait3A_106] : memref<2x3840x16xf32, #tpu.memory_space<hbm>> -> memref<1x3840x16xf32, #tpu.memory_space<hbm>>
      %dma_wait3A_108 = tpu.memref_squeeze %dma_wait3A_107 : memref<1x3840x16xf32, #tpu.memory_space<hbm>> -> memref<3840x16xf32, #tpu.memory_space<hbm>>
      %dma_wait3A_109 = arith.constant 0 : i32
      %dma_wait3A_110 = tpu.memref_slice %dma_wait3A_108[%mul3A_98, %dma_wait3A_109] : memref<3840x16xf32, #tpu.memory_space<hbm>> -> memref<240x16xf32, #tpu.memory_space<hbm>>
      %dma_wait3A_111 = arith.constant 0 : i32
      %dma_wait3A_112 = tpu.memref_slice %arg18[%mul3A_96, %dma_wait3A_111] : memref<3840x16xf32, #tpu.memory_space<vmem_shared>> -> memref<240x16xf32, #tpu.memory_space<vmem_shared>>
      tpu.wait_dma2 semaphore(%run_scoped3A : memref<!tpu.dma_semaphore, #tpu.memory_space<semaphore_mem>>) src(%dma_wait3A_112 : memref<240x16xf32, #tpu.memory_space<vmem_shared>>) dst(%dma_wait3A_110 : memref<240x16xf32, #tpu.memory_space<hbm>>)
      tpu.yield
    }) : () -> ()
    return
  }
}

module attributes {stable_mosaic.version = 14 : i64} {
  func.func @_sage_body(%arg0: memref<2x3840x128xf32, #tpu.memory_space<vmem>>, %arg1: memref<2x3840x16xf32, #tpu.memory_space<vmem>>, %arg2: memref<3840x128xf32, #tpu.memory_space<vmem>>, %arg3: memref<128x128xf32, #tpu.memory_space<vmem>>, %arg4: memref<128xf32, #tpu.memory_space<vmem>>, %arg5: memref<128x128xf32, #tpu.memory_space<vmem>>, %arg6: memref<3840x128xf32, #tpu.memory_space<vmem>>) attributes {dimension_semantics = [], scalar_prefetch = 0 : i64, scratch_operands = 0 : i64, tpu.core_type = #tpu.core_type<tc>} {
    %get3A = arith.constant 0 : index
    %get3A_0 = arith.constant 0 : index
    %get3A_1 = arith.constant 0 : index
    %get3A_2 = vector.load %arg0[%get3A, %get3A_0, %get3A_1] : memref<2x3840x128xf32, #tpu.memory_space<vmem>>, vector<1x3840x128xf32>
    %get3A_3 = vector.shape_cast %get3A_2 : vector<1x3840x128xf32> to vector<3840x128xf32>
    %get3A_4 = arith.constant 1 : index
    %get3A_5 = arith.constant 0 : index
    %get3A_6 = arith.constant 0 : index
    %get3A_7 = vector.load %arg0[%get3A_4, %get3A_5, %get3A_6] : memref<2x3840x128xf32, #tpu.memory_space<vmem>>, vector<1x3840x128xf32>
    %get3A_8 = vector.shape_cast %get3A_7 : vector<1x3840x128xf32> to vector<3840x128xf32>
    %add3A = arith.addf %get3A_3, %get3A_8 : vector<3840x128xf32>
    %get3A_9 = arith.constant 0 : index
    %get3A_10 = arith.constant 0 : index
    %get3A_11 = arith.constant 0 : index
    %get3A_12 = vector.load %arg1[%get3A_9, %get3A_10, %get3A_11] : memref<2x3840x16xf32, #tpu.memory_space<vmem>>, vector<1x3840x16xf32>
    %get3A_13 = vector.shape_cast %get3A_12 : vector<1x3840x16xf32> to vector<3840x16xf32>
    %get3A_14 = arith.constant 1 : index
    %get3A_15 = arith.constant 0 : index
    %get3A_16 = arith.constant 0 : index
    %get3A_17 = vector.load %arg1[%get3A_14, %get3A_15, %get3A_16] : memref<2x3840x16xf32, #tpu.memory_space<vmem>>, vector<1x3840x16xf32>
    %get3A_18 = vector.shape_cast %get3A_17 : vector<1x3840x16xf32> to vector<3840x16xf32>
    %add3A_19 = arith.addf %get3A_13, %get3A_18 : vector<3840x16xf32>
    %slice3A = vector.extract_strided_slice %add3A_19 {offsets = [0, 0], sizes = [3840, 1], strides = [1, 1]} : vector<3840x16xf32> to vector<3840x1xf32>
    %jit3A = arith.constant 1.000000e+00 : f32
    %max3A = vector.broadcast %jit3A : f32 to vector<3840x1xf32>
    %max3A_20 = arith.maximumf %max3A, %slice3A : vector<3840x1xf32>
    %div3A = vector.broadcast %max3A_20 : vector<3840x1xf32> to vector<3840x128xf32>
    %div3A_21 = arith.divf %add3A, %div3A : vector<3840x128xf32>
    %get3A_22 = arith.constant 0 : index
    %get3A_23 = arith.constant 0 : index
    %get3A_24 = vector.load %arg3[%get3A_22, %get3A_23] : memref<128x128xf32, #tpu.memory_space<vmem>>, vector<128x128xf32>
    %dot_general3A = arith.constant dense<0.000000e+00> : vector<3840x128xf32>
    %dot_general3A_25 = tpu.matmul %div3A_21, %get3A_24, %dot_general3A {dimension_numbers = #tpu.dot_dimension_numbers<[1], [0], [0], [1], [0, 0, 1, 1], [], []>, transpose_lhs_hint = false} : vector<3840x128xf32>, vector<128x128xf32>, vector<3840x128xf32> -> vector<3840x128xf32>
    %get3A_26 = arith.constant 0 : index
    %get3A_27 = vector.load %arg4[%get3A_26] : memref<128xf32, #tpu.memory_space<vmem>>, vector<128xf32>
    %broadcast_in_dim3A = vector.shape_cast %get3A_27 : vector<128xf32> to vector<1x128xf32>
    %add3A_28 = vector.broadcast %broadcast_in_dim3A : vector<1x128xf32> to vector<3840x128xf32>
    %add3A_29 = arith.addf %dot_general3A_25, %add3A_28 : vector<3840x128xf32>
    %get3A_30 = arith.constant 0 : index
    %get3A_31 = arith.constant 0 : index
    %get3A_32 = vector.load %arg2[%get3A_30, %get3A_31] : memref<3840x128xf32, #tpu.memory_space<vmem>>, vector<3840x128xf32>
    %get3A_33 = arith.constant 0 : index
    %get3A_34 = arith.constant 0 : index
    %get3A_35 = vector.load %arg5[%get3A_33, %get3A_34] : memref<128x128xf32, #tpu.memory_space<vmem>>, vector<128x128xf32>
    %dot_general3A_36 = arith.constant dense<0.000000e+00> : vector<3840x128xf32>
    %dot_general3A_37 = tpu.matmul %get3A_32, %get3A_35, %dot_general3A_36 {dimension_numbers = #tpu.dot_dimension_numbers<[1], [0], [0], [1], [0, 0, 1, 1], [], []>, transpose_lhs_hint = false} : vector<3840x128xf32>, vector<128x128xf32>, vector<3840x128xf32> -> vector<3840x128xf32>
    %add3A_38 = arith.addf %add3A_29, %dot_general3A_37 : vector<3840x128xf32>
    %custom_jvp_call3A = arith.constant 0.000000e+00 : f32
    %max3A_39 = vector.broadcast %custom_jvp_call3A : f32 to vector<3840x128xf32>
    %max3A_40 = arith.maximumf %add3A_38, %max3A_39 : vector<3840x128xf32>
    %sub3A = vector.broadcast %custom_jvp_call3A : f32 to vector<3840x128xf32>
    %sub3A_41 = arith.subf %add3A_38, %sub3A : vector<3840x128xf32>
    %ne3A = arith.cmpf one, %sub3A_41, %sub3A_41 : vector<3840x128xf32>
    %add3A_42 = vector.broadcast %custom_jvp_call3A : f32 to vector<3840x128xf32>
    %add3A_43 = arith.addf %add3A_38, %add3A_42 : vector<3840x128xf32>
    %abs3A = math.absf %sub3A_41 : vector<3840x128xf32>
    %neg3A = arith.constant 0.000000e+00 : f32
    %neg3A_44 = vector.broadcast %neg3A : f32 to vector<3840x128xf32>
    %neg3A_45 = arith.subf %neg3A_44, %abs3A : vector<3840x128xf32>
    %exp3A = math.exp %neg3A_45 : vector<3840x128xf32>
    %log1p3A = math.log1p %exp3A : vector<3840x128xf32>
    %add3A_46 = arith.addf %max3A_40, %log1p3A : vector<3840x128xf32>
    %select_n3A = arith.select %ne3A, %add3A_43, %add3A_46 : vector<3840x128xi1>, vector<3840x128xf32>
    %tanh3A = math.tanh %select_n3A : vector<3840x128xf32>
    %mul3A = arith.mulf %add3A_38, %tanh3A : vector<3840x128xf32>
    %swap3A = arith.constant 0 : index
    %swap3A_47 = arith.constant 0 : index
    %swap3A_48 = vector.load %arg6[%swap3A, %swap3A_47] : memref<3840x128xf32, #tpu.memory_space<vmem>>, vector<3840x128xf32>
    tpu.vector_store %arg6[%swap3A, %swap3A_47], %mul3A {strides = array<i32>} : memref<3840x128xf32, #tpu.memory_space<vmem>>, vector<3840x128xf32>,
    return
  }
}

module attributes {stable_mosaic.version = 14 : i64} {
  func.func @_heads_body(%arg0: memref<3840x128xf32, #tpu.memory_space<vmem>>, %arg1: memref<128x64xf32, #tpu.memory_space<vmem>>, %arg2: memref<64xf32, #tpu.memory_space<vmem>>, %arg3: memref<128x64xf32, #tpu.memory_space<vmem>>, %arg4: memref<64xf32, #tpu.memory_space<vmem>>, %arg5: memref<128x64xf32, #tpu.memory_space<vmem>>, %arg6: memref<64xf32, #tpu.memory_space<vmem>>, %arg7: memref<64x64xf32, #tpu.memory_space<vmem>>, %arg8: memref<64xf32, #tpu.memory_space<vmem>>, %arg9: memref<64x64xf32, #tpu.memory_space<vmem>>, %arg10: memref<64xf32, #tpu.memory_space<vmem>>, %arg11: memref<3840x64xf32, #tpu.memory_space<vmem>>, %arg12: memref<3840x64xf32, #tpu.memory_space<vmem>>, %arg13: memref<3840x64xf32, #tpu.memory_space<vmem>>, %arg14: memref<3840x64xf32, #tpu.memory_space<vmem>>, %arg15: memref<1x2xf32, #tpu.memory_space<vmem>>) attributes {dimension_semantics = [], scalar_prefetch = 0 : i64, scratch_operands = 0 : i64, tpu.core_type = #tpu.core_type<tc>} {
    %get3A = arith.constant 0 : index
    %get3A_0 = arith.constant 0 : index
    %get3A_1 = vector.load %arg0[%get3A, %get3A_0] : memref<3840x128xf32, #tpu.memory_space<vmem>>, vector<3840x128xf32>
    %get3A_2 = arith.constant 0 : index
    %get3A_3 = arith.constant 0 : index
    %get3A_4 = vector.load %arg1[%get3A_2, %get3A_3] : memref<128x64xf32, #tpu.memory_space<vmem>>, vector<128x64xf32>
    %dot_general3A = arith.constant dense<0.000000e+00> : vector<3840x64xf32>
    %dot_general3A_5 = tpu.matmul %get3A_1, %get3A_4, %dot_general3A {dimension_numbers = #tpu.dot_dimension_numbers<[1], [0], [0], [1], [0, 0, 1, 1], [], []>, transpose_lhs_hint = false} : vector<3840x128xf32>, vector<128x64xf32>, vector<3840x64xf32> -> vector<3840x64xf32>
    %get3A_6 = arith.constant 0 : index
    %get3A_7 = vector.load %arg2[%get3A_6] : memref<64xf32, #tpu.memory_space<vmem>>, vector<64xf32>
    %broadcast_in_dim3A = vector.shape_cast %get3A_7 : vector<64xf32> to vector<1x64xf32>
    %add3A = vector.broadcast %broadcast_in_dim3A : vector<1x64xf32> to vector<3840x64xf32>
    %add3A_8 = arith.addf %dot_general3A_5, %add3A : vector<3840x64xf32>
    %get3A_9 = arith.constant 0 : index
    %get3A_10 = arith.constant 0 : index
    %get3A_11 = vector.load %arg3[%get3A_9, %get3A_10] : memref<128x64xf32, #tpu.memory_space<vmem>>, vector<128x64xf32>
    %dot_general3A_12 = arith.constant dense<0.000000e+00> : vector<3840x64xf32>
    %dot_general3A_13 = tpu.matmul %get3A_1, %get3A_11, %dot_general3A_12 {dimension_numbers = #tpu.dot_dimension_numbers<[1], [0], [0], [1], [0, 0, 1, 1], [], []>, transpose_lhs_hint = false} : vector<3840x128xf32>, vector<128x64xf32>, vector<3840x64xf32> -> vector<3840x64xf32>
    %get3A_14 = arith.constant 0 : index
    %get3A_15 = vector.load %arg4[%get3A_14] : memref<64xf32, #tpu.memory_space<vmem>>, vector<64xf32>
    %broadcast_in_dim3A_16 = vector.shape_cast %get3A_15 : vector<64xf32> to vector<1x64xf32>
    %add3A_17 = vector.broadcast %broadcast_in_dim3A_16 : vector<1x64xf32> to vector<3840x64xf32>
    %add3A_18 = arith.addf %dot_general3A_13, %add3A_17 : vector<3840x64xf32>
    %get3A_19 = arith.constant 0 : index
    %get3A_20 = arith.constant 0 : index
    %get3A_21 = vector.load %arg11[%get3A_19, %get3A_20] : memref<3840x64xf32, #tpu.memory_space<vmem>>, vector<3840x64xf32>
    %mul3A = arith.constant 5.000000e-01 : f32
    %mul3A_22 = vector.broadcast %mul3A : f32 to vector<3840x64xf32>
    %mul3A_23 = arith.mulf %mul3A_22, %add3A_18 : vector<3840x64xf32>
    %exp3A = math.exp %mul3A_23 : vector<3840x64xf32>
    %mul3A_24 = arith.mulf %get3A_21, %exp3A : vector<3840x64xf32>
    %add3A_25 = arith.addf %add3A_8, %mul3A_24 : vector<3840x64xf32>
    %swap3A = arith.constant 0 : index
    %swap3A_26 = arith.constant 0 : index
    %swap3A_27 = vector.load %arg13[%swap3A, %swap3A_26] : memref<3840x64xf32, #tpu.memory_space<vmem>>, vector<3840x64xf32>
    tpu.vector_store %arg13[%swap3A, %swap3A_26], %add3A_25 {strides = array<i32>} : memref<3840x64xf32, #tpu.memory_space<vmem>>, vector<3840x64xf32>,
    %get3A_28 = arith.constant 0 : index
    %get3A_29 = arith.constant 0 : index
    %get3A_30 = vector.load %arg5[%get3A_28, %get3A_29] : memref<128x64xf32, #tpu.memory_space<vmem>>, vector<128x64xf32>
    %dot_general3A_31 = arith.constant dense<0.000000e+00> : vector<3840x64xf32>
    %dot_general3A_32 = tpu.matmul %get3A_1, %get3A_30, %dot_general3A_31 {dimension_numbers = #tpu.dot_dimension_numbers<[1], [0], [0], [1], [0, 0, 1, 1], [], []>, transpose_lhs_hint = false} : vector<3840x128xf32>, vector<128x64xf32>, vector<3840x64xf32> -> vector<3840x64xf32>
    %get3A_33 = arith.constant 0 : index
    %get3A_34 = vector.load %arg6[%get3A_33] : memref<64xf32, #tpu.memory_space<vmem>>, vector<64xf32>
    %broadcast_in_dim3A_35 = vector.shape_cast %get3A_34 : vector<64xf32> to vector<1x64xf32>
    %add3A_36 = vector.broadcast %broadcast_in_dim3A_35 : vector<1x64xf32> to vector<3840x64xf32>
    %add3A_37 = arith.addf %dot_general3A_32, %add3A_36 : vector<3840x64xf32>
    %custom_jvp_call3A = arith.constant 0.000000e+00 : f32
    %max3A = vector.broadcast %custom_jvp_call3A : f32 to vector<3840x64xf32>
    %max3A_38 = arith.maximumf %add3A_37, %max3A : vector<3840x64xf32>
    %sub3A = vector.broadcast %custom_jvp_call3A : f32 to vector<3840x64xf32>
    %sub3A_39 = arith.subf %add3A_37, %sub3A : vector<3840x64xf32>
    %ne3A = arith.cmpf one, %sub3A_39, %sub3A_39 : vector<3840x64xf32>
    %add3A_40 = vector.broadcast %custom_jvp_call3A : f32 to vector<3840x64xf32>
    %add3A_41 = arith.addf %add3A_37, %add3A_40 : vector<3840x64xf32>
    %abs3A = math.absf %sub3A_39 : vector<3840x64xf32>
    %neg3A = arith.constant 0.000000e+00 : f32
    %neg3A_42 = vector.broadcast %neg3A : f32 to vector<3840x64xf32>
    %neg3A_43 = arith.subf %neg3A_42, %abs3A : vector<3840x64xf32>
    %exp3A_44 = math.exp %neg3A_43 : vector<3840x64xf32>
    %log1p3A = math.log1p %exp3A_44 : vector<3840x64xf32>
    %add3A_45 = arith.addf %max3A_38, %log1p3A : vector<3840x64xf32>
    %select_n3A = arith.select %ne3A, %add3A_41, %add3A_45 : vector<3840x64xi1>, vector<3840x64xf32>
    %tanh3A = math.tanh %select_n3A : vector<3840x64xf32>
    %mul3A_46 = arith.mulf %add3A_37, %tanh3A : vector<3840x64xf32>
    %get3A_47 = arith.constant 0 : index
    %get3A_48 = arith.constant 0 : index
    %get3A_49 = vector.load %arg7[%get3A_47, %get3A_48] : memref<64x64xf32, #tpu.memory_space<vmem>>, vector<64x64xf32>
    %dot_general3A_50 = arith.constant dense<0.000000e+00> : vector<3840x64xf32>
    %dot_general3A_51 = tpu.matmul %mul3A_46, %get3A_49, %dot_general3A_50 {dimension_numbers = #tpu.dot_dimension_numbers<[1], [0], [0], [1], [0, 0, 1, 1], [], []>, transpose_lhs_hint = false} : vector<3840x64xf32>, vector<64x64xf32>, vector<3840x64xf32> -> vector<3840x64xf32>
    %get3A_52 = arith.constant 0 : index
    %get3A_53 = vector.load %arg8[%get3A_52] : memref<64xf32, #tpu.memory_space<vmem>>, vector<64xf32>
    %broadcast_in_dim3A_54 = vector.shape_cast %get3A_53 : vector<64xf32> to vector<1x64xf32>
    %add3A_55 = vector.broadcast %broadcast_in_dim3A_54 : vector<1x64xf32> to vector<3840x64xf32>
    %add3A_56 = arith.addf %dot_general3A_51, %add3A_55 : vector<3840x64xf32>
    %get3A_57 = arith.constant 0 : index
    %get3A_58 = arith.constant 0 : index
    %get3A_59 = vector.load %arg9[%get3A_57, %get3A_58] : memref<64x64xf32, #tpu.memory_space<vmem>>, vector<64x64xf32>
    %dot_general3A_60 = arith.constant dense<0.000000e+00> : vector<3840x64xf32>
    %dot_general3A_61 = tpu.matmul %mul3A_46, %get3A_59, %dot_general3A_60 {dimension_numbers = #tpu.dot_dimension_numbers<[1], [0], [0], [1], [0, 0, 1, 1], [], []>, transpose_lhs_hint = false} : vector<3840x64xf32>, vector<64x64xf32>, vector<3840x64xf32> -> vector<3840x64xf32>
    %get3A_62 = arith.constant 0 : index
    %get3A_63 = vector.load %arg10[%get3A_62] : memref<64xf32, #tpu.memory_space<vmem>>, vector<64xf32>
    %broadcast_in_dim3A_64 = vector.shape_cast %get3A_63 : vector<64xf32> to vector<1x64xf32>
    %add3A_65 = vector.broadcast %broadcast_in_dim3A_64 : vector<1x64xf32> to vector<3840x64xf32>
    %add3A_66 = arith.addf %dot_general3A_61, %add3A_65 : vector<3840x64xf32>
    %get3A_67 = arith.constant 0 : index
    %get3A_68 = arith.constant 0 : index
    %get3A_69 = vector.load %arg12[%get3A_67, %get3A_68] : memref<3840x64xf32, #tpu.memory_space<vmem>>, vector<3840x64xf32>
    %mul3A_70 = arith.constant 5.000000e-01 : f32
    %mul3A_71 = vector.broadcast %mul3A_70 : f32 to vector<3840x64xf32>
    %mul3A_72 = arith.mulf %mul3A_71, %add3A_66 : vector<3840x64xf32>
    %exp3A_73 = math.exp %mul3A_72 : vector<3840x64xf32>
    %mul3A_74 = arith.mulf %get3A_69, %exp3A_73 : vector<3840x64xf32>
    %add3A_75 = arith.addf %add3A_56, %mul3A_74 : vector<3840x64xf32>
    %swap3A_76 = arith.constant 0 : index
    %swap3A_77 = arith.constant 0 : index
    %swap3A_78 = vector.load %arg14[%swap3A_76, %swap3A_77] : memref<3840x64xf32, #tpu.memory_space<vmem>>, vector<3840x64xf32>
    tpu.vector_store %arg14[%swap3A_76, %swap3A_77], %add3A_75 {strides = array<i32>} : memref<3840x64xf32, #tpu.memory_space<vmem>>, vector<3840x64xf32>,
    %iota3A = tpu.iota {dimensions = array<i32: 0>} : vector<3840x1xi32>
    %lt3A = arith.constant 3712 : i32
    %lt3A_79 = vector.broadcast %lt3A : i32 to vector<3840x1xi32>
    %lt3A_80 = arith.cmpi slt, %iota3A, %lt3A_79 : vector<3840x1xi32>
    %add3A_81 = arith.constant 1.000000e+00 : f32
    %add3A_82 = vector.broadcast %add3A_81 : f32 to vector<3840x64xf32>
    %add3A_83 = arith.addf %add3A_82, %add3A_66 : vector<3840x64xf32>
    %mul3A_84 = arith.mulf %add3A_56, %add3A_56 : vector<3840x64xf32>
    %sub3A_85 = arith.subf %add3A_83, %mul3A_84 : vector<3840x64xf32>
    %exp3A_86 = math.exp %add3A_66 : vector<3840x64xf32>
    %sub3A_87 = arith.subf %sub3A_85, %exp3A_86 : vector<3840x64xf32>
    %jit3A = arith.constant 0.000000e+00 : f32
    %broadcast_in_dim3A_88 = vector.shape_cast %lt3A_80 : vector<3840x1xi1> to vector<3840x1xi1>
    %broadcast_in_dim3A_89 = vector.broadcast %broadcast_in_dim3A_88 : vector<3840x1xi1> to vector<3840x64xi1>
    %broadcast_in_dim3A_90 = vector.broadcast %jit3A : f32 to vector<3840x64xf32>
    %select_n3A_91 = arith.select %broadcast_in_dim3A_89, %sub3A_87, %broadcast_in_dim3A_90 : vector<3840x64xi1>, vector<3840x64xf32>
    %reduce_sum3A = vector.shape_cast %select_n3A_91 : vector<3840x64xf32> to vector<1x3840x64xf32>
    %reduce_sum3A_92 = arith.constant dense<0.000000e+00> : vector<1xf32>
    %reduce_sum3A_93 = vector.multi_reduction <add>, %reduce_sum3A, %reduce_sum3A_92 [1, 2] : vector<1x3840x64xf32> to vector<1xf32>
    %reduce_sum3A_94 = vector.shape_cast %reduce_sum3A_93 : vector<1xf32> to vector<1x1x1xf32>
    %reduce_sum3A_95 = vector.extract %reduce_sum3A_94[0, 0, 0] : f32 from vector<1x1x1xf32>
    %add3A_96 = arith.constant 1.000000e+00 : f32
    %add3A_97 = vector.broadcast %add3A_96 : f32 to vector<3840x64xf32>
    %add3A_98 = arith.addf %add3A_97, %add3A_18 : vector<3840x64xf32>
    %mul3A_99 = arith.mulf %add3A_8, %add3A_8 : vector<3840x64xf32>
    %sub3A_100 = arith.subf %add3A_98, %mul3A_99 : vector<3840x64xf32>
    %exp3A_101 = math.exp %add3A_18 : vector<3840x64xf32>
    %sub3A_102 = arith.subf %sub3A_100, %exp3A_101 : vector<3840x64xf32>
    %jit3A_103 = arith.constant 0.000000e+00 : f32
    %broadcast_in_dim3A_104 = vector.shape_cast %lt3A_80 : vector<3840x1xi1> to vector<3840x1xi1>
    %broadcast_in_dim3A_105 = vector.broadcast %broadcast_in_dim3A_104 : vector<3840x1xi1> to vector<3840x64xi1>
    %broadcast_in_dim3A_106 = vector.broadcast %jit3A_103 : f32 to vector<3840x64xf32>
    %select_n3A_107 = arith.select %broadcast_in_dim3A_105, %sub3A_102, %broadcast_in_dim3A_106 : vector<3840x64xi1>, vector<3840x64xf32>
    %reduce_sum3A_108 = vector.shape_cast %select_n3A_107 : vector<3840x64xf32> to vector<1x3840x64xf32>
    %reduce_sum3A_109 = arith.constant dense<0.000000e+00> : vector<1xf32>
    %reduce_sum3A_110 = vector.multi_reduction <add>, %reduce_sum3A_108, %reduce_sum3A_109 [1, 2] : vector<1x3840x64xf32> to vector<1xf32>
    %reduce_sum3A_111 = vector.shape_cast %reduce_sum3A_110 : vector<1xf32> to vector<1x1x1xf32>
    %reduce_sum3A_112 = vector.extract %reduce_sum3A_111[0, 0, 0] : f32 from vector<1x1x1xf32>
    %iota3A_113 = tpu.iota {dimensions = array<i32: 1>} : vector<1x2xi32>
    %eq3A = arith.constant 0 : i32
    %eq3A_114 = vector.broadcast %eq3A : i32 to vector<1x2xi32>
    %eq3A_115 = arith.cmpi eq, %iota3A_113, %eq3A_114 : vector<1x2xi32>
    %broadcast_in_dim3A_116 = vector.broadcast %reduce_sum3A_95 : f32 to vector<1x2xf32>
    %broadcast_in_dim3A_117 = vector.broadcast %reduce_sum3A_112 : f32 to vector<1x2xf32>
    %select_n3A_118 = arith.select %eq3A_115, %broadcast_in_dim3A_116, %broadcast_in_dim3A_117 : vector<1x2xi1>, vector<1x2xf32>
    %swap3A_119 = arith.constant 0 : index
    %swap3A_120 = arith.constant 0 : index
    %swap3A_121 = vector.load %arg15[%swap3A_119, %swap3A_120] : memref<1x2xf32, #tpu.memory_space<vmem>>, vector<1x2xf32>
    tpu.vector_store %arg15[%swap3A_119, %swap3A_120], %select_n3A_118 {strides = array<i32>} : memref<1x2xf32, #tpu.memory_space<vmem>>, vector<1x2xf32>,
    return
  }
}

module attributes {stable_mosaic.version = 14 : i64} {
  func.func @_edge_decode_body(%arg0: i32, %arg1: memref<2048x128xf32, #tpu.memory_space<vmem>>, %arg2: memref<2048x128xf32, #tpu.memory_space<vmem>>, %arg3: memref<64x64xf32, #tpu.memory_space<vmem>>, %arg4: memref<64x64xf32, #tpu.memory_space<vmem>>, %arg5: memref<64x64xf32, #tpu.memory_space<vmem>>, %arg6: memref<64xf32, #tpu.memory_space<vmem>>, %arg7: memref<64xf32, #tpu.memory_space<vmem>>, %arg8: memref<64xf32, #tpu.memory_space<vmem>>, %arg9: memref<1x64xf32, #tpu.memory_space<vmem>>, %arg10: memref<1x1xf32, #tpu.memory_space<vmem>>, %arg11: memref<2048x1xf32, #tpu.memory_space<vmem>>, %arg12: memref<2048x1xf32, #tpu.memory_space<vmem>>) attributes {dimension_semantics = [#tpu.dimension_semantics<arbitrary>], iteration_bounds = array<i64: 50>, scalar_prefetch = 0 : i64, scratch_operands = 0 : i64, tpu.core_type = #tpu.core_type<tc>, window_params = [{transform_indices = @transform_0, window_bounds = array<i64: 2048, 128>}, {transform_indices = @transform_1, window_bounds = array<i64: 2048, 128>}, {pipeline_mode = #tpu.pipeline_mode<synchronous>, transform_indices = @transform_2, window_bounds = array<i64: 64, 64>}, {pipeline_mode = #tpu.pipeline_mode<synchronous>, transform_indices = @transform_3, window_bounds = array<i64: 64, 64>}, {pipeline_mode = #tpu.pipeline_mode<synchronous>, transform_indices = @transform_4, window_bounds = array<i64: 64, 64>}, {pipeline_mode = #tpu.pipeline_mode<synchronous>, transform_indices = @transform_5, window_bounds = array<i64: 64>}, {pipeline_mode = #tpu.pipeline_mode<synchronous>, transform_indices = @transform_6, window_bounds = array<i64: 64>}, {pipeline_mode = #tpu.pipeline_mode<synchronous>, transform_indices = @transform_7, window_bounds = array<i64: 64>}, {pipeline_mode = #tpu.pipeline_mode<synchronous>, transform_indices = @transform_8, window_bounds = array<i64: 1, 64>}, {pipeline_mode = #tpu.pipeline_mode<synchronous>, transform_indices = @transform_9, window_bounds = array<i64: 1, 1>}, {transform_indices = @transform_10, window_bounds = array<i64: 2048, 1>}, {transform_indices = @transform_11, window_bounds = array<i64: 2048, 1>}]} {
    %get3A = arith.constant 0 : index
    %get3A_0 = arith.constant 0 : index
    %get3A_1 = vector.load %arg1[%get3A, %get3A_0] : memref<2048x128xf32, #tpu.memory_space<vmem>>, vector<2048x64xf32>
    %get3A_2 = arith.constant 0 : index
    %get3A_3 = arith.constant 0 : index
    %get3A_4 = vector.load %arg2[%get3A_2, %get3A_3] : memref<2048x128xf32, #tpu.memory_space<vmem>>, vector<2048x64xf32>
    %add3A = arith.addf %get3A_1, %get3A_4 : vector<2048x64xf32>
    %get3A_5 = arith.constant 0 : index
    %get3A_6 = arith.constant 0 : index
    %get3A_7 = vector.load %arg3[%get3A_5, %get3A_6] : memref<64x64xf32, #tpu.memory_space<vmem>>, vector<64x64xf32>
    %dot_general3A = arith.constant dense<0.000000e+00> : vector<2048x64xf32>
    %dot_general3A_8 = tpu.matmul %add3A, %get3A_7, %dot_general3A {dimension_numbers = #tpu.dot_dimension_numbers<[1], [0], [0], [1], [0, 0, 1, 1], [], []>, transpose_lhs_hint = false} : vector<2048x64xf32>, vector<64x64xf32>, vector<2048x64xf32> -> vector<2048x64xf32>
    %sub3A = arith.subf %get3A_1, %get3A_4 : vector<2048x64xf32>
    %abs3A = math.absf %sub3A : vector<2048x64xf32>
    %get3A_9 = arith.constant 0 : index
    %get3A_10 = arith.constant 0 : index
    %get3A_11 = vector.load %arg4[%get3A_9, %get3A_10] : memref<64x64xf32, #tpu.memory_space<vmem>>, vector<64x64xf32>
    %dot_general3A_12 = arith.constant dense<0.000000e+00> : vector<2048x64xf32>
    %dot_general3A_13 = tpu.matmul %abs3A, %get3A_11, %dot_general3A_12 {dimension_numbers = #tpu.dot_dimension_numbers<[1], [0], [0], [1], [0, 0, 1, 1], [], []>, transpose_lhs_hint = false} : vector<2048x64xf32>, vector<64x64xf32>, vector<2048x64xf32> -> vector<2048x64xf32>
    %add3A_14 = arith.addf %dot_general3A_8, %dot_general3A_13 : vector<2048x64xf32>
    %mul3A = arith.mulf %get3A_1, %get3A_4 : vector<2048x64xf32>
    %get3A_15 = arith.constant 0 : index
    %get3A_16 = arith.constant 0 : index
    %get3A_17 = vector.load %arg5[%get3A_15, %get3A_16] : memref<64x64xf32, #tpu.memory_space<vmem>>, vector<64x64xf32>
    %dot_general3A_18 = arith.constant dense<0.000000e+00> : vector<2048x64xf32>
    %dot_general3A_19 = tpu.matmul %mul3A, %get3A_17, %dot_general3A_18 {dimension_numbers = #tpu.dot_dimension_numbers<[1], [0], [0], [1], [0, 0, 1, 1], [], []>, transpose_lhs_hint = false} : vector<2048x64xf32>, vector<64x64xf32>, vector<2048x64xf32> -> vector<2048x64xf32>
    %add3A_20 = arith.addf %add3A_14, %dot_general3A_19 : vector<2048x64xf32>
    %get3A_21 = arith.constant 0 : index
    %get3A_22 = vector.load %arg6[%get3A_21] : memref<64xf32, #tpu.memory_space<vmem>>, vector<64xf32>
    %broadcast_in_dim3A = vector.shape_cast %get3A_22 : vector<64xf32> to vector<1x64xf32>
    %add3A_23 = vector.broadcast %broadcast_in_dim3A : vector<1x64xf32> to vector<2048x64xf32>
    %add3A_24 = arith.addf %add3A_20, %add3A_23 : vector<2048x64xf32>
    %reduce_sum3A = arith.constant dense<0.000000e+00> : vector<2048xf32>
    %reduce_sum3A_25 = vector.multi_reduction <add>, %add3A_24, %reduce_sum3A [1] : vector<2048x64xf32> to vector<2048xf32>
    %broadcast_in_dim3A_26 = vector.shape_cast %reduce_sum3A_25 : vector<2048xf32> to vector<2048x1xf32>
    %div3A = arith.constant 6.400000e+01 : f32
    %div3A_27 = vector.broadcast %div3A : f32 to vector<2048x1xf32>
    %div3A_28 = arith.divf %broadcast_in_dim3A_26, %div3A_27 : vector<2048x1xf32>
    %sub3A_29 = vector.broadcast %div3A_28 : vector<2048x1xf32> to vector<2048x64xf32>
    %sub3A_30 = arith.subf %add3A_24, %sub3A_29 : vector<2048x64xf32>
    %integer_pow3A = arith.mulf %sub3A_30, %sub3A_30 : vector<2048x64xf32>
    %reduce_sum3A_31 = arith.constant dense<0.000000e+00> : vector<2048xf32>
    %reduce_sum3A_32 = vector.multi_reduction <add>, %integer_pow3A, %reduce_sum3A_31 [1] : vector<2048x64xf32> to vector<2048xf32>
    %broadcast_in_dim3A_33 = vector.shape_cast %reduce_sum3A_32 : vector<2048xf32> to vector<2048x1xf32>
    %div3A_34 = arith.constant 6.400000e+01 : f32
    %div3A_35 = vector.broadcast %div3A_34 : f32 to vector<2048x1xf32>
    %div3A_36 = arith.divf %broadcast_in_dim3A_33, %div3A_35 : vector<2048x1xf32>
    %sub3A_37 = vector.broadcast %div3A_28 : vector<2048x1xf32> to vector<2048x64xf32>
    %sub3A_38 = arith.subf %add3A_24, %sub3A_37 : vector<2048x64xf32>
    %add3A_39 = arith.constant 9.99999974E-6 : f32
    %add3A_40 = vector.broadcast %add3A_39 : f32 to vector<2048x1xf32>
    %add3A_41 = arith.addf %div3A_36, %add3A_40 : vector<2048x1xf32>
    %sqrt3A = math.sqrt %add3A_41 : vector<2048x1xf32>
    %div3A_42 = vector.broadcast %sqrt3A : vector<2048x1xf32> to vector<2048x64xf32>
    %div3A_43 = arith.divf %sub3A_38, %div3A_42 : vector<2048x64xf32>
    %get3A_44 = arith.constant 0 : index
    %get3A_45 = vector.load %arg7[%get3A_44] : memref<64xf32, #tpu.memory_space<vmem>>, vector<64xf32>
    %broadcast_in_dim3A_46 = vector.shape_cast %get3A_45 : vector<64xf32> to vector<1x64xf32>
    %mul3A_47 = vector.broadcast %broadcast_in_dim3A_46 : vector<1x64xf32> to vector<2048x64xf32>
    %mul3A_48 = arith.mulf %div3A_43, %mul3A_47 : vector<2048x64xf32>
    %get3A_49 = arith.constant 0 : index
    %get3A_50 = vector.load %arg8[%get3A_49] : memref<64xf32, #tpu.memory_space<vmem>>, vector<64xf32>
    %broadcast_in_dim3A_51 = vector.shape_cast %get3A_50 : vector<64xf32> to vector<1x64xf32>
    %add3A_52 = vector.broadcast %broadcast_in_dim3A_51 : vector<1x64xf32> to vector<2048x64xf32>
    %add3A_53 = arith.addf %mul3A_48, %add3A_52 : vector<2048x64xf32>
    %custom_jvp_call3A = arith.constant 0.000000e+00 : f32
    %max3A = vector.broadcast %custom_jvp_call3A : f32 to vector<2048x64xf32>
    %max3A_54 = arith.maximumf %add3A_53, %max3A : vector<2048x64xf32>
    %sub3A_55 = vector.broadcast %custom_jvp_call3A : f32 to vector<2048x64xf32>
    %sub3A_56 = arith.subf %add3A_53, %sub3A_55 : vector<2048x64xf32>
    %ne3A = arith.cmpf one, %sub3A_56, %sub3A_56 : vector<2048x64xf32>
    %add3A_57 = vector.broadcast %custom_jvp_call3A : f32 to vector<2048x64xf32>
    %add3A_58 = arith.addf %add3A_53, %add3A_57 : vector<2048x64xf32>
    %abs3A_59 = math.absf %sub3A_56 : vector<2048x64xf32>
    %neg3A = arith.constant 0.000000e+00 : f32
    %neg3A_60 = vector.broadcast %neg3A : f32 to vector<2048x64xf32>
    %neg3A_61 = arith.subf %neg3A_60, %abs3A_59 : vector<2048x64xf32>
    %exp3A = math.exp %neg3A_61 : vector<2048x64xf32>
    %log1p3A = math.log1p %exp3A : vector<2048x64xf32>
    %add3A_62 = arith.addf %max3A_54, %log1p3A : vector<2048x64xf32>
    %select_n3A = arith.select %ne3A, %add3A_58, %add3A_62 : vector<2048x64xi1>, vector<2048x64xf32>
    %tanh3A = math.tanh %select_n3A : vector<2048x64xf32>
    %mul3A_63 = arith.mulf %add3A_53, %tanh3A : vector<2048x64xf32>
    %get3A_64 = arith.constant 0 : index
    %get3A_65 = arith.constant 0 : index
    %get3A_66 = vector.load %arg9[%get3A_64, %get3A_65] : memref<1x64xf32, #tpu.memory_space<vmem>>, vector<1x64xf32>
    %mul3A_67 = vector.broadcast %get3A_66 : vector<1x64xf32> to vector<2048x64xf32>
    %mul3A_68 = arith.mulf %mul3A_63, %mul3A_67 : vector<2048x64xf32>
    %reduce_sum3A_69 = arith.constant dense<0.000000e+00> : vector<2048xf32>
    %reduce_sum3A_70 = vector.multi_reduction <add>, %mul3A_68, %reduce_sum3A_69 [1] : vector<2048x64xf32> to vector<2048xf32>
    %broadcast_in_dim3A_71 = vector.shape_cast %reduce_sum3A_70 : vector<2048xf32> to vector<2048x1xf32>
    %get3A_72 = arith.constant 0 : index
    %get3A_73 = arith.constant 0 : index
    %get3A_74 = vector.load %arg10[%get3A_72, %get3A_73] : memref<1x1xf32, #tpu.memory_space<vmem>>, vector<1x1xf32>
    %add3A_75 = vector.broadcast %get3A_74 : vector<1x1xf32> to vector<2048x1xf32>
    %add3A_76 = arith.addf %broadcast_in_dim3A_71, %add3A_75 : vector<2048x1xf32>
    %swap3A = arith.constant 0 : index
    %swap3A_77 = arith.constant 0 : index
    %swap3A_78 = vector.load %arg11[%swap3A, %swap3A_77] : memref<2048x1xf32, #tpu.memory_space<vmem>>, vector<2048x1xf32>
    tpu.vector_store %arg11[%swap3A, %swap3A_77], %add3A_76 {strides = array<i32>} : memref<2048x1xf32, #tpu.memory_space<vmem>>, vector<2048x1xf32>,
    %logistic3A = arith.negf %add3A_76 : vector<2048x1xf32>
    %logistic3A_79 = math.exp %logistic3A : vector<2048x1xf32>
    %logistic3A_80 = arith.constant 1.000000e+00 : f32
    %logistic3A_81 = vector.broadcast %logistic3A_80 : f32 to vector<2048x1xf32>
    %logistic3A_82 = arith.addf %logistic3A_81, %logistic3A_79 : vector<2048x1xf32>
    %logistic3A_83 = arith.divf %logistic3A_81, %logistic3A_82 : vector<2048x1xf32>
    %swap3A_84 = arith.constant 0 : index
    %swap3A_85 = arith.constant 0 : index
    %swap3A_86 = vector.load %arg12[%swap3A_84, %swap3A_85] : memref<2048x1xf32, #tpu.memory_space<vmem>>, vector<2048x1xf32>
    tpu.vector_store %arg12[%swap3A_84, %swap3A_85], %logistic3A_83 {strides = array<i32>} : memref<2048x1xf32, #tpu.memory_space<vmem>>, vector<2048x1xf32>,
    return
  }
  func.func @transform_0(%arg0: i32) -> (i32, i32) {
    %c0_i32 = arith.constant 0 : i32
    %c0_i32_0 = arith.constant 0 : i32
    return %arg0, %c0_i32 : i32, i32
  }
  func.func @transform_1(%arg0: i32) -> (i32, i32) {
    %c0_i32 = arith.constant 0 : i32
    %c0_i32_0 = arith.constant 0 : i32
    return %arg0, %c0_i32 : i32, i32
  }
  func.func @transform_2(%arg0: i32) -> (i32, i32) {
    %c0_i32 = arith.constant 0 : i32
    %c0_i32_0 = arith.constant 0 : i32
    %c0_i32_1 = arith.constant 0 : i32
    return %c0_i32, %c0_i32_0 : i32, i32
  }
  func.func @transform_3(%arg0: i32) -> (i32, i32) {
    %c0_i32 = arith.constant 0 : i32
    %c0_i32_0 = arith.constant 0 : i32
    %c0_i32_1 = arith.constant 0 : i32
    return %c0_i32, %c0_i32_0 : i32, i32
  }
  func.func @transform_4(%arg0: i32) -> (i32, i32) {
    %c0_i32 = arith.constant 0 : i32
    %c0_i32_0 = arith.constant 0 : i32
    %c0_i32_1 = arith.constant 0 : i32
    return %c0_i32, %c0_i32_0 : i32, i32
  }
  func.func @transform_5(%arg0: i32) -> i32 {
    %c0_i32 = arith.constant 0 : i32
    %c0_i32_0 = arith.constant 0 : i32
    return %c0_i32 : i32
  }
  func.func @transform_6(%arg0: i32) -> i32 {
    %c0_i32 = arith.constant 0 : i32
    %c0_i32_0 = arith.constant 0 : i32
    return %c0_i32 : i32
  }
  func.func @transform_7(%arg0: i32) -> i32 {
    %c0_i32 = arith.constant 0 : i32
    %c0_i32_0 = arith.constant 0 : i32
    return %c0_i32 : i32
  }
  func.func @transform_8(%arg0: i32) -> (i32, i32) {
    %c0_i32 = arith.constant 0 : i32
    %c0_i32_0 = arith.constant 0 : i32
    %c0_i32_1 = arith.constant 0 : i32
    return %c0_i32, %c0_i32_0 : i32, i32
  }
  func.func @transform_9(%arg0: i32) -> (i32, i32) {
    %c0_i32 = arith.constant 0 : i32
    %c0_i32_0 = arith.constant 0 : i32
    %c0_i32_1 = arith.constant 0 : i32
    return %c0_i32, %c0_i32_0 : i32, i32
  }
  func.func @transform_10(%arg0: i32) -> (i32, i32) {
    %c0_i32 = arith.constant 0 : i32
    %c0_i32_0 = arith.constant 0 : i32
    return %arg0, %c0_i32 : i32, i32
  }
  func.func @transform_11(%arg0: i32) -> (i32, i32) {
    %c0_i32 = arith.constant 0 : i32
    %c0_i32_0 = arith.constant 0 : i32
    return %arg0, %c0_i32 : i32, i32
  }
}

module attributes {stable_mosaic.version = 14 : i64} {
  func.func @_sage_body(%arg0: memref<2x3840x64xf32, #tpu.memory_space<vmem>>, %arg1: memref<2x3840x16xf32, #tpu.memory_space<vmem>>, %arg2: memref<3840x64xf32, #tpu.memory_space<vmem>>, %arg3: memref<64x64xf32, #tpu.memory_space<vmem>>, %arg4: memref<64xf32, #tpu.memory_space<vmem>>, %arg5: memref<64x64xf32, #tpu.memory_space<vmem>>, %arg6: memref<3840x64xf32, #tpu.memory_space<vmem>>) attributes {dimension_semantics = [], scalar_prefetch = 0 : i64, scratch_operands = 0 : i64, tpu.core_type = #tpu.core_type<tc>} {
    %get3A = arith.constant 0 : index
    %get3A_0 = arith.constant 0 : index
    %get3A_1 = arith.constant 0 : index
    %get3A_2 = vector.load %arg0[%get3A, %get3A_0, %get3A_1] : memref<2x3840x64xf32, #tpu.memory_space<vmem>>, vector<1x3840x64xf32>
    %get3A_3 = vector.shape_cast %get3A_2 : vector<1x3840x64xf32> to vector<3840x64xf32>
    %get3A_4 = arith.constant 1 : index
    %get3A_5 = arith.constant 0 : index
    %get3A_6 = arith.constant 0 : index
    %get3A_7 = vector.load %arg0[%get3A_4, %get3A_5, %get3A_6] : memref<2x3840x64xf32, #tpu.memory_space<vmem>>, vector<1x3840x64xf32>
    %get3A_8 = vector.shape_cast %get3A_7 : vector<1x3840x64xf32> to vector<3840x64xf32>
    %add3A = arith.addf %get3A_3, %get3A_8 : vector<3840x64xf32>
    %get3A_9 = arith.constant 0 : index
    %get3A_10 = arith.constant 0 : index
    %get3A_11 = arith.constant 0 : index
    %get3A_12 = vector.load %arg1[%get3A_9, %get3A_10, %get3A_11] : memref<2x3840x16xf32, #tpu.memory_space<vmem>>, vector<1x3840x16xf32>
    %get3A_13 = vector.shape_cast %get3A_12 : vector<1x3840x16xf32> to vector<3840x16xf32>
    %get3A_14 = arith.constant 1 : index
    %get3A_15 = arith.constant 0 : index
    %get3A_16 = arith.constant 0 : index
    %get3A_17 = vector.load %arg1[%get3A_14, %get3A_15, %get3A_16] : memref<2x3840x16xf32, #tpu.memory_space<vmem>>, vector<1x3840x16xf32>
    %get3A_18 = vector.shape_cast %get3A_17 : vector<1x3840x16xf32> to vector<3840x16xf32>
    %add3A_19 = arith.addf %get3A_13, %get3A_18 : vector<3840x16xf32>
    %slice3A = vector.extract_strided_slice %add3A_19 {offsets = [0, 0], sizes = [3840, 1], strides = [1, 1]} : vector<3840x16xf32> to vector<3840x1xf32>
    %jit3A = arith.constant 1.000000e+00 : f32
    %max3A = vector.broadcast %jit3A : f32 to vector<3840x1xf32>
    %max3A_20 = arith.maximumf %max3A, %slice3A : vector<3840x1xf32>
    %div3A = vector.broadcast %max3A_20 : vector<3840x1xf32> to vector<3840x64xf32>
    %div3A_21 = arith.divf %add3A, %div3A : vector<3840x64xf32>
    %get3A_22 = arith.constant 0 : index
    %get3A_23 = arith.constant 0 : index
    %get3A_24 = vector.load %arg3[%get3A_22, %get3A_23] : memref<64x64xf32, #tpu.memory_space<vmem>>, vector<64x64xf32>
    %dot_general3A = arith.constant dense<0.000000e+00> : vector<3840x64xf32>
    %dot_general3A_25 = tpu.matmul %div3A_21, %get3A_24, %dot_general3A {dimension_numbers = #tpu.dot_dimension_numbers<[1], [0], [0], [1], [0, 0, 1, 1], [], []>, transpose_lhs_hint = false} : vector<3840x64xf32>, vector<64x64xf32>, vector<3840x64xf32> -> vector<3840x64xf32>
    %get3A_26 = arith.constant 0 : index
    %get3A_27 = vector.load %arg4[%get3A_26] : memref<64xf32, #tpu.memory_space<vmem>>, vector<64xf32>
    %broadcast_in_dim3A = vector.shape_cast %get3A_27 : vector<64xf32> to vector<1x64xf32>
    %add3A_28 = vector.broadcast %broadcast_in_dim3A : vector<1x64xf32> to vector<3840x64xf32>
    %add3A_29 = arith.addf %dot_general3A_25, %add3A_28 : vector<3840x64xf32>
    %get3A_30 = arith.constant 0 : index
    %get3A_31 = arith.constant 0 : index
    %get3A_32 = vector.load %arg2[%get3A_30, %get3A_31] : memref<3840x64xf32, #tpu.memory_space<vmem>>, vector<3840x64xf32>
    %get3A_33 = arith.constant 0 : index
    %get3A_34 = arith.constant 0 : index
    %get3A_35 = vector.load %arg5[%get3A_33, %get3A_34] : memref<64x64xf32, #tpu.memory_space<vmem>>, vector<64x64xf32>
    %dot_general3A_36 = arith.constant dense<0.000000e+00> : vector<3840x64xf32>
    %dot_general3A_37 = tpu.matmul %get3A_32, %get3A_35, %dot_general3A_36 {dimension_numbers = #tpu.dot_dimension_numbers<[1], [0], [0], [1], [0, 0, 1, 1], [], []>, transpose_lhs_hint = false} : vector<3840x64xf32>, vector<64x64xf32>, vector<3840x64xf32> -> vector<3840x64xf32>
    %add3A_38 = arith.addf %add3A_29, %dot_general3A_37 : vector<3840x64xf32>
    %custom_jvp_call3A = arith.constant 0.000000e+00 : f32
    %max3A_39 = vector.broadcast %custom_jvp_call3A : f32 to vector<3840x64xf32>
    %max3A_40 = arith.maximumf %add3A_38, %max3A_39 : vector<3840x64xf32>
    %sub3A = vector.broadcast %custom_jvp_call3A : f32 to vector<3840x64xf32>
    %sub3A_41 = arith.subf %add3A_38, %sub3A : vector<3840x64xf32>
    %ne3A = arith.cmpf one, %sub3A_41, %sub3A_41 : vector<3840x64xf32>
    %add3A_42 = vector.broadcast %custom_jvp_call3A : f32 to vector<3840x64xf32>
    %add3A_43 = arith.addf %add3A_38, %add3A_42 : vector<3840x64xf32>
    %abs3A = math.absf %sub3A_41 : vector<3840x64xf32>
    %neg3A = arith.constant 0.000000e+00 : f32
    %neg3A_44 = vector.broadcast %neg3A : f32 to vector<3840x64xf32>
    %neg3A_45 = arith.subf %neg3A_44, %abs3A : vector<3840x64xf32>
    %exp3A = math.exp %neg3A_45 : vector<3840x64xf32>
    %log1p3A = math.log1p %exp3A : vector<3840x64xf32>
    %add3A_46 = arith.addf %max3A_40, %log1p3A : vector<3840x64xf32>
    %select_n3A = arith.select %ne3A, %add3A_43, %add3A_46 : vector<3840x64xi1>, vector<3840x64xf32>
    %tanh3A = math.tanh %select_n3A : vector<3840x64xf32>
    %mul3A = arith.mulf %add3A_38, %tanh3A : vector<3840x64xf32>
    %swap3A = arith.constant 0 : index
    %swap3A_47 = arith.constant 0 : index
    %swap3A_48 = vector.load %arg6[%swap3A, %swap3A_47] : memref<3840x64xf32, #tpu.memory_space<vmem>>, vector<3840x64xf32>
    tpu.vector_store %arg6[%swap3A, %swap3A_47], %mul3A {strides = array<i32>} : memref<3840x64xf32, #tpu.memory_space<vmem>>, vector<3840x64xf32>,
    return
  }
}

module attributes {stable_mosaic.version = 14 : i64} {
  func.func @_mm_mish_body(%arg0: i32, %arg1: memref<32x7424xf32, #tpu.memory_space<vmem>>, %arg2: memref<7424x512xf32, #tpu.memory_space<vmem>>, %arg3: memref<512xf32, #tpu.memory_space<vmem>>, %arg4: memref<32x512xf32, #tpu.memory_space<vmem>>) attributes {dimension_semantics = [#tpu.dimension_semantics<arbitrary>], iteration_bounds = array<i64: 15>, scalar_prefetch = 0 : i64, scratch_operands = 0 : i64, tpu.core_type = #tpu.core_type<tc>, window_params = [{pipeline_mode = #tpu.pipeline_mode<synchronous>, transform_indices = @transform_0, window_bounds = array<i64: 32, 7424>}, {transform_indices = @transform_1, window_bounds = array<i64: 7424, 512>}, {transform_indices = @transform_2, window_bounds = array<i64: 512>}, {transform_indices = @transform_3, window_bounds = array<i64: 32, 512>}]} {
    %get3A = arith.constant 0 : index
    %get3A_0 = arith.constant 0 : index
    %get3A_1 = vector.load %arg1[%get3A, %get3A_0] : memref<32x7424xf32, #tpu.memory_space<vmem>>, vector<32x7424xf32>
    %get3A_2 = arith.constant 0 : index
    %get3A_3 = arith.constant 0 : index
    %get3A_4 = vector.load %arg2[%get3A_2, %get3A_3] : memref<7424x512xf32, #tpu.memory_space<vmem>>, vector<7424x512xf32>
    %dot_general3A = arith.constant dense<0.000000e+00> : vector<32x512xf32>
    %dot_general3A_5 = tpu.matmul %get3A_1, %get3A_4, %dot_general3A {dimension_numbers = #tpu.dot_dimension_numbers<[1], [0], [0], [1], [0, 0, 1, 1], [], []>, transpose_lhs_hint = false} : vector<32x7424xf32>, vector<7424x512xf32>, vector<32x512xf32> -> vector<32x512xf32>
    %get3A_6 = arith.constant 0 : index
    %get3A_7 = vector.load %arg3[%get3A_6] : memref<512xf32, #tpu.memory_space<vmem>>, vector<512xf32>
    %broadcast_in_dim3A = vector.shape_cast %get3A_7 : vector<512xf32> to vector<1x512xf32>
    %add3A = vector.broadcast %broadcast_in_dim3A : vector<1x512xf32> to vector<32x512xf32>
    %add3A_8 = arith.addf %dot_general3A_5, %add3A : vector<32x512xf32>
    %custom_jvp_call3A = arith.constant 0.000000e+00 : f32
    %max3A = vector.broadcast %custom_jvp_call3A : f32 to vector<32x512xf32>
    %max3A_9 = arith.maximumf %add3A_8, %max3A : vector<32x512xf32>
    %sub3A = vector.broadcast %custom_jvp_call3A : f32 to vector<32x512xf32>
    %sub3A_10 = arith.subf %add3A_8, %sub3A : vector<32x512xf32>
    %ne3A = arith.cmpf one, %sub3A_10, %sub3A_10 : vector<32x512xf32>
    %add3A_11 = vector.broadcast %custom_jvp_call3A : f32 to vector<32x512xf32>
    %add3A_12 = arith.addf %add3A_8, %add3A_11 : vector<32x512xf32>
    %abs3A = math.absf %sub3A_10 : vector<32x512xf32>
    %neg3A = arith.constant 0.000000e+00 : f32
    %neg3A_13 = vector.broadcast %neg3A : f32 to vector<32x512xf32>
    %neg3A_14 = arith.subf %neg3A_13, %abs3A : vector<32x512xf32>
    %exp3A = math.exp %neg3A_14 : vector<32x512xf32>
    %log1p3A = math.log1p %exp3A : vector<32x512xf32>
    %add3A_15 = arith.addf %max3A_9, %log1p3A : vector<32x512xf32>
    %select_n3A = arith.select %ne3A, %add3A_12, %add3A_15 : vector<32x512xi1>, vector<32x512xf32>
    %tanh3A = math.tanh %select_n3A : vector<32x512xf32>
    %mul3A = arith.mulf %add3A_8, %tanh3A : vector<32x512xf32>
    %swap3A = arith.constant 0 : index
    %swap3A_16 = arith.constant 0 : index
    %swap3A_17 = vector.load %arg4[%swap3A, %swap3A_16] : memref<32x512xf32, #tpu.memory_space<vmem>>, vector<32x512xf32>
    tpu.vector_store %arg4[%swap3A, %swap3A_16], %mul3A {strides = array<i32>} : memref<32x512xf32, #tpu.memory_space<vmem>>, vector<32x512xf32>,
    return
  }
  func.func @transform_0(%arg0: i32) -> (i32, i32) {
    %c0_i32 = arith.constant 0 : i32
    %c0_i32_0 = arith.constant 0 : i32
    %c0_i32_1 = arith.constant 0 : i32
    return %c0_i32, %c0_i32_0 : i32, i32
  }
  func.func @transform_1(%arg0: i32) -> (i32, i32) {
    %c0_i32 = arith.constant 0 : i32
    %c0_i32_0 = arith.constant 0 : i32
    return %c0_i32, %arg0 : i32, i32
  }
  func.func @transform_2(%arg0: i32) -> i32 {
    %c0_i32 = arith.constant 0 : i32
    return %arg0 : i32
  }
  func.func @transform_3(%arg0: i32) -> (i32, i32) {
    %c0_i32 = arith.constant 0 : i32
    %c0_i32_0 = arith.constant 0 : i32
    return %c0_i32, %arg0 : i32, i32
  }
}

module attributes {stable_mosaic.version = 14 : i64} {
  func.func @_mm_body(%arg0: i32, %arg1: memref<32x7424xf32, #tpu.memory_space<vmem>>, %arg2: memref<7424x512xf32, #tpu.memory_space<vmem>>, %arg3: memref<512xf32, #tpu.memory_space<vmem>>, %arg4: memref<32x512xf32, #tpu.memory_space<vmem>>) attributes {dimension_semantics = [#tpu.dimension_semantics<arbitrary>], iteration_bounds = array<i64: 27>, scalar_prefetch = 0 : i64, scratch_operands = 0 : i64, tpu.core_type = #tpu.core_type<tc>, window_params = [{pipeline_mode = #tpu.pipeline_mode<synchronous>, transform_indices = @transform_0, window_bounds = array<i64: 32, 7424>}, {transform_indices = @transform_1, window_bounds = array<i64: 7424, 512>}, {transform_indices = @transform_2, window_bounds = array<i64: 512>}, {transform_indices = @transform_3, window_bounds = array<i64: 32, 512>}]} {
    %get3A = arith.constant 0 : index
    %get3A_0 = arith.constant 0 : index
    %get3A_1 = vector.load %arg1[%get3A, %get3A_0] : memref<32x7424xf32, #tpu.memory_space<vmem>>, vector<32x7424xf32>
    %get3A_2 = arith.constant 0 : index
    %get3A_3 = arith.constant 0 : index
    %get3A_4 = vector.load %arg2[%get3A_2, %get3A_3] : memref<7424x512xf32, #tpu.memory_space<vmem>>, vector<7424x512xf32>
    %dot_general3A = arith.constant dense<0.000000e+00> : vector<32x512xf32>
    %dot_general3A_5 = tpu.matmul %get3A_1, %get3A_4, %dot_general3A {dimension_numbers = #tpu.dot_dimension_numbers<[1], [0], [0], [1], [0, 0, 1, 1], [], []>, transpose_lhs_hint = false} : vector<32x7424xf32>, vector<7424x512xf32>, vector<32x512xf32> -> vector<32x512xf32>
    %get3A_6 = arith.constant 0 : index
    %get3A_7 = vector.load %arg3[%get3A_6] : memref<512xf32, #tpu.memory_space<vmem>>, vector<512xf32>
    %broadcast_in_dim3A = vector.shape_cast %get3A_7 : vector<512xf32> to vector<1x512xf32>
    %add3A = vector.broadcast %broadcast_in_dim3A : vector<1x512xf32> to vector<32x512xf32>
    %add3A_8 = arith.addf %dot_general3A_5, %add3A : vector<32x512xf32>
    %swap3A = arith.constant 0 : index
    %swap3A_9 = arith.constant 0 : index
    %swap3A_10 = vector.load %arg4[%swap3A, %swap3A_9] : memref<32x512xf32, #tpu.memory_space<vmem>>, vector<32x512xf32>
    tpu.vector_store %arg4[%swap3A, %swap3A_9], %add3A_8 {strides = array<i32>} : memref<32x512xf32, #tpu.memory_space<vmem>>, vector<32x512xf32>,
    return
  }
  func.func @transform_0(%arg0: i32) -> (i32, i32) {
    %c0_i32 = arith.constant 0 : i32
    %c0_i32_0 = arith.constant 0 : i32
    %c0_i32_1 = arith.constant 0 : i32
    return %c0_i32, %c0_i32_0 : i32, i32
  }
  func.func @transform_1(%arg0: i32) -> (i32, i32) {
    %c0_i32 = arith.constant 0 : i32
    %c0_i32_0 = arith.constant 0 : i32
    return %c0_i32, %arg0 : i32, i32
  }
  func.func @transform_2(%arg0: i32) -> i32 {
    %c0_i32 = arith.constant 0 : i32
    return %arg0 : i32
  }
  func.func @transform_3(%arg0: i32) -> (i32, i32) {
    %c0_i32 = arith.constant 0 : i32
    %c0_i32_0 = arith.constant 0 : i32
    return %c0_i32, %arg0 : i32, i32
  }
}

</mosaic_0001>

<sc_bundles>
// kernel: kernel.17.cloned.1.call-start
scs
__scs_entry_jumppad:
0x0: {  	(pc) =	sbr.rel $0x88, $3  }
0x1: {  	(tag) =	ssettag $0x0;
	lr =	simm.s32 $0x1  }
0x2: {  	[smem:$0x3F7D] =	sst lr;
	_ =	strace $0xD0000000  }
0x3: {  	_ = 	snop  }
0x4: {  	_ = 	snop  }
0x5: {  	_ = 	snop  }
0x6: {  	_ = 	snop  }
0x7: {  	_ = 	snop  }
__scs_overlays_trampoline_lowered:
0x8: {  	[smem:$0x3F8C] =	sst s0  }
0x9: {  	[smem:$0x3F8D] =	sst s1  }
0xa: {  	[smem:$0x3F8E] =	sst s2  }
0xb: {  	[smem:$0x3F8F] =	sst s3  }
0xc: {  	[smem:$0x3F90] =	sst s4  }
0xd: {  	[smem:$0x3F91] =	sst s5  }
0xe: {  	[smem:$0x3F92] =	sst s6  }
0xf: {  	[smem:$0x3F93] =	sst s7  }
0x10: {  	[smem:$0x3F94] =	sst s8  }
0x11: {  	[smem:$0x3F95] =	sst s9;
	s0 =	simm.s32 @!p0 $0x0  }
0x12: {  	s1 =	sld [smem:$0x3F7B];
	s0 =	simm.s32 @p0 $0x1  }
0x13: {  	[smem:$0x3F96] =	sst s0;
	s0 =	simm.s32 @!p1 $0x0  }
0x14: {  	s2 =	sld [smem:$0x3F7A];
	s0 =	simm.s32 @p1 $0x1  }
0x15: {  	[smem:$0x3F97] =	sst s0;
	s0 =	simm.s32 @!p2 $0x0  }
0x16: {  	s3 =	sld [smem:$0x3FDB];
	s0 =	simm.s32 @p2 $0x1  }
0x17: {  	s4 =	simm.s32 $0x1BF5;
	[smem:$0x3F99] =	sst s0  }
0x18: {  	s0 =	sld [smem:$0x3F7C];
	_ =	swait.ge [sflag:s4], $0x0  }
0x19: {  	s7 =	sld [smem:$0x3F7D]  }
0x1a: {  	s8 =	sadd.s32 $0xFFFFE003, lr  }
0x1b: {  	s9 =	sadd.s32 $0xFFFFFEF7, lr;
	s5 =	simm.s32 $0xFFFFFFFF;
	p2 =	slt.u32 s8, $0xFFFFF086  }
0x1c: {  	p1 =	slt.u32 s9, $0xF7A;
	s5 =	simm.s32 @!p2 $0x0  }
0x1d: {  	s5 =	simm.s32 @p1 $0x1;
	p0 =	seq.s32 s7, s2  }
0x1e: {  	s7 =	smul.u32 @!p0 $0xF7A, s2;
	p2 =	seq.s32 @!p0 s5, $0x0  }
0x1f: {  	s9 =	smul.u32 $0xF7A, s1;
	s8 =	simm.s32 @!p0 $0x1BF5;
	p2 =	por !p2, p0  }
0x20: {  	[sflag:s8] =	ssyncset.s32 @!p0 $0xFFFFF086;
	s6 =	sadd.s32 @!p0 s3, s7;
	s7 =	simm.s32 @!p0 $0x108  }
0x21: {  	s3 =	sadd.s32 s3, s9;
	s6 =	sadd.s32 @!p0 $0x88, s6;
	s7 =	simm.s32 @p2 $0x1082  }
0x22: {  	[simem:s7], [sflag:s8] =	dma.local @!p0 [hbm:s6], $0xF7A  }
0x23: {  	s9 =	sor.u32 $0xD0000000, s2;
	s6 =	simm.s32 $0x108;
	_ =	swait.ge @!p0 [sflag:s8], $0x0  }
0x24: {  	s3 =	sadd.s32 $0x88, s3;
	s6 =	simm.s32 @!p1 $0x1082;
	[sflag:s4] =	ssyncset.s32 $0xFFFFF086  }
0x25: {  	[simem:s6], [sflag:s4] =	dma.local [hbm:s3], $0xF7A  }
0x26: {  	[smem:$0x3F7D] =	sst s1;
	(tag) =	ssettag s2;
	_ =	strace s9  }
0x27: {  	s1 =	sld [smem:$0x3F8D]  }
0x28: {  	s2 =	sld [smem:$0x3F8E]  }
0x29: {  	s4 =	sld [smem:$0x3F90]  }
0x2a: {  	p0 =	seq.s32 s5, $0x0;
	s5 =	sld [smem:$0x3F91]  }
0x2b: {  	s6 =	sld [smem:$0x3F92]  }
0x2c: {  	s7 =	sld [smem:$0x3F93]  }
0x2d: {  	s3 =	simm.s32 $0x108;
	s8 =	sld [smem:$0x3F94]  }
0x2e: {  	s3 =	simm.s32 @!p0 $0x1082;
	s9 =	sld [smem:$0x3F95]  }
0x2f: {  	lr =	sadd.s32 s0, s3;
	s0 =	sld [smem:$0x3F8C]  }
0x30: {  	s3 =	sld [smem:$0x3F8F]  }
0x31: {  	[smem:$0x3F98] =	sst s10  }
0x32: {  	s10 =	sld [smem:$0x3F96];
	_ =	sdelay $0x3  }
0x33: {  	p0 =	seq.s32 s10, $0x1;
	s10 =	sld [smem:$0x3F98];
	_ =	sdelay $0x3  }
0x34: {  	[smem:$0x3F98] =	sst s10  }
0x35: {  	s10 =	sld [smem:$0x3F97];
	_ =	sdelay $0x3  }
0x36: {  	p1 =	seq.s32 s10, $0x1;
	s10 =	sld [smem:$0x3F98];
	_ =	sdelay $0x3  }
0x37: {  	[smem:$0x3F98] =	sst s10  }
0x38: {  	s10 =	sld [smem:$0x3F99]  }
0x39: {  	_ = 	snop;
	(pc) =	sbr.ind lr, $3  }
0x3a: {  	_ = 	snop  }
0x3b: {  	_ = 	snop  }
0x3c: {  	p2 =	seq.s32 s10, $0x1;
	s10 =	sld [smem:$0x3F98]  }
0x3d: {  	_ =	shalt  }
0x3e: {  	_ =	shalt  }
0x3f: {  	_ =	shalt  }
0x40: {  	_ =	shalt  }
0x41: {  	_ =	shalt  }
0x42: {  	_ =	shalt  }
0x43: {  	_ =	shalt  }
0x44: {  	_ =	shalt  }
0x45: {  	_ =	shalt  }
0x46: {  	_ =	shalt  }
0x47: {  	_ =	shalt  }
0x48: {  	_ =	shalt  }
0x49: {  	_ =	shalt  }
0x4a: {  	_ =	shalt  }
0x4b: {  	_ =	shalt  }
0x4c: {  	_ =	shalt  }
0x4d: {  	_ =	shalt  }
0x4e: {  	_ =	shalt  }
0x4f: {  	_ =	shalt  }
0x50: {  	_ =	shalt  }
0x51: {  	_ =	shalt  }
0x52: {  	_ =	shalt  }
0x53: {  	_ =	shalt  }
0x54: {  	_ =	shalt  }
0x55: {  	_ =	shalt  }
0x56: {  	_ =	shalt  }
0x57: {  	_ =	shalt  }
0x58: {  	_ =	shalt  }
0x59: {  	_ =	shalt  }
0x5a: {  	_ =	shalt  }
0x5b: {  	_ =	shalt  }
0x5c: {  	_ =	shalt  }
0x5d: {  	_ =	shalt  }
0x5e: {  	_ =	shalt  }
0x5f: {  	_ =	shalt  }
0x60: {  	_ =	shalt  }
0x61: {  	_ =	shalt  }
0x62: {  	_ =	shalt  }
0x63: {  	_ =	shalt  }
0x64: {  	_ =	shalt  }
0x65: {  	_ =	shalt  }
0x66: {  	_ =	shalt  }
0x67: {  	_ =	shalt  }
0x68: {  	_ =	shalt  }
0x69: {  	_ =	shalt  }
0x6a: {  	_ =	shalt  }
0x6b: {  	_ =	shalt  }
0x6c: {  	_ =	shalt  }
0x6d: {  	_ =	shalt  }
0x6e: {  	_ =	shalt  }
0x6f: {  	_ =	shalt  }
0x70: {  	_ =	shalt  }
0x71: {  	_ =	shalt  }
0x72: {  	_ =	shalt  }
0x73: {  	_ =	shalt  }
0x74: {  	_ =	shalt  }
0x75: {  	_ =	shalt  }
0x76: {  	_ =	shalt  }
0x77: {  	_ =	shalt  }
0x78: {  	_ =	shalt  }
0x79: {  	_ =	shalt  }
0x7a: {  	_ =	shalt  }
0x7b: {  	_ =	shalt  }
0x7c: {  	_ =	shalt  }
0x7d: {  	_ =	shalt  }
0x7e: {  	_ =	shalt  }
0x7f: {  	_ =	shalt  }
0x80: {  	_ =	shalt  }
0x81: {  	_ =	shalt  }
0x82: {  	_ =	shalt  }
0x83: {  	_ =	shalt  }
0x84: {  	_ =	shalt  }
0x85: {  	_ =	shalt  }
0x86: {  	_ =	shalt  }
0x87: {  	_ =	shalt  }
.Lfunc_end0:
.L_simem_size_0:
called_computation_lowered:
.L_overlay_start_0:
0x88: {  	s2 =	sld [smem:$0x3FD9]  }
0x89: {  	s3 =	sld [smem:$0x3FFE];
	_ =	sdelay $0x1  }
0x8a: {  	s1 =	srdreg.scid  }
0x8b: {  	s0 =	sand.u32 $0x1, s1  }
0x8c: {  	s14 =	sshll.u32 s0, $0xA;
	s2 =	sadd.s32 s3, s2  }
0x8d: {  	s2 =	sadd.s32 s2, s14  }
0x8e: {  	[smem:$0x3FA4] =	sst s2  }
0x8f: {  	_ = 	snop  }
0x90: {  	s2 =	sld [smem:$0x3FD0];
	_ =	sdelay $0x2  }
0x91: {  	s15 =	simm.s32 $0xA;
	s4 =	simm.s32 $0x10  }
0x92: {  	[smem:s4], [sflag:s15] =	dma.local [hbm:s2], $0x1  }
0x93: {  	_ =	swait.eq [sflag:s15], $0x1  }
0x94: {  	[sflag:s15] =	ssyncset.done $0x0  }
0x95: {  	[sflag:s15] =	ssyncadd.s32 $0xFFFFFFFF  }
0x96: {  	s16 =	sld [smem:$0x13];
	(tm) =	ssettm $0x1  }
0x97: {  	s17 =	sld [smem:$0x3FFB];
	_ =	sdelay $0x3  }
0x98: {  	_ =	strace s17  }
0x99: {  	s3 =	sld [smem:$0x3FFC];
	_ =	sdelay $0x3  }
0x9a: {  	_ =	strace s3  }
0x9b: {  	s3 =	sld [smem:$0x3FFD];
	_ =	sdelay $0x3  }
0x9c: {  	_ =	strace s3  }
0x9d: {  	_ =	strace $0x8FFFFFFF  }
0x9e: {  	s18 =	sld [smem:$0x3FDB];
	_ =	sdelay $0x1  }
0x9f: {  	s19 =	simm.s32 $_scs_section_size  }
0xa0: {  	s5 =	simm.s32 $_size__tile_overlayer_lowered;
	s6 =	simm.s32 $_tile_overlayer_lowered  }
0xa1: {  	s22 =	simm.s32 $0x1BFF;
	s21 =	sshll.u32 s6, $0x1;
	s3 =	sadd.s32 s19, s18  }
0xa2: {  	s7 =	simm.s32 $0x0;
	s20 =	sshll.u32 s5, $0x1;
	s5 =	sadd.s32 s21, s3  }
0xa3: {  	[timem:s7], [sflag:s22] =	dma.local [hbm:s5], s20  }
0xa4: {  	_ =	swait.ge [sflag:s22], s20  }
0xa5: {  	s4 =	ssub.s32 $0x0, s20;
	[sflag:s22] =	ssyncset.done $0x0  }
0xa6: {  	[sflag:s22] =	ssyncadd.s32 s4;
	_ =	sdelay $0x1  }
0xa7: {  	s23 =	simm.s32 $0x1B8B  }
0xa8: {  	_ =	swait.ge [sflag:s23], $0x1  }
0xa9: {  	[sflag:s23] =	ssyncset.done $0x0  }
0xaa: {  	s25 =	simm.s32 $0x1B8E;
	s24 =	sld [smem:$0x3FFE];
	[sflag:s23] =	ssyncadd.s32 $0xFFFFFFFF  }
0xab: {  	s26 =	simm.s32 $execute0_lowered;
	[smem:$0x3FD2] =	sst s25  }
0xac: {  	s5 =	sshll.u32 s26, $0x1;
	_ =	strace $0x80000046;
	[dreg:$0x1] =	wrdreg $0xFFFFFFFF  }
0xad: {  	s28 =	simm.s32 $_size_execute0_lowered;
	s3 =	sadd.s32 s3, s5;
	[dreg:$0x0] =	wrdreg $0x0  }
0xae: {  	s5 =	sshll.u32 s28, $0x1;
	[dreg:$0x2] =	wrdreg s3  }
0xaf: {  	[dreg:$0x3] =	wrdreg s5  }
0xb0: {  	[dreg:$0x4] =	wrdreg $0xC0  }
0xb1: {  	_ =	task [dreg:s7], $0x5FFFF  }
0xb2: {  	[dreg:$0x1] =	wrdreg $0xFFFFFFFF  }
0xb3: {  	[dreg:$0x0] =	wrdreg $0x60  }
0xb4: {  	[dreg:$0x2] =	wrdreg s24  }
0xb5: {  	[dreg:$0x3] =	wrdreg s16  }
0xb6: {  	[dreg:$0x4] =	wrdreg $0xF2000  }
0xb7: {  	[dreg:$0x5] =	wrdreg $0x16A000  }
0xb8: {  	[dreg:$0x6] =	wrdreg $0x9  }
0xb9: {  	_ =	task.clear_ibuf [dreg:s7], $0x7FFFF;
	_ =	strace $0x90000046  }
0xba: {  	s29 =	simm.s32 $0x9;
	_ =	strace $0x80000048  }
0xbb: {  	_ =	swait.ge [sflag:s29], $0x1  }
0xbc: {  	[sflag:s29] =	ssyncadd.s32 $0xFFFFFFFF  }
0xbd: {  	_ =	strace $0x90000048  }
0xbe: {  	_ =	sfence  }
0xbf: {  	s30 =	sld [smem:$0x0];
	_ =	sdelay $0x2  }
0xc0: {  	s31 =	sshll.u32 s1, $0xD;
	s1 =	sshrl.u32 s1, $0x2  }
0xc1: {  	s3 =	sand.u32 $0x4000, s31;
	s1 =	sadd.s32 s1, s30  }
0xc2: {  	s0 =	sor.u32 s3, s0;
	s1 =	sshll.u32 s1, $0x11  }
0xc3: {  	s0 =	sor.u32 s1, s0  }
0xc4: {  	s0 =	sadd.s32 $0x8F2B, s0  }
0xc5: {  	[sflag:s0] =	ssyncadd.remote.s32 $0x1  }
0xc6: {  	_ =	sfence.sel $0xFFFF  }
0xc7: {  	[dreg:$0x0] =	wrdreg $0xFFFFFFFF;
	(pc) =	sbr.abs _section_cstart, $3  }
0xc8: {  	[dreg:$0x1] =	wrdreg $0xFFFFFFFF  }
0xc9: {  	_ =	task.clear_ibuf [dreg:s7], $0x2FFFF;
	_ =	strace $0x9FFFFFFF  }
0xca: {  	(tm) =	ssettm $0x7FFFFFFF  }
0xcb: {  	_ =	shalt  }
tec
execute0_lowered:
.L_overlay_start_1:
0x0: {  	(tag) =	ssettag $0x1  }
0x1: {  	s7 =	rddreg [dreg:$0x0]  }
0x2: {  	s11 =	rddreg [dreg:$0x1]  }
0x3: {  	s2 =	rddreg [dreg:$0x2]  }
0x4: {  	s0 =	srdreg.scid;
	s3 =	rddreg [dreg:$0x3]  }
0x5: {  	s1 =	rddreg [dreg:$0x4];
	s4 =	simm.s32 $0x0;
	s6 =	sand.u32 $0x1, s0  }
0x6: {  	s18 =	simm.s32 $0xA0;
	s0 =	stileid.u32;
	s5 =	smul.u32 $0x6400, s6  }
0x7: {  	s19 =	simm.s32 $0x200;
	s20 =	simm.s32 $0x5200;
	s8 =	smul.u32 $0x640, s0  }
0x8: {  	s21 =	simm.s32 $0x1;
	[smem:$0x7FF] =	sst s4;
	s24 =	smul.u32 $0xF00, s0  }
0x9: {  	s22 =	simm.s32 $0x2;
	_ =	strace $0x80000047;
	s30 =	smul.u32 $0xF000, s6  }
0xa: {  	s9 =	ssub.s32 $0x2, s6;
	s15 =	smul.u32 $0x7800, s0;
	s6 =	sadd.s32 $0x19600, s7  }
0xb: {  	s31 =	sshll.u32 s0, $0x6;
	s14 =	sshrl.u32 s9, $0x1;
	s5 =	sadd.s32 s8, s5  }
0xc: {  	s10 =	sadd.s32 s24, s7;
	s16 =	sadd.s32 s30, s7;
	s14 =	ssub.s32 s9, s14  }
0xd: {  	s17 =	sadd.s32 s15, s2;
	s8 =	sor.u32 $0x1C03, s31;
	s15 =	sadd.s32 s15, s3  }
0xe: {  	s12 =	sshrl.u32 s5, $0x3;
	s5 =	sadd.s32 $0xA600, s7;
	s9 =	sadd.s32 $0x29000, s10  }
0xf: {  	s23 =	sadd.s32 $0x38000, s16;
	s25 =	sadd.s32 $0x56000, s16;
	s15 =	sshrl.u32 s15, $0x3  }
0x10: {  	s16 =	simm.s32 $0xA200;
	s13 =	sadd.s32 s12, s7;
	s7 =	sadd.s32 $0x1A000, s10  }
0x11: {  	s10 =	smax.u32 s14, $0x1;
	s11 =	sadd.s32 s12, s11;
	s14 =	simm.s32 $0x3  }
0x12: {  	s23 =	sadd.s32 s24, s23;
	s24 =	sadd.s32 s24, s25;
	s25 =	simm.s32 $0x0  }
0x13: {  	s12 =	sadd.s32 $0x8C00, s13;
	s13 =	sshrl.u32 s17, $0x3;
	s17 =	simm.s32 $0x100  }
.LBB2_1:
0x14: {  	[spmem:s13], [sflag:s8] =	dma.local [hbm:s7], $0xF00  }
0x15: {  	_ =	swait.ge [sflag:s14], $0xF00  }
0x16: {  	[sflag:s14] =	ssyncset.done $0x0  }
0x17: {  	[sflag:s14] =	ssyncadd.s32 $0xFFFFF100  }
0x18: {  	[spmem:s15], [sflag:s8] =	dma.local [hbm:s9], $0xF00  }
0x19: {  	_ =	swait.ge [sflag:s14], $0xF00  }
0x1a: {  	[sflag:s14] =	ssyncset.done $0x0  }
0x1b: {  	[sflag:s14] =	ssyncadd.s32 $0xFFFFF100  }
0x1c: {  	[tilespmem:s16], [sflag:$0x3] =	stream.linear.gather [hbm4b:s6+s4], $0x5000, $0x38;
	[tilespmem:$0x17900] =	vst v63  }
0x1d: {  	_ =	swait.ge [sflag:s14], $0x5000  }
0x1e: {  	[sflag:s14] =	ssyncset.done $0x0  }
0x1f: {  	[sflag:s14] =	ssyncadd.s32 $0xFFFFB000  }
0x20: {  	s26 =	sadd.s32 $0x0, s12;
	[bflag:$0x0] =	sbarrier.arrive $0xFFFF  }
0x21: {  	[tilespmem:s4], [sflag:$0x3] =	stream.linear.gather [hbm4b:s26+s4], $0xA0, $0x38;
	[tilespmem:$0x17900] =	vst v63  }
0x22: {  	_ =	swait.ge [sflag:s14], $0xA0  }
0x23: {  	[sflag:s14] =	ssyncset.done $0x0  }
0x24: {  	s31 =	sadd.s32 $0x0, s11;
	[sflag:s14] =	ssyncadd.s32 $0xFFFFFF60  }
0x25: {  	[tilespmem:s17], [sflag:$0x3] =	stream.linear.gather [hbm4b:s31+s4], $0xA0, $0x38;
	[tilespmem:$0x17900] =	vst v63  }
0x26: {  	_ =	swait.ge [sflag:s14], $0xA0  }
0x27: {  	[sflag:s14] =	ssyncset.done $0x0  }
0x28: {  	[sflag:s14] =	ssyncadd.s32 $0xFFFFFF60  }
0x29: {  	[tilespmem:s19], [sflag:$0x1] =	stream.indirect.gather [hbm4b:s5+s18], $0x80, s4, s18, $0xb8;
	[tilespmem:$0x17900] =	vst v63  }
0x2a: {  	_ = 	snop  }
0x2b: {  	[tilespmem:s20], [sflag:$0x2] =	stream.indirect.gather [hbm4b:s5+s18], $0x80, s17, s18, $0xb8;
	[tilespmem:$0x17900] =	vst v63  }
0x2c: {  	_ =	swait.ge [sflag:s21], $0x5000  }
0x2d: {  	[sflag:s21] =	ssyncset.done $0x0  }
0x2e: {  	[sflag:s21] =	ssyncadd.s32 $0xFFFFB000  }
0x2f: {  	_ =	swait.ge [sflag:s22], $0x5000  }
0x30: {  	[sflag:s22] =	ssyncset.done $0x0  }
0x31: {  	[sflag:s22] =	ssyncadd.s32 $0xFFFFB000  }
0x32: {  	[spmem:s2] =	stream.indirect.scatter.add.f32 [tilespmem:s19], [sflag:$0x3], $0x80, s17, s18, $0xb8;
	[tilespmem:$0x17900] =	vst v63  }
0x33: {  	_ =	swait.ge [sflag:s14], $0x5000  }
0x34: {  	[sflag:s14] =	ssyncset.done $0x0  }
0x35: {  	[sflag:s14] =	ssyncadd.s32 $0xFFFFB000  }
0x36: {  	[spmem:s2] =	stream.indirect.scatter.add.f32 [tilespmem:s20], [sflag:$0x3], $0x80, s4, s18, $0xb8;
	[tilespmem:$0x17900] =	vst v63  }
0x37: {  	_ =	swait.ge [sflag:s14], $0x5000  }
0x38: {  	[sflag:s14] =	ssyncset.done $0x0  }
0x39: {  	[sflag:s14] =	ssyncadd.s32 $0xFFFFB000  }
0x3a: {  	[spmem:s3] =	stream.indirect.scatter.add.f32 [tilespmem:s16], [sflag:$0x3], $0x10, s17, s18, $0xb8;
	[tilespmem:$0x17900] =	vst v63  }
0x3b: {  	_ =	swait.ge [sflag:s14], $0xA00  }
0x3c: {  	[sflag:s14] =	ssyncset.done $0x0  }
0x3d: {  	[sflag:s14] =	ssyncadd.s32 $0xFFFFF600  }
0x3e: {  	[spmem:s3] =	stream.indirect.scatter.add.f32 [tilespmem:s16], [sflag:$0x3], $0x10, s4, s18, $0xb8;
	[tilespmem:$0x17900] =	vst v63  }
0x3f: {  	_ =	swait.ge [sflag:s14], $0xA00  }
0x40: {  	s29 =	simm.s32 $0x28;
	s26 =	simm.s32 $0x14;
	[sflag:s14] =	ssyncset.done $0x0  }
.LBB2_2:
0x41: {  	s30 =	sadd.s32 s26, s12  }
0x42: {  	[sflag:s14] =	ssyncadd.s32 $0xFFFFF600;
	s31 =	smov.u32 s29;
	s28 =	sadd.s32 $0x14, s29  }
0x43: {  	[tilespmem:s4], [sflag:$0x3] =	stream.linear.gather [hbm4b:s30+s4], $0xA0, $0x38;
	[tilespmem:$0x17900] =	vst v63  }
0x44: {  	p0 =	sne.s32 s29, $0xB4;
	_ =	swait.ge [sflag:s14], $0xA0  }
0x45: {  	[sflag:s14] =	ssyncset.done $0x0  }
0x46: {  	s29 =	sadd.s32 s26, s11;
	s26 =	smov.u32 s31;
	[sflag:s14] =	ssyncadd.s32 $0xFFFFFF60  }
0x47: {  	[tilespmem:s17], [sflag:$0x3] =	stream.linear.gather [hbm4b:s29+s4], $0xA0, $0x38;
	[tilespmem:$0x17900] =	vst v63  }
0x48: {  	_ =	swait.ge [sflag:s14], $0xA0  }
0x49: {  	[sflag:s14] =	ssyncset.done $0x0  }
0x4a: {  	[sflag:s14] =	ssyncadd.s32 $0xFFFFFF60  }
0x4b: {  	[tilespmem:s19], [sflag:$0x1] =	stream.indirect.gather [hbm4b:s5+s18], $0x80, s4, s18, $0xb8;
	[tilespmem:$0x17900] =	vst v63  }
0x4c: {  	_ = 	snop  }
0x4d: {  	[tilespmem:s20], [sflag:$0x2] =	stream.indirect.gather [hbm4b:s5+s18], $0x80, s17, s18, $0xb8;
	[tilespmem:$0x17900] =	vst v63  }
0x4e: {  	_ =	swait.ge [sflag:s21], $0x5000  }
0x4f: {  	[sflag:s21] =	ssyncset.done $0x0  }
0x50: {  	[sflag:s21] =	ssyncadd.s32 $0xFFFFB000  }
0x51: {  	_ =	swait.ge [sflag:s22], $0x5000  }
0x52: {  	[sflag:s22] =	ssyncset.done $0x0  }
0x53: {  	[sflag:s22] =	ssyncadd.s32 $0xFFFFB000  }
0x54: {  	[spmem:s2] =	stream.indirect.scatter.add.f32 [tilespmem:s19], [sflag:$0x3], $0x80, s17, s18, $0xb8;
	[tilespmem:$0x17900] =	vst v63  }
0x55: {  	_ =	swait.ge [sflag:s14], $0x5000  }
0x56: {  	[sflag:s14] =	ssyncset.done $0x0  }
0x57: {  	[sflag:s14] =	ssyncadd.s32 $0xFFFFB000  }
0x58: {  	[spmem:s2] =	stream.indirect.scatter.add.f32 [tilespmem:s20], [sflag:$0x3], $0x80, s4, s18, $0xb8;
	[tilespmem:$0x17900] =	vst v63  }
0x59: {  	_ =	swait.ge [sflag:s14], $0x5000  }
0x5a: {  	[sflag:s14] =	ssyncset.done $0x0  }
0x5b: {  	[sflag:s14] =	ssyncadd.s32 $0xFFFFB000  }
0x5c: {  	[spmem:s3] =	stream.indirect.scatter.add.f32 [tilespmem:s16], [sflag:$0x3], $0x10, s17, s18, $0xb8;
	[tilespmem:$0x17900] =	vst v63  }
0x5d: {  	_ =	swait.ge [sflag:s14], $0xA00  }
.Ltmp0:
0x5e: {  	[sflag:s14] =	ssyncset.done $0x0;
	(pc) =	sbr.rel @p0 .LBB2_2-.Ltmp0, $4  }
0x5f: {  	[sflag:s14] =	ssyncadd.s32 $0xFFFFF600  }
0x60: {  	[spmem:s3] =	stream.indirect.scatter.add.f32 [tilespmem:s16], [sflag:$0x3], $0x10, s4, s18, $0xb8;
	[tilespmem:$0x17900] =	vst v63  }
0x61: {  	_ =	swait.ge [sflag:s14], $0xA00  }
0x62: {  	s29 =	smov.u32 s28;
	[sflag:s14] =	ssyncset.done $0x0  }
0x63: {  	s28 =	sadd.s32 s26, s12;
	[sflag:s14] =	ssyncadd.s32 $0xFFFFF600  }
0x64: {  	[tilespmem:s4], [sflag:$0x3] =	stream.linear.gather [hbm4b:s28+s4], $0xA0, $0x38;
	[tilespmem:$0x17900] =	vst v63  }
0x65: {  	_ =	swait.ge [sflag:s14], $0xA0  }
0x66: {  	[sflag:s14] =	ssyncset.done $0x0  }
0x67: {  	s31 =	sadd.s32 s26, s11;
	[sflag:s14] =	ssyncadd.s32 $0xFFFFFF60  }
0x68: {  	[tilespmem:s17], [sflag:$0x3] =	stream.linear.gather [hbm4b:s31+s4], $0xA0, $0x38;
	[tilespmem:$0x17900] =	vst v63  }
0x69: {  	_ =	swait.ge [sflag:s14], $0xA0  }
0x6a: {  	[sflag:s14] =	ssyncset.done $0x0  }
0x6b: {  	[sflag:s14] =	ssyncadd.s32 $0xFFFFFF60  }
0x6c: {  	[tilespmem:s19], [sflag:$0x1] =	stream.indirect.gather [hbm4b:s5+s18], $0x80, s4, s18, $0xb8;
	[tilespmem:$0x17900] =	vst v63  }
0x6d: {  	_ = 	snop  }
0x6e: {  	[tilespmem:s20], [sflag:$0x2] =	stream.indirect.gather [hbm4b:s5+s18], $0x80, s17, s18, $0xb8;
	[tilespmem:$0x17900] =	vst v63  }
0x6f: {  	_ =	swait.ge [sflag:s21], $0x5000  }
0x70: {  	[sflag:s21] =	ssyncset.done $0x0  }
0x71: {  	[sflag:s21] =	ssyncadd.s32 $0xFFFFB000  }
0x72: {  	_ =	swait.ge [sflag:s22], $0x5000  }
0x73: {  	[sflag:s22] =	ssyncset.done $0x0  }
0x74: {  	[sflag:s22] =	ssyncadd.s32 $0xFFFFB000  }
0x75: {  	[spmem:s2] =	stream.indirect.scatter.add.f32 [tilespmem:s19], [sflag:$0x3], $0x80, s17, s18, $0xb8;
	[tilespmem:$0x17900] =	vst v63  }
0x76: {  	_ =	swait.ge [sflag:s14], $0x5000  }
0x77: {  	[sflag:s14] =	ssyncset.done $0x0  }
0x78: {  	[sflag:s14] =	ssyncadd.s32 $0xFFFFB000  }
0x79: {  	[spmem:s2] =	stream.indirect.scatter.add.f32 [tilespmem:s20], [sflag:$0x3], $0x80, s4, s18, $0xb8;
	[tilespmem:$0x17900] =	vst v63  }
0x7a: {  	_ =	swait.ge [sflag:s14], $0x5000  }
0x7b: {  	[sflag:s14] =	ssyncset.done $0x0  }
0x7c: {  	[sflag:s14] =	ssyncadd.s32 $0xFFFFB000  }
0x7d: {  	[spmem:s3] =	stream.indirect.scatter.add.f32 [tilespmem:s16], [sflag:$0x3], $0x10, s17, s18, $0xb8;
	[tilespmem:$0x17900] =	vst v63  }
0x7e: {  	_ =	swait.ge [sflag:s14], $0xA00  }
0x7f: {  	[sflag:s14] =	ssyncset.done $0x0  }
0x80: {  	[sflag:s14] =	ssyncadd.s32 $0xFFFFF600  }
0x81: {  	[spmem:s3] =	stream.indirect.scatter.add.f32 [tilespmem:s16], [sflag:$0x3], $0x10, s4, s18, $0xb8;
	[tilespmem:$0x17900] =	vst v63  }
0x82: {  	_ =	swait.ge [sflag:s14], $0xA00  }
0x83: {  	[sflag:s14] =	ssyncset.done $0x0  }
0x84: {  	[sflag:s14] =	ssyncadd.s32 $0xFFFFF600  }
0x85: {  	[bflag:$0x0] =	sbarrier.arrive $0xFFFF  }
0x86: {  	[hbm:s23], [sflag:s8] =	dma.local [spmem:s13], $0xF00  }
0x87: {  	s25 =	sadd.s32 $0x1, s25;
	_ =	swait.ge [sflag:s14], $0xF00  }
0x88: {  	p0 =	sne.s32 s25, s10;
	[sflag:s14] =	ssyncset.done $0x0  }
.Ltmp1:
0x89: {  	[sflag:s14] =	ssyncadd.s32 $0xFFFFF100;
	(pc) =	sbr.rel @p0 .LBB2_1-.Ltmp1, $4  }
0x8a: {  	[hbm:s24], [sflag:s8] =	dma.local [spmem:s15], $0xF00  }
0x8b: {  	_ =	swait.ge [sflag:s14], $0xF00  }
0x8c: {  	[sflag:s14] =	ssyncset.done $0x0  }
0x8d: {  	[sflag:s14] =	ssyncadd.s32 $0xFFFFF100  }
0x8e: {  	_ =	sfence.sel $0x180000  }
0x8f: {  	[bflag:$0x0] =	sbarrier.arrive $0xFFFF  }
0x90: {  	p0 =	sne.s32 s0, $0x0;
	_ =	strace $0x90000047  }
0x91: {  	s0 =	sadd.s32 @!p0 $0x100000, s1;
	[bflag:$0x2] =	sbarrier.arrive $0xFFFF  }
0x92: {  	[sflag:s0] =	ssyncadd.tile.s32 @!p0 $0x1;
	_ =	shalt  }
.Lfunc_end2:
_tile_overlayer_lowered:
.L_overlay_start_2:
0x93: {  	(tag) =	ssettag $0x2  }
0x94: {  	s0 =	rddreg [dreg:$0x0];
	s2 =	stileid.u32  }
0x95: {  	s1 =	rddreg [dreg:$0x1];
	p0 =	sne.s32 s2, $0x0  }
0x96: {  	s3 =	rddreg [dreg:$0x2];
	[bflag:$0x3] =	sbarrier.arrive $0xFFFF;
	s2 =	simm.s32 @!p0 $0x1C03  }
0x97: {  	[timem:s3], [sflag:s2] =	dma.local @!p0 [hbm:s0], s1  }
0x98: {  	s0 =	simm.s32 @!p0 $0x3  }
0x99: {  	_ =	swait.ge @!p0 [sflag:s0], s1  }
0x9a: {  	s1 =	ssub.s32 @!p0 $0x0, s1;
	[sflag:s0] =	ssyncset.done @!p0 $0x0  }
0x9b: {  	[sflag:s0] =	ssyncadd.s32 @!p0 s1  }
0x9c: {  	[bflag:$0x3] =	sbarrier.arrive $0xFFFF  }
0x9d: {  	_ =	shalt  }

// kernel: kernel.20.cloned.1.call-start
scs
__scs_entry_jumppad:
0x0: {  	(pc) =	sbr.rel $0x88, $3  }
0x1: {  	(tag) =	ssettag $0x0;
	lr =	simm.s32 $0x1  }
0x2: {  	[smem:$0x3F7D] =	sst lr;
	_ =	strace $0xD0000000  }
0x3: {  	_ = 	snop  }
0x4: {  	_ = 	snop  }
0x5: {  	_ = 	snop  }
0x6: {  	_ = 	snop  }
0x7: {  	_ = 	snop  }
__scs_overlays_trampoline_lowered:
0x8: {  	[smem:$0x3F8C] =	sst s0  }
0x9: {  	[smem:$0x3F8D] =	sst s1  }
0xa: {  	[smem:$0x3F8E] =	sst s2  }
0xb: {  	[smem:$0x3F8F] =	sst s3  }
0xc: {  	[smem:$0x3F90] =	sst s4  }
0xd: {  	[smem:$0x3F91] =	sst s5  }
0xe: {  	[smem:$0x3F92] =	sst s6  }
0xf: {  	[smem:$0x3F93] =	sst s7  }
0x10: {  	[smem:$0x3F94] =	sst s8  }
0x11: {  	[smem:$0x3F95] =	sst s9;
	s0 =	simm.s32 @!p0 $0x0  }
0x12: {  	s1 =	sld [smem:$0x3F7B];
	s0 =	simm.s32 @p0 $0x1  }
0x13: {  	[smem:$0x3F96] =	sst s0;
	s0 =	simm.s32 @!p1 $0x0  }
0x14: {  	s2 =	sld [smem:$0x3F7A];
	s0 =	simm.s32 @p1 $0x1  }
0x15: {  	[smem:$0x3F97] =	sst s0;
	s0 =	simm.s32 @!p2 $0x0  }
0x16: {  	s3 =	sld [smem:$0x3FDB];
	s0 =	simm.s32 @p2 $0x1  }
0x17: {  	s4 =	simm.s32 $0x1BF5;
	[smem:$0x3F99] =	sst s0  }
0x18: {  	s0 =	sld [smem:$0x3F7C];
	_ =	swait.ge [sflag:s4], $0x0  }
0x19: {  	s7 =	sld [smem:$0x3F7D]  }
0x1a: {  	s8 =	sadd.s32 $0xFFFFE003, lr  }
0x1b: {  	s9 =	sadd.s32 $0xFFFFFEF7, lr;
	s5 =	simm.s32 $0xFFFFFFFF;
	p2 =	slt.u32 s8, $0xFFFFF086  }
0x1c: {  	p1 =	slt.u32 s9, $0xF7A;
	s5 =	simm.s32 @!p2 $0x0  }
0x1d: {  	s5 =	simm.s32 @p1 $0x1;
	p0 =	seq.s32 s7, s2  }
0x1e: {  	s7 =	smul.u32 @!p0 $0xF7A, s2;
	p2 =	seq.s32 @!p0 s5, $0x0  }
0x1f: {  	s9 =	smul.u32 $0xF7A, s1;
	s8 =	simm.s32 @!p0 $0x1BF5;
	p2 =	por !p2, p0  }
0x20: {  	[sflag:s8] =	ssyncset.s32 @!p0 $0xFFFFF086;
	s6 =	sadd.s32 @!p0 s3, s7;
	s7 =	simm.s32 @!p0 $0x108  }
0x21: {  	s3 =	sadd.s32 s3, s9;
	s6 =	sadd.s32 @!p0 $0x88, s6;
	s7 =	simm.s32 @p2 $0x1082  }
0x22: {  	[simem:s7], [sflag:s8] =	dma.local @!p0 [hbm:s6], $0xF7A  }
0x23: {  	s9 =	sor.u32 $0xD0000000, s2;
	s6 =	simm.s32 $0x108;
	_ =	swait.ge @!p0 [sflag:s8], $0x0  }
0x24: {  	s3 =	sadd.s32 $0x88, s3;
	s6 =	simm.s32 @!p1 $0x1082;
	[sflag:s4] =	ssyncset.s32 $0xFFFFF086  }
0x25: {  	[simem:s6], [sflag:s4] =	dma.local [hbm:s3], $0xF7A  }
0x26: {  	[smem:$0x3F7D] =	sst s1;
	(tag) =	ssettag s2;
	_ =	strace s9  }
0x27: {  	s1 =	sld [smem:$0x3F8D]  }
0x28: {  	s2 =	sld [smem:$0x3F8E]  }
0x29: {  	s4 =	sld [smem:$0x3F90]  }
0x2a: {  	p0 =	seq.s32 s5, $0x0;
	s5 =	sld [smem:$0x3F91]  }
0x2b: {  	s6 =	sld [smem:$0x3F92]  }
0x2c: {  	s7 =	sld [smem:$0x3F93]  }
0x2d: {  	s3 =	simm.s32 $0x108;
	s8 =	sld [smem:$0x3F94]  }
0x2e: {  	s3 =	simm.s32 @!p0 $0x1082;
	s9 =	sld [smem:$0x3F95]  }
0x2f: {  	lr =	sadd.s32 s0, s3;
	s0 =	sld [smem:$0x3F8C]  }
0x30: {  	s3 =	sld [smem:$0x3F8F]  }
0x31: {  	[smem:$0x3F98] =	sst s10  }
0x32: {  	s10 =	sld [smem:$0x3F96];
	_ =	sdelay $0x3  }
0x33: {  	p0 =	seq.s32 s10, $0x1;
	s10 =	sld [smem:$0x3F98];
	_ =	sdelay $0x3  }
0x34: {  	[smem:$0x3F98] =	sst s10  }
0x35: {  	s10 =	sld [smem:$0x3F97];
	_ =	sdelay $0x3  }
0x36: {  	p1 =	seq.s32 s10, $0x1;
	s10 =	sld [smem:$0x3F98];
	_ =	sdelay $0x3  }
0x37: {  	[smem:$0x3F98] =	sst s10  }
0x38: {  	s10 =	sld [smem:$0x3F99]  }
0x39: {  	_ = 	snop;
	(pc) =	sbr.ind lr, $3  }
0x3a: {  	_ = 	snop  }
0x3b: {  	_ = 	snop  }
0x3c: {  	p2 =	seq.s32 s10, $0x1;
	s10 =	sld [smem:$0x3F98]  }
0x3d: {  	_ =	shalt  }
0x3e: {  	_ =	shalt  }
0x3f: {  	_ =	shalt  }
0x40: {  	_ =	shalt  }
0x41: {  	_ =	shalt  }
0x42: {  	_ =	shalt  }
0x43: {  	_ =	shalt  }
0x44: {  	_ =	shalt  }
0x45: {  	_ =	shalt  }
0x46: {  	_ =	shalt  }
0x47: {  	_ =	shalt  }
0x48: {  	_ =	shalt  }
0x49: {  	_ =	shalt  }
0x4a: {  	_ =	shalt  }
0x4b: {  	_ =	shalt  }
0x4c: {  	_ =	shalt  }
0x4d: {  	_ =	shalt  }
0x4e: {  	_ =	shalt  }
0x4f: {  	_ =	shalt  }
0x50: {  	_ =	shalt  }
0x51: {  	_ =	shalt  }
0x52: {  	_ =	shalt  }
0x53: {  	_ =	shalt  }
0x54: {  	_ =	shalt  }
0x55: {  	_ =	shalt  }
0x56: {  	_ =	shalt  }
0x57: {  	_ =	shalt  }
0x58: {  	_ =	shalt  }
0x59: {  	_ =	shalt  }
0x5a: {  	_ =	shalt  }
0x5b: {  	_ =	shalt  }
0x5c: {  	_ =	shalt  }
0x5d: {  	_ =	shalt  }
0x5e: {  	_ =	shalt  }
0x5f: {  	_ =	shalt  }
0x60: {  	_ =	shalt  }
0x61: {  	_ =	shalt  }
0x62: {  	_ =	shalt  }
0x63: {  	_ =	shalt  }
0x64: {  	_ =	shalt  }
0x65: {  	_ =	shalt  }
0x66: {  	_ =	shalt  }
0x67: {  	_ =	shalt  }
0x68: {  	_ =	shalt  }
0x69: {  	_ =	shalt  }
0x6a: {  	_ =	shalt  }
0x6b: {  	_ =	shalt  }
0x6c: {  	_ =	shalt  }
0x6d: {  	_ =	shalt  }
0x6e: {  	_ =	shalt  }
0x6f: {  	_ =	shalt  }
0x70: {  	_ =	shalt  }
0x71: {  	_ =	shalt  }
0x72: {  	_ =	shalt  }
0x73: {  	_ =	shalt  }
0x74: {  	_ =	shalt  }
0x75: {  	_ =	shalt  }
0x76: {  	_ =	shalt  }
0x77: {  	_ =	shalt  }
0x78: {  	_ =	shalt  }
0x79: {  	_ =	shalt  }
0x7a: {  	_ =	shalt  }
0x7b: {  	_ =	shalt  }
0x7c: {  	_ =	shalt  }
0x7d: {  	_ =	shalt  }
0x7e: {  	_ =	shalt  }
0x7f: {  	_ =	shalt  }
0x80: {  	_ =	shalt  }
0x81: {  	_ =	shalt  }
0x82: {  	_ =	shalt  }
0x83: {  	_ =	shalt  }
0x84: {  	_ =	shalt  }
0x85: {  	_ =	shalt  }
0x86: {  	_ =	shalt  }
0x87: {  	_ =	shalt  }
.Lfunc_end0:
.L_simem_size_0:
called_computation.1_lowered:
.L_overlay_start_0:
0x88: {  	s2 =	sld [smem:$0x3FD9]  }
0x89: {  	s3 =	sld [smem:$0x3FFE];
	_ =	sdelay $0x1  }
0x8a: {  	s1 =	srdreg.scid  }
0x8b: {  	s0 =	sand.u32 $0x1, s1  }
0x8c: {  	s14 =	sshll.u32 s0, $0xA;
	s2 =	sadd.s32 s3, s2  }
0x8d: {  	s2 =	sadd.s32 s2, s14  }
0x8e: {  	[smem:$0x3FA4] =	sst s2  }
0x8f: {  	_ = 	snop  }
0x90: {  	s2 =	sld [smem:$0x3FD0];
	_ =	sdelay $0x2  }
0x91: {  	s15 =	simm.s32 $0xA;
	s4 =	simm.s32 $0x10  }
0x92: {  	[smem:s4], [sflag:s15] =	dma.local [hbm:s2], $0x1  }
0x93: {  	_ =	swait.eq [sflag:s15], $0x1  }
0x94: {  	[sflag:s15] =	ssyncset.done $0x0  }
0x95: {  	[sflag:s15] =	ssyncadd.s32 $0xFFFFFFFF  }
0x96: {  	s16 =	sld [smem:$0x13];
	(tm) =	ssettm $0x1  }
0x97: {  	s17 =	sld [smem:$0x3FFB];
	_ =	sdelay $0x3  }
0x98: {  	_ =	strace s17  }
0x99: {  	s3 =	sld [smem:$0x3FFC];
	_ =	sdelay $0x3  }
0x9a: {  	_ =	strace s3  }
0x9b: {  	s3 =	sld [smem:$0x3FFD];
	_ =	sdelay $0x3  }
0x9c: {  	_ =	strace s3  }
0x9d: {  	_ =	strace $0x8FFFFFFF  }
0x9e: {  	s18 =	sld [smem:$0x3FDB];
	_ =	sdelay $0x1  }
0x9f: {  	s19 =	simm.s32 $_scs_section_size  }
0xa0: {  	s5 =	simm.s32 $_size__tile_overlayer_lowered;
	s6 =	simm.s32 $_tile_overlayer_lowered  }
0xa1: {  	s22 =	simm.s32 $0x1BFF;
	s21 =	sshll.u32 s6, $0x1;
	s3 =	sadd.s32 s19, s18  }
0xa2: {  	s7 =	simm.s32 $0x0;
	s20 =	sshll.u32 s5, $0x1;
	s5 =	sadd.s32 s21, s3  }
0xa3: {  	[timem:s7], [sflag:s22] =	dma.local [hbm:s5], s20  }
0xa4: {  	_ =	swait.ge [sflag:s22], s20  }
0xa5: {  	s4 =	ssub.s32 $0x0, s20;
	[sflag:s22] =	ssyncset.done $0x0  }
0xa6: {  	[sflag:s22] =	ssyncadd.s32 s4;
	_ =	sdelay $0x1  }
0xa7: {  	s23 =	simm.s32 $0x1B8B  }
0xa8: {  	_ =	swait.ge [sflag:s23], $0x1  }
0xa9: {  	[sflag:s23] =	ssyncset.done $0x0  }
0xaa: {  	s25 =	simm.s32 $0x1B8E;
	s24 =	sld [smem:$0x3FFE];
	[sflag:s23] =	ssyncadd.s32 $0xFFFFFFFF  }
0xab: {  	s26 =	simm.s32 $execute0_lowered;
	[smem:$0x3FD2] =	sst s25  }
0xac: {  	s5 =	sshll.u32 s26, $0x1;
	_ =	strace $0x80000049;
	[dreg:$0x1] =	wrdreg $0xFFFFFFFF  }
0xad: {  	s28 =	simm.s32 $_size_execute0_lowered;
	s3 =	sadd.s32 s3, s5;
	[dreg:$0x0] =	wrdreg $0x0  }
0xae: {  	s5 =	sshll.u32 s28, $0x1;
	[dreg:$0x2] =	wrdreg s3  }
0xaf: {  	[dreg:$0x3] =	wrdreg s5  }
0xb0: {  	[dreg:$0x4] =	wrdreg $0xC0  }
0xb1: {  	_ =	task [dreg:s7], $0x5FFFF  }
0xb2: {  	[dreg:$0x1] =	wrdreg $0xFFFFFFFF  }
0xb3: {  	[dreg:$0x0] =	wrdreg $0x60  }
0xb4: {  	[dreg:$0x2] =	wrdreg s24  }
0xb5: {  	[dreg:$0x3] =	wrdreg s16  }
0xb6: {  	[dreg:$0x4] =	wrdreg $0xF2000  }
0xb7: {  	[dreg:$0x5] =	wrdreg $0x16A000  }
0xb8: {  	[dreg:$0x6] =	wrdreg $0x9  }
0xb9: {  	_ =	task.clear_ibuf [dreg:s7], $0x7FFFF;
	_ =	strace $0x90000049  }
0xba: {  	s29 =	simm.s32 $0x9;
	_ =	strace $0x8000004B  }
0xbb: {  	_ =	swait.ge [sflag:s29], $0x1  }
0xbc: {  	[sflag:s29] =	ssyncadd.s32 $0xFFFFFFFF  }
0xbd: {  	_ =	strace $0x9000004B  }
0xbe: {  	_ =	sfence  }
0xbf: {  	s30 =	sld [smem:$0x0];
	_ =	sdelay $0x2  }
0xc0: {  	s31 =	sshll.u32 s1, $0xD;
	s1 =	sshrl.u32 s1, $0x2  }
0xc1: {  	s3 =	sand.u32 $0x4000, s31;
	s1 =	sadd.s32 s1, s30  }
0xc2: {  	s0 =	sor.u32 s3, s0;
	s1 =	sshll.u32 s1, $0x11  }
0xc3: {  	s0 =	sor.u32 s1, s0  }
0xc4: {  	s0 =	sadd.s32 $0x8F2B, s0  }
0xc5: {  	[sflag:s0] =	ssyncadd.remote.s32 $0x1  }
0xc6: {  	_ =	sfence.sel $0xFFFF  }
0xc7: {  	[dreg:$0x0] =	wrdreg $0xFFFFFFFF;
	(pc) =	sbr.abs _section_cstart, $3  }
0xc8: {  	[dreg:$0x1] =	wrdreg $0xFFFFFFFF  }
0xc9: {  	_ =	task.clear_ibuf [dreg:s7], $0x2FFFF;
	_ =	strace $0x9FFFFFFF  }
0xca: {  	(tm) =	ssettm $0x7FFFFFFF  }
0xcb: {  	_ =	shalt  }
tec
execute0_lowered:
.L_overlay_start_1:
0x0: {  	(tag) =	ssettag $0x1  }
0x1: {  	s7 =	rddreg [dreg:$0x0]  }
0x2: {  	s11 =	rddreg [dreg:$0x1]  }
0x3: {  	s2 =	rddreg [dreg:$0x2]  }
0x4: {  	s0 =	srdreg.scid;
	s3 =	rddreg [dreg:$0x3]  }
0x5: {  	s1 =	rddreg [dreg:$0x4];
	s4 =	simm.s32 $0x0;
	s6 =	sand.u32 $0x1, s0  }
0x6: {  	s18 =	simm.s32 $0xA0;
	s0 =	stileid.u32;
	s5 =	smul.u32 $0x6400, s6  }
0x7: {  	s19 =	simm.s32 $0x200;
	s20 =	simm.s32 $0x5200;
	s8 =	smul.u32 $0x640, s0  }
0x8: {  	s21 =	simm.s32 $0x1;
	[smem:$0x7FF] =	sst s4;
	s24 =	smul.u32 $0xF00, s0  }
0x9: {  	s22 =	simm.s32 $0x2;
	_ =	strace $0x8000004A;
	s30 =	smul.u32 $0xF000, s6  }
0xa: {  	s9 =	ssub.s32 $0x2, s6;
	s15 =	smul.u32 $0x7800, s0;
	s6 =	sadd.s32 $0x19600, s7  }
0xb: {  	s31 =	sshll.u32 s0, $0x6;
	s14 =	sshrl.u32 s9, $0x1;
	s5 =	sadd.s32 s8, s5  }
0xc: {  	s10 =	sadd.s32 s24, s7;
	s16 =	sadd.s32 s30, s7;
	s14 =	ssub.s32 s9, s14  }
0xd: {  	s17 =	sadd.s32 s15, s2;
	s8 =	sor.u32 $0x1C03, s31;
	s15 =	sadd.s32 s15, s3  }
0xe: {  	s12 =	sshrl.u32 s5, $0x3;
	s5 =	sadd.s32 $0xA600, s7;
	s9 =	sadd.s32 $0x29000, s10  }
0xf: {  	s23 =	sadd.s32 $0x38000, s16;
	s25 =	sadd.s32 $0x56000, s16;
	s15 =	sshrl.u32 s15, $0x3  }
0x10: {  	s16 =	simm.s32 $0xA200;
	s13 =	sadd.s32 s12, s7;
	s7 =	sadd.s32 $0x1A000, s10  }
0x11: {  	s10 =	smax.u32 s14, $0x1;
	s11 =	sadd.s32 s12, s11;
	s14 =	simm.s32 $0x3  }
0x12: {  	s23 =	sadd.s32 s24, s23;
	s24 =	sadd.s32 s24, s25;
	s25 =	simm.s32 $0x0  }
0x13: {  	s12 =	sadd.s32 $0x8C00, s13;
	s13 =	sshrl.u32 s17, $0x3;
	s17 =	simm.s32 $0x100  }
.LBB2_1:
0x14: {  	[spmem:s13], [sflag:s8] =	dma.local [hbm:s7], $0xF00  }
0x15: {  	_ =	swait.ge [sflag:s14], $0xF00  }
0x16: {  	[sflag:s14] =	ssyncset.done $0x0  }
0x17: {  	[sflag:s14] =	ssyncadd.s32 $0xFFFFF100  }
0x18: {  	[spmem:s15], [sflag:s8] =	dma.local [hbm:s9], $0xF00  }
0x19: {  	_ =	swait.ge [sflag:s14], $0xF00  }
0x1a: {  	[sflag:s14] =	ssyncset.done $0x0  }
0x1b: {  	[sflag:s14] =	ssyncadd.s32 $0xFFFFF100  }
0x1c: {  	[tilespmem:s16], [sflag:$0x3] =	stream.linear.gather [hbm4b:s6+s4], $0x5000, $0x38;
	[tilespmem:$0x17900] =	vst v63  }
0x1d: {  	_ =	swait.ge [sflag:s14], $0x5000  }
0x1e: {  	[sflag:s14] =	ssyncset.done $0x0  }
0x1f: {  	[sflag:s14] =	ssyncadd.s32 $0xFFFFB000  }
0x20: {  	s26 =	sadd.s32 $0x0, s12;
	[bflag:$0x0] =	sbarrier.arrive $0xFFFF  }
0x21: {  	[tilespmem:s4], [sflag:$0x3] =	stream.linear.gather [hbm4b:s26+s4], $0xA0, $0x38;
	[tilespmem:$0x17900] =	vst v63  }
0x22: {  	_ =	swait.ge [sflag:s14], $0xA0  }
0x23: {  	[sflag:s14] =	ssyncset.done $0x0  }
0x24: {  	s31 =	sadd.s32 $0x0, s11;
	[sflag:s14] =	ssyncadd.s32 $0xFFFFFF60  }
0x25: {  	[tilespmem:s17], [sflag:$0x3] =	stream.linear.gather [hbm4b:s31+s4], $0xA0, $0x38;
	[tilespmem:$0x17900] =	vst v63  }
0x26: {  	_ =	swait.ge [sflag:s14], $0xA0  }
0x27: {  	[sflag:s14] =	ssyncset.done $0x0  }
0x28: {  	[sflag:s14] =	ssyncadd.s32 $0xFFFFFF60  }
0x29: {  	[tilespmem:s19], [sflag:$0x1] =	stream.indirect.gather [hbm4b:s5+s18], $0x80, s4, s18, $0xb8;
	[tilespmem:$0x17900] =	vst v63  }
0x2a: {  	_ = 	snop  }
0x2b: {  	[tilespmem:s20], [sflag:$0x2] =	stream.indirect.gather [hbm4b:s5+s18], $0x80, s17, s18, $0xb8;
	[tilespmem:$0x17900] =	vst v63  }
0x2c: {  	_ =	swait.ge [sflag:s21], $0x5000  }
0x2d: {  	[sflag:s21] =	ssyncset.done $0x0  }
0x2e: {  	[sflag:s21] =	ssyncadd.s32 $0xFFFFB000  }
0x2f: {  	_ =	swait.ge [sflag:s22], $0x5000  }
0x30: {  	[sflag:s22] =	ssyncset.done $0x0  }
0x31: {  	[sflag:s22] =	ssyncadd.s32 $0xFFFFB000  }
0x32: {  	[spmem:s2] =	stream.indirect.scatter.add.f32 [tilespmem:s19], [sflag:$0x3], $0x80, s17, s18, $0xb8;
	[tilespmem:$0x17900] =	vst v63  }
0x33: {  	_ =	swait.ge [sflag:s14], $0x5000  }
0x34: {  	[sflag:s14] =	ssyncset.done $0x0  }
0x35: {  	[sflag:s14] =	ssyncadd.s32 $0xFFFFB000  }
0x36: {  	[spmem:s2] =	stream.indirect.scatter.add.f32 [tilespmem:s20], [sflag:$0x3], $0x80, s4, s18, $0xb8;
	[tilespmem:$0x17900] =	vst v63  }
0x37: {  	_ =	swait.ge [sflag:s14], $0x5000  }
0x38: {  	[sflag:s14] =	ssyncset.done $0x0  }
0x39: {  	[sflag:s14] =	ssyncadd.s32 $0xFFFFB000  }
0x3a: {  	[spmem:s3] =	stream.indirect.scatter.add.f32 [tilespmem:s16], [sflag:$0x3], $0x10, s17, s18, $0xb8;
	[tilespmem:$0x17900] =	vst v63  }
0x3b: {  	_ =	swait.ge [sflag:s14], $0xA00  }
0x3c: {  	[sflag:s14] =	ssyncset.done $0x0  }
0x3d: {  	[sflag:s14] =	ssyncadd.s32 $0xFFFFF600  }
0x3e: {  	[spmem:s3] =	stream.indirect.scatter.add.f32 [tilespmem:s16], [sflag:$0x3], $0x10, s4, s18, $0xb8;
	[tilespmem:$0x17900] =	vst v63  }
0x3f: {  	_ =	swait.ge [sflag:s14], $0xA00  }
0x40: {  	s29 =	simm.s32 $0x28;
	s26 =	simm.s32 $0x14;
	[sflag:s14] =	ssyncset.done $0x0  }
.LBB2_2:
0x41: {  	s30 =	sadd.s32 s26, s12  }
0x42: {  	[sflag:s14] =	ssyncadd.s32 $0xFFFFF600;
	s31 =	smov.u32 s29;
	s28 =	sadd.s32 $0x14, s29  }
0x43: {  	[tilespmem:s4], [sflag:$0x3] =	stream.linear.gather [hbm4b:s30+s4], $0xA0, $0x38;
	[tilespmem:$0x17900] =	vst v63  }
0x44: {  	p0 =	sne.s32 s29, $0xB4;
	_ =	swait.ge [sflag:s14], $0xA0  }
0x45: {  	[sflag:s14] =	ssyncset.done $0x0  }
0x46: {  	s29 =	sadd.s32 s26, s11;
	s26 =	smov.u32 s31;
	[sflag:s14] =	ssyncadd.s32 $0xFFFFFF60  }
0x47: {  	[tilespmem:s17], [sflag:$0x3] =	stream.linear.gather [hbm4b:s29+s4], $0xA0, $0x38;
	[tilespmem:$0x17900] =	vst v63  }
0x48: {  	_ =	swait.ge [sflag:s14], $0xA0  }
0x49: {  	[sflag:s14] =	ssyncset.done $0x0  }
0x4a: {  	[sflag:s14] =	ssyncadd.s32 $0xFFFFFF60  }
0x4b: {  	[tilespmem:s19], [sflag:$0x1] =	stream.indirect.gather [hbm4b:s5+s18], $0x80, s4, s18, $0xb8;
	[tilespmem:$0x17900] =	vst v63  }
0x4c: {  	_ = 	snop  }
0x4d: {  	[tilespmem:s20], [sflag:$0x2] =	stream.indirect.gather [hbm4b:s5+s18], $0x80, s17, s18, $0xb8;
	[tilespmem:$0x17900] =	vst v63  }
0x4e: {  	_ =	swait.ge [sflag:s21], $0x5000  }
0x4f: {  	[sflag:s21] =	ssyncset.done $0x0  }
0x50: {  	[sflag:s21] =	ssyncadd.s32 $0xFFFFB000  }
0x51: {  	_ =	swait.ge [sflag:s22], $0x5000  }
0x52: {  	[sflag:s22] =	ssyncset.done $0x0  }
0x53: {  	[sflag:s22] =	ssyncadd.s32 $0xFFFFB000  }
0x54: {  	[spmem:s2] =	stream.indirect.scatter.add.f32 [tilespmem:s19], [sflag:$0x3], $0x80, s17, s18, $0xb8;
	[tilespmem:$0x17900] =	vst v63  }
0x55: {  	_ =	swait.ge [sflag:s14], $0x5000  }
0x56: {  	[sflag:s14] =	ssyncset.done $0x0  }
0x57: {  	[sflag:s14] =	ssyncadd.s32 $0xFFFFB000  }
0x58: {  	[spmem:s2] =	stream.indirect.scatter.add.f32 [tilespmem:s20], [sflag:$0x3], $0x80, s4, s18, $0xb8;
	[tilespmem:$0x17900] =	vst v63  }
0x59: {  	_ =	swait.ge [sflag:s14], $0x5000  }
0x5a: {  	[sflag:s14] =	ssyncset.done $0x0  }
0x5b: {  	[sflag:s14] =	ssyncadd.s32 $0xFFFFB000  }
0x5c: {  	[spmem:s3] =	stream.indirect.scatter.add.f32 [tilespmem:s16], [sflag:$0x3], $0x10, s17, s18, $0xb8;
	[tilespmem:$0x17900] =	vst v63  }
0x5d: {  	_ =	swait.ge [sflag:s14], $0xA00  }
.Ltmp0:
0x5e: {  	[sflag:s14] =	ssyncset.done $0x0;
	(pc) =	sbr.rel @p0 .LBB2_2-.Ltmp0, $4  }
0x5f: {  	[sflag:s14] =	ssyncadd.s32 $0xFFFFF600  }
0x60: {  	[spmem:s3] =	stream.indirect.scatter.add.f32 [tilespmem:s16], [sflag:$0x3], $0x10, s4, s18, $0xb8;
	[tilespmem:$0x17900] =	vst v63  }
0x61: {  	_ =	swait.ge [sflag:s14], $0xA00  }
0x62: {  	s29 =	smov.u32 s28;
	[sflag:s14] =	ssyncset.done $0x0  }
0x63: {  	s28 =	sadd.s32 s26, s12;
	[sflag:s14] =	ssyncadd.s32 $0xFFFFF600  }
0x64: {  	[tilespmem:s4], [sflag:$0x3] =	stream.linear.gather [hbm4b:s28+s4], $0xA0, $0x38;
	[tilespmem:$0x17900] =	vst v63  }
0x65: {  	_ =	swait.ge [sflag:s14], $0xA0  }
0x66: {  	[sflag:s14] =	ssyncset.done $0x0  }
0x67: {  	s31 =	sadd.s32 s26, s11;
	[sflag:s14] =	ssyncadd.s32 $0xFFFFFF60  }
0x68: {  	[tilespmem:s17], [sflag:$0x3] =	stream.linear.gather [hbm4b:s31+s4], $0xA0, $0x38;
	[tilespmem:$0x17900] =	vst v63  }
0x69: {  	_ =	swait.ge [sflag:s14], $0xA0  }
0x6a: {  	[sflag:s14] =	ssyncset.done $0x0  }
0x6b: {  	[sflag:s14] =	ssyncadd.s32 $0xFFFFFF60  }
0x6c: {  	[tilespmem:s19], [sflag:$0x1] =	stream.indirect.gather [hbm4b:s5+s18], $0x80, s4, s18, $0xb8;
	[tilespmem:$0x17900] =	vst v63  }
0x6d: {  	_ = 	snop  }
0x6e: {  	[tilespmem:s20], [sflag:$0x2] =	stream.indirect.gather [hbm4b:s5+s18], $0x80, s17, s18, $0xb8;
	[tilespmem:$0x17900] =	vst v63  }
0x6f: {  	_ =	swait.ge [sflag:s21], $0x5000  }
0x70: {  	[sflag:s21] =	ssyncset.done $0x0  }
0x71: {  	[sflag:s21] =	ssyncadd.s32 $0xFFFFB000  }
0x72: {  	_ =	swait.ge [sflag:s22], $0x5000  }
0x73: {  	[sflag:s22] =	ssyncset.done $0x0  }
0x74: {  	[sflag:s22] =	ssyncadd.s32 $0xFFFFB000  }
0x75: {  	[spmem:s2] =	stream.indirect.scatter.add.f32 [tilespmem:s19], [sflag:$0x3], $0x80, s17, s18, $0xb8;
	[tilespmem:$0x17900] =	vst v63  }
0x76: {  	_ =	swait.ge [sflag:s14], $0x5000  }
0x77: {  	[sflag:s14] =	ssyncset.done $0x0  }
0x78: {  	[sflag:s14] =	ssyncadd.s32 $0xFFFFB000  }
0x79: {  	[spmem:s2] =	stream.indirect.scatter.add.f32 [tilespmem:s20], [sflag:$0x3], $0x80, s4, s18, $0xb8;
	[tilespmem:$0x17900] =	vst v63  }
0x7a: {  	_ =	swait.ge [sflag:s14], $0x5000  }
0x7b: {  	[sflag:s14] =	ssyncset.done $0x0  }
0x7c: {  	[sflag:s14] =	ssyncadd.s32 $0xFFFFB000  }
0x7d: {  	[spmem:s3] =	stream.indirect.scatter.add.f32 [tilespmem:s16], [sflag:$0x3], $0x10, s17, s18, $0xb8;
	[tilespmem:$0x17900] =	vst v63  }
0x7e: {  	_ =	swait.ge [sflag:s14], $0xA00  }
0x7f: {  	[sflag:s14] =	ssyncset.done $0x0  }
0x80: {  	[sflag:s14] =	ssyncadd.s32 $0xFFFFF600  }
0x81: {  	[spmem:s3] =	stream.indirect.scatter.add.f32 [tilespmem:s16], [sflag:$0x3], $0x10, s4, s18, $0xb8;
	[tilespmem:$0x17900] =	vst v63  }
0x82: {  	_ =	swait.ge [sflag:s14], $0xA00  }
0x83: {  	[sflag:s14] =	ssyncset.done $0x0  }
0x84: {  	[sflag:s14] =	ssyncadd.s32 $0xFFFFF600  }
0x85: {  	[bflag:$0x0] =	sbarrier.arrive $0xFFFF  }
0x86: {  	[hbm:s23], [sflag:s8] =	dma.local [spmem:s13], $0xF00  }
0x87: {  	s25 =	sadd.s32 $0x1, s25;
	_ =	swait.ge [sflag:s14], $0xF00  }
0x88: {  	p0 =	sne.s32 s25, s10;
	[sflag:s14] =	ssyncset.done $0x0  }
.Ltmp1:
0x89: {  	[sflag:s14] =	ssyncadd.s32 $0xFFFFF100;
	(pc) =	sbr.rel @p0 .LBB2_1-.Ltmp1, $4  }
0x8a: {  	[hbm:s24], [sflag:s8] =	dma.local [spmem:s15], $0xF00  }
0x8b: {  	_ =	swait.ge [sflag:s14], $0xF00  }
0x8c: {  	[sflag:s14] =	ssyncset.done $0x0  }
0x8d: {  	[sflag:s14] =	ssyncadd.s32 $0xFFFFF100  }
0x8e: {  	_ =	sfence.sel $0x180000  }
0x8f: {  	[bflag:$0x0] =	sbarrier.arrive $0xFFFF  }
0x90: {  	p0 =	sne.s32 s0, $0x0;
	_ =	strace $0x9000004A  }
0x91: {  	s0 =	sadd.s32 @!p0 $0x100000, s1;
	[bflag:$0x2] =	sbarrier.arrive $0xFFFF  }
0x92: {  	[sflag:s0] =	ssyncadd.tile.s32 @!p0 $0x1;
	_ =	shalt  }
.Lfunc_end2:
_tile_overlayer_lowered:
.L_overlay_start_2:
0x93: {  	(tag) =	ssettag $0x2  }
0x94: {  	s0 =	rddreg [dreg:$0x0];
	s2 =	stileid.u32  }
0x95: {  	s1 =	rddreg [dreg:$0x1];
	p0 =	sne.s32 s2, $0x0  }
0x96: {  	s3 =	rddreg [dreg:$0x2];
	[bflag:$0x3] =	sbarrier.arrive $0xFFFF;
	s2 =	simm.s32 @!p0 $0x1C03  }
0x97: {  	[timem:s3], [sflag:s2] =	dma.local @!p0 [hbm:s0], s1  }
0x98: {  	s0 =	simm.s32 @!p0 $0x3  }
0x99: {  	_ =	swait.ge @!p0 [sflag:s0], s1  }
0x9a: {  	s1 =	ssub.s32 @!p0 $0x0, s1;
	[sflag:s0] =	ssyncset.done @!p0 $0x0  }
0x9b: {  	[sflag:s0] =	ssyncadd.s32 @!p0 s1  }
0x9c: {  	[bflag:$0x3] =	sbarrier.arrive $0xFFFF  }
0x9d: {  	_ =	shalt  }

// kernel: kernel.23.cloned.1.call-start
scs
__scs_entry_jumppad:
0x0: {  	(pc) =	sbr.rel $0x88, $3  }
0x1: {  	(tag) =	ssettag $0x0;
	lr =	simm.s32 $0x1  }
0x2: {  	[smem:$0x3F7D] =	sst lr;
	_ =	strace $0xD0000000  }
0x3: {  	_ = 	snop  }
0x4: {  	_ = 	snop  }
0x5: {  	_ = 	snop  }
0x6: {  	_ = 	snop  }
0x7: {  	_ = 	snop  }
__scs_overlays_trampoline_lowered:
0x8: {  	[smem:$0x3F8C] =	sst s0  }
0x9: {  	[smem:$0x3F8D] =	sst s1  }
0xa: {  	[smem:$0x3F8E] =	sst s2  }
0xb: {  	[smem:$0x3F8F] =	sst s3  }
0xc: {  	[smem:$0x3F90] =	sst s4  }
0xd: {  	[smem:$0x3F91] =	sst s5  }
0xe: {  	[smem:$0x3F92] =	sst s6  }
0xf: {  	[smem:$0x3F93] =	sst s7  }
0x10: {  	[smem:$0x3F94] =	sst s8  }
0x11: {  	[smem:$0x3F95] =	sst s9;
	s0 =	simm.s32 @!p0 $0x0  }
0x12: {  	s1 =	sld [smem:$0x3F7B];
	s0 =	simm.s32 @p0 $0x1  }
0x13: {  	[smem:$0x3F96] =	sst s0;
	s0 =	simm.s32 @!p1 $0x0  }
0x14: {  	s2 =	sld [smem:$0x3F7A];
	s0 =	simm.s32 @p1 $0x1  }
0x15: {  	[smem:$0x3F97] =	sst s0;
	s0 =	simm.s32 @!p2 $0x0  }
0x16: {  	s3 =	sld [smem:$0x3FDB];
	s0 =	simm.s32 @p2 $0x1  }
0x17: {  	s4 =	simm.s32 $0x1BF5;
	[smem:$0x3F99] =	sst s0  }
0x18: {  	s0 =	sld [smem:$0x3F7C];
	_ =	swait.ge [sflag:s4], $0x0  }
0x19: {  	s7 =	sld [smem:$0x3F7D]  }
0x1a: {  	s8 =	sadd.s32 $0xFFFFE003, lr  }
0x1b: {  	s9 =	sadd.s32 $0xFFFFFEF7, lr;
	s5 =	simm.s32 $0xFFFFFFFF;
	p2 =	slt.u32 s8, $0xFFFFF086  }
0x1c: {  	p1 =	slt.u32 s9, $0xF7A;
	s5 =	simm.s32 @!p2 $0x0  }
0x1d: {  	s5 =	simm.s32 @p1 $0x1;
	p0 =	seq.s32 s7, s2  }
0x1e: {  	s7 =	smul.u32 @!p0 $0xF7A, s2;
	p2 =	seq.s32 @!p0 s5, $0x0  }
0x1f: {  	s9 =	smul.u32 $0xF7A, s1;
	s8 =	simm.s32 @!p0 $0x1BF5;
	p2 =	por !p2, p0  }
0x20: {  	[sflag:s8] =	ssyncset.s32 @!p0 $0xFFFFF086;
	s6 =	sadd.s32 @!p0 s3, s7;
	s7 =	simm.s32 @!p0 $0x108  }
0x21: {  	s3 =	sadd.s32 s3, s9;
	s6 =	sadd.s32 @!p0 $0x88, s6;
	s7 =	simm.s32 @p2 $0x1082  }
0x22: {  	[simem:s7], [sflag:s8] =	dma.local @!p0 [hbm:s6], $0xF7A  }
0x23: {  	s9 =	sor.u32 $0xD0000000, s2;
	s6 =	simm.s32 $0x108;
	_ =	swait.ge @!p0 [sflag:s8], $0x0  }
0x24: {  	s3 =	sadd.s32 $0x88, s3;
	s6 =	simm.s32 @!p1 $0x1082;
	[sflag:s4] =	ssyncset.s32 $0xFFFFF086  }
0x25: {  	[simem:s6], [sflag:s4] =	dma.local [hbm:s3], $0xF7A  }
0x26: {  	[smem:$0x3F7D] =	sst s1;
	(tag) =	ssettag s2;
	_ =	strace s9  }
0x27: {  	s1 =	sld [smem:$0x3F8D]  }
0x28: {  	s2 =	sld [smem:$0x3F8E]  }
0x29: {  	s4 =	sld [smem:$0x3F90]  }
0x2a: {  	p0 =	seq.s32 s5, $0x0;
	s5 =	sld [smem:$0x3F91]  }
0x2b: {  	s6 =	sld [smem:$0x3F92]  }
0x2c: {  	s7 =	sld [smem:$0x3F93]  }
0x2d: {  	s3 =	simm.s32 $0x108;
	s8 =	sld [smem:$0x3F94]  }
0x2e: {  	s3 =	simm.s32 @!p0 $0x1082;
	s9 =	sld [smem:$0x3F95]  }
0x2f: {  	lr =	sadd.s32 s0, s3;
	s0 =	sld [smem:$0x3F8C]  }
0x30: {  	s3 =	sld [smem:$0x3F8F]  }
0x31: {  	[smem:$0x3F98] =	sst s10  }
0x32: {  	s10 =	sld [smem:$0x3F96];
	_ =	sdelay $0x3  }
0x33: {  	p0 =	seq.s32 s10, $0x1;
	s10 =	sld [smem:$0x3F98];
	_ =	sdelay $0x3  }
0x34: {  	[smem:$0x3F98] =	sst s10  }
0x35: {  	s10 =	sld [smem:$0x3F97];
	_ =	sdelay $0x3  }
0x36: {  	p1 =	seq.s32 s10, $0x1;
	s10 =	sld [smem:$0x3F98];
	_ =	sdelay $0x3  }
0x37: {  	[smem:$0x3F98] =	sst s10  }
0x38: {  	s10 =	sld [smem:$0x3F99]  }
0x39: {  	_ = 	snop;
	(pc) =	sbr.ind lr, $3  }
0x3a: {  	_ = 	snop  }
0x3b: {  	_ = 	snop  }
0x3c: {  	p2 =	seq.s32 s10, $0x1;
	s10 =	sld [smem:$0x3F98]  }
0x3d: {  	_ =	shalt  }
0x3e: {  	_ =	shalt  }
0x3f: {  	_ =	shalt  }
0x40: {  	_ =	shalt  }
0x41: {  	_ =	shalt  }
0x42: {  	_ =	shalt  }
0x43: {  	_ =	shalt  }
0x44: {  	_ =	shalt  }
0x45: {  	_ =	shalt  }
0x46: {  	_ =	shalt  }
0x47: {  	_ =	shalt  }
0x48: {  	_ =	shalt  }
0x49: {  	_ =	shalt  }
0x4a: {  	_ =	shalt  }
0x4b: {  	_ =	shalt  }
0x4c: {  	_ =	shalt  }
0x4d: {  	_ =	shalt  }
0x4e: {  	_ =	shalt  }
0x4f: {  	_ =	shalt  }
0x50: {  	_ =	shalt  }
0x51: {  	_ =	shalt  }
0x52: {  	_ =	shalt  }
0x53: {  	_ =	shalt  }
0x54: {  	_ =	shalt  }
0x55: {  	_ =	shalt  }
0x56: {  	_ =	shalt  }
0x57: {  	_ =	shalt  }
0x58: {  	_ =	shalt  }
0x59: {  	_ =	shalt  }
0x5a: {  	_ =	shalt  }
0x5b: {  	_ =	shalt  }
0x5c: {  	_ =	shalt  }
0x5d: {  	_ =	shalt  }
0x5e: {  	_ =	shalt  }
0x5f: {  	_ =	shalt  }
0x60: {  	_ =	shalt  }
0x61: {  	_ =	shalt  }
0x62: {  	_ =	shalt  }
0x63: {  	_ =	shalt  }
0x64: {  	_ =	shalt  }
0x65: {  	_ =	shalt  }
0x66: {  	_ =	shalt  }
0x67: {  	_ =	shalt  }
0x68: {  	_ =	shalt  }
0x69: {  	_ =	shalt  }
0x6a: {  	_ =	shalt  }
0x6b: {  	_ =	shalt  }
0x6c: {  	_ =	shalt  }
0x6d: {  	_ =	shalt  }
0x6e: {  	_ =	shalt  }
0x6f: {  	_ =	shalt  }
0x70: {  	_ =	shalt  }
0x71: {  	_ =	shalt  }
0x72: {  	_ =	shalt  }
0x73: {  	_ =	shalt  }
0x74: {  	_ =	shalt  }
0x75: {  	_ =	shalt  }
0x76: {  	_ =	shalt  }
0x77: {  	_ =	shalt  }
0x78: {  	_ =	shalt  }
0x79: {  	_ =	shalt  }
0x7a: {  	_ =	shalt  }
0x7b: {  	_ =	shalt  }
0x7c: {  	_ =	shalt  }
0x7d: {  	_ =	shalt  }
0x7e: {  	_ =	shalt  }
0x7f: {  	_ =	shalt  }
0x80: {  	_ =	shalt  }
0x81: {  	_ =	shalt  }
0x82: {  	_ =	shalt  }
0x83: {  	_ =	shalt  }
0x84: {  	_ =	shalt  }
0x85: {  	_ =	shalt  }
0x86: {  	_ =	shalt  }
0x87: {  	_ =	shalt  }
.Lfunc_end0:
.L_simem_size_0:
called_computation.2_lowered:
.L_overlay_start_0:
0x88: {  	s2 =	sld [smem:$0x3FD9]  }
0x89: {  	s3 =	sld [smem:$0x3FFE];
	_ =	sdelay $0x1  }
0x8a: {  	s1 =	srdreg.scid  }
0x8b: {  	s0 =	sand.u32 $0x1, s1  }
0x8c: {  	s14 =	sshll.u32 s0, $0xA;
	s2 =	sadd.s32 s3, s2  }
0x8d: {  	s2 =	sadd.s32 s2, s14  }
0x8e: {  	[smem:$0x3FA4] =	sst s2  }
0x8f: {  	_ = 	snop  }
0x90: {  	s2 =	sld [smem:$0x3FD0];
	_ =	sdelay $0x2  }
0x91: {  	s15 =	simm.s32 $0xA;
	s4 =	simm.s32 $0x10  }
0x92: {  	[smem:s4], [sflag:s15] =	dma.local [hbm:s2], $0x1  }
0x93: {  	_ =	swait.eq [sflag:s15], $0x1  }
0x94: {  	[sflag:s15] =	ssyncset.done $0x0  }
0x95: {  	s16 =	sld [smem:$0x11];
	[sflag:s15] =	ssyncadd.s32 $0xFFFFFFFF  }
0x96: {  	s17 =	sld [smem:$0x12];
	(tm) =	ssettm $0x1  }
0x97: {  	s18 =	sld [smem:$0x3FFB];
	_ =	sdelay $0x3  }
0x98: {  	_ =	strace s18  }
0x99: {  	s4 =	sld [smem:$0x3FFC];
	_ =	sdelay $0x3  }
0x9a: {  	_ =	strace s4  }
0x9b: {  	s4 =	sld [smem:$0x3FFD];
	_ =	sdelay $0x3  }
0x9c: {  	_ =	strace s4  }
0x9d: {  	_ =	strace $0x8FFFFFFF  }
0x9e: {  	s19 =	sld [smem:$0x3FDB];
	_ =	sdelay $0x1  }
0x9f: {  	s5 =	simm.s32 $_scs_section_size  }
0xa0: {  	s6 =	simm.s32 $_size__tile_overlayer_lowered;
	s7 =	simm.s32 $_tile_overlayer_lowered  }
0xa1: {  	s22 =	simm.s32 $0x1BFF;
	s21 =	sshll.u32 s7, $0x1;
	s4 =	sadd.s32 s5, s19  }
0xa2: {  	s8 =	simm.s32 $0x0;
	s20 =	sshll.u32 s6, $0x1;
	s6 =	sadd.s32 s21, s4  }
0xa3: {  	[timem:s8], [sflag:s22] =	dma.local [hbm:s6], s20  }
0xa4: {  	_ =	swait.ge [sflag:s22], s20  }
0xa5: {  	s5 =	ssub.s32 $0x0, s20;
	[sflag:s22] =	ssyncset.done $0x0  }
0xa6: {  	[sflag:s22] =	ssyncadd.s32 s5;
	_ =	sdelay $0x1  }
0xa7: {  	s23 =	simm.s32 $0x1B8B  }
0xa8: {  	_ =	swait.ge [sflag:s23], $0x1  }
0xa9: {  	[sflag:s23] =	ssyncset.done $0x0  }
0xaa: {  	s25 =	simm.s32 $0x1B8E;
	s24 =	sld [smem:$0x3FFE];
	[sflag:s23] =	ssyncadd.s32 $0xFFFFFFFF  }
0xab: {  	s26 =	simm.s32 $execute0_lowered;
	[smem:$0x3FD2] =	sst s25  }
0xac: {  	s6 =	sshll.u32 s26, $0x1;
	_ =	strace $0x8000004C;
	[dreg:$0x1] =	wrdreg $0xFFFFFFFF  }
0xad: {  	s28 =	simm.s32 $_size_execute0_lowered;
	s4 =	sadd.s32 s4, s6;
	[dreg:$0x0] =	wrdreg $0x0  }
0xae: {  	s6 =	sshll.u32 s28, $0x1;
	[dreg:$0x2] =	wrdreg s4  }
0xaf: {  	[dreg:$0x3] =	wrdreg s6  }
0xb0: {  	[dreg:$0x4] =	wrdreg $0xC0  }
0xb1: {  	_ =	task [dreg:s8], $0x5FFFF  }
0xb2: {  	[dreg:$0x1] =	wrdreg $0xFFFFFFFF  }
0xb3: {  	[dreg:$0x0] =	wrdreg $0x60  }
0xb4: {  	[dreg:$0x2] =	wrdreg s17  }
0xb5: {  	[dreg:$0x3] =	wrdreg s16  }
0xb6: {  	[dreg:$0x4] =	wrdreg s24  }
0xb7: {  	[dreg:$0x5] =	wrdreg $0x9  }
0xb8: {  	_ =	task.clear_ibuf [dreg:s8], $0x6FFFF;
	_ =	strace $0x9000004C  }
0xb9: {  	s29 =	simm.s32 $0x9;
	_ =	strace $0x8000004E  }
0xba: {  	_ =	swait.ge [sflag:s29], $0x1  }
0xbb: {  	[sflag:s29] =	ssyncadd.s32 $0xFFFFFFFF  }
0xbc: {  	_ =	strace $0x9000004E  }
0xbd: {  	_ =	sfence  }
0xbe: {  	s30 =	sld [smem:$0x0];
	_ =	sdelay $0x2  }
0xbf: {  	s31 =	sshll.u32 s1, $0xD;
	s1 =	sshrl.u32 s1, $0x2  }
0xc0: {  	s3 =	sand.u32 $0x4000, s31;
	s1 =	sadd.s32 s1, s30  }
0xc1: {  	s0 =	sor.u32 s3, s0;
	s1 =	sshll.u32 s1, $0x11  }
0xc2: {  	s0 =	sor.u32 s1, s0  }
0xc3: {  	s0 =	sadd.s32 $0x8F2B, s0  }
0xc4: {  	[sflag:s0] =	ssyncadd.remote.s32 $0x1  }
0xc5: {  	_ =	sfence.sel $0xFFFF  }
0xc6: {  	[dreg:$0x0] =	wrdreg $0xFFFFFFFF;
	(pc) =	sbr.abs _section_cstart, $3  }
0xc7: {  	[dreg:$0x1] =	wrdreg $0xFFFFFFFF  }
0xc8: {  	_ =	task.clear_ibuf [dreg:s8], $0x2FFFF;
	_ =	strace $0x9FFFFFFF  }
0xc9: {  	(tm) =	ssettm $0x7FFFFFFF  }
tec
execute0_lowered:
.L_overlay_start_1:
0x0: {  	(tag) =	ssettag $0x1  }
0x1: {  	s8 =	rddreg [dreg:$0x0]  }
0x2: {  	s7 =	rddreg [dreg:$0x1]  }
0x3: {  	s4 =	rddreg [dreg:$0x2]  }
0x4: {  	s1 =	srdreg.scid;
	s0 =	rddreg [dreg:$0x3]  }
0x5: {  	s2 =	simm.s32 $0x0;
	s13 =	simm.s32 $0x6600;
	s14 =	simm.s32 $0x1  }
0x6: {  	s15 =	simm.s32 $0x2;
	s3 =	sand.u32 $0x1, s1;
	[smem:$0x7FF] =	sst s2  }
0x7: {  	s16 =	simm.s32 $0x0;
	s1 =	stileid.u32;
	s5 =	smul.u32 $0xC8000, s3  }
0x8: {  	s6 =	smul.u32 $0xC800, s3;
	_ =	strace $0x8000004D;
	s9 =	ssub.s32 $0x2, s3  }
0x9: {  	s10 =	smul.u32 $0xC80, s1;
	s3 =	sadd.s32 $0x8E00, s4;
	s11 =	sshrl.u32 s9, $0x1  }
0xa: {  	s12 =	smul.u32 $0xC800, s1;
	s5 =	sadd.s32 s5, s4;
	s30 =	ssub.s32 s9, s11  }
0xb: {  	s6 =	sadd.s32 s10, s6;
	s9 =	simm.s32 $0x3;
	s11 =	simm.s32 $0xC8  }
0xc: {  	s4 =	smax.u32 s30, $0x1;
	s31 =	sadd.s32 s12, s5;
	s10 =	sshrl.u32 s6, $0x3  }
0xd: {  	s12 =	simm.s32 $0x200;
	s5 =	sadd.s32 $0x17E00, s31;
	s6 =	sadd.s32 $0x1A7E00, s31  }
0xe: {  	s7 =	sadd.s32 s10, s7;
	s8 =	sadd.s32 s10, s8;
	s10 =	simm.s32 $0x100  }
.LBB2_1:
0xf: {  	s17 =	sadd.s32 $0x0, s8  }
0x10: {  	[tilespmem:s2], [sflag:$0x3] =	stream.linear.gather [hbm4b:s17+s2], $0xC8, $0x38;
	[tilespmem:$0xCA00] =	vst v63  }
0x11: {  	_ =	swait.ge [sflag:s9], $0xC8  }
0x12: {  	[sflag:s9] =	ssyncset.done $0x0  }
0x13: {  	s31 =	sadd.s32 $0x0, s7;
	[sflag:s9] =	ssyncadd.s32 $0xFFFFFF38  }
0x14: {  	[tilespmem:s10], [sflag:$0x3] =	stream.linear.gather [hbm4b:s31+s2], $0xC8, $0x38;
	[tilespmem:$0xCA00] =	vst v63  }
0x15: {  	_ =	swait.ge [sflag:s9], $0xC8  }
0x16: {  	[sflag:s9] =	ssyncset.done $0x0  }
0x17: {  	[sflag:s9] =	ssyncadd.s32 $0xFFFFFF38  }
0x18: {  	[tilespmem:s12], [sflag:$0x1] =	stream.indirect.gather [hbm4b:s3+s11], $0x80, s2, s11, $0xb8;
	[tilespmem:$0xCA00] =	vst v63  }
0x19: {  	_ = 	snop  }
0x1a: {  	[tilespmem:s13], [sflag:$0x2] =	stream.indirect.gather [hbm4b:s3+s11], $0x80, s10, s11, $0xb8;
	[tilespmem:$0xCA00] =	vst v63  }
0x1b: {  	_ =	swait.ge [sflag:s14], $0x6400  }
0x1c: {  	[sflag:s14] =	ssyncset.done $0x0  }
0x1d: {  	[sflag:s14] =	ssyncadd.s32 $0xFFFF9C00  }
0x1e: {  	_ =	swait.ge [sflag:s15], $0x6400  }
0x1f: {  	[sflag:s15] =	ssyncset.done $0x0  }
0x20: {  	[sflag:s15] =	ssyncadd.s32 $0xFFFF9C00  }
0x21: {  	[hbm4b:s5+s2] =	stream.linear.scatter [tilespmem:s12], [sflag:$0x3], $0x6400, $0x38;
	[tilespmem:$0xCA00] =	vst v63  }
0x22: {  	_ =	swait.ge [sflag:s9], $0x6400  }
0x23: {  	[sflag:s9] =	ssyncset.done $0x0  }
0x24: {  	[sflag:s9] =	ssyncadd.s32 $0xFFFF9C00  }
0x25: {  	[hbm4b:s6+s2] =	stream.linear.scatter [tilespmem:s13], [sflag:$0x3], $0x6400, $0x38;
	[tilespmem:$0xCA00] =	vst v63  }
0x26: {  	s19 =	simm.s32 $0x19;
	s20 =	simm.s32 $0x32;
	_ =	swait.ge [sflag:s9], $0x6400  }
0x27: {  	s18 =	sadd.s32 $0xC80, s5;
	s17 =	sadd.s32 $0xC80, s6;
	[sflag:s9] =	ssyncset.done $0x0  }
.LBB2_2:
0x28: {  	s21 =	sadd.s32 s19, s8  }
0x29: {  	[sflag:s9] =	ssyncadd.s32 $0xFFFF9C00;
	s22 =	smov.u32 s20;
	s23 =	sadd.s32 $0x19, s20  }
0x2a: {  	[tilespmem:s2], [sflag:$0x3] =	stream.linear.gather [hbm4b:s21+s2], $0xC8, $0x38;
	[tilespmem:$0xCA00] =	vst v63  }
0x2b: {  	p0 =	sne.s32 s20, $0x177;
	_ =	swait.ge [sflag:s9], $0xC8  }
0x2c: {  	[sflag:s9] =	ssyncset.done $0x0  }
0x2d: {  	s20 =	sadd.s32 s19, s7;
	s19 =	smov.u32 s22;
	[sflag:s9] =	ssyncadd.s32 $0xFFFFFF38  }
0x2e: {  	[tilespmem:s10], [sflag:$0x3] =	stream.linear.gather [hbm4b:s20+s2], $0xC8, $0x38;
	[tilespmem:$0xCA00] =	vst v63  }
0x2f: {  	_ =	swait.ge [sflag:s9], $0xC8  }
0x30: {  	[sflag:s9] =	ssyncset.done $0x0  }
0x31: {  	[sflag:s9] =	ssyncadd.s32 $0xFFFFFF38  }
0x32: {  	[tilespmem:s12], [sflag:$0x1] =	stream.indirect.gather [hbm4b:s3+s11], $0x80, s2, s11, $0xb8;
	[tilespmem:$0xCA00] =	vst v63  }
0x33: {  	_ = 	snop  }
0x34: {  	[tilespmem:s13], [sflag:$0x2] =	stream.indirect.gather [hbm4b:s3+s11], $0x80, s10, s11, $0xb8;
	[tilespmem:$0xCA00] =	vst v63  }
0x35: {  	_ =	swait.ge [sflag:s14], $0x6400  }
0x36: {  	[sflag:s14] =	ssyncset.done $0x0  }
0x37: {  	[sflag:s14] =	ssyncadd.s32 $0xFFFF9C00  }
0x38: {  	_ =	swait.ge [sflag:s15], $0x6400  }
0x39: {  	[sflag:s15] =	ssyncset.done $0x0  }
0x3a: {  	[sflag:s15] =	ssyncadd.s32 $0xFFFF9C00  }
0x3b: {  	[hbm4b:s18+s2] =	stream.linear.scatter [tilespmem:s12], [sflag:$0x3], $0x6400, $0x38;
	[tilespmem:$0xCA00] =	vst v63  }
0x3c: {  	_ =	swait.ge [sflag:s9], $0x6400  }
.Ltmp0:
0x3d: {  	[sflag:s9] =	ssyncset.done $0x0;
	(pc) =	sbr.rel @p0 .LBB2_2-.Ltmp0, $4  }
0x3e: {  	[sflag:s9] =	ssyncadd.s32 $0xFFFF9C00  }
0x3f: {  	[hbm4b:s17+s2] =	stream.linear.scatter [tilespmem:s13], [sflag:$0x3], $0x6400, $0x38;
	[tilespmem:$0xCA00] =	vst v63  }
0x40: {  	s20 =	smov.u32 s23;
	_ =	swait.ge [sflag:s9], $0x6400  }
0x41: {  	s18 =	sadd.s32 $0xC80, s18;
	s17 =	sadd.s32 $0xC80, s17;
	[sflag:s9] =	ssyncset.done $0x0  }
0x42: {  	s20 =	sadd.s32 s19, s8;
	[sflag:s9] =	ssyncadd.s32 $0xFFFF9C00  }
0x43: {  	[tilespmem:s2], [sflag:$0x3] =	stream.linear.gather [hbm4b:s20+s2], $0xC8, $0x38;
	[tilespmem:$0xCA00] =	vst v63  }
0x44: {  	_ =	swait.ge [sflag:s9], $0xC8  }
0x45: {  	[sflag:s9] =	ssyncset.done $0x0  }
0x46: {  	s31 =	sadd.s32 s19, s7;
	[sflag:s9] =	ssyncadd.s32 $0xFFFFFF38  }
0x47: {  	[tilespmem:s10], [sflag:$0x3] =	stream.linear.gather [hbm4b:s31+s2], $0xC8, $0x38;
	[tilespmem:$0xCA00] =	vst v63  }
0x48: {  	_ =	swait.ge [sflag:s9], $0xC8  }
0x49: {  	[sflag:s9] =	ssyncset.done $0x0  }
0x4a: {  	[sflag:s9] =	ssyncadd.s32 $0xFFFFFF38  }
0x4b: {  	[tilespmem:s12], [sflag:$0x1] =	stream.indirect.gather [hbm4b:s3+s11], $0x80, s2, s11, $0xb8;
	[tilespmem:$0xCA00] =	vst v63  }
0x4c: {  	_ = 	snop  }
0x4d: {  	[tilespmem:s13], [sflag:$0x2] =	stream.indirect.gather [hbm4b:s3+s11], $0x80, s10, s11, $0xb8;
	[tilespmem:$0xCA00] =	vst v63  }
0x4e: {  	_ =	swait.ge [sflag:s14], $0x6400  }
0x4f: {  	[sflag:s14] =	ssyncset.done $0x0  }
0x50: {  	[sflag:s14] =	ssyncadd.s32 $0xFFFF9C00  }
0x51: {  	_ =	swait.ge [sflag:s15], $0x6400  }
0x52: {  	[sflag:s15] =	ssyncset.done $0x0  }
0x53: {  	[sflag:s15] =	ssyncadd.s32 $0xFFFF9C00  }
0x54: {  	[hbm4b:s18+s2] =	stream.linear.scatter [tilespmem:s12], [sflag:$0x3], $0x6400, $0x38;
	[tilespmem:$0xCA00] =	vst v63  }
0x55: {  	s16 =	sadd.s32 $0x1, s16;
	_ =	swait.ge [sflag:s9], $0x6400  }
0x56: {  	p0 =	sne.s32 s16, s4;
	[sflag:s9] =	ssyncset.done $0x0  }
.Ltmp1:
0x57: {  	[sflag:s9] =	ssyncadd.s32 $0xFFFF9C00;
	(pc) =	sbr.rel @p0 .LBB2_1-.Ltmp1, $4  }
0x58: {  	[hbm4b:s17+s2] =	stream.linear.scatter [tilespmem:s13], [sflag:$0x3], $0x6400, $0x38;
	[tilespmem:$0xCA00] =	vst v63  }
0x59: {  	_ =	swait.ge [sflag:s9], $0x6400  }
0x5a: {  	[sflag:s9] =	ssyncset.done $0x0  }
0x5b: {  	[sflag:s9] =	ssyncadd.s32 $0xFFFF9C00  }
0x5c: {  	_ =	sfence.sel $0x180000  }
0x5d: {  	[bflag:$0x0] =	sbarrier.arrive $0xFFFF  }
0x5e: {  	p0 =	sne.s32 s1, $0x0;
	_ =	strace $0x9000004D  }
0x5f: {  	s0 =	sadd.s32 @!p0 $0x100000, s0;
	[bflag:$0x2] =	sbarrier.arrive $0xFFFF  }
0x60: {  	[sflag:s0] =	ssyncadd.tile.s32 @!p0 $0x1;
	_ =	shalt  }
.Lfunc_end2:
_tile_overlayer_lowered:
.L_overlay_start_2:
0x61: {  	(tag) =	ssettag $0x2  }
0x62: {  	s0 =	rddreg [dreg:$0x0];
	s2 =	stileid.u32  }
0x63: {  	s1 =	rddreg [dreg:$0x1];
	p0 =	sne.s32 s2, $0x0  }
0x64: {  	s3 =	rddreg [dreg:$0x2];
	[bflag:$0x3] =	sbarrier.arrive $0xFFFF;
	s2 =	simm.s32 @!p0 $0x1C03  }
0x65: {  	[timem:s3], [sflag:s2] =	dma.local @!p0 [hbm:s0], s1  }
0x66: {  	s0 =	simm.s32 @!p0 $0x3  }
0x67: {  	_ =	swait.ge @!p0 [sflag:s0], s1  }
0x68: {  	s1 =	ssub.s32 @!p0 $0x0, s1;
	[sflag:s0] =	ssyncset.done @!p0 $0x0  }
0x69: {  	[sflag:s0] =	ssyncadd.s32 @!p0 s1  }
0x6a: {  	[bflag:$0x3] =	sbarrier.arrive $0xFFFF  }
0x6b: {  	_ =	shalt  }

// kernel: kernel.26.cloned.1.call-start
scs
__scs_entry_jumppad:
0x0: {  	(pc) =	sbr.rel $0x88, $3  }
0x1: {  	(tag) =	ssettag $0x0;
	lr =	simm.s32 $0x1  }
0x2: {  	[smem:$0x3F7D] =	sst lr;
	_ =	strace $0xD0000000  }
0x3: {  	_ = 	snop  }
0x4: {  	_ = 	snop  }
0x5: {  	_ = 	snop  }
0x6: {  	_ = 	snop  }
0x7: {  	_ = 	snop  }
__scs_overlays_trampoline_lowered:
0x8: {  	[smem:$0x3F8C] =	sst s0  }
0x9: {  	[smem:$0x3F8D] =	sst s1  }
0xa: {  	[smem:$0x3F8E] =	sst s2  }
0xb: {  	[smem:$0x3F8F] =	sst s3  }
0xc: {  	[smem:$0x3F90] =	sst s4  }
0xd: {  	[smem:$0x3F91] =	sst s5  }
0xe: {  	[smem:$0x3F92] =	sst s6  }
0xf: {  	[smem:$0x3F93] =	sst s7  }
0x10: {  	[smem:$0x3F94] =	sst s8  }
0x11: {  	[smem:$0x3F95] =	sst s9;
	s0 =	simm.s32 @!p0 $0x0  }
0x12: {  	s1 =	sld [smem:$0x3F7B];
	s0 =	simm.s32 @p0 $0x1  }
0x13: {  	[smem:$0x3F96] =	sst s0;
	s0 =	simm.s32 @!p1 $0x0  }
0x14: {  	s2 =	sld [smem:$0x3F7A];
	s0 =	simm.s32 @p1 $0x1  }
0x15: {  	[smem:$0x3F97] =	sst s0;
	s0 =	simm.s32 @!p2 $0x0  }
0x16: {  	s3 =	sld [smem:$0x3FDB];
	s0 =	simm.s32 @p2 $0x1  }
0x17: {  	s4 =	simm.s32 $0x1BF5;
	[smem:$0x3F99] =	sst s0  }
0x18: {  	s0 =	sld [smem:$0x3F7C];
	_ =	swait.ge [sflag:s4], $0x0  }
0x19: {  	s7 =	sld [smem:$0x3F7D]  }
0x1a: {  	s8 =	sadd.s32 $0xFFFFE003, lr  }
0x1b: {  	s9 =	sadd.s32 $0xFFFFFEF7, lr;
	s5 =	simm.s32 $0xFFFFFFFF;
	p2 =	slt.u32 s8, $0xFFFFF086  }
0x1c: {  	p1 =	slt.u32 s9, $0xF7A;
	s5 =	simm.s32 @!p2 $0x0  }
0x1d: {  	s5 =	simm.s32 @p1 $0x1;
	p0 =	seq.s32 s7, s2  }
0x1e: {  	s7 =	smul.u32 @!p0 $0xF7A, s2;
	p2 =	seq.s32 @!p0 s5, $0x0  }
0x1f: {  	s9 =	smul.u32 $0xF7A, s1;
	s8 =	simm.s32 @!p0 $0x1BF5;
	p2 =	por !p2, p0  }
0x20: {  	[sflag:s8] =	ssyncset.s32 @!p0 $0xFFFFF086;
	s6 =	sadd.s32 @!p0 s3, s7;
	s7 =	simm.s32 @!p0 $0x108  }
0x21: {  	s3 =	sadd.s32 s3, s9;
	s6 =	sadd.s32 @!p0 $0x88, s6;
	s7 =	simm.s32 @p2 $0x1082  }
0x22: {  	[simem:s7], [sflag:s8] =	dma.local @!p0 [hbm:s6], $0xF7A  }
0x23: {  	s9 =	sor.u32 $0xD0000000, s2;
	s6 =	simm.s32 $0x108;
	_ =	swait.ge @!p0 [sflag:s8], $0x0  }
0x24: {  	s3 =	sadd.s32 $0x88, s3;
	s6 =	simm.s32 @!p1 $0x1082;
	[sflag:s4] =	ssyncset.s32 $0xFFFFF086  }
0x25: {  	[simem:s6], [sflag:s4] =	dma.local [hbm:s3], $0xF7A  }
0x26: {  	[smem:$0x3F7D] =	sst s1;
	(tag) =	ssettag s2;
	_ =	strace s9  }
0x27: {  	s1 =	sld [smem:$0x3F8D]  }
0x28: {  	s2 =	sld [smem:$0x3F8E]  }
0x29: {  	s4 =	sld [smem:$0x3F90]  }
0x2a: {  	p0 =	seq.s32 s5, $0x0;
	s5 =	sld [smem:$0x3F91]  }
0x2b: {  	s6 =	sld [smem:$0x3F92]  }
0x2c: {  	s7 =	sld [smem:$0x3F93]  }
0x2d: {  	s3 =	simm.s32 $0x108;
	s8 =	sld [smem:$0x3F94]  }
0x2e: {  	s3 =	simm.s32 @!p0 $0x1082;
	s9 =	sld [smem:$0x3F95]  }
0x2f: {  	lr =	sadd.s32 s0, s3;
	s0 =	sld [smem:$0x3F8C]  }
0x30: {  	s3 =	sld [smem:$0x3F8F]  }
0x31: {  	[smem:$0x3F98] =	sst s10  }
0x32: {  	s10 =	sld [smem:$0x3F96];
	_ =	sdelay $0x3  }
0x33: {  	p0 =	seq.s32 s10, $0x1;
	s10 =	sld [smem:$0x3F98];
	_ =	sdelay $0x3  }
0x34: {  	[smem:$0x3F98] =	sst s10  }
0x35: {  	s10 =	sld [smem:$0x3F97];
	_ =	sdelay $0x3  }
0x36: {  	p1 =	seq.s32 s10, $0x1;
	s10 =	sld [smem:$0x3F98];
	_ =	sdelay $0x3  }
0x37: {  	[smem:$0x3F98] =	sst s10  }
0x38: {  	s10 =	sld [smem:$0x3F99]  }
0x39: {  	_ = 	snop;
	(pc) =	sbr.ind lr, $3  }
0x3a: {  	_ = 	snop  }
0x3b: {  	_ = 	snop  }
0x3c: {  	p2 =	seq.s32 s10, $0x1;
	s10 =	sld [smem:$0x3F98]  }
0x3d: {  	_ =	shalt  }
0x3e: {  	_ =	shalt  }
0x3f: {  	_ =	shalt  }
0x40: {  	_ =	shalt  }
0x41: {  	_ =	shalt  }
0x42: {  	_ =	shalt  }
0x43: {  	_ =	shalt  }
0x44: {  	_ =	shalt  }
0x45: {  	_ =	shalt  }
0x46: {  	_ =	shalt  }
0x47: {  	_ =	shalt  }
0x48: {  	_ =	shalt  }
0x49: {  	_ =	shalt  }
0x4a: {  	_ =	shalt  }
0x4b: {  	_ =	shalt  }
0x4c: {  	_ =	shalt  }
0x4d: {  	_ =	shalt  }
0x4e: {  	_ =	shalt  }
0x4f: {  	_ =	shalt  }
0x50: {  	_ =	shalt  }
0x51: {  	_ =	shalt  }
0x52: {  	_ =	shalt  }
0x53: {  	_ =	shalt  }
0x54: {  	_ =	shalt  }
0x55: {  	_ =	shalt  }
0x56: {  	_ =	shalt  }
0x57: {  	_ =	shalt  }
0x58: {  	_ =	shalt  }
0x59: {  	_ =	shalt  }
0x5a: {  	_ =	shalt  }
0x5b: {  	_ =	shalt  }
0x5c: {  	_ =	shalt  }
0x5d: {  	_ =	shalt  }
0x5e: {  	_ =	shalt  }
0x5f: {  	_ =	shalt  }
0x60: {  	_ =	shalt  }
0x61: {  	_ =	shalt  }
0x62: {  	_ =	shalt  }
0x63: {  	_ =	shalt  }
0x64: {  	_ =	shalt  }
0x65: {  	_ =	shalt  }
0x66: {  	_ =	shalt  }
0x67: {  	_ =	shalt  }
0x68: {  	_ =	shalt  }
0x69: {  	_ =	shalt  }
0x6a: {  	_ =	shalt  }
0x6b: {  	_ =	shalt  }
0x6c: {  	_ =	shalt  }
0x6d: {  	_ =	shalt  }
0x6e: {  	_ =	shalt  }
0x6f: {  	_ =	shalt  }
0x70: {  	_ =	shalt  }
0x71: {  	_ =	shalt  }
0x72: {  	_ =	shalt  }
0x73: {  	_ =	shalt  }
0x74: {  	_ =	shalt  }
0x75: {  	_ =	shalt  }
0x76: {  	_ =	shalt  }
0x77: {  	_ =	shalt  }
0x78: {  	_ =	shalt  }
0x79: {  	_ =	shalt  }
0x7a: {  	_ =	shalt  }
0x7b: {  	_ =	shalt  }
0x7c: {  	_ =	shalt  }
0x7d: {  	_ =	shalt  }
0x7e: {  	_ =	shalt  }
0x7f: {  	_ =	shalt  }
0x80: {  	_ =	shalt  }
0x81: {  	_ =	shalt  }
0x82: {  	_ =	shalt  }
0x83: {  	_ =	shalt  }
0x84: {  	_ =	shalt  }
0x85: {  	_ =	shalt  }
0x86: {  	_ =	shalt  }
0x87: {  	_ =	shalt  }
.Lfunc_end0:
.L_simem_size_0:
called_computation.3_lowered:
.L_overlay_start_0:
0x88: {  	s2 =	sld [smem:$0x3FD9]  }
0x89: {  	s3 =	sld [smem:$0x3FFE];
	_ =	sdelay $0x1  }
0x8a: {  	s1 =	srdreg.scid  }
0x8b: {  	s0 =	sand.u32 $0x1, s1  }
0x8c: {  	s14 =	sshll.u32 s0, $0xA;
	s2 =	sadd.s32 s3, s2  }
0x8d: {  	s2 =	sadd.s32 s2, s14  }
0x8e: {  	[smem:$0x3FA4] =	sst s2  }
0x8f: {  	_ = 	snop  }
0x90: {  	s2 =	sld [smem:$0x3FD0];
	_ =	sdelay $0x2  }
0x91: {  	s15 =	simm.s32 $0xA;
	s4 =	simm.s32 $0x10  }
0x92: {  	[smem:s4], [sflag:s15] =	dma.local [hbm:s2], $0x1  }
0x93: {  	_ =	swait.eq [sflag:s15], $0x1  }
0x94: {  	[sflag:s15] =	ssyncset.done $0x0  }
0x95: {  	[sflag:s15] =	ssyncadd.s32 $0xFFFFFFFF  }
0x96: {  	s16 =	sld [smem:$0x12];
	(tm) =	ssettm $0x1  }
0x97: {  	s17 =	sld [smem:$0x3FFB];
	_ =	sdelay $0x3  }
0x98: {  	_ =	strace s17  }
0x99: {  	s3 =	sld [smem:$0x3FFC];
	_ =	sdelay $0x3  }
0x9a: {  	_ =	strace s3  }
0x9b: {  	s3 =	sld [smem:$0x3FFD];
	_ =	sdelay $0x3  }
0x9c: {  	_ =	strace s3  }
0x9d: {  	_ =	strace $0x8FFFFFFF  }
0x9e: {  	s18 =	sld [smem:$0x3FDB];
	_ =	sdelay $0x1  }
0x9f: {  	s19 =	simm.s32 $_scs_section_size  }
0xa0: {  	s5 =	simm.s32 $_size__tile_overlayer_lowered;
	s6 =	simm.s32 $_tile_overlayer_lowered  }
0xa1: {  	s22 =	simm.s32 $0x1BFF;
	s21 =	sshll.u32 s6, $0x1;
	s3 =	sadd.s32 s19, s18  }
0xa2: {  	s7 =	simm.s32 $0x0;
	s20 =	sshll.u32 s5, $0x1;
	s5 =	sadd.s32 s21, s3  }
0xa3: {  	[timem:s7], [sflag:s22] =	dma.local [hbm:s5], s20  }
0xa4: {  	_ =	swait.ge [sflag:s22], s20  }
0xa5: {  	s4 =	ssub.s32 $0x0, s20;
	[sflag:s22] =	ssyncset.done $0x0  }
0xa6: {  	[sflag:s22] =	ssyncadd.s32 s4;
	_ =	sdelay $0x1  }
0xa7: {  	s23 =	simm.s32 $0x1B8B  }
0xa8: {  	_ =	swait.ge [sflag:s23], $0x1  }
0xa9: {  	[sflag:s23] =	ssyncset.done $0x0  }
0xaa: {  	s25 =	simm.s32 $0x1B8E;
	s24 =	sld [smem:$0x3FFE];
	[sflag:s23] =	ssyncadd.s32 $0xFFFFFFFF  }
0xab: {  	s26 =	simm.s32 $execute0_lowered;
	[smem:$0x3FD2] =	sst s25  }
0xac: {  	s5 =	sshll.u32 s26, $0x1;
	_ =	strace $0x8000004F;
	[dreg:$0x1] =	wrdreg $0xFFFFFFFF  }
0xad: {  	s28 =	simm.s32 $_size_execute0_lowered;
	s3 =	sadd.s32 s3, s5;
	[dreg:$0x0] =	wrdreg $0x0  }
0xae: {  	s5 =	sshll.u32 s28, $0x1;
	[dreg:$0x2] =	wrdreg s3  }
0xaf: {  	[dreg:$0x3] =	wrdreg s5  }
0xb0: {  	[dreg:$0x4] =	wrdreg $0xC0  }
0xb1: {  	_ =	task [dreg:s7], $0x5FFFF  }
0xb2: {  	[dreg:$0x1] =	wrdreg $0xFFFFFFFF  }
0xb3: {  	[dreg:$0x0] =	wrdreg $0x60  }
0xb4: {  	[dreg:$0x2] =	wrdreg s16  }
0xb5: {  	[dreg:$0x3] =	wrdreg s24  }
0xb6: {  	[dreg:$0x4] =	wrdreg $0x9  }
0xb7: {  	_ =	task.clear_ibuf [dreg:s7], $0x5FFFF;
	_ =	strace $0x9000004F  }
0xb8: {  	s29 =	simm.s32 $0x9;
	_ =	strace $0x80000051  }
0xb9: {  	_ =	swait.ge [sflag:s29], $0x1  }
0xba: {  	[sflag:s29] =	ssyncadd.s32 $0xFFFFFFFF  }
0xbb: {  	_ =	strace $0x90000051  }
0xbc: {  	_ =	sfence  }
0xbd: {  	s30 =	sld [smem:$0x0];
	_ =	sdelay $0x2  }
0xbe: {  	s31 =	sshll.u32 s1, $0xD;
	s1 =	sshrl.u32 s1, $0x2  }
0xbf: {  	s3 =	sand.u32 $0x4000, s31;
	s1 =	sadd.s32 s1, s30  }
0xc0: {  	s0 =	sor.u32 s3, s0;
	s1 =	sshll.u32 s1, $0x11  }
0xc1: {  	s0 =	sor.u32 s1, s0  }
0xc2: {  	s0 =	sadd.s32 $0x8F2B, s0  }
0xc3: {  	[sflag:s0] =	ssyncadd.remote.s32 $0x1  }
0xc4: {  	_ =	sfence.sel $0xFFFF  }
0xc5: {  	[dreg:$0x0] =	wrdreg $0xFFFFFFFF;
	(pc) =	sbr.abs _section_cstart, $3  }
0xc6: {  	[dreg:$0x1] =	wrdreg $0xFFFFFFFF  }
0xc7: {  	_ =	task.clear_ibuf [dreg:s7], $0x2FFFF;
	_ =	strace $0x9FFFFFFF  }
0xc8: {  	(tm) =	ssettm $0x7FFFFFFF  }
0xc9: {  	_ =	shalt  }
tec
execute0_lowered:
.L_overlay_start_1:
0x0: {  	(tag) =	ssettag $0x1  }
0x1: {  	s1 =	rddreg [dreg:$0x0];
	s0 =	srdreg.scid  }
0x2: {  	s4 =	rddreg [dreg:$0x1];
	s2 =	stileid.u32;
	s3 =	simm.s32 $0x0  }
0x3: {  	s10 =	simm.s32 $0x1A080;
	s5 =	sand.u32 $0x1, s0;
	s0 =	rddreg [dreg:$0x2]  }
0x4: {  	s11 =	simm.s32 $0x0;
	s7 =	sshll.u32 s2, $0x4;
	[smem:$0x7FF] =	sst s3  }
0x5: {  	s6 =	sshll.u32 s5, $0x4;
	s7 =	sand.u32 $0x70, s7;
	s5 =	ssub.s32 $0x2, s5  }
.Ltmp0:
0x6: {  	_ =	strace $0x80000050;
	s6 =	sor.u32 s2, s6;
	(pc) =	sbr.rel .LBB2_1-.Ltmp0, $4  }
0x7: {  	s7 =	sadd.s32 s7, s4;
	s9 =	sshrl.u32 s5, $0x1;
	s8 =	sshll.u32 s6, $0x4  }
0x8: {  	s4 =	sadd.s32 $0x8E00, s4;
	s31 =	ssub.s32 s5, s9;
	s8 =	sand.u32 $0x180, s8  }
0x9: {  	v1 =	vimm.s32 $0x0;
	v2 =	vimm.s32 $0x80000000;
	v0 =	vmov s6;
	s9 =	simm.s32 $0x19880;
	s6 =	smax.u32 s31, $0x1;
	s7 =	sadd.s32 s8, s7  }
0xa: {  	vm0 =	vcmask $0x300;
	vm1 =	vcmask $0x704;
	vm2 =	vcmask $0xB08;
	s8 =	simm.s32 $0x1;
	s5 =	sadd.s32 $0xC000, s7;
	s7 =	simm.s32 $0x19080  }
.LBB2_13:
0xb: {  	v3 =	vimm.s32 $0x0  }
.LBB2_17:
0xc: {  	(xrf0) =	vadd.scan.msk.s32 $0xffff, v3;
	_ =	sdelay $0x5  }
0xd: {  	v3, _, _ =	vpop (xrf0)  }
0xe: {  	(v2sf) =	vpush v3, $0xF;
	_ =	sdelay $0xe  }
0xf: {  	p0 =	sgt.s32 s12, $0x0;
	s15 =	spop (v2sf)  }
0x10: {  	s31 =	ssub.s32 s13, s15;
	s13 =	simm.s32 @!p0 $0x0  }
0x11: {  	v3 =	vmov s13  }
0x12: {  	v3 =	vnsel vm0, $0x0, v3  }
0x13: {  	s11 =	sadd.s32 $0x1, s11;
	v3 =	vsel vm1, s14, v3  }
0x14: {  	p0 =	sne.s32 s11, s6;
	v3 =	vsel vm2, s31, v3  }
.Ltmp1:
0x15: {  	[tilespmem:$0x1A080] =	vst v3;
	(pc) =	sbr.rel @!p0 .LBB2_18-.Ltmp1, $4  }
0x16: {  	[hbm4b:s5+s3] =	stream.linear.scatter [tilespmem:s10], [sflag:$0x1], $0x80, $0x38;
	[tilespmem:$0x1A100] =	vst v63  }
0x17: {  	_ =	swait.ge [sflag:s8], $0x80  }
0x18: {  	[sflag:s8] =	ssyncset.done $0x0  }
0x19: {  	[sflag:s8] =	ssyncadd.s32 $0xFFFFFF80  }
.LBB2_1:
0x1a: {  	s12 =	simm.s32 $0x0;
	s13 =	simm.s32 $0x0  }
.LBB2_2:
0x1b: {  	s14 =	sshll.u32 s13, $0x8  }
0x1c: {  	s16 =	simm.s32 $0x0;
	s15 =	sadd.s32 s1, s14  }
0x1d: {  	[tilespmem:s7], [sflag:$0x1] =	stream.linear.gather [hbm4b:s15+s16], $0x800, $0x38;
	[tilespmem:$0x1A100] =	vst v63  }
0x1e: {  	_ =	swait.ge [sflag:s8], $0x800  }
0x1f: {  	[sflag:s8] =	ssyncset.done $0x0  }
0x20: {  	s14 =	sadd.s32 s4, s14;
	[sflag:s8] =	ssyncadd.s32 $0xFFFFF800  }
0x21: {  	[tilespmem:s9], [sflag:$0x1] =	stream.linear.gather [hbm4b:s14+s16], $0x800, $0x38;
	[tilespmem:$0x1A100] =	vst v63  }
0x22: {  	_ =	swait.ge [sflag:s8], $0x800  }
0x23: {  	[sflag:s8] =	ssyncset.done $0x0  }
0x24: {  	s31 =	simm.s32 $0x0;
	[sflag:s8] =	ssyncadd.s32 $0xFFFFF800  }
0x25: {  	v3 =	vld [tilespmem:s31+$0x19080];
	_ =	sdelay $0x4  }
0x26: {  	v3 =	vmul.u32 $0x235, v3;
	_ =	sdelay $0x1  }
0x27: {  	v3 =	vshrl.u32 v3, $0x10  }
0x28: {  	vm3 =	veq.s32 v3, v0  }
0x29: {  	v3 =	vsel vm3, $0x1, v1  }
0x2a: {  	(xrf0) =	vadd.scan.msk.s32 $0xffff, v3;
	_ =	sdelay $0x5  }
0x2b: {  	v3 =	vmov s12;
	v4, _, _ =	vpop (xrf0)  }
0x2c: {  	v3 =	vadd.s32 $0xFFFFFFFF, v3;
	v5 =	vxor.u32 $0x80000000, v4  }
0x2d: {  	v3 =	vbroadcast v3, $0x0;
	(xrf0) =	vmax.scan.msk.u32 $0xffff, v5;
	_ =	sdelay $0x1  }
0x2e: {  	v3 =	vadd.s32 v4, v3  }
0x2f: {  	v63 =	vld [tilespmem:s31+$0x19880];
	v3 =	vnsel vm3, $0x1901F, v3;
	_ =	sdelay $0x2  }
0x30: {  	v5, _, _ =	vpop (xrf0)  }
0x31: {  	(v2sf) =	vpush v5, $0xF  }
0x32: {  	s15 =	simm.s32 $0x80;
	s14 =	simm.s32 $0x10;
	[tilespmem:v3+s3+$0x0] =	vst.idx.msk $0xffff, v63  }
.LBB2_3:
0x33: {  	p0 =	sne.s32 s15, $0x1FC0;
	v3 =	vld [tilespmem:s14+$0x19080];
	_ =	sdelay $0x4  }
0x34: {  	v3 =	vmul.u32 $0x235, v3;
	_ =	sdelay $0x1  }
0x35: {  	v3 =	vshrl.u32 v3, $0x10  }
0x36: {  	vm3 =	veq.s32 v3, v0  }
0x37: {  	v3 =	vsel vm3, $0x1, v1  }
0x38: {  	(xrf0) =	vadd.scan.msk.s32 $0xffff, v3;
	_ =	sdelay $0x2  }
0x39: {  	s16 =	spop (v2sf)  }
0x3a: {  	s12 =	sadd.s32 s16, s12  }
0x3b: {  	s12 =	sadd.s32 $0x80000000, s12  }
0x3c: {  	v3 =	vmov s12;
	v4, _, _ =	vpop (xrf0)  }
0x3d: {  	v3 =	vadd.s32 $0xFFFFFFFF, v3;
	v5 =	vxor.u32 $0x80000000, v4  }
0x3e: {  	v3 =	vbroadcast v3, $0x0;
	(xrf0) =	vmax.scan.msk.u32 $0xffff, v5;
	_ =	sdelay $0x1  }
0x3f: {  	v3 =	vadd.s32 v4, v3  }
0x40: {  	v4 =	vld [tilespmem:s14+$0x19880];
	v3 =	vnsel vm3, $0x1901F, v3  }
.Ltmp2:
0x41: {  	(pc) =	sbr.rel @p0 .LBB2_3-.Ltmp2, $4  }
0x42: {  	_ = 	snop  }
0x43: {  	v5, _, _ =	vpop (xrf0)  }
0x44: {  	(v2sf) =	vpush v5, $0xF  }
0x45: {  	s14 =	sshra.s32 s15, $0x2;
	s15 =	sadd.s32 $0x40, s15;
	[tilespmem:v3+s3+$0x0] =	vst.idx.msk $0xffff, v4  }
0x46: {  	v3 =	vld [tilespmem:s14+$0x19080];
	_ =	sdelay $0x4  }
0x47: {  	v3 =	vmul.u32 $0x235, v3;
	_ =	sdelay $0x1  }
0x48: {  	v3 =	vshrl.u32 v3, $0x10  }
0x49: {  	vm3 =	veq.s32 v3, v0  }
0x4a: {  	v3 =	vsel vm3, $0x1, v1  }
0x4b: {  	(xrf0) =	vadd.scan.msk.s32 $0xffff, v3;
	_ =	sdelay $0x5  }
0x4c: {  	v3, _, _ =	vpop (xrf0)  }
0x4d: {  	v4 =	vxor.u32 $0x80000000, v3  }
0x4e: {  	(xrf0) =	vmax.scan.msk.u32 $0xffff, v4;
	_ =	sdelay $0x5  }
0x4f: {  	v4, _, _ =	vpop (xrf0)  }
0x50: {  	(v2sf) =	vpush v4, $0xF;
	_ =	sdelay $0x3  }
0x51: {  	s15 =	spop (v2sf)  }
0x52: {  	s12 =	sadd.s32 s15, s12  }
0x53: {  	s12 =	sadd.s32 $0x80000000, s12  }
0x54: {  	v62 =	vmov s12  }
0x55: {  	v4 =	vadd.s32 $0xFFFFFFFF, v62  }
0x56: {  	v4 =	vbroadcast v4, $0x0;
	_ =	sdelay $0x1  }
0x57: {  	s13 =	sadd.s32 $0x1, s13;
	v3 =	vadd.s32 v3, v4  }
0x58: {  	v63 =	vld [tilespmem:s14+$0x19880];
	p0 =	sne.s32 s13, $0x32;
	v3 =	vnsel vm3, $0x1901F, v3  }
.Ltmp3:
0x59: {  	_ = 	snop;
	(pc) =	sbr.rel @p0 .LBB2_2-.Ltmp3, $4  }
0x5a: {  	_ = 	snop  }
0x5b: {  	s31 =	spop (v2sf)  }
0x5c: {  	s12 =	sadd.s32 s31, s12  }
0x5d: {  	[tilespmem:v3+s3+$0x0] =	vst.idx.msk $0xffff, v63;
	s12 =	sadd.s32 $0x80000000, s12  }
0x5e: {  	s13 =	scvt.s32.f32 s12;
	s14 =	sadd.s32 $0xF, s12  }
0x5f: {  	s15 =	sand.u32 $0xF, s14;
	s16 =	sshra.s32 s14, $0x1F;
	p0 =	slt.s32 s14, $0x1  }
0x60: {  	s13 =	smul.f32 $6.000000240e-01, s13;
	p1 =	sne.s32 s15, $0x0;
	s31 =	sshrl.u32 s16, $0x1C  }
.Ltmp4:
0x61: {  	s15 =	simm.s32 $0x1;
	p0 =	por !p0, !p1;
	(pc) =	sbr.rel .LBB2_6-.Ltmp4, $4  }
0x62: {  	s14 =	sadd.s32 s31, s14;
	s13 =	scvt.f32.s32 s13;
	p0 =	por !p0, !p0  }
0x63: {  	s17 =	simm.s32 $0x0;
	s14 =	sshra.s32 s14, $0x4;
	s15 =	simm.s32 @!p0 $0x0  }
0x64: {  	s16 =	simm.s32 $0x3F800001;
	p0 =	sgt.s32 s13, $0x1;
	s15 =	ssub.s32 s14, s15  }
0x65: {  	[tilespmem:s12+$0x0] =	vst v2;
	s14 =	simm.s32 $0x0;
	s13 =	simm.s32 @!p0 $0x1;
	p0 =	slt.s32 s15, $0x1  }
.LBB2_7:
0x66: {  	v3 =	vimm.s32 $0x0  }
.LBB2_11:
0x67: {  	(xrf0) =	vadd.scan.msk.s32 $0xffff, v3;
	_ =	sdelay $0x5  }
0x68: {  	v3, _, _ =	vpop (xrf0)  }
0x69: {  	(v2sf) =	vpush v3, $0xF;
	_ =	sdelay $0xe  }
0x6a: {  	s31 =	spop (v2sf)  }
0x6b: {  	s20 =	smov.u32 s14;
	s17 =	sadd.s32 $0x1, s17;
	p2 =	sge.s32 s31, s13  }
0x6c: {  	s20 =	smov.u32 @p2 s18;
	p2 =	sne.s32 s17, $0x1F  }
.Ltmp5:
0x6d: {  	_ = 	snop;
	(pc) =	sbr.rel @!p2 .LBB2_12-.Ltmp5, $4  }
0x6e: {  	s19 =	ssub.s32 s16, s14  }
0x6f: {  	p1 =	sgt.s32 s19, $0x1;
	s19 =	smov.u32 s16;
	p3 =	slt.s32 s31, s13  }
0x70: {  	s19 =	smov.u32 @p3 s18  }
0x71: {  	s14 =	smov.u32 @p1 s20;
	s16 =	smov.u32 @p1 s19  }
.LBB2_6:
0x72: {  	s18 =	sadd.s32 s14, s16  }
0x73: {  	s19 =	sand.u32 $0x1, s18  }
.Ltmp6:
0x74: {  	p1 =	slt.s32 s18, $0x1;
	p2 =	seq.s32 s19, $0x1;
	(pc) =	sbr.rel @p0 .LBB2_7-.Ltmp6, $4  }
0x75: {  	s31 =	sshrl.u32 s18, $0x1F;
	p1 =	por !p1, !p2  }
0x76: {  	s18 =	sadd.s32 s31, s18;
	s19 =	simm.s32 $0x1;
	p1 =	por !p1, !p1  }
0x77: {  	s18 =	sshra.s32 s18, $0x1;
	s19 =	simm.s32 @!p1 $0x0  }
0x78: {  	s18 =	ssub.s32 s18, s19  }
0x79: {  	s19 =	simm.s32 $0x0  }
0x7a: {  	p1 =	sne.s32 s15, $0x1;
	v5 =	vld [tilespmem:s19+$0x0]  }
.Ltmp7:
0x7b: {  	_ = 	snop;
	(pc) =	sbr.rel @!p1 .LBB2_10-.Ltmp7, $3  }
0x7c: {  	_ =	sdelay $0x1  }
0x7d: {  	v4 =	vmov s18  }
0x7e: {  	v3 =	vimm.s32 $0x0;
	s20 =	simm.s32 $0x10;
	s19 =	sadd.s32 $0xFFFFFFFF, s15;
	vm3 =	vge.s32 v5, v4  }
.LBB2_9:
0x7f: {  	v5 =	vld [tilespmem:s20+$0x0];
	p1 =	sne.s32 s19, $0x1;
	s19 =	sadd.s32 $0xFFFFFFFF, s19;
	v6 =	vsel vm3, $0x1, v1  }
.Ltmp8:
0x80: {  	v3 =	vadd.s32 v6, v3;
	(pc) =	sbr.rel @p1 .LBB2_9-.Ltmp8, $2  }
0x81: {  	_ =	sdelay $0x2  }
0x82: {  	s20 =	sadd.s32 $0x10, s20;
	vm3 =	vge.s32 v5, v4  }
.LBB2_10:
.Ltmp9:
0x83: {  	(pc) =	sbr.rel .LBB2_11-.Ltmp9, $3  }
0x84: {  	_ =	sdelay $0x1  }
0x85: {  	v4 =	vsel vm3, $0x1, v1  }
0x86: {  	v3 =	vadd.s32 v4, v3  }
.LBB2_12:
.Ltmp10:
0x87: {  	(pc) =	sbr.rel @p0 .LBB2_13-.Ltmp10, $1  }
0x88: {  	_ =	sdelay $0x3  }
0x89: {  	s16 =	simm.s32 $0x0  }
0x8a: {  	p0 =	sne.s32 s15, $0x1;
	v5 =	vld [tilespmem:s16+$0x0]  }
.Ltmp11:
0x8b: {  	_ = 	snop;
	(pc) =	sbr.rel @!p0 .LBB2_16-.Ltmp11, $4  }
0x8c: {  	_ = 	snop  }
0x8d: {  	s31 =	sadd.s32 $0x1, s14  }
0x8e: {  	v4 =	vmov s31  }
0x8f: {  	v3 =	vimm.s32 $0x0;
	s15 =	sadd.s32 $0xFFFFFFFF, s15;
	s16 =	simm.s32 $0x10;
	vm3 =	vge.s32 v5, v4  }
.LBB2_15:
0x90: {  	v5 =	vld [tilespmem:s16+$0x0];
	p0 =	sne.s32 s15, $0x1;
	s15 =	sadd.s32 $0xFFFFFFFF, s15;
	v6 =	vsel vm3, $0x1, v1  }
.Ltmp12:
0x91: {  	v3 =	vadd.s32 v6, v3;
	(pc) =	sbr.rel @p0 .LBB2_15-.Ltmp12, $2  }
0x92: {  	_ =	sdelay $0x2  }
0x93: {  	s16 =	sadd.s32 $0x10, s16;
	vm3 =	vge.s32 v5, v4  }
.LBB2_16:
.Ltmp13:
0x94: {  	(pc) =	sbr.rel .LBB2_17-.Ltmp13, $3  }
0x95: {  	_ =	sdelay $0x1  }
0x96: {  	v4 =	vsel vm3, $0x1, v1  }
0x97: {  	v3 =	vadd.s32 v4, v3  }
.LBB2_18:
0x98: {  	_ =	sfence.sel $0x180000  }
0x99: {  	[bflag:$0x0] =	sbarrier.arrive $0xFFFF  }
0x9a: {  	p0 =	sne.s32 s2, $0x0;
	_ =	strace $0x90000050  }
0x9b: {  	s0 =	sadd.s32 @!p0 $0x100000, s0;
	[bflag:$0x2] =	sbarrier.arrive $0xFFFF  }
0x9c: {  	[sflag:s0] =	ssyncadd.tile.s32 @!p0 $0x1;
	_ =	shalt  }
.Lfunc_end2:
_tile_overlayer_lowered:
.L_overlay_start_2:
0x9d: {  	(tag) =	ssettag $0x2  }
0x9e: {  	s0 =	rddreg [dreg:$0x0];
	s2 =	stileid.u32  }
0x9f: {  	s1 =	rddreg [dreg:$0x1];
	p0 =	sne.s32 s2, $0x0  }
0xa0: {  	s3 =	rddreg [dreg:$0x2];
	[bflag:$0x3] =	sbarrier.arrive $0xFFFF;
	s2 =	simm.s32 @!p0 $0x1C01  }
0xa1: {  	[timem:s3], [sflag:s2] =	dma.local @!p0 [hbm:s0], s1  }
0xa2: {  	s0 =	simm.s32 @!p0 $0x1  }
0xa3: {  	_ =	swait.ge @!p0 [sflag:s0], s1  }
0xa4: {  	s1 =	ssub.s32 @!p0 $0x0, s1;
	[sflag:s0] =	ssyncset.done @!p0 $0x0  }
0xa5: {  	[sflag:s0] =	ssyncadd.s32 @!p0 s1  }
0xa6: {  	[bflag:$0x3] =	sbarrier.arrive $0xFFFF  }
0xa7: {  	_ =	shalt  }

// kernel: kernel.29.cloned.1.call-start
scs
__scs_entry_jumppad:
0x0: {  	(pc) =	sbr.rel $0x88, $3  }
0x1: {  	(tag) =	ssettag $0x0;
	lr =	simm.s32 $0x1  }
0x2: {  	[smem:$0x3F7D] =	sst lr;
	_ =	strace $0xD0000000  }
0x3: {  	_ = 	snop  }
0x4: {  	_ = 	snop  }
0x5: {  	_ = 	snop  }
0x6: {  	_ = 	snop  }
0x7: {  	_ = 	snop  }
__scs_overlays_trampoline_lowered:
0x8: {  	[smem:$0x3F8C] =	sst s0  }
0x9: {  	[smem:$0x3F8D] =	sst s1  }
0xa: {  	[smem:$0x3F8E] =	sst s2  }
0xb: {  	[smem:$0x3F8F] =	sst s3  }
0xc: {  	[smem:$0x3F90] =	sst s4  }
0xd: {  	[smem:$0x3F91] =	sst s5  }
0xe: {  	[smem:$0x3F92] =	sst s6  }
0xf: {  	[smem:$0x3F93] =	sst s7  }
0x10: {  	[smem:$0x3F94] =	sst s8  }
0x11: {  	[smem:$0x3F95] =	sst s9;
	s0 =	simm.s32 @!p0 $0x0  }
0x12: {  	s1 =	sld [smem:$0x3F7B];
	s0 =	simm.s32 @p0 $0x1  }
0x13: {  	[smem:$0x3F96] =	sst s0;
	s0 =	simm.s32 @!p1 $0x0  }
0x14: {  	s2 =	sld [smem:$0x3F7A];
	s0 =	simm.s32 @p1 $0x1  }
0x15: {  	[smem:$0x3F97] =	sst s0;
	s0 =	simm.s32 @!p2 $0x0  }
0x16: {  	s3 =	sld [smem:$0x3FDB];
	s0 =	simm.s32 @p2 $0x1  }
0x17: {  	s4 =	simm.s32 $0x1BF5;
	[smem:$0x3F99] =	sst s0  }
0x18: {  	s0 =	sld [smem:$0x3F7C];
	_ =	swait.ge [sflag:s4], $0x0  }
0x19: {  	s7 =	sld [smem:$0x3F7D]  }
0x1a: {  	s8 =	sadd.s32 $0xFFFFE003, lr  }
0x1b: {  	s9 =	sadd.s32 $0xFFFFFEF7, lr;
	s5 =	simm.s32 $0xFFFFFFFF;
	p2 =	slt.u32 s8, $0xFFFFF086  }
0x1c: {  	p1 =	slt.u32 s9, $0xF7A;
	s5 =	simm.s32 @!p2 $0x0  }
0x1d: {  	s5 =	simm.s32 @p1 $0x1;
	p0 =	seq.s32 s7, s2  }
0x1e: {  	s7 =	smul.u32 @!p0 $0xF7A, s2;
	p2 =	seq.s32 @!p0 s5, $0x0  }
0x1f: {  	s9 =	smul.u32 $0xF7A, s1;
	s8 =	simm.s32 @!p0 $0x1BF5;
	p2 =	por !p2, p0  }
0x20: {  	[sflag:s8] =	ssyncset.s32 @!p0 $0xFFFFF086;
	s6 =	sadd.s32 @!p0 s3, s7;
	s7 =	simm.s32 @!p0 $0x108  }
0x21: {  	s3 =	sadd.s32 s3, s9;
	s6 =	sadd.s32 @!p0 $0x88, s6;
	s7 =	simm.s32 @p2 $0x1082  }
0x22: {  	[simem:s7], [sflag:s8] =	dma.local @!p0 [hbm:s6], $0xF7A  }
0x23: {  	s9 =	sor.u32 $0xD0000000, s2;
	s6 =	simm.s32 $0x108;
	_ =	swait.ge @!p0 [sflag:s8], $0x0  }
0x24: {  	s3 =	sadd.s32 $0x88, s3;
	s6 =	simm.s32 @!p1 $0x1082;
	[sflag:s4] =	ssyncset.s32 $0xFFFFF086  }
0x25: {  	[simem:s6], [sflag:s4] =	dma.local [hbm:s3], $0xF7A  }
0x26: {  	[smem:$0x3F7D] =	sst s1;
	(tag) =	ssettag s2;
	_ =	strace s9  }
0x27: {  	s1 =	sld [smem:$0x3F8D]  }
0x28: {  	s2 =	sld [smem:$0x3F8E]  }
0x29: {  	s4 =	sld [smem:$0x3F90]  }
0x2a: {  	p0 =	seq.s32 s5, $0x0;
	s5 =	sld [smem:$0x3F91]  }
0x2b: {  	s6 =	sld [smem:$0x3F92]  }
0x2c: {  	s7 =	sld [smem:$0x3F93]  }
0x2d: {  	s3 =	simm.s32 $0x108;
	s8 =	sld [smem:$0x3F94]  }
0x2e: {  	s3 =	simm.s32 @!p0 $0x1082;
	s9 =	sld [smem:$0x3F95]  }
0x2f: {  	lr =	sadd.s32 s0, s3;
	s0 =	sld [smem:$0x3F8C]  }
0x30: {  	s3 =	sld [smem:$0x3F8F]  }
0x31: {  	[smem:$0x3F98] =	sst s10  }
0x32: {  	s10 =	sld [smem:$0x3F96];
	_ =	sdelay $0x3  }
0x33: {  	p0 =	seq.s32 s10, $0x1;
	s10 =	sld [smem:$0x3F98];
	_ =	sdelay $0x3  }
0x34: {  	[smem:$0x3F98] =	sst s10  }
0x35: {  	s10 =	sld [smem:$0x3F97];
	_ =	sdelay $0x3  }
0x36: {  	p1 =	seq.s32 s10, $0x1;
	s10 =	sld [smem:$0x3F98];
	_ =	sdelay $0x3  }
0x37: {  	[smem:$0x3F98] =	sst s10  }
0x38: {  	s10 =	sld [smem:$0x3F99]  }
0x39: {  	_ = 	snop;
	(pc) =	sbr.ind lr, $3  }
0x3a: {  	_ = 	snop  }
0x3b: {  	_ = 	snop  }
0x3c: {  	p2 =	seq.s32 s10, $0x1;
	s10 =	sld [smem:$0x3F98]  }
0x3d: {  	_ =	shalt  }
0x3e: {  	_ =	shalt  }
0x3f: {  	_ =	shalt  }
0x40: {  	_ =	shalt  }
0x41: {  	_ =	shalt  }
0x42: {  	_ =	shalt  }
0x43: {  	_ =	shalt  }
0x44: {  	_ =	shalt  }
0x45: {  	_ =	shalt  }
0x46: {  	_ =	shalt  }
0x47: {  	_ =	shalt  }
0x48: {  	_ =	shalt  }
0x49: {  	_ =	shalt  }
0x4a: {  	_ =	shalt  }
0x4b: {  	_ =	shalt  }
0x4c: {  	_ =	shalt  }
0x4d: {  	_ =	shalt  }
0x4e: {  	_ =	shalt  }
0x4f: {  	_ =	shalt  }
0x50: {  	_ =	shalt  }
0x51: {  	_ =	shalt  }
0x52: {  	_ =	shalt  }
0x53: {  	_ =	shalt  }
0x54: {  	_ =	shalt  }
0x55: {  	_ =	shalt  }
0x56: {  	_ =	shalt  }
0x57: {  	_ =	shalt  }
0x58: {  	_ =	shalt  }
0x59: {  	_ =	shalt  }
0x5a: {  	_ =	shalt  }
0x5b: {  	_ =	shalt  }
0x5c: {  	_ =	shalt  }
0x5d: {  	_ =	shalt  }
0x5e: {  	_ =	shalt  }
0x5f: {  	_ =	shalt  }
0x60: {  	_ =	shalt  }
0x61: {  	_ =	shalt  }
0x62: {  	_ =	shalt  }
0x63: {  	_ =	shalt  }
0x64: {  	_ =	shalt  }
0x65: {  	_ =	shalt  }
0x66: {  	_ =	shalt  }
0x67: {  	_ =	shalt  }
0x68: {  	_ =	shalt  }
0x69: {  	_ =	shalt  }
0x6a: {  	_ =	shalt  }
0x6b: {  	_ =	shalt  }
0x6c: {  	_ =	shalt  }
0x6d: {  	_ =	shalt  }
0x6e: {  	_ =	shalt  }
0x6f: {  	_ =	shalt  }
0x70: {  	_ =	shalt  }
0x71: {  	_ =	shalt  }
0x72: {  	_ =	shalt  }
0x73: {  	_ =	shalt  }
0x74: {  	_ =	shalt  }
0x75: {  	_ =	shalt  }
0x76: {  	_ =	shalt  }
0x77: {  	_ =	shalt  }
0x78: {  	_ =	shalt  }
0x79: {  	_ =	shalt  }
0x7a: {  	_ =	shalt  }
0x7b: {  	_ =	shalt  }
0x7c: {  	_ =	shalt  }
0x7d: {  	_ =	shalt  }
0x7e: {  	_ =	shalt  }
0x7f: {  	_ =	shalt  }
0x80: {  	_ =	shalt  }
0x81: {  	_ =	shalt  }
0x82: {  	_ =	shalt  }
0x83: {  	_ =	shalt  }
0x84: {  	_ =	shalt  }
0x85: {  	_ =	shalt  }
0x86: {  	_ =	shalt  }
0x87: {  	_ =	shalt  }
.Lfunc_end0:
.L_simem_size_0:
called_computation.4_lowered:
.L_overlay_start_0:
0x88: {  	s2 =	sld [smem:$0x3FD9]  }
0x89: {  	s3 =	sld [smem:$0x3FFE];
	_ =	sdelay $0x1  }
0x8a: {  	s1 =	srdreg.scid  }
0x8b: {  	s0 =	sand.u32 $0x1, s1  }
0x8c: {  	s14 =	sshll.u32 s0, $0xA;
	s2 =	sadd.s32 s3, s2  }
0x8d: {  	s2 =	sadd.s32 s2, s14  }
0x8e: {  	[smem:$0x3FA4] =	sst s2  }
0x8f: {  	_ = 	snop  }
0x90: {  	s2 =	sld [smem:$0x3FD0];
	_ =	sdelay $0x2  }
0x91: {  	s15 =	simm.s32 $0xA;
	s4 =	simm.s32 $0x10  }
0x92: {  	[smem:s4], [sflag:s15] =	dma.local [hbm:s2], $0x1  }
0x93: {  	_ =	swait.eq [sflag:s15], $0x1  }
0x94: {  	[sflag:s15] =	ssyncset.done $0x0  }
0x95: {  	s16 =	sld [smem:$0x11];
	[sflag:s15] =	ssyncadd.s32 $0xFFFFFFFF  }
0x96: {  	s17 =	sld [smem:$0x12];
	(tm) =	ssettm $0x1  }
0x97: {  	s18 =	sld [smem:$0x3FFB];
	_ =	sdelay $0x3  }
0x98: {  	_ =	strace s18  }
0x99: {  	s4 =	sld [smem:$0x3FFC];
	_ =	sdelay $0x3  }
0x9a: {  	_ =	strace s4  }
0x9b: {  	s4 =	sld [smem:$0x3FFD];
	_ =	sdelay $0x3  }
0x9c: {  	_ =	strace s4  }
0x9d: {  	_ =	strace $0x8FFFFFFF  }
0x9e: {  	s19 =	sld [smem:$0x3FDB];
	_ =	sdelay $0x1  }
0x9f: {  	s5 =	simm.s32 $_scs_section_size  }
0xa0: {  	s6 =	simm.s32 $_size__tile_overlayer_lowered;
	s7 =	simm.s32 $_tile_overlayer_lowered  }
0xa1: {  	s22 =	simm.s32 $0x1BFF;
	s21 =	sshll.u32 s7, $0x1;
	s4 =	sadd.s32 s5, s19  }
0xa2: {  	s8 =	simm.s32 $0x0;
	s20 =	sshll.u32 s6, $0x1;
	s6 =	sadd.s32 s21, s4  }
0xa3: {  	[timem:s8], [sflag:s22] =	dma.local [hbm:s6], s20  }
0xa4: {  	_ =	swait.ge [sflag:s22], s20  }
0xa5: {  	s5 =	ssub.s32 $0x0, s20;
	[sflag:s22] =	ssyncset.done $0x0  }
0xa6: {  	[sflag:s22] =	ssyncadd.s32 s5;
	_ =	sdelay $0x1  }
0xa7: {  	s23 =	simm.s32 $0x1B8B  }
0xa8: {  	_ =	swait.ge [sflag:s23], $0x1  }
0xa9: {  	[sflag:s23] =	ssyncset.done $0x0  }
0xaa: {  	s25 =	simm.s32 $0x1B8E;
	s24 =	sld [smem:$0x3FFE];
	[sflag:s23] =	ssyncadd.s32 $0xFFFFFFFF  }
0xab: {  	s26 =	simm.s32 $execute0_lowered;
	[smem:$0x3FD2] =	sst s25  }
0xac: {  	s6 =	sshll.u32 s26, $0x1;
	_ =	strace $0x80000052;
	[dreg:$0x1] =	wrdreg $0xFFFFFFFF  }
0xad: {  	s28 =	simm.s32 $_size_execute0_lowered;
	s4 =	sadd.s32 s4, s6;
	[dreg:$0x0] =	wrdreg $0x0  }
0xae: {  	s6 =	sshll.u32 s28, $0x1;
	[dreg:$0x2] =	wrdreg s4  }
0xaf: {  	[dreg:$0x3] =	wrdreg s6  }
0xb0: {  	[dreg:$0x4] =	wrdreg $0xC0  }
0xb1: {  	_ =	task [dreg:s8], $0x5FFFF  }
0xb2: {  	[dreg:$0x1] =	wrdreg $0xFFFFFFFF  }
0xb3: {  	[dreg:$0x0] =	wrdreg $0x60  }
0xb4: {  	[dreg:$0x2] =	wrdreg s17  }
0xb5: {  	[dreg:$0x3] =	wrdreg s16  }
0xb6: {  	[dreg:$0x4] =	wrdreg s24  }
0xb7: {  	[dreg:$0x5] =	wrdreg $0x9  }
0xb8: {  	_ =	task.clear_ibuf [dreg:s8], $0x6FFFF;
	_ =	strace $0x90000052  }
0xb9: {  	s29 =	simm.s32 $0x9;
	_ =	strace $0x80000054  }
0xba: {  	_ =	swait.ge [sflag:s29], $0x1  }
0xbb: {  	[sflag:s29] =	ssyncadd.s32 $0xFFFFFFFF  }
0xbc: {  	_ =	strace $0x90000054  }
0xbd: {  	_ =	sfence  }
0xbe: {  	s30 =	sld [smem:$0x0];
	_ =	sdelay $0x2  }
0xbf: {  	s31 =	sshll.u32 s1, $0xD;
	s1 =	sshrl.u32 s1, $0x2  }
0xc0: {  	s3 =	sand.u32 $0x4000, s31;
	s1 =	sadd.s32 s1, s30  }
0xc1: {  	s0 =	sor.u32 s3, s0;
	s1 =	sshll.u32 s1, $0x11  }
0xc2: {  	s0 =	sor.u32 s1, s0  }
0xc3: {  	s0 =	sadd.s32 $0x8F2B, s0  }
0xc4: {  	[sflag:s0] =	ssyncadd.remote.s32 $0x1  }
0xc5: {  	_ =	sfence.sel $0xFFFF  }
0xc6: {  	[dreg:$0x0] =	wrdreg $0xFFFFFFFF;
	(pc) =	sbr.abs _section_cstart, $3  }
0xc7: {  	[dreg:$0x1] =	wrdreg $0xFFFFFFFF  }
0xc8: {  	_ =	task.clear_ibuf [dreg:s8], $0x2FFFF;
	_ =	strace $0x9FFFFFFF  }
0xc9: {  	(tm) =	ssettm $0x7FFFFFFF  }
tec
execute0_lowered:
.L_overlay_start_1:
0x0: {  	(tag) =	ssettag $0x1  }
0x1: {  	s1 =	rddreg [dreg:$0x0]  }
0x2: {  	s2 =	rddreg [dreg:$0x1]  }
0x3: {  	s8 =	rddreg [dreg:$0x2]  }
0x4: {  	s3 =	srdreg.scid;
	s0 =	rddreg [dreg:$0x3];
	s4 =	simm.s32 $0x0  }
0x5: {  	s11 =	simm.s32 $0x1;
	s12 =	simm.s32 $0x800;
	s13 =	simm.s32 $0x1000  }
0x6: {  	s14 =	simm.s32 $0x1800;
	s15 =	simm.s32 $0x1C80;
	s5 =	sand.u32 $0x1, s3  }
0x7: {  	v3 =	vlaneseq.u32;
	s16 =	simm.s32 $0x0;
	s3 =	stileid.u32;
	s6 =	sshll.u32 s5, $0x4  }
0x8: {  	vm2 =	vcmask $0x308;
	vm3 =	vcmask $0x70C;
	v5 =	vimm.s32 $0xE80;
	[smem:$0x7FF] =	sst s4;
	s9 =	ssub.s32 $0x2, s5;
	s6 =	sor.u32 s3, s6  }
0x9: {  	s7 =	sadd.s32 $0xC200, s8;
	v4 =	vor.u32 $0x10, v3;
	v1 =	vmul.u32 $0x80, v3;
	_ =	strace $0x80000053;
	s10 =	sshrl.u32 s9, $0x1;
	v0 =	vmov s6  }
0xa: {  	s5 =	sadd.s32 $0x8E00, s8;
	s6 =	sadd.s32 $0xC000, s8;
	s9 =	ssub.s32 s9, s10;
	v2 =	vshll.u32 v0, $0x7;
	vm0 =	vgt.u32 v0, v4;
	vm1 =	vgt.u32 v0, v3  }
0xb: {  	s8 =	sadd.s32 $0xEA00, s8;
	s10 =	simm.s32 $0x2100;
	s9 =	smax.u32 s9, $0x1;
	v4 =	vimm.s32 $0x0;
	v2 =	vor.u32 v3, v2;
	v3 =	vor.u32 $0x800, v1  }
.LBB2_1:
0xc: {  	[tilespmem:s10], [sflag:$0x1] =	stream.linear.gather [hbm4b:s6+s4], $0x1000, $0x38;
	[tilespmem:$0x3100] =	vst v63  }
0xd: {  	_ =	swait.ge [sflag:s11], $0x1000  }
0xe: {  	[sflag:s11] =	ssyncset.done $0x0  }
0xf: {  	[sflag:s11] =	ssyncadd.s32 $0xFFFFF000  }
0x10: {  	v6 =	vld.idx.msk [tilespmem:v1+s10+$0x0], $0xffff  }
0x11: {  	v7 =	vld.idx.msk [tilespmem:v3+s10+$0x0], $0xffff;
	_ =	sdelay $0x3  }
0x12: {  	v6 =	vadd.s32 $0x1FF, v6  }
0x13: {  	v7 =	vadd.s32 $0x1FF, v7;
	v6 =	vand.u32 $0xFFFFFE00, v6  }
0x14: {  	v7 =	vand.u32 $0xFFFFFE00, v7;
	v6 =	vnsel vm1, $0x0, v6  }
0x15: {  	(xrf0) =	vadd.scan.msk.s32 $0xffff, v6;
	v6 =	vnsel vm0, $0x0, v7  }
0x16: {  	(xrf0) =	vadd.scan.msk.s32 $0xffff, v6;
	_ =	sdelay $0x4  }
0x17: {  	v6, _, _ =	vpop (xrf0)  }
0x18: {  	(v2sf) =	vpush v6, $0xF;
	v6, _, _ =	vpop (xrf0)  }
0x19: {  	(v2sf) =	vpush v6, $0xF;
	_ =	sdelay $0x1  }
0x1a: {  	v6 =	vld.idx.msk [tilespmem:v2+s10+$0x0], $0xffff;
	_ =	sdelay $0x4  }
0x1b: {  	v7 =	vsel vm2, $0x0, v6  }
0x1c: {  	v6 =	vsel vm3, $0x0, v6;
	(xrf0) =	vadd.scan.msk.s32 $0xffff, v7  }
0x1d: {  	(xrf0) =	vadd.scan.msk.s32 $0xffff, v6;
	_ =	sdelay $0x4  }
0x1e: {  	v6, _, _ =	vpop (xrf0);
	s17 =	spop (v2sf)  }
0x1f: {  	s21 =	simm.s32 $0x0;
	s19 =	simm.s32 $0x0;
	v7, _, _ =	vpop (xrf0);
	s18 =	spop (v2sf)  }
0x20: {  	s20 =	simm.s32 $0x0;
	v6 =	vbroadcast v6, $0xF;
	v7 =	vbroadcast v7, $0xF;
	s17 =	sadd.s32 s17, s18;
	s18 =	simm.s32 $0x0  }
.LBB2_2:
0x21: {  	s22 =	sshll.u32 s20, $0x8  }
0x22: {  	s24 =	simm.s32 $0x0;
	s23 =	sadd.s32 s1, s22  }
0x23: {  	[tilespmem:s24], [sflag:$0x1] =	stream.linear.gather [hbm4b:s23+s24], $0x800, $0x38;
	[tilespmem:$0x3100] =	vst v63  }
0x24: {  	_ =	swait.ge [sflag:s11], $0x800  }
0x25: {  	[sflag:s11] =	ssyncset.done $0x0  }
0x26: {  	s26 =	sadd.s32 s2, s22;
	[sflag:s11] =	ssyncadd.s32 $0xFFFFF800  }
0x27: {  	[tilespmem:s12], [sflag:$0x1] =	stream.linear.gather [hbm4b:s26+s24], $0x800, $0x38;
	[tilespmem:$0x3100] =	vst v63  }
0x28: {  	_ =	swait.ge [sflag:s11], $0x800  }
0x29: {  	[sflag:s11] =	ssyncset.done $0x0  }
0x2a: {  	s22 =	sadd.s32 s5, s22;
	[sflag:s11] =	ssyncadd.s32 $0xFFFFF800  }
0x2b: {  	[tilespmem:s13], [sflag:$0x1] =	stream.linear.gather [hbm4b:s22+s24], $0x800, $0x38;
	[tilespmem:$0x3100] =	vst v63  }
0x2c: {  	_ =	swait.ge [sflag:s11], $0x800  }
0x2d: {  	[sflag:s11] =	ssyncset.done $0x0  }
0x2e: {  	s28 =	simm.s32 $0x0;
	[sflag:s11] =	ssyncadd.s32 $0xFFFFF800  }
0x2f: {  	v8 =	vld [tilespmem:s28+$0x0];
	_ =	sdelay $0x2  }
0x30: {  	v9 =	vld [tilespmem:s28+$0x1000];
	_ =	sdelay $0x1  }
0x31: {  	v10 =	vmul.u32 $0x235, v8;
	_ =	sdelay $0x1  }
0x32: {  	v10 =	vshrl.u32 v10, $0x10  }
0x33: {  	vm5 =	veq.s32 v9, v6;
	vm4 =	veq.s32 v10, v0  }
0x34: {  	vm5 =	vmand vm4, vm5  }
0x35: {  	v10 =	vsel vm5, $0x1, v4  }
0x36: {  	(xrf0) =	vadd.scan.msk.s32 $0xffff, v10;
	_ =	sdelay $0x2  }
0x37: {  	v10 =	vmov s21  }
0x38: {  	v10 =	vadd.s32 $0xFFFFFFFF, v10  }
0x39: {  	v10 =	vbroadcast v10, $0x0  }
0x3a: {  	v11, _, _ =	vpop (xrf0)  }
0x3b: {  	v10 =	vadd.s32 v11, v10  }
0x3c: {  	vm6 =	vgt.s32 v9, v6;
	vm7 =	vlt.s32 v10, v7  }
0x3d: {  	vm4 =	vmand vm4, vm6;
	vm5 =	vmand vm5, vm7  }
0x3e: {  	v9 =	vxor.u32 $0x80000000, v11;
	vm4 =	vmor vm4, vm5  }
0x3f: {  	(xrf0) =	vmax.scan.msk.u32 $0xffff, v9;
	v9 =	vsel vm4, $0x1, v4  }
0x40: {  	(xrf0) =	vadd.scan.msk.s32 $0xffff, v9;
	_ =	sdelay $0x4  }
0x41: {  	v9, _, _ =	vpop (xrf0)  }
0x42: {  	v10, _, _ =	vpop (xrf0)  }
0x43: {  	v11 =	vxor.u32 $0x80000000, v10  }
0x44: {  	(xrf0) =	vmax.scan.msk.u32 $0xffff, v11;
	_ =	sdelay $0x5  }
0x45: {  	(v2sf) =	vpush v9, $0xF;
	v9, _, _ =	vpop (xrf0)  }
0x46: {  	(v2sf) =	vpush v9, $0xF;
	_ =	sdelay $0xa  }
0x47: {  	v9 =	vmov s19  }
0x48: {  	v9 =	vadd.s32 $0xFFFFFFFF, v9  }
0x49: {  	v9 =	vbroadcast v9, $0x0  }
0x4a: {  	s31 =	spop (v2sf)  }
0x4b: {  	v9 =	vadd.s32 v10, v9;
	s29 =	spop (v2sf)  }
0x4c: {  	v9 =	vnsel vm4, $0x40F, v9;
	s30 =	sadd.s32 s29, s19  }
0x4d: {  	v10 =	vld [tilespmem:s28+$0x800];
	s19 =	sadd.s32 $0x80000000, s30  }
0x4e: {  	p1 =	slt.s32 s19, $0x200  }
0x4f: {  	s22 =	sshll.u32 @!p1 s18, $0x9  }
0x50: {  	s22 =	sadd.s32 @!p1 s17, s22  }
0x51: {  	[tilespmem:v9+s14+$0x0] =	vst.idx.msk $0xffff, v8;
	s24 =	simm.s32 @!p1 $0x1;
	s22 =	sshrl.u32 @!p1 s22, $0x3  }
0x52: {  	[tilespmem:v9+s15+$0x0] =	vst.idx.msk $0xffff, v10;
	s26 =	simm.s32 @!p1 $0x0;
	s28 =	simm.s32 @!p1 $0x1800;
	s25 =	sadd.s32 @!p1 s7, s22  }
0x53: {  	[hbm4b:s25+s26] =	stream.linear.scatter @!p1 [tilespmem:s28], [sflag:$0x1], $0x200, $0x38;
	[tilespmem:$0x3100] =	vst v63  }
0x54: {  	_ =	swait.ge @!p1 [sflag:s24], $0x200  }
0x55: {  	[sflag:s24] =	ssyncset.done @!p1 $0x0  }
0x56: {  	s22 =	sadd.s32 @!p1 s8, s22;
	s25 =	simm.s32 @!p1 $0x1C80;
	[sflag:s24] =	ssyncadd.s32 @!p1 $0xFFFFFE00  }
0x57: {  	[hbm4b:s22+s26] =	stream.linear.scatter @!p1 [tilespmem:s25], [sflag:$0x1], $0x200, $0x38;
	[tilespmem:$0x3100] =	vst v63  }
0x58: {  	_ =	swait.ge @!p1 [sflag:s24], $0x200  }
0x59: {  	s31 =	sadd.s32 s31, s21;
	[sflag:s24] =	ssyncset.done @!p1 $0x0  }
0x5a: {  	p0 =	sgt.s32 s19, $0x1FF;
	s25 =	simm.s32 $0x1;
	[sflag:s24] =	ssyncadd.s32 @!p1 $0xFFFFFE00  }
0x5b: {  	s21 =	sadd.s32 $0x80000000, s31;
	s23 =	sadd.s32 $0xFFFFFE00, s19;
	s25 =	simm.s32 @!p0 $0x0;
	v9 =	vld @!p1 [tilespmem:$0x1A00]  }
0x5c: {  	s19 =	smov.u32 @p0 s23;
	s22 =	simm.s32 $0x40;
	s18 =	sadd.s32 s25, s18;
	v8 =	vld @!p1 [tilespmem:$0x1E80]  }
.LBB2_3:
0x5d: {  	_ =	sdelay $0x2  }
0x5e: {  	v10 =	vmov s19;
	s23 =	smov.u32 s22;
	s22 =	sadd.s32 $0x40, s22;
	[tilespmem:$0x1800] =	vst @!p1 v9  }
0x5f: {  	s23 =	sshra.s32 s23, $0x2;
	p0 =	sne.s32 s22, $0x2000;
	v9 =	vadd.s32 $0xFFFFFFFF, v10;
	[tilespmem:$0x1C80] =	vst @!p1 v8  }
0x60: {  	v8 =	vld [tilespmem:s23+$0x0];
	_ =	sdelay $0x2  }
0x61: {  	v10 =	vld [tilespmem:s23+$0x1000];
	_ =	sdelay $0x1  }
0x62: {  	v11 =	vmul.u32 $0x235, v8;
	_ =	sdelay $0x1  }
0x63: {  	v11 =	vshrl.u32 v11, $0x10  }
0x64: {  	vm4 =	veq.s32 v11, v0;
	vm5 =	vgt.s32 v10, v6;
	vm6 =	veq.s32 v10, v6  }
0x65: {  	vm5 =	vmand vm4, vm5;
	vm4 =	vmand vm4, vm6  }
0x66: {  	v10 =	vsel vm4, $0x1, v4  }
0x67: {  	(xrf0) =	vadd.scan.msk.s32 $0xffff, v10;
	_ =	sdelay $0x2  }
0x68: {  	v10 =	vmov s21  }
0x69: {  	v10 =	vadd.s32 $0xFFFFFFFF, v10  }
0x6a: {  	v10 =	vbroadcast v10, $0x0  }
0x6b: {  	v11, _, _ =	vpop (xrf0)  }
0x6c: {  	v10 =	vadd.s32 v11, v10;
	v11 =	vxor.u32 $0x80000000, v11  }
0x6d: {  	vm6 =	vlt.s32 v10, v7;
	(xrf0) =	vmax.scan.msk.u32 $0xffff, v11  }
0x6e: {  	vm4 =	vmand vm4, vm6  }
0x6f: {  	vm4 =	vmor vm5, vm4  }
0x70: {  	v10 =	vsel vm4, $0x1, v4  }
0x71: {  	(xrf0) =	vadd.scan.msk.s32 $0xffff, v10;
	_ =	sdelay $0x1  }
0x72: {  	v10, _, _ =	vpop (xrf0)  }
0x73: {  	(v2sf) =	vpush v10, $0xF;
	_ =	sdelay $0x1  }
0x74: {  	v9 =	vbroadcast v9, $0x0  }
0x75: {  	v10, _, _ =	vpop (xrf0)  }
0x76: {  	v9 =	vadd.s32 v10, v9;
	v10 =	vxor.u32 $0x80000000, v10  }
0x77: {  	v9 =	vnsel vm4, $0x40F, v9;
	(xrf0) =	vmax.scan.msk.u32 $0xffff, v10  }
0x78: {  	v10 =	vld [tilespmem:s23+$0x800];
	_ =	sdelay $0x3  }
0x79: {  	[tilespmem:v9+s14+$0x0] =	vst.idx.msk $0xffff, v8  }
0x7a: {  	[tilespmem:v9+s15+$0x0] =	vst.idx.msk $0xffff, v10;
	v8, _, _ =	vpop (xrf0)  }
0x7b: {  	(v2sf) =	vpush v8, $0xF;
	_ =	sdelay $0x2  }
0x7c: {  	s23 =	spop (v2sf)  }
0x7d: {  	s21 =	sadd.s32 s23, s21  }
0x7e: {  	s21 =	sadd.s32 $0x80000000, s21;
	_ =	sdelay $0x9  }
0x7f: {  	s23 =	spop (v2sf)  }
0x80: {  	s19 =	sadd.s32 s23, s19  }
0x81: {  	s19 =	sadd.s32 $0x80000000, s19  }
0x82: {  	p2 =	sgt.s32 s19, $0x1FF;
	s23 =	sadd.s32 $0xFFFFFE00, s19  }
0x83: {  	p1 =	slt.s32 s19, $0x200;
	s19 =	smov.u32 @p2 s23;
	s23 =	simm.s32 $0x1  }
0x84: {  	s24 =	sshll.u32 @!p1 s18, $0x9;
	s23 =	simm.s32 @!p2 $0x0  }
0x85: {  	s24 =	sadd.s32 @!p1 s17, s24;
	s18 =	sadd.s32 s23, s18  }
0x86: {  	s23 =	sshrl.u32 @!p1 s24, $0x3;
	s24 =	simm.s32 @!p1 $0x1  }
0x87: {  	s26 =	simm.s32 @!p1 $0x0;
	s28 =	simm.s32 @!p1 $0x1800;
	s25 =	sadd.s32 @!p1 s7, s23  }
0x88: {  	[hbm4b:s25+s26] =	stream.linear.scatter @!p1 [tilespmem:s28], [sflag:$0x1], $0x200, $0x38;
	[tilespmem:$0x3100] =	vst v63  }
0x89: {  	s23 =	sadd.s32 @!p1 s8, s23;
	_ =	swait.ge @!p1 [sflag:s24], $0x200  }
0x8a: {  	[sflag:s24] =	ssyncset.done @!p1 $0x0  }
0x8b: {  	s25 =	simm.s32 @!p1 $0x1C80;
	[sflag:s24] =	ssyncadd.s32 @!p1 $0xFFFFFE00  }
0x8c: {  	[hbm4b:s23+s26] =	stream.linear.scatter @!p1 [tilespmem:s25], [sflag:$0x1], $0x200, $0x38;
	[tilespmem:$0x3100] =	vst v63  }
.Ltmp0:
0x8d: {  	_ =	swait.ge @!p1 [sflag:s24], $0x200;
	(pc) =	sbr.rel @p0 .LBB2_3-.Ltmp0, $4  }
0x8e: {  	[sflag:s24] =	ssyncset.done @!p1 $0x0  }
0x8f: {  	[sflag:s24] =	ssyncadd.s32 @!p1 $0xFFFFFE00  }
0x90: {  	v9 =	vld @!p1 [tilespmem:$0x1A00]  }
0x91: {  	v8 =	vld @!p1 [tilespmem:$0x1E80]  }
0x92: {  	s20 =	sadd.s32 $0x1, s20  }
0x93: {  	p0 =	sne.s32 s20, $0x32  }
.Ltmp1:
0x94: {  	_ = 	snop;
	(pc) =	sbr.rel @p0 .LBB2_2-.Ltmp1, $3  }
0x95: {  	_ =	sdelay $0x1  }
0x96: {  	[tilespmem:$0x1800] =	vst @!p1 v9  }
0x97: {  	[tilespmem:$0x1C80] =	vst @!p1 v8  }
0x98: {  	s20 =	sshll.u32 s19, $0x2  }
0x99: {  	s20 =	sshra.s32 s20, $0x2  }
0x9a: {  	s21 =	sadd.s32 $0x1800, s20  }
0x9b: {  	s31 =	sadd.s32 $0x1C80, s20;
	v7 =	vmov s21  }
0x9c: {  	v6 =	vmov s31;
	_ =	sdelay $0x2  }
0x9d: {  	s20 =	simm.s32 $0x0  }
0x9e: {  	s21 =	simm.s32 $0x40;
	[tilespmem:v7+s20+$0x0 ss:$0x1] =	vst.idx.msk $0xffff, v5  }
.LBB2_6:
0x9f: {  	p0 =	sne.s32 s21, $0x7C0;
	[tilespmem:v6+s20+$0x0 ss:$0x1] =	vst.idx.msk $0xffff, v5;
	s20 =	smov.u32 s21;
	s21 =	sadd.s32 $0x40, s21  }
.Ltmp2:
0xa0: {  	(pc) =	sbr.rel @p0 .LBB2_6-.Ltmp2, $3  }
0xa1: {  	_ =	sdelay $0x1  }
0xa2: {  	s20 =	sshra.s32 s20, $0x2  }
0xa3: {  	[tilespmem:v7+s20+$0x0 ss:$0x1] =	vst.idx.msk $0xffff, v5  }
0xa4: {  	p0 =	slt.s32 s19, $0x1  }
0xa5: {  	s18 =	sshll.u32 @!p0 s18, $0x9  }
0xa6: {  	s17 =	sadd.s32 @!p0 s17, s18  }
0xa7: {  	s17 =	sshrl.u32 @!p0 s17, $0x3  }
0xa8: {  	[tilespmem:v6+s20+$0x0 ss:$0x1] =	vst.idx.msk $0xffff, v5;
	s19 =	simm.s32 @!p0 $0x0;
	s20 =	simm.s32 @!p0 $0x1800;
	s18 =	sadd.s32 @!p0 s7, s17  }
0xa9: {  	[hbm4b:s18+s19] =	stream.linear.scatter @!p0 [tilespmem:s20], [sflag:$0x1], $0x200, $0x38;
	[tilespmem:$0x3100] =	vst v63  }
0xaa: {  	s18 =	simm.s32 @!p0 $0x1  }
0xab: {  	s16 =	sadd.s32 $0x1, s16;
	_ =	swait.ge @!p0 [sflag:s18], $0x200  }
0xac: {  	p1 =	sne.s32 s16, s9;
	s17 =	sadd.s32 @!p0 s8, s17;
	[sflag:s18] =	ssyncset.done @!p0 $0x0  }
.Ltmp3:
0xad: {  	s20 =	simm.s32 @!p0 $0x1C80;
	[sflag:s18] =	ssyncadd.s32 @!p0 $0xFFFFFE00;
	(pc) =	sbr.rel @p1 .LBB2_1-.Ltmp3, $4  }
0xae: {  	[hbm4b:s17+s19] =	stream.linear.scatter @!p0 [tilespmem:s20], [sflag:$0x1], $0x200, $0x38;
	[tilespmem:$0x3100] =	vst v63  }
0xaf: {  	_ =	swait.ge @!p0 [sflag:s18], $0x200  }
0xb0: {  	[sflag:s18] =	ssyncset.done @!p0 $0x0  }
0xb1: {  	[sflag:s18] =	ssyncadd.s32 @!p0 $0xFFFFFE00  }
0xb2: {  	_ =	sfence.sel $0x180000  }
0xb3: {  	[bflag:$0x0] =	sbarrier.arrive $0xFFFF  }
0xb4: {  	p0 =	sne.s32 s3, $0x0;
	_ =	strace $0x90000053  }
0xb5: {  	s0 =	sadd.s32 @!p0 $0x100000, s0;
	[bflag:$0x2] =	sbarrier.arrive $0xFFFF  }
0xb6: {  	[sflag:s0] =	ssyncadd.tile.s32 @!p0 $0x1;
	_ =	shalt  }
.Lfunc_end2:
_tile_overlayer_lowered:
.L_overlay_start_2:
0xb7: {  	(tag) =	ssettag $0x2  }
0xb8: {  	s0 =	rddreg [dreg:$0x0];
	s2 =	stileid.u32  }
0xb9: {  	s1 =	rddreg [dreg:$0x1];
	p0 =	sne.s32 s2, $0x0  }
0xba: {  	s3 =	rddreg [dreg:$0x2];
	[bflag:$0x3] =	sbarrier.arrive $0xFFFF;
	s2 =	simm.s32 @!p0 $0x1C01  }
0xbb: {  	[timem:s3], [sflag:s2] =	dma.local @!p0 [hbm:s0], s1  }
0xbc: {  	s0 =	simm.s32 @!p0 $0x1  }
0xbd: {  	_ =	swait.ge @!p0 [sflag:s0], s1  }
0xbe: {  	s1 =	ssub.s32 @!p0 $0x0, s1;
	[sflag:s0] =	ssyncset.done @!p0 $0x0  }
0xbf: {  	[sflag:s0] =	ssyncadd.s32 @!p0 s1  }
0xc0: {  	[bflag:$0x3] =	sbarrier.arrive $0xFFFF  }
0xc1: {  	_ =	shalt  }

// kernel: kernel.32.cloned.1.call-start
scs
__scs_entry_jumppad:
0x0: {  	(pc) =	sbr.rel $0x88, $3  }
0x1: {  	(tag) =	ssettag $0x0;
	lr =	simm.s32 $0x1  }
0x2: {  	[smem:$0x3F7D] =	sst lr;
	_ =	strace $0xD0000000  }
0x3: {  	_ = 	snop  }
0x4: {  	_ = 	snop  }
0x5: {  	_ = 	snop  }
0x6: {  	_ = 	snop  }
0x7: {  	_ = 	snop  }
__scs_overlays_trampoline_lowered:
0x8: {  	[smem:$0x3F8C] =	sst s0  }
0x9: {  	[smem:$0x3F8D] =	sst s1  }
0xa: {  	[smem:$0x3F8E] =	sst s2  }
0xb: {  	[smem:$0x3F8F] =	sst s3  }
0xc: {  	[smem:$0x3F90] =	sst s4  }
0xd: {  	[smem:$0x3F91] =	sst s5  }
0xe: {  	[smem:$0x3F92] =	sst s6  }
0xf: {  	[smem:$0x3F93] =	sst s7  }
0x10: {  	[smem:$0x3F94] =	sst s8  }
0x11: {  	[smem:$0x3F95] =	sst s9;
	s0 =	simm.s32 @!p0 $0x0  }
0x12: {  	s1 =	sld [smem:$0x3F7B];
	s0 =	simm.s32 @p0 $0x1  }
0x13: {  	[smem:$0x3F96] =	sst s0;
	s0 =	simm.s32 @!p1 $0x0  }
0x14: {  	s2 =	sld [smem:$0x3F7A];
	s0 =	simm.s32 @p1 $0x1  }
0x15: {  	[smem:$0x3F97] =	sst s0;
	s0 =	simm.s32 @!p2 $0x0  }
0x16: {  	s3 =	sld [smem:$0x3FDB];
	s0 =	simm.s32 @p2 $0x1  }
0x17: {  	s4 =	simm.s32 $0x1BF5;
	[smem:$0x3F99] =	sst s0  }
0x18: {  	s0 =	sld [smem:$0x3F7C];
	_ =	swait.ge [sflag:s4], $0x0  }
0x19: {  	s7 =	sld [smem:$0x3F7D]  }
0x1a: {  	s8 =	sadd.s32 $0xFFFFE003, lr  }
0x1b: {  	s9 =	sadd.s32 $0xFFFFFEF7, lr;
	s5 =	simm.s32 $0xFFFFFFFF;
	p2 =	slt.u32 s8, $0xFFFFF086  }
0x1c: {  	p1 =	slt.u32 s9, $0xF7A;
	s5 =	simm.s32 @!p2 $0x0  }
0x1d: {  	s5 =	simm.s32 @p1 $0x1;
	p0 =	seq.s32 s7, s2  }
0x1e: {  	s7 =	smul.u32 @!p0 $0xF7A, s2;
	p2 =	seq.s32 @!p0 s5, $0x0  }
0x1f: {  	s9 =	smul.u32 $0xF7A, s1;
	s8 =	simm.s32 @!p0 $0x1BF5;
	p2 =	por !p2, p0  }
0x20: {  	[sflag:s8] =	ssyncset.s32 @!p0 $0xFFFFF086;
	s6 =	sadd.s32 @!p0 s3, s7;
	s7 =	simm.s32 @!p0 $0x108  }
0x21: {  	s3 =	sadd.s32 s3, s9;
	s6 =	sadd.s32 @!p0 $0x88, s6;
	s7 =	simm.s32 @p2 $0x1082  }
0x22: {  	[simem:s7], [sflag:s8] =	dma.local @!p0 [hbm:s6], $0xF7A  }
0x23: {  	s9 =	sor.u32 $0xD0000000, s2;
	s6 =	simm.s32 $0x108;
	_ =	swait.ge @!p0 [sflag:s8], $0x0  }
0x24: {  	s3 =	sadd.s32 $0x88, s3;
	s6 =	simm.s32 @!p1 $0x1082;
	[sflag:s4] =	ssyncset.s32 $0xFFFFF086  }
0x25: {  	[simem:s6], [sflag:s4] =	dma.local [hbm:s3], $0xF7A  }
0x26: {  	[smem:$0x3F7D] =	sst s1;
	(tag) =	ssettag s2;
	_ =	strace s9  }
0x27: {  	s1 =	sld [smem:$0x3F8D]  }
0x28: {  	s2 =	sld [smem:$0x3F8E]  }
0x29: {  	s4 =	sld [smem:$0x3F90]  }
0x2a: {  	p0 =	seq.s32 s5, $0x0;
	s5 =	sld [smem:$0x3F91]  }
0x2b: {  	s6 =	sld [smem:$0x3F92]  }
0x2c: {  	s7 =	sld [smem:$0x3F93]  }
0x2d: {  	s3 =	simm.s32 $0x108;
	s8 =	sld [smem:$0x3F94]  }
0x2e: {  	s3 =	simm.s32 @!p0 $0x1082;
	s9 =	sld [smem:$0x3F95]  }
0x2f: {  	lr =	sadd.s32 s0, s3;
	s0 =	sld [smem:$0x3F8C]  }
0x30: {  	s3 =	sld [smem:$0x3F8F]  }
0x31: {  	[smem:$0x3F98] =	sst s10  }
0x32: {  	s10 =	sld [smem:$0x3F96];
	_ =	sdelay $0x3  }
0x33: {  	p0 =	seq.s32 s10, $0x1;
	s10 =	sld [smem:$0x3F98];
	_ =	sdelay $0x3  }
0x34: {  	[smem:$0x3F98] =	sst s10  }
0x35: {  	s10 =	sld [smem:$0x3F97];
	_ =	sdelay $0x3  }
0x36: {  	p1 =	seq.s32 s10, $0x1;
	s10 =	sld [smem:$0x3F98];
	_ =	sdelay $0x3  }
0x37: {  	[smem:$0x3F98] =	sst s10  }
0x38: {  	s10 =	sld [smem:$0x3F99]  }
0x39: {  	_ = 	snop;
	(pc) =	sbr.ind lr, $3  }
0x3a: {  	_ = 	snop  }
0x3b: {  	_ = 	snop  }
0x3c: {  	p2 =	seq.s32 s10, $0x1;
	s10 =	sld [smem:$0x3F98]  }
0x3d: {  	_ =	shalt  }
0x3e: {  	_ =	shalt  }
0x3f: {  	_ =	shalt  }
0x40: {  	_ =	shalt  }
0x41: {  	_ =	shalt  }
0x42: {  	_ =	shalt  }
0x43: {  	_ =	shalt  }
0x44: {  	_ =	shalt  }
0x45: {  	_ =	shalt  }
0x46: {  	_ =	shalt  }
0x47: {  	_ =	shalt  }
0x48: {  	_ =	shalt  }
0x49: {  	_ =	shalt  }
0x4a: {  	_ =	shalt  }
0x4b: {  	_ =	shalt  }
0x4c: {  	_ =	shalt  }
0x4d: {  	_ =	shalt  }
0x4e: {  	_ =	shalt  }
0x4f: {  	_ =	shalt  }
0x50: {  	_ =	shalt  }
0x51: {  	_ =	shalt  }
0x52: {  	_ =	shalt  }
0x53: {  	_ =	shalt  }
0x54: {  	_ =	shalt  }
0x55: {  	_ =	shalt  }
0x56: {  	_ =	shalt  }
0x57: {  	_ =	shalt  }
0x58: {  	_ =	shalt  }
0x59: {  	_ =	shalt  }
0x5a: {  	_ =	shalt  }
0x5b: {  	_ =	shalt  }
0x5c: {  	_ =	shalt  }
0x5d: {  	_ =	shalt  }
0x5e: {  	_ =	shalt  }
0x5f: {  	_ =	shalt  }
0x60: {  	_ =	shalt  }
0x61: {  	_ =	shalt  }
0x62: {  	_ =	shalt  }
0x63: {  	_ =	shalt  }
0x64: {  	_ =	shalt  }
0x65: {  	_ =	shalt  }
0x66: {  	_ =	shalt  }
0x67: {  	_ =	shalt  }
0x68: {  	_ =	shalt  }
0x69: {  	_ =	shalt  }
0x6a: {  	_ =	shalt  }
0x6b: {  	_ =	shalt  }
0x6c: {  	_ =	shalt  }
0x6d: {  	_ =	shalt  }
0x6e: {  	_ =	shalt  }
0x6f: {  	_ =	shalt  }
0x70: {  	_ =	shalt  }
0x71: {  	_ =	shalt  }
0x72: {  	_ =	shalt  }
0x73: {  	_ =	shalt  }
0x74: {  	_ =	shalt  }
0x75: {  	_ =	shalt  }
0x76: {  	_ =	shalt  }
0x77: {  	_ =	shalt  }
0x78: {  	_ =	shalt  }
0x79: {  	_ =	shalt  }
0x7a: {  	_ =	shalt  }
0x7b: {  	_ =	shalt  }
0x7c: {  	_ =	shalt  }
0x7d: {  	_ =	shalt  }
0x7e: {  	_ =	shalt  }
0x7f: {  	_ =	shalt  }
0x80: {  	_ =	shalt  }
0x81: {  	_ =	shalt  }
0x82: {  	_ =	shalt  }
0x83: {  	_ =	shalt  }
0x84: {  	_ =	shalt  }
0x85: {  	_ =	shalt  }
0x86: {  	_ =	shalt  }
0x87: {  	_ =	shalt  }
.Lfunc_end0:
.L_simem_size_0:
called_computation.5_lowered:
.L_overlay_start_0:
0x88: {  	s2 =	sld [smem:$0x3FD9]  }
0x89: {  	s3 =	sld [smem:$0x3FFE];
	_ =	sdelay $0x1  }
0x8a: {  	s1 =	srdreg.scid  }
0x8b: {  	s0 =	sand.u32 $0x1, s1  }
0x8c: {  	s14 =	sshll.u32 s0, $0xA;
	s2 =	sadd.s32 s3, s2  }
0x8d: {  	s2 =	sadd.s32 s2, s14  }
0x8e: {  	[smem:$0x3FA4] =	sst s2  }
0x8f: {  	_ = 	snop  }
0x90: {  	s2 =	sld [smem:$0x3FD0];
	_ =	sdelay $0x2  }
0x91: {  	s15 =	simm.s32 $0xA;
	s4 =	simm.s32 $0x10  }
0x92: {  	[smem:s4], [sflag:s15] =	dma.local [hbm:s2], $0x1  }
0x93: {  	_ =	swait.eq [sflag:s15], $0x1  }
0x94: {  	[sflag:s15] =	ssyncset.done $0x0  }
0x95: {  	[sflag:s15] =	ssyncadd.s32 $0xFFFFFFFF  }
0x96: {  	s16 =	sld [smem:$0x13];
	(tm) =	ssettm $0x1  }
0x97: {  	s17 =	sld [smem:$0x3FFB];
	_ =	sdelay $0x3  }
0x98: {  	_ =	strace s17  }
0x99: {  	s3 =	sld [smem:$0x3FFC];
	_ =	sdelay $0x3  }
0x9a: {  	_ =	strace s3  }
0x9b: {  	s3 =	sld [smem:$0x3FFD];
	_ =	sdelay $0x3  }
0x9c: {  	_ =	strace s3  }
0x9d: {  	_ =	strace $0x8FFFFFFF  }
0x9e: {  	s18 =	sld [smem:$0x3FDB];
	_ =	sdelay $0x1  }
0x9f: {  	s19 =	simm.s32 $_scs_section_size  }
0xa0: {  	s5 =	simm.s32 $_size__tile_overlayer_lowered;
	s6 =	simm.s32 $_tile_overlayer_lowered  }
0xa1: {  	s22 =	simm.s32 $0x1BFF;
	s21 =	sshll.u32 s6, $0x1;
	s3 =	sadd.s32 s19, s18  }
0xa2: {  	s7 =	simm.s32 $0x0;
	s20 =	sshll.u32 s5, $0x1;
	s5 =	sadd.s32 s21, s3  }
0xa3: {  	[timem:s7], [sflag:s22] =	dma.local [hbm:s5], s20  }
0xa4: {  	_ =	swait.ge [sflag:s22], s20  }
0xa5: {  	s4 =	ssub.s32 $0x0, s20;
	[sflag:s22] =	ssyncset.done $0x0  }
0xa6: {  	[sflag:s22] =	ssyncadd.s32 s4;
	_ =	sdelay $0x1  }
0xa7: {  	s23 =	simm.s32 $0x1B8B  }
0xa8: {  	_ =	swait.ge [sflag:s23], $0x1  }
0xa9: {  	[sflag:s23] =	ssyncset.done $0x0  }
0xaa: {  	s25 =	simm.s32 $0x1B8E;
	s24 =	sld [smem:$0x3FFE];
	[sflag:s23] =	ssyncadd.s32 $0xFFFFFFFF  }
0xab: {  	s26 =	simm.s32 $execute0_lowered;
	[smem:$0x3FD2] =	sst s25  }
0xac: {  	s5 =	sshll.u32 s26, $0x1;
	_ =	strace $0x80000055;
	[dreg:$0x1] =	wrdreg $0xFFFFFFFF  }
0xad: {  	s28 =	simm.s32 $_size_execute0_lowered;
	s3 =	sadd.s32 s3, s5;
	[dreg:$0x0] =	wrdreg $0x0  }
0xae: {  	s5 =	sshll.u32 s28, $0x1;
	[dreg:$0x2] =	wrdreg s3  }
0xaf: {  	[dreg:$0x3] =	wrdreg s5  }
0xb0: {  	[dreg:$0x4] =	wrdreg $0xC0  }
0xb1: {  	_ =	task [dreg:s7], $0x5FFFF  }
0xb2: {  	[dreg:$0x1] =	wrdreg $0xFFFFFFFF  }
0xb3: {  	[dreg:$0x0] =	wrdreg $0x60  }
0xb4: {  	[dreg:$0x2] =	wrdreg s24  }
0xb5: {  	[dreg:$0x3] =	wrdreg s16  }
0xb6: {  	[dreg:$0x4] =	wrdreg $0x126000  }
0xb7: {  	[dreg:$0x5] =	wrdreg $0x162000  }
0xb8: {  	[dreg:$0x6] =	wrdreg $0x9  }
0xb9: {  	_ =	task.clear_ibuf [dreg:s7], $0x7FFFF;
	_ =	strace $0x90000055  }
0xba: {  	s29 =	simm.s32 $0x9;
	_ =	strace $0x80000057  }
0xbb: {  	_ =	swait.ge [sflag:s29], $0x1  }
0xbc: {  	[sflag:s29] =	ssyncadd.s32 $0xFFFFFFFF  }
0xbd: {  	_ =	strace $0x90000057  }
0xbe: {  	_ =	sfence  }
0xbf: {  	s30 =	sld [smem:$0x0];
	_ =	sdelay $0x2  }
0xc0: {  	s31 =	sshll.u32 s1, $0xD;
	s1 =	sshrl.u32 s1, $0x2  }
0xc1: {  	s3 =	sand.u32 $0x4000, s31;
	s1 =	sadd.s32 s1, s30  }
0xc2: {  	s0 =	sor.u32 s3, s0;
	s1 =	sshll.u32 s1, $0x11  }
0xc3: {  	s0 =	sor.u32 s1, s0  }
0xc4: {  	s0 =	sadd.s32 $0x8F2B, s0  }
0xc5: {  	[sflag:s0] =	ssyncadd.remote.s32 $0x1  }
0xc6: {  	_ =	sfence.sel $0xFFFF  }
0xc7: {  	[dreg:$0x0] =	wrdreg $0xFFFFFFFF;
	(pc) =	sbr.abs _section_cstart, $3  }
0xc8: {  	[dreg:$0x1] =	wrdreg $0xFFFFFFFF  }
0xc9: {  	_ =	task.clear_ibuf [dreg:s7], $0x2FFFF;
	_ =	strace $0x9FFFFFFF  }
0xca: {  	(tm) =	ssettm $0x7FFFFFFF  }
0xcb: {  	_ =	shalt  }
tec
execute0_lowered:
.L_overlay_start_1:
0x0: {  	(tag) =	ssettag $0x1  }
0x1: {  	s0 =	rddreg [dreg:$0x0]  }
0x2: {  	s1 =	rddreg [dreg:$0x1]  }
0x3: {  	s2 =	rddreg [dreg:$0x2]  }
0x4: {  	s4 =	rddreg [dreg:$0x3]  }
0x5: {  	s5 =	simm.s32 $0x0;
	s3 =	stileid.u32;
	s9 =	srdreg.scid  }
0x6: {  	s20 =	simm.s32 $0x10400;
	s28 =	simm.s32 $0x2;
	s29 =	simm.s32 $0x0  }
0x7: {  	[smem:$0x7FF] =	sst s5;
	s11 =	smul.u32 $0x3C00, s3;
	s6 =	sadd.s32 $0xC200, s0  }
0x8: {  	s12 =	smul.u32 $0xF00, s3;
	s7 =	sadd.s32 $0xEA00, s0;
	s8 =	sadd.s32 $0x11600, s0  }
0x9: {  	s13 =	sand.u32 $0x1, s9;
	s9 =	sadd.s32 $0x11200, s0;
	s30 =	sshll.u32 s3, $0x9  }
0xa: {  	s31 =	sshll.u32 s3, $0x6;
	_ =	strace $0x80000056;
	s10 =	smul.u32 $0x7800, s13  }
0xb: {  	s16 =	smul.u32 $0x1E00, s13;
	s21 =	ssub.s32 $0x2, s13;
	s18 =	sshll.u32 s13, $0x4  }
0xc: {  	s26 =	sshll.u32 s13, $0xD;
	s22 =	sshrl.u32 s11, $0x3;
	s24 =	sshrl.u32 s12, $0x3  }
0xd: {  	s23 =	sshrl.u32 s21, $0x1;
	s25 =	sadd.s32 s11, s2;
	s19 =	sadd.s32 s12, s4  }
0xe: {  	s14 =	sadd.s32 s22, s0;
	s15 =	sadd.s32 s24, s0;
	s17 =	sadd.s32 s10, s0  }
0xf: {  	s0 =	sadd.s32 s16, s0;
	s16 =	ssub.s32 s21, s23;
	s10 =	sor.u32 s3, s18  }
0x10: {  	s18 =	sshrl.u32 s25, $0x3;
	s19 =	sshrl.u32 s19, $0x3;
	s21 =	simm.s32 $0x1  }
.Ltmp0:
0x11: {  	s25 =	simm.s32 $0x400;
	s11 =	sadd.s32 $0x11800, s14;
	(pc) =	sbr.rel .LBB2_1-.Ltmp0, $4  }
0x12: {  	v0 =	vlaneseq.u32;
	s12 =	sadd.s32 $0x8E00, s15;
	s23 =	sadd.s32 $0x19000, s17;
	s0 =	sadd.s32 $0x28000, s0  }
0x13: {  	v0 =	vmul.u32 $0x10, v0;
	s13 =	smax.u32 s16, $0x1;
	s14 =	sor.u32 s30, s26;
	s15 =	simm.s32 $0x12400  }
0x14: {  	s16 =	simm.s32 $0x3;
	s17 =	sor.u32 $0x1C03, s31;
	s26 =	simm.s32 $0x8400  }
0x15: {  	v1 =	vor.u32 $0x100, v0;
	s22 =	sadd.s32 s22, s23;
	s23 =	simm.s32 $0x200;
	s24 =	sadd.s32 s24, s0  }
.LBB2_5:
0x16: {  	s3 =	sadd.s32 s6, s0;
	[sflag:s16] =	ssyncadd.s32 @p0 $0xFFFFE000  }
0x17: {  	[tilespmem:s5], [sflag:$0x3] =	stream.linear.gather [hbm4b:s3+s5], $0x200, $0x38;
	[tilespmem:$0x17100] =	vst v63  }
0x18: {  	_ =	swait.ge [sflag:s16], $0x200  }
0x19: {  	[sflag:s16] =	ssyncset.done $0x0  }
0x1a: {  	s31 =	sadd.s32 s7, s0;
	[sflag:s16] =	ssyncadd.s32 $0xFFFFFE00  }
0x1b: {  	[tilespmem:s23], [sflag:$0x3] =	stream.linear.gather [hbm4b:s31+s5], $0x200, $0x38;
	[tilespmem:$0x17100] =	vst v63  }
0x1c: {  	_ =	swait.ge [sflag:s16], $0x200  }
0x1d: {  	[sflag:s16] =	ssyncset.done $0x0  }
0x1e: {  	[sflag:s16] =	ssyncadd.s32 $0xFFFFFE00  }
0x1f: {  	[tilespmem:s25], [sflag:$0x1] =	stream.indirect.gather [hbm4b:s1+s23], $0x40, s5, s23, $0xb8;
	[tilespmem:$0x17100] =	vst v63  }
0x20: {  	_ = 	snop  }
0x21: {  	[tilespmem:s26], [sflag:$0x2] =	stream.indirect.gather [hbm4b:s1+s23], $0x40, s23, s23, $0xb8;
	[tilespmem:$0x17100] =	vst v63  }
0x22: {  	_ =	swait.ge [sflag:s21], $0x8000  }
0x23: {  	[sflag:s21] =	ssyncset.done $0x0  }
0x24: {  	[sflag:s21] =	ssyncadd.s32 $0xFFFF8000  }
0x25: {  	_ =	swait.ge [sflag:s28], $0x8000  }
0x26: {  	[sflag:s28] =	ssyncset.done $0x0  }
0x27: {  	[sflag:s28] =	ssyncadd.s32 $0xFFFF8000  }
0x28: {  	[spmem:s2] =	stream.indirect.scatter.add.f32 [tilespmem:s25], [sflag:$0x3], $0x40, s23, s23, $0xb8;
	[tilespmem:$0x17100] =	vst v63  }
0x29: {  	_ =	swait.ge [sflag:s16], $0x8000  }
0x2a: {  	[sflag:s16] =	ssyncset.done $0x0  }
0x2b: {  	[sflag:s16] =	ssyncadd.s32 $0xFFFF8000  }
0x2c: {  	[spmem:s2] =	stream.indirect.scatter.add.f32 [tilespmem:s26], [sflag:$0x3], $0x40, s5, s23, $0xb8;
	[tilespmem:$0x17100] =	vst v63  }
0x2d: {  	_ =	swait.ge [sflag:s16], $0x8000  }
0x2e: {  	[sflag:s16] =	ssyncset.done $0x0  }
0x2f: {  	[sflag:s16] =	ssyncadd.s32 $0xFFFF8000  }
0x30: {  	[spmem:s4] =	stream.indirect.scatter.add.f32 [tilespmem:s20], [sflag:$0x3], $0x10, s23, s23, $0xb8;
	[tilespmem:$0x17100] =	vst v63  }
0x31: {  	_ =	swait.ge [sflag:s16], $0x2000  }
0x32: {  	[sflag:s16] =	ssyncset.done $0x0  }
0x33: {  	[sflag:s16] =	ssyncadd.s32 $0xFFFFE000  }
0x34: {  	[spmem:s4] =	stream.indirect.scatter.add.f32 [tilespmem:s20], [sflag:$0x3], $0x10, s5, s23, $0xb8;
	[tilespmem:$0x17100] =	vst v63  }
0x35: {  	_ =	swait.ge [sflag:s16], $0x2000  }
0x36: {  	[sflag:s16] =	ssyncset.done $0x0  }
0x37: {  	[sflag:s16] =	ssyncadd.s32 $0xFFFFE000  }
.LBB2_6:
0x38: {  	[bflag:$0x0] =	sbarrier.arrive $0xFFFF  }
0x39: {  	[hbm:s22], [sflag:s17] =	dma.local [spmem:s18], $0x780  }
0x3a: {  	s29 =	sadd.s32 $0x1, s29;
	_ =	swait.ge [sflag:s16], $0x780  }
0x3b: {  	p0 =	sne.s32 s29, s13;
	[sflag:s16] =	ssyncset.done $0x0  }
.Ltmp1:
0x3c: {  	[sflag:s16] =	ssyncadd.s32 $0xFFFFF880;
	(pc) =	sbr.rel @!p0 .LBB2_7-.Ltmp1, $4  }
0x3d: {  	[hbm:s24], [sflag:s17] =	dma.local [spmem:s19], $0x1E0  }
0x3e: {  	_ =	swait.ge [sflag:s16], $0x1E0  }
0x3f: {  	[sflag:s16] =	ssyncset.done $0x0  }
0x40: {  	[sflag:s16] =	ssyncadd.s32 $0xFFFFFE20  }
.LBB2_1:
0x41: {  	[tilespmem:s15], [sflag:$0x3] =	stream.linear.gather [hbm4b:s8+s5], $0x200, $0x38;
	[tilespmem:$0x17100] =	vst v63  }
0x42: {  	_ =	swait.ge [sflag:s16], $0x200  }
0x43: {  	[sflag:s16] =	ssyncset.done $0x0  }
0x44: {  	[sflag:s16] =	ssyncadd.s32 $0xFFFFFE00  }
0x45: {  	v2 =	vld.idx.msk [tilespmem:v0+s15+$0x0], $0xffff  }
0x46: {  	v3 =	vld.idx.msk [tilespmem:v1+s15+$0x0], $0xffff;
	_ =	sdelay $0x3  }
0x47: {  	v2 =	vadd.s32 $0x1FF, v2  }
0x48: {  	v3 =	vadd.s32 $0x1FF, v3;
	v2 =	vand.u32 $0xFFFFFE00, v2  }
0x49: {  	(xrf0) =	vadd.scan.msk.s32 $0xffff, v2;
	v2 =	vand.u32 $0xFFFFFE00, v3  }
0x4a: {  	(xrf0) =	vadd.scan.msk.s32 $0xffff, v2;
	_ =	sdelay $0x4  }
0x4b: {  	v2, _, _ =	vpop (xrf0)  }
0x4c: {  	(v2sf) =	vpush v2, $0xF;
	v2, _, _ =	vpop (xrf0)  }
0x4d: {  	(v2sf) =	vpush v2, $0xF;
	_ =	sdelay $0xd  }
0x4e: {  	s0 =	spop (v2sf)  }
0x4f: {  	s30 =	spop (v2sf)  }
0x50: {  	[spmem:s18], [sflag:s17] =	dma.local [hbm:s11], $0x780  }
0x51: {  	s0 =	sadd.s32 s0, s30;
	_ =	swait.ge [sflag:s16], $0x780  }
0x52: {  	s30 =	sshra.s32 s0, $0x1F;
	s31 =	sand.u32 $0x1FF, s0;
	p0 =	slt.s32 s0, $0x1  }
0x53: {  	[sflag:s16] =	ssyncset.done $0x0;
	s30 =	sshrl.u32 s30, $0x17;
	p1 =	sne.s32 s31, $0x0  }
0x54: {  	[sflag:s16] =	ssyncadd.s32 $0xFFFFF880;
	s0 =	sadd.s32 s30, s0;
	p0 =	por !p0, !p1  }
0x55: {  	[spmem:s19], [sflag:s17] =	dma.local [hbm:s12], $0x1E0  }
0x56: {  	s30 =	simm.s32 $0x1;
	s0 =	sshra.s32 s0, $0x9;
	p0 =	por !p0, !p0  }
0x57: {  	_ =	swait.ge [sflag:s16], $0x1E0;
	s0 =	ssub.s32 s0, s10;
	s30 =	simm.s32 @!p0 $0x0  }
0x58: {  	[sflag:s16] =	ssyncset.done $0x0;
	s0 =	ssub.s32 s0, s30  }
0x59: {  	[sflag:s16] =	ssyncadd.s32 $0xFFFFFE20;
	s30 =	sadd.s32 $0x1F, s0  }
0x5a: {  	[tilespmem:s20], [sflag:$0x3] =	stream.linear.gather [hbm4b:s9+s5], $0x2000, $0x38;
	[tilespmem:$0x17100] =	vst v63  }
0x5b: {  	s3 =	sand.u32 $0x1F, s30  }
0x5c: {  	p5 =	slt.s32 s0, $0xFFFFFFE2;
	p6 =	sne.s32 s3, $0x0  }
0x5d: {  	s31 =	sshrl.u32 s30, $0x1B;
	p0 =	por !p5, !p6  }
0x5e: {  	s0 =	sadd.s32 s31, s30;
	s30 =	simm.s32 $0x1;
	p0 =	por !p0, !p0  }
0x5f: {  	s0 =	sshra.s32 s0, $0x5;
	s30 =	simm.s32 @!p0 $0x0  }
0x60: {  	s0 =	ssub.s32 s0, s30  }
0x61: {  	p0 =	slt.s32 s0, $0x1  }
.Ltmp2:
0x62: {  	_ =	swait.ge [sflag:s16], $0x2000;
	(pc) =	sbr.rel @p0 .LBB2_6-.Ltmp2, $3  }
0x63: {  	[sflag:s16] =	ssyncset.done $0x0  }
0x64: {  	[sflag:s16] =	ssyncadd.s32 $0xFFFFE000  }
0x65: {  	[bflag:$0x0] =	sbarrier.arrive $0xFFFF;
	_ =	sdelay $0x1  }
0x66: {  	p1 =	sne.s32 s0, $0x1  }
.Ltmp3:
0x67: {  	_ = 	snop;
	(pc) =	sbr.rel @!p1 .LBB2_5-.Ltmp3, $2  }
0x68: {  	_ =	sdelay $0x2  }
0x69: {  	s30 =	sadd.s32 $0xFFFFFFFF, s0;
	s0 =	sshrl.u32 s14, $0x3;
	p0 =	por $0x0, $0x0  }
0x6a: {  	s31 =	sadd.s32 s6, s0  }
0x6b: {  	[tilespmem:s5], [sflag:$0x3] =	stream.linear.gather [hbm4b:s31+s5], $0x200, $0x38;
	[tilespmem:$0x17100] =	vst v63  }
0x6c: {  	_ =	swait.ge [sflag:s16], $0x200  }
0x6d: {  	[sflag:s16] =	ssyncset.done $0x0  }
0x6e: {  	s3 =	sadd.s32 s7, s0;
	[sflag:s16] =	ssyncadd.s32 $0xFFFFFE00  }
0x6f: {  	[tilespmem:s23], [sflag:$0x3] =	stream.linear.gather [hbm4b:s3+s5], $0x200, $0x38;
	[tilespmem:$0x17100] =	vst v63  }
0x70: {  	_ =	swait.ge [sflag:s16], $0x200  }
0x71: {  	[sflag:s16] =	ssyncset.done $0x0  }
0x72: {  	[sflag:s16] =	ssyncadd.s32 $0xFFFFFE00  }
0x73: {  	[tilespmem:s25], [sflag:$0x1] =	stream.indirect.gather [hbm4b:s1+s23], $0x40, s5, s23, $0xb8;
	[tilespmem:$0x17100] =	vst v63  }
0x74: {  	_ = 	snop  }
0x75: {  	[tilespmem:s26], [sflag:$0x2] =	stream.indirect.gather [hbm4b:s1+s23], $0x40, s23, s23, $0xb8;
	[tilespmem:$0x17100] =	vst v63  }
0x76: {  	_ =	swait.ge [sflag:s21], $0x8000  }
0x77: {  	[sflag:s21] =	ssyncset.done $0x0  }
0x78: {  	[sflag:s21] =	ssyncadd.s32 $0xFFFF8000  }
0x79: {  	_ =	swait.ge [sflag:s28], $0x8000  }
0x7a: {  	[sflag:s28] =	ssyncset.done $0x0  }
0x7b: {  	[sflag:s28] =	ssyncadd.s32 $0xFFFF8000  }
0x7c: {  	[spmem:s2] =	stream.indirect.scatter.add.f32 [tilespmem:s25], [sflag:$0x3], $0x40, s23, s23, $0xb8;
	[tilespmem:$0x17100] =	vst v63  }
0x7d: {  	_ =	swait.ge [sflag:s16], $0x8000  }
0x7e: {  	[sflag:s16] =	ssyncset.done $0x0  }
0x7f: {  	[sflag:s16] =	ssyncadd.s32 $0xFFFF8000  }
0x80: {  	[spmem:s2] =	stream.indirect.scatter.add.f32 [tilespmem:s26], [sflag:$0x3], $0x40, s5, s23, $0xb8;
	[tilespmem:$0x17100] =	vst v63  }
0x81: {  	_ =	swait.ge [sflag:s16], $0x8000  }
0x82: {  	[sflag:s16] =	ssyncset.done $0x0  }
0x83: {  	[sflag:s16] =	ssyncadd.s32 $0xFFFF8000  }
0x84: {  	[spmem:s4] =	stream.indirect.scatter.add.f32 [tilespmem:s20], [sflag:$0x3], $0x10, s23, s23, $0xb8;
	[tilespmem:$0x17100] =	vst v63  }
0x85: {  	p1 =	sne.s32 s30, $0x1;
	_ =	swait.ge [sflag:s16], $0x2000  }
.Ltmp4:
0x86: {  	[sflag:s16] =	ssyncset.done $0x0;
	(pc) =	sbr.rel @!p1 .LBB2_5-.Ltmp4, $4  }
0x87: {  	[sflag:s16] =	ssyncadd.s32 $0xFFFFE000  }
0x88: {  	[spmem:s4] =	stream.indirect.scatter.add.f32 [tilespmem:s20], [sflag:$0x3], $0x10, s5, s23, $0xb8;
	[tilespmem:$0x17100] =	vst v63  }
0x89: {  	s30 =	sadd.s32 $0xFFFFFFFF, s30;
	s31 =	sadd.s32 $0x4000, s14;
	_ =	swait.ge [sflag:s16], $0x2000  }
0x8a: {  	p0 =	por $0x1, $0x1;
	s0 =	sshrl.u32 s31, $0x3;
	[sflag:s16] =	ssyncset.done $0x0  }
.LBB2_4:
0x8b: {  	p1 =	sne.s32 s30, $0x1;
	s3 =	sadd.s32 s6, s0;
	[sflag:s16] =	ssyncadd.s32 $0xFFFFE000  }
0x8c: {  	[tilespmem:s5], [sflag:$0x3] =	stream.linear.gather [hbm4b:s3+s5], $0x200, $0x38;
	[tilespmem:$0x17100] =	vst v63  }
0x8d: {  	s30 =	sadd.s32 $0xFFFFFFFF, s30;
	_ =	swait.ge [sflag:s16], $0x200  }
0x8e: {  	[sflag:s16] =	ssyncset.done $0x0  }
0x8f: {  	s0 =	sadd.s32 s7, s0;
	[sflag:s16] =	ssyncadd.s32 $0xFFFFFE00  }
0x90: {  	[tilespmem:s23], [sflag:$0x3] =	stream.linear.gather [hbm4b:s0+s5], $0x200, $0x38;
	[tilespmem:$0x17100] =	vst v63  }
0x91: {  	_ =	swait.ge [sflag:s16], $0x200  }
0x92: {  	[sflag:s16] =	ssyncset.done $0x0  }
0x93: {  	[sflag:s16] =	ssyncadd.s32 $0xFFFFFE00  }
0x94: {  	[tilespmem:s25], [sflag:$0x1] =	stream.indirect.gather [hbm4b:s1+s23], $0x40, s5, s23, $0xb8;
	[tilespmem:$0x17100] =	vst v63  }
0x95: {  	_ = 	snop  }
0x96: {  	[tilespmem:s26], [sflag:$0x2] =	stream.indirect.gather [hbm4b:s1+s23], $0x40, s23, s23, $0xb8;
	[tilespmem:$0x17100] =	vst v63  }
0x97: {  	_ =	swait.ge [sflag:s21], $0x8000  }
0x98: {  	[sflag:s21] =	ssyncset.done $0x0  }
0x99: {  	[sflag:s21] =	ssyncadd.s32 $0xFFFF8000  }
0x9a: {  	_ =	swait.ge [sflag:s28], $0x8000  }
0x9b: {  	[sflag:s28] =	ssyncset.done $0x0  }
0x9c: {  	[sflag:s28] =	ssyncadd.s32 $0xFFFF8000  }
0x9d: {  	[spmem:s2] =	stream.indirect.scatter.add.f32 [tilespmem:s25], [sflag:$0x3], $0x40, s23, s23, $0xb8;
	[tilespmem:$0x17100] =	vst v63  }
0x9e: {  	_ =	swait.ge [sflag:s16], $0x8000  }
0x9f: {  	[sflag:s16] =	ssyncset.done $0x0  }
0xa0: {  	[sflag:s16] =	ssyncadd.s32 $0xFFFF8000  }
0xa1: {  	[spmem:s2] =	stream.indirect.scatter.add.f32 [tilespmem:s26], [sflag:$0x3], $0x40, s5, s23, $0xb8;
	[tilespmem:$0x17100] =	vst v63  }
0xa2: {  	_ =	swait.ge [sflag:s16], $0x8000  }
0xa3: {  	[sflag:s16] =	ssyncset.done $0x0  }
0xa4: {  	[sflag:s16] =	ssyncadd.s32 $0xFFFF8000  }
0xa5: {  	[spmem:s4] =	stream.indirect.scatter.add.f32 [tilespmem:s20], [sflag:$0x3], $0x10, s23, s23, $0xb8;
	[tilespmem:$0x17100] =	vst v63  }
0xa6: {  	_ =	swait.ge [sflag:s16], $0x2000  }
.Ltmp5:
0xa7: {  	[sflag:s16] =	ssyncset.done $0x0;
	(pc) =	sbr.rel @p1 .LBB2_4-.Ltmp5, $4  }
0xa8: {  	[sflag:s16] =	ssyncadd.s32 $0xFFFFE000  }
0xa9: {  	[spmem:s4] =	stream.indirect.scatter.add.f32 [tilespmem:s20], [sflag:$0x3], $0x10, s5, s23, $0xb8;
	[tilespmem:$0x17100] =	vst v63  }
0xaa: {  	s31 =	sadd.s32 $0x4000, s31;
	_ =	swait.ge [sflag:s16], $0x2000  }
0xab: {  	s0 =	sshrl.u32 s31, $0x3;
	[sflag:s16] =	ssyncset.done $0x0  }
.Ltmp6:
0xac: {  	_ = 	snop;
	(pc) =	sbr.rel .LBB2_5-.Ltmp6, $1  }
0xad: {  	_ =	sdelay $0x3  }
.LBB2_7:
0xae: {  	_ =	sfence.sel $0x180000  }
0xaf: {  	[bflag:$0x0] =	sbarrier.arrive $0xFFFF  }
0xb0: {  	_ =	strace $0x90000056  }
0xb1: {  	s0 =	stileid.u32;
	[bflag:$0x2] =	sbarrier.arrive $0xFFFF  }
0xb2: {  	p0 =	sne.s32 s0, $0x0;
	s0 =	rddreg [dreg:$0x4]  }
0xb3: {  	s0 =	sadd.s32 @!p0 $0x100000, s0  }
0xb4: {  	[sflag:s0] =	ssyncadd.tile.s32 @!p0 $0x1;
	_ =	shalt  }
.Lfunc_end2:
_tile_overlayer_lowered:
.L_overlay_start_2:
0xb5: {  	(tag) =	ssettag $0x2  }
0xb6: {  	s0 =	rddreg [dreg:$0x0];
	s2 =	stileid.u32  }
0xb7: {  	s1 =	rddreg [dreg:$0x1];
	p0 =	sne.s32 s2, $0x0  }
0xb8: {  	s3 =	rddreg [dreg:$0x2];
	[bflag:$0x3] =	sbarrier.arrive $0xFFFF;
	s2 =	simm.s32 @!p0 $0x1C03  }
0xb9: {  	[timem:s3], [sflag:s2] =	dma.local @!p0 [hbm:s0], s1  }
0xba: {  	s0 =	simm.s32 @!p0 $0x3  }
0xbb: {  	_ =	swait.ge @!p0 [sflag:s0], s1  }
0xbc: {  	s1 =	ssub.s32 @!p0 $0x0, s1;
	[sflag:s0] =	ssyncset.done @!p0 $0x0  }
0xbd: {  	[sflag:s0] =	ssyncadd.s32 @!p0 s1  }
0xbe: {  	[bflag:$0x3] =	sbarrier.arrive $0xFFFF  }
0xbf: {  	_ =	shalt  }

// kernel: kernel.35.cloned.1.call-start
scs
__scs_entry_jumppad:
0x0: {  	(pc) =	sbr.rel $0x88, $3  }
0x1: {  	(tag) =	ssettag $0x0;
	lr =	simm.s32 $0x1  }
0x2: {  	[smem:$0x3F7D] =	sst lr;
	_ =	strace $0xD0000000  }
0x3: {  	_ = 	snop  }
0x4: {  	_ = 	snop  }
0x5: {  	_ = 	snop  }
0x6: {  	_ = 	snop  }
0x7: {  	_ = 	snop  }
__scs_overlays_trampoline_lowered:
0x8: {  	[smem:$0x3F8C] =	sst s0  }
0x9: {  	[smem:$0x3F8D] =	sst s1  }
0xa: {  	[smem:$0x3F8E] =	sst s2  }
0xb: {  	[smem:$0x3F8F] =	sst s3  }
0xc: {  	[smem:$0x3F90] =	sst s4  }
0xd: {  	[smem:$0x3F91] =	sst s5  }
0xe: {  	[smem:$0x3F92] =	sst s6  }
0xf: {  	[smem:$0x3F93] =	sst s7  }
0x10: {  	[smem:$0x3F94] =	sst s8  }
0x11: {  	[smem:$0x3F95] =	sst s9;
	s0 =	simm.s32 @!p0 $0x0  }
0x12: {  	s1 =	sld [smem:$0x3F7B];
	s0 =	simm.s32 @p0 $0x1  }
0x13: {  	[smem:$0x3F96] =	sst s0;
	s0 =	simm.s32 @!p1 $0x0  }
0x14: {  	s2 =	sld [smem:$0x3F7A];
	s0 =	simm.s32 @p1 $0x1  }
0x15: {  	[smem:$0x3F97] =	sst s0;
	s0 =	simm.s32 @!p2 $0x0  }
0x16: {  	s3 =	sld [smem:$0x3FDB];
	s0 =	simm.s32 @p2 $0x1  }
0x17: {  	s4 =	simm.s32 $0x1BF5;
	[smem:$0x3F99] =	sst s0  }
0x18: {  	s0 =	sld [smem:$0x3F7C];
	_ =	swait.ge [sflag:s4], $0x0  }
0x19: {  	s7 =	sld [smem:$0x3F7D]  }
0x1a: {  	s8 =	sadd.s32 $0xFFFFE003, lr  }
0x1b: {  	s9 =	sadd.s32 $0xFFFFFEF7, lr;
	s5 =	simm.s32 $0xFFFFFFFF;
	p2 =	slt.u32 s8, $0xFFFFF086  }
0x1c: {  	p1 =	slt.u32 s9, $0xF7A;
	s5 =	simm.s32 @!p2 $0x0  }
0x1d: {  	s5 =	simm.s32 @p1 $0x1;
	p0 =	seq.s32 s7, s2  }
0x1e: {  	s7 =	smul.u32 @!p0 $0xF7A, s2;
	p2 =	seq.s32 @!p0 s5, $0x0  }
0x1f: {  	s9 =	smul.u32 $0xF7A, s1;
	s8 =	simm.s32 @!p0 $0x1BF5;
	p2 =	por !p2, p0  }
0x20: {  	[sflag:s8] =	ssyncset.s32 @!p0 $0xFFFFF086;
	s6 =	sadd.s32 @!p0 s3, s7;
	s7 =	simm.s32 @!p0 $0x108  }
0x21: {  	s3 =	sadd.s32 s3, s9;
	s6 =	sadd.s32 @!p0 $0x88, s6;
	s7 =	simm.s32 @p2 $0x1082  }
0x22: {  	[simem:s7], [sflag:s8] =	dma.local @!p0 [hbm:s6], $0xF7A  }
0x23: {  	s9 =	sor.u32 $0xD0000000, s2;
	s6 =	simm.s32 $0x108;
	_ =	swait.ge @!p0 [sflag:s8], $0x0  }
0x24: {  	s3 =	sadd.s32 $0x88, s3;
	s6 =	simm.s32 @!p1 $0x1082;
	[sflag:s4] =	ssyncset.s32 $0xFFFFF086  }
0x25: {  	[simem:s6], [sflag:s4] =	dma.local [hbm:s3], $0xF7A  }
0x26: {  	[smem:$0x3F7D] =	sst s1;
	(tag) =	ssettag s2;
	_ =	strace s9  }
0x27: {  	s1 =	sld [smem:$0x3F8D]  }
0x28: {  	s2 =	sld [smem:$0x3F8E]  }
0x29: {  	s4 =	sld [smem:$0x3F90]  }
0x2a: {  	p0 =	seq.s32 s5, $0x0;
	s5 =	sld [smem:$0x3F91]  }
0x2b: {  	s6 =	sld [smem:$0x3F92]  }
0x2c: {  	s7 =	sld [smem:$0x3F93]  }
0x2d: {  	s3 =	simm.s32 $0x108;
	s8 =	sld [smem:$0x3F94]  }
0x2e: {  	s3 =	simm.s32 @!p0 $0x1082;
	s9 =	sld [smem:$0x3F95]  }
0x2f: {  	lr =	sadd.s32 s0, s3;
	s0 =	sld [smem:$0x3F8C]  }
0x30: {  	s3 =	sld [smem:$0x3F8F]  }
0x31: {  	[smem:$0x3F98] =	sst s10  }
0x32: {  	s10 =	sld [smem:$0x3F96];
	_ =	sdelay $0x3  }
0x33: {  	p0 =	seq.s32 s10, $0x1;
	s10 =	sld [smem:$0x3F98];
	_ =	sdelay $0x3  }
0x34: {  	[smem:$0x3F98] =	sst s10  }
0x35: {  	s10 =	sld [smem:$0x3F97];
	_ =	sdelay $0x3  }
0x36: {  	p1 =	seq.s32 s10, $0x1;
	s10 =	sld [smem:$0x3F98];
	_ =	sdelay $0x3  }
0x37: {  	[smem:$0x3F98] =	sst s10  }
0x38: {  	s10 =	sld [smem:$0x3F99]  }
0x39: {  	_ = 	snop;
	(pc) =	sbr.ind lr, $3  }
0x3a: {  	_ = 	snop  }
0x3b: {  	_ = 	snop  }
0x3c: {  	p2 =	seq.s32 s10, $0x1;
	s10 =	sld [smem:$0x3F98]  }
0x3d: {  	_ =	shalt  }
0x3e: {  	_ =	shalt  }
0x3f: {  	_ =	shalt  }
0x40: {  	_ =	shalt  }
0x41: {  	_ =	shalt  }
0x42: {  	_ =	shalt  }
0x43: {  	_ =	shalt  }
0x44: {  	_ =	shalt  }
0x45: {  	_ =	shalt  }
0x46: {  	_ =	shalt  }
0x47: {  	_ =	shalt  }
0x48: {  	_ =	shalt  }
0x49: {  	_ =	shalt  }
0x4a: {  	_ =	shalt  }
0x4b: {  	_ =	shalt  }
0x4c: {  	_ =	shalt  }
0x4d: {  	_ =	shalt  }
0x4e: {  	_ =	shalt  }
0x4f: {  	_ =	shalt  }
0x50: {  	_ =	shalt  }
0x51: {  	_ =	shalt  }
0x52: {  	_ =	shalt  }
0x53: {  	_ =	shalt  }
0x54: {  	_ =	shalt  }
0x55: {  	_ =	shalt  }
0x56: {  	_ =	shalt  }
0x57: {  	_ =	shalt  }
0x58: {  	_ =	shalt  }
0x59: {  	_ =	shalt  }
0x5a: {  	_ =	shalt  }
0x5b: {  	_ =	shalt  }
0x5c: {  	_ =	shalt  }
0x5d: {  	_ =	shalt  }
0x5e: {  	_ =	shalt  }
0x5f: {  	_ =	shalt  }
0x60: {  	_ =	shalt  }
0x61: {  	_ =	shalt  }
0x62: {  	_ =	shalt  }
0x63: {  	_ =	shalt  }
0x64: {  	_ =	shalt  }
0x65: {  	_ =	shalt  }
0x66: {  	_ =	shalt  }
0x67: {  	_ =	shalt  }
0x68: {  	_ =	shalt  }
0x69: {  	_ =	shalt  }
0x6a: {  	_ =	shalt  }
0x6b: {  	_ =	shalt  }
0x6c: {  	_ =	shalt  }
0x6d: {  	_ =	shalt  }
0x6e: {  	_ =	shalt  }
0x6f: {  	_ =	shalt  }
0x70: {  	_ =	shalt  }
0x71: {  	_ =	shalt  }
0x72: {  	_ =	shalt  }
0x73: {  	_ =	shalt  }
0x74: {  	_ =	shalt  }
0x75: {  	_ =	shalt  }
0x76: {  	_ =	shalt  }
0x77: {  	_ =	shalt  }
0x78: {  	_ =	shalt  }
0x79: {  	_ =	shalt  }
0x7a: {  	_ =	shalt  }
0x7b: {  	_ =	shalt  }
0x7c: {  	_ =	shalt  }
0x7d: {  	_ =	shalt  }
0x7e: {  	_ =	shalt  }
0x7f: {  	_ =	shalt  }
0x80: {  	_ =	shalt  }
0x81: {  	_ =	shalt  }
0x82: {  	_ =	shalt  }
0x83: {  	_ =	shalt  }
0x84: {  	_ =	shalt  }
0x85: {  	_ =	shalt  }
0x86: {  	_ =	shalt  }
0x87: {  	_ =	shalt  }
.Lfunc_end0:
.L_simem_size_0:
called_computation.6_lowered:
.L_overlay_start_0:
0x88: {  	s2 =	sld [smem:$0x3FD9]  }
0x89: {  	s3 =	sld [smem:$0x3FFE];
	_ =	sdelay $0x1  }
0x8a: {  	s1 =	srdreg.scid  }
0x8b: {  	s0 =	sand.u32 $0x1, s1  }
0x8c: {  	s14 =	sshll.u32 s0, $0xA;
	s2 =	sadd.s32 s3, s2  }
0x8d: {  	s2 =	sadd.s32 s2, s14  }
0x8e: {  	[smem:$0x3FA4] =	sst s2  }
0x8f: {  	_ = 	snop  }
0x90: {  	s2 =	sld [smem:$0x3FD0];
	_ =	sdelay $0x2  }
0x91: {  	s15 =	simm.s32 $0xA;
	s4 =	simm.s32 $0x10  }
0x92: {  	[smem:s4], [sflag:s15] =	dma.local [hbm:s2], $0x1  }
0x93: {  	_ =	swait.eq [sflag:s15], $0x1  }
0x94: {  	[sflag:s15] =	ssyncset.done $0x0  }
0x95: {  	[sflag:s15] =	ssyncadd.s32 $0xFFFFFFFF  }
0x96: {  	s16 =	sld [smem:$0x13];
	(tm) =	ssettm $0x1  }
0x97: {  	s17 =	sld [smem:$0x3FFB];
	_ =	sdelay $0x3  }
0x98: {  	_ =	strace s17  }
0x99: {  	s3 =	sld [smem:$0x3FFC];
	_ =	sdelay $0x3  }
0x9a: {  	_ =	strace s3  }
0x9b: {  	s3 =	sld [smem:$0x3FFD];
	_ =	sdelay $0x3  }
0x9c: {  	_ =	strace s3  }
0x9d: {  	_ =	strace $0x8FFFFFFF  }
0x9e: {  	s18 =	sld [smem:$0x3FDB];
	_ =	sdelay $0x1  }
0x9f: {  	s19 =	simm.s32 $_scs_section_size  }
0xa0: {  	s5 =	simm.s32 $_size__tile_overlayer_lowered;
	s6 =	simm.s32 $_tile_overlayer_lowered  }
0xa1: {  	s22 =	simm.s32 $0x1BFF;
	s21 =	sshll.u32 s6, $0x1;
	s3 =	sadd.s32 s19, s18  }
0xa2: {  	s7 =	simm.s32 $0x0;
	s20 =	sshll.u32 s5, $0x1;
	s5 =	sadd.s32 s21, s3  }
0xa3: {  	[timem:s7], [sflag:s22] =	dma.local [hbm:s5], s20  }
0xa4: {  	_ =	swait.ge [sflag:s22], s20  }
0xa5: {  	s4 =	ssub.s32 $0x0, s20;
	[sflag:s22] =	ssyncset.done $0x0  }
0xa6: {  	[sflag:s22] =	ssyncadd.s32 s4;
	_ =	sdelay $0x1  }
0xa7: {  	s23 =	simm.s32 $0x1B8B  }
0xa8: {  	_ =	swait.ge [sflag:s23], $0x1  }
0xa9: {  	[sflag:s23] =	ssyncset.done $0x0  }
0xaa: {  	s25 =	simm.s32 $0x1B8E;
	s24 =	sld [smem:$0x3FFE];
	[sflag:s23] =	ssyncadd.s32 $0xFFFFFFFF  }
0xab: {  	s26 =	simm.s32 $execute0_lowered;
	[smem:$0x3FD2] =	sst s25  }
0xac: {  	s5 =	sshll.u32 s26, $0x1;
	_ =	strace $0x80000058;
	[dreg:$0x1] =	wrdreg $0xFFFFFFFF  }
0xad: {  	s28 =	simm.s32 $_size_execute0_lowered;
	s3 =	sadd.s32 s3, s5;
	[dreg:$0x0] =	wrdreg $0x0  }
0xae: {  	s5 =	sshll.u32 s28, $0x1;
	[dreg:$0x2] =	wrdreg s3  }
0xaf: {  	[dreg:$0x3] =	wrdreg s5  }
0xb0: {  	[dreg:$0x4] =	wrdreg $0xC0  }
0xb1: {  	_ =	task [dreg:s7], $0x5FFFF  }
0xb2: {  	[dreg:$0x1] =	wrdreg $0xFFFFFFFF  }
0xb3: {  	[dreg:$0x0] =	wrdreg $0x60  }
0xb4: {  	[dreg:$0x2] =	wrdreg s24  }
0xb5: {  	[dreg:$0x3] =	wrdreg s16  }
0xb6: {  	[dreg:$0x4] =	wrdreg $0x126000  }
0xb7: {  	[dreg:$0x5] =	wrdreg $0x162000  }
0xb8: {  	[dreg:$0x6] =	wrdreg $0x9  }
0xb9: {  	_ =	task.clear_ibuf [dreg:s7], $0x7FFFF;
	_ =	strace $0x90000058  }
0xba: {  	s29 =	simm.s32 $0x9;
	_ =	strace $0x8000005A  }
0xbb: {  	_ =	swait.ge [sflag:s29], $0x1  }
0xbc: {  	[sflag:s29] =	ssyncadd.s32 $0xFFFFFFFF  }
0xbd: {  	_ =	strace $0x9000005A  }
0xbe: {  	_ =	sfence  }
0xbf: {  	s30 =	sld [smem:$0x0];
	_ =	sdelay $0x2  }
0xc0: {  	s31 =	sshll.u32 s1, $0xD;
	s1 =	sshrl.u32 s1, $0x2  }
0xc1: {  	s3 =	sand.u32 $0x4000, s31;
	s1 =	sadd.s32 s1, s30  }
0xc2: {  	s0 =	sor.u32 s3, s0;
	s1 =	sshll.u32 s1, $0x11  }
0xc3: {  	s0 =	sor.u32 s1, s0  }
0xc4: {  	s0 =	sadd.s32 $0x8F2B, s0  }
0xc5: {  	[sflag:s0] =	ssyncadd.remote.s32 $0x1  }
0xc6: {  	_ =	sfence.sel $0xFFFF  }
0xc7: {  	[dreg:$0x0] =	wrdreg $0xFFFFFFFF;
	(pc) =	sbr.abs _section_cstart, $3  }
0xc8: {  	[dreg:$0x1] =	wrdreg $0xFFFFFFFF  }
0xc9: {  	_ =	task.clear_ibuf [dreg:s7], $0x2FFFF;
	_ =	strace $0x9FFFFFFF  }
0xca: {  	(tm) =	ssettm $0x7FFFFFFF  }
0xcb: {  	_ =	shalt  }
tec
execute0_lowered:
.L_overlay_start_1:
0x0: {  	(tag) =	ssettag $0x1  }
0x1: {  	s0 =	rddreg [dreg:$0x0]  }
0x2: {  	s1 =	rddreg [dreg:$0x1]  }
0x3: {  	s2 =	rddreg [dreg:$0x2]  }
0x4: {  	s4 =	rddreg [dreg:$0x3]  }
0x5: {  	s5 =	simm.s32 $0x0;
	s3 =	stileid.u32;
	s9 =	srdreg.scid  }
0x6: {  	s20 =	simm.s32 $0x10400;
	s28 =	simm.s32 $0x2;
	s29 =	simm.s32 $0x0  }
0x7: {  	[smem:$0x7FF] =	sst s5;
	s11 =	smul.u32 $0x3C00, s3;
	s6 =	sadd.s32 $0xC200, s0  }
0x8: {  	s12 =	smul.u32 $0xF00, s3;
	s7 =	sadd.s32 $0xEA00, s0;
	s8 =	sadd.s32 $0x11600, s0  }
0x9: {  	s13 =	sand.u32 $0x1, s9;
	s9 =	sadd.s32 $0x11200, s0;
	s30 =	sshll.u32 s3, $0x9  }
0xa: {  	s31 =	sshll.u32 s3, $0x6;
	_ =	strace $0x80000059;
	s10 =	smul.u32 $0x7800, s13  }
0xb: {  	s16 =	smul.u32 $0x1E00, s13;
	s21 =	ssub.s32 $0x2, s13;
	s18 =	sshll.u32 s13, $0x4  }
0xc: {  	s26 =	sshll.u32 s13, $0xD;
	s22 =	sshrl.u32 s11, $0x3;
	s24 =	sshrl.u32 s12, $0x3  }
0xd: {  	s23 =	sshrl.u32 s21, $0x1;
	s25 =	sadd.s32 s11, s2;
	s19 =	sadd.s32 s12, s4  }
0xe: {  	s14 =	sadd.s32 s22, s0;
	s15 =	sadd.s32 s24, s0;
	s17 =	sadd.s32 s10, s0  }
0xf: {  	s0 =	sadd.s32 s16, s0;
	s16 =	ssub.s32 s21, s23;
	s10 =	sor.u32 s3, s18  }
0x10: {  	s18 =	sshrl.u32 s25, $0x3;
	s19 =	sshrl.u32 s19, $0x3;
	s21 =	simm.s32 $0x1  }
.Ltmp0:
0x11: {  	s25 =	simm.s32 $0x400;
	s11 =	sadd.s32 $0x11800, s14;
	(pc) =	sbr.rel .LBB2_1-.Ltmp0, $4  }
0x12: {  	v0 =	vlaneseq.u32;
	s12 =	sadd.s32 $0x8E00, s15;
	s23 =	sadd.s32 $0x28000, s17;
	s0 =	sadd.s32 $0x37000, s0  }
0x13: {  	v0 =	vmul.u32 $0x10, v0;
	s13 =	smax.u32 s16, $0x1;
	s14 =	sor.u32 s30, s26;
	s15 =	simm.s32 $0x12400  }
0x14: {  	s16 =	simm.s32 $0x3;
	s17 =	sor.u32 $0x1C03, s31;
	s26 =	simm.s32 $0x8400  }
0x15: {  	v1 =	vor.u32 $0x100, v0;
	s22 =	sadd.s32 s22, s23;
	s23 =	simm.s32 $0x200;
	s24 =	sadd.s32 s24, s0  }
.LBB2_5:
0x16: {  	s3 =	sadd.s32 s6, s0;
	[sflag:s16] =	ssyncadd.s32 @p0 $0xFFFFE000  }
0x17: {  	[tilespmem:s5], [sflag:$0x3] =	stream.linear.gather [hbm4b:s3+s5], $0x200, $0x38;
	[tilespmem:$0x17100] =	vst v63  }
0x18: {  	_ =	swait.ge [sflag:s16], $0x200  }
0x19: {  	[sflag:s16] =	ssyncset.done $0x0  }
0x1a: {  	s31 =	sadd.s32 s7, s0;
	[sflag:s16] =	ssyncadd.s32 $0xFFFFFE00  }
0x1b: {  	[tilespmem:s23], [sflag:$0x3] =	stream.linear.gather [hbm4b:s31+s5], $0x200, $0x38;
	[tilespmem:$0x17100] =	vst v63  }
0x1c: {  	_ =	swait.ge [sflag:s16], $0x200  }
0x1d: {  	[sflag:s16] =	ssyncset.done $0x0  }
0x1e: {  	[sflag:s16] =	ssyncadd.s32 $0xFFFFFE00  }
0x1f: {  	[tilespmem:s25], [sflag:$0x1] =	stream.indirect.gather [hbm4b:s1+s23], $0x40, s5, s23, $0xb8;
	[tilespmem:$0x17100] =	vst v63  }
0x20: {  	_ = 	snop  }
0x21: {  	[tilespmem:s26], [sflag:$0x2] =	stream.indirect.gather [hbm4b:s1+s23], $0x40, s23, s23, $0xb8;
	[tilespmem:$0x17100] =	vst v63  }
0x22: {  	_ =	swait.ge [sflag:s21], $0x8000  }
0x23: {  	[sflag:s21] =	ssyncset.done $0x0  }
0x24: {  	[sflag:s21] =	ssyncadd.s32 $0xFFFF8000  }
0x25: {  	_ =	swait.ge [sflag:s28], $0x8000  }
0x26: {  	[sflag:s28] =	ssyncset.done $0x0  }
0x27: {  	[sflag:s28] =	ssyncadd.s32 $0xFFFF8000  }
0x28: {  	[spmem:s2] =	stream.indirect.scatter.add.f32 [tilespmem:s25], [sflag:$0x3], $0x40, s23, s23, $0xb8;
	[tilespmem:$0x17100] =	vst v63  }
0x29: {  	_ =	swait.ge [sflag:s16], $0x8000  }
0x2a: {  	[sflag:s16] =	ssyncset.done $0x0  }
0x2b: {  	[sflag:s16] =	ssyncadd.s32 $0xFFFF8000  }
0x2c: {  	[spmem:s2] =	stream.indirect.scatter.add.f32 [tilespmem:s26], [sflag:$0x3], $0x40, s5, s23, $0xb8;
	[tilespmem:$0x17100] =	vst v63  }
0x2d: {  	_ =	swait.ge [sflag:s16], $0x8000  }
0x2e: {  	[sflag:s16] =	ssyncset.done $0x0  }
0x2f: {  	[sflag:s16] =	ssyncadd.s32 $0xFFFF8000  }
0x30: {  	[spmem:s4] =	stream.indirect.scatter.add.f32 [tilespmem:s20], [sflag:$0x3], $0x10, s23, s23, $0xb8;
	[tilespmem:$0x17100] =	vst v63  }
0x31: {  	_ =	swait.ge [sflag:s16], $0x2000  }
0x32: {  	[sflag:s16] =	ssyncset.done $0x0  }
0x33: {  	[sflag:s16] =	ssyncadd.s32 $0xFFFFE000  }
0x34: {  	[spmem:s4] =	stream.indirect.scatter.add.f32 [tilespmem:s20], [sflag:$0x3], $0x10, s5, s23, $0xb8;
	[tilespmem:$0x17100] =	vst v63  }
0x35: {  	_ =	swait.ge [sflag:s16], $0x2000  }
0x36: {  	[sflag:s16] =	ssyncset.done $0x0  }
0x37: {  	[sflag:s16] =	ssyncadd.s32 $0xFFFFE000  }
.LBB2_6:
0x38: {  	[bflag:$0x0] =	sbarrier.arrive $0xFFFF  }
0x39: {  	[hbm:s22], [sflag:s17] =	dma.local [spmem:s18], $0x780  }
0x3a: {  	s29 =	sadd.s32 $0x1, s29;
	_ =	swait.ge [sflag:s16], $0x780  }
0x3b: {  	p0 =	sne.s32 s29, s13;
	[sflag:s16] =	ssyncset.done $0x0  }
.Ltmp1:
0x3c: {  	[sflag:s16] =	ssyncadd.s32 $0xFFFFF880;
	(pc) =	sbr.rel @!p0 .LBB2_7-.Ltmp1, $4  }
0x3d: {  	[hbm:s24], [sflag:s17] =	dma.local [spmem:s19], $0x1E0  }
0x3e: {  	_ =	swait.ge [sflag:s16], $0x1E0  }
0x3f: {  	[sflag:s16] =	ssyncset.done $0x0  }
0x40: {  	[sflag:s16] =	ssyncadd.s32 $0xFFFFFE20  }
.LBB2_1:
0x41: {  	[tilespmem:s15], [sflag:$0x3] =	stream.linear.gather [hbm4b:s8+s5], $0x200, $0x38;
	[tilespmem:$0x17100] =	vst v63  }
0x42: {  	_ =	swait.ge [sflag:s16], $0x200  }
0x43: {  	[sflag:s16] =	ssyncset.done $0x0  }
0x44: {  	[sflag:s16] =	ssyncadd.s32 $0xFFFFFE00  }
0x45: {  	v2 =	vld.idx.msk [tilespmem:v0+s15+$0x0], $0xffff  }
0x46: {  	v3 =	vld.idx.msk [tilespmem:v1+s15+$0x0], $0xffff;
	_ =	sdelay $0x3  }
0x47: {  	v2 =	vadd.s32 $0x1FF, v2  }
0x48: {  	v3 =	vadd.s32 $0x1FF, v3;
	v2 =	vand.u32 $0xFFFFFE00, v2  }
0x49: {  	(xrf0) =	vadd.scan.msk.s32 $0xffff, v2;
	v2 =	vand.u32 $0xFFFFFE00, v3  }
0x4a: {  	(xrf0) =	vadd.scan.msk.s32 $0xffff, v2;
	_ =	sdelay $0x4  }
0x4b: {  	v2, _, _ =	vpop (xrf0)  }
0x4c: {  	(v2sf) =	vpush v2, $0xF;
	v2, _, _ =	vpop (xrf0)  }
0x4d: {  	(v2sf) =	vpush v2, $0xF;
	_ =	sdelay $0xd  }
0x4e: {  	s0 =	spop (v2sf)  }
0x4f: {  	s30 =	spop (v2sf)  }
0x50: {  	[spmem:s18], [sflag:s17] =	dma.local [hbm:s11], $0x780  }
0x51: {  	s0 =	sadd.s32 s0, s30;
	_ =	swait.ge [sflag:s16], $0x780  }
0x52: {  	s30 =	sshra.s32 s0, $0x1F;
	s31 =	sand.u32 $0x1FF, s0;
	p0 =	slt.s32 s0, $0x1  }
0x53: {  	[sflag:s16] =	ssyncset.done $0x0;
	s30 =	sshrl.u32 s30, $0x17;
	p1 =	sne.s32 s31, $0x0  }
0x54: {  	[sflag:s16] =	ssyncadd.s32 $0xFFFFF880;
	s0 =	sadd.s32 s30, s0;
	p0 =	por !p0, !p1  }
0x55: {  	[spmem:s19], [sflag:s17] =	dma.local [hbm:s12], $0x1E0  }
0x56: {  	s30 =	simm.s32 $0x1;
	s0 =	sshra.s32 s0, $0x9;
	p0 =	por !p0, !p0  }
0x57: {  	_ =	swait.ge [sflag:s16], $0x1E0;
	s0 =	ssub.s32 s0, s10;
	s30 =	simm.s32 @!p0 $0x0  }
0x58: {  	[sflag:s16] =	ssyncset.done $0x0;
	s0 =	ssub.s32 s0, s30  }
0x59: {  	[sflag:s16] =	ssyncadd.s32 $0xFFFFFE20;
	s30 =	sadd.s32 $0x1F, s0  }
0x5a: {  	[tilespmem:s20], [sflag:$0x3] =	stream.linear.gather [hbm4b:s9+s5], $0x2000, $0x38;
	[tilespmem:$0x17100] =	vst v63  }
0x5b: {  	s3 =	sand.u32 $0x1F, s30  }
0x5c: {  	p5 =	slt.s32 s0, $0xFFFFFFE2;
	p6 =	sne.s32 s3, $0x0  }
0x5d: {  	s31 =	sshrl.u32 s30, $0x1B;
	p0 =	por !p5, !p6  }
0x5e: {  	s0 =	sadd.s32 s31, s30;
	s30 =	simm.s32 $0x1;
	p0 =	por !p0, !p0  }
0x5f: {  	s0 =	sshra.s32 s0, $0x5;
	s30 =	simm.s32 @!p0 $0x0  }
0x60: {  	s0 =	ssub.s32 s0, s30  }
0x61: {  	p0 =	slt.s32 s0, $0x1  }
.Ltmp2:
0x62: {  	_ =	swait.ge [sflag:s16], $0x2000;
	(pc) =	sbr.rel @p0 .LBB2_6-.Ltmp2, $3  }
0x63: {  	[sflag:s16] =	ssyncset.done $0x0  }
0x64: {  	[sflag:s16] =	ssyncadd.s32 $0xFFFFE000  }
0x65: {  	[bflag:$0x0] =	sbarrier.arrive $0xFFFF;
	_ =	sdelay $0x1  }
0x66: {  	p1 =	sne.s32 s0, $0x1  }
.Ltmp3:
0x67: {  	_ = 	snop;
	(pc) =	sbr.rel @!p1 .LBB2_5-.Ltmp3, $2  }
0x68: {  	_ =	sdelay $0x2  }
0x69: {  	s30 =	sadd.s32 $0xFFFFFFFF, s0;
	s0 =	sshrl.u32 s14, $0x3;
	p0 =	por $0x0, $0x0  }
0x6a: {  	s31 =	sadd.s32 s6, s0  }
0x6b: {  	[tilespmem:s5], [sflag:$0x3] =	stream.linear.gather [hbm4b:s31+s5], $0x200, $0x38;
	[tilespmem:$0x17100] =	vst v63  }
0x6c: {  	_ =	swait.ge [sflag:s16], $0x200  }
0x6d: {  	[sflag:s16] =	ssyncset.done $0x0  }
0x6e: {  	s3 =	sadd.s32 s7, s0;
	[sflag:s16] =	ssyncadd.s32 $0xFFFFFE00  }
0x6f: {  	[tilespmem:s23], [sflag:$0x3] =	stream.linear.gather [hbm4b:s3+s5], $0x200, $0x38;
	[tilespmem:$0x17100] =	vst v63  }
0x70: {  	_ =	swait.ge [sflag:s16], $0x200  }
0x71: {  	[sflag:s16] =	ssyncset.done $0x0  }
0x72: {  	[sflag:s16] =	ssyncadd.s32 $0xFFFFFE00  }
0x73: {  	[tilespmem:s25], [sflag:$0x1] =	stream.indirect.gather [hbm4b:s1+s23], $0x40, s5, s23, $0xb8;
	[tilespmem:$0x17100] =	vst v63  }
0x74: {  	_ = 	snop  }
0x75: {  	[tilespmem:s26], [sflag:$0x2] =	stream.indirect.gather [hbm4b:s1+s23], $0x40, s23, s23, $0xb8;
	[tilespmem:$0x17100] =	vst v63  }
0x76: {  	_ =	swait.ge [sflag:s21], $0x8000  }
0x77: {  	[sflag:s21] =	ssyncset.done $0x0  }
0x78: {  	[sflag:s21] =	ssyncadd.s32 $0xFFFF8000  }
0x79: {  	_ =	swait.ge [sflag:s28], $0x8000  }
0x7a: {  	[sflag:s28] =	ssyncset.done $0x0  }
0x7b: {  	[sflag:s28] =	ssyncadd.s32 $0xFFFF8000  }
0x7c: {  	[spmem:s2] =	stream.indirect.scatter.add.f32 [tilespmem:s25], [sflag:$0x3], $0x40, s23, s23, $0xb8;
	[tilespmem:$0x17100] =	vst v63  }
0x7d: {  	_ =	swait.ge [sflag:s16], $0x8000  }
0x7e: {  	[sflag:s16] =	ssyncset.done $0x0  }
0x7f: {  	[sflag:s16] =	ssyncadd.s32 $0xFFFF8000  }
0x80: {  	[spmem:s2] =	stream.indirect.scatter.add.f32 [tilespmem:s26], [sflag:$0x3], $0x40, s5, s23, $0xb8;
	[tilespmem:$0x17100] =	vst v63  }
0x81: {  	_ =	swait.ge [sflag:s16], $0x8000  }
0x82: {  	[sflag:s16] =	ssyncset.done $0x0  }
0x83: {  	[sflag:s16] =	ssyncadd.s32 $0xFFFF8000  }
0x84: {  	[spmem:s4] =	stream.indirect.scatter.add.f32 [tilespmem:s20], [sflag:$0x3], $0x10, s23, s23, $0xb8;
	[tilespmem:$0x17100] =	vst v63  }
0x85: {  	p1 =	sne.s32 s30, $0x1;
	_ =	swait.ge [sflag:s16], $0x2000  }
.Ltmp4:
0x86: {  	[sflag:s16] =	ssyncset.done $0x0;
	(pc) =	sbr.rel @!p1 .LBB2_5-.Ltmp4, $4  }
0x87: {  	[sflag:s16] =	ssyncadd.s32 $0xFFFFE000  }
0x88: {  	[spmem:s4] =	stream.indirect.scatter.add.f32 [tilespmem:s20], [sflag:$0x3], $0x10, s5, s23, $0xb8;
	[tilespmem:$0x17100] =	vst v63  }
0x89: {  	s30 =	sadd.s32 $0xFFFFFFFF, s30;
	s31 =	sadd.s32 $0x4000, s14;
	_ =	swait.ge [sflag:s16], $0x2000  }
0x8a: {  	p0 =	por $0x1, $0x1;
	s0 =	sshrl.u32 s31, $0x3;
	[sflag:s16] =	ssyncset.done $0x0  }
.LBB2_4:
0x8b: {  	p1 =	sne.s32 s30, $0x1;
	s3 =	sadd.s32 s6, s0;
	[sflag:s16] =	ssyncadd.s32 $0xFFFFE000  }
0x8c: {  	[tilespmem:s5], [sflag:$0x3] =	stream.linear.gather [hbm4b:s3+s5], $0x200, $0x38;
	[tilespmem:$0x17100] =	vst v63  }
0x8d: {  	s30 =	sadd.s32 $0xFFFFFFFF, s30;
	_ =	swait.ge [sflag:s16], $0x200  }
0x8e: {  	[sflag:s16] =	ssyncset.done $0x0  }
0x8f: {  	s0 =	sadd.s32 s7, s0;
	[sflag:s16] =	ssyncadd.s32 $0xFFFFFE00  }
0x90: {  	[tilespmem:s23], [sflag:$0x3] =	stream.linear.gather [hbm4b:s0+s5], $0x200, $0x38;
	[tilespmem:$0x17100] =	vst v63  }
0x91: {  	_ =	swait.ge [sflag:s16], $0x200  }
0x92: {  	[sflag:s16] =	ssyncset.done $0x0  }
0x93: {  	[sflag:s16] =	ssyncadd.s32 $0xFFFFFE00  }
0x94: {  	[tilespmem:s25], [sflag:$0x1] =	stream.indirect.gather [hbm4b:s1+s23], $0x40, s5, s23, $0xb8;
	[tilespmem:$0x17100] =	vst v63  }
0x95: {  	_ = 	snop  }
0x96: {  	[tilespmem:s26], [sflag:$0x2] =	stream.indirect.gather [hbm4b:s1+s23], $0x40, s23, s23, $0xb8;
	[tilespmem:$0x17100] =	vst v63  }
0x97: {  	_ =	swait.ge [sflag:s21], $0x8000  }
0x98: {  	[sflag:s21] =	ssyncset.done $0x0  }
0x99: {  	[sflag:s21] =	ssyncadd.s32 $0xFFFF8000  }
0x9a: {  	_ =	swait.ge [sflag:s28], $0x8000  }
0x9b: {  	[sflag:s28] =	ssyncset.done $0x0  }
0x9c: {  	[sflag:s28] =	ssyncadd.s32 $0xFFFF8000  }
0x9d: {  	[spmem:s2] =	stream.indirect.scatter.add.f32 [tilespmem:s25], [sflag:$0x3], $0x40, s23, s23, $0xb8;
	[tilespmem:$0x17100] =	vst v63  }
0x9e: {  	_ =	swait.ge [sflag:s16], $0x8000  }
0x9f: {  	[sflag:s16] =	ssyncset.done $0x0  }
0xa0: {  	[sflag:s16] =	ssyncadd.s32 $0xFFFF8000  }
0xa1: {  	[spmem:s2] =	stream.indirect.scatter.add.f32 [tilespmem:s26], [sflag:$0x3], $0x40, s5, s23, $0xb8;
	[tilespmem:$0x17100] =	vst v63  }
0xa2: {  	_ =	swait.ge [sflag:s16], $0x8000  }
0xa3: {  	[sflag:s16] =	ssyncset.done $0x0  }
0xa4: {  	[sflag:s16] =	ssyncadd.s32 $0xFFFF8000  }
0xa5: {  	[spmem:s4] =	stream.indirect.scatter.add.f32 [tilespmem:s20], [sflag:$0x3], $0x10, s23, s23, $0xb8;
	[tilespmem:$0x17100] =	vst v63  }
0xa6: {  	_ =	swait.ge [sflag:s16], $0x2000  }
.Ltmp5:
0xa7: {  	[sflag:s16] =	ssyncset.done $0x0;
	(pc) =	sbr.rel @p1 .LBB2_4-.Ltmp5, $4  }
0xa8: {  	[sflag:s16] =	ssyncadd.s32 $0xFFFFE000  }
0xa9: {  	[spmem:s4] =	stream.indirect.scatter.add.f32 [tilespmem:s20], [sflag:$0x3], $0x10, s5, s23, $0xb8;
	[tilespmem:$0x17100] =	vst v63  }
0xaa: {  	s31 =	sadd.s32 $0x4000, s31;
	_ =	swait.ge [sflag:s16], $0x2000  }
0xab: {  	s0 =	sshrl.u32 s31, $0x3;
	[sflag:s16] =	ssyncset.done $0x0  }
.Ltmp6:
0xac: {  	_ = 	snop;
	(pc) =	sbr.rel .LBB2_5-.Ltmp6, $1  }
0xad: {  	_ =	sdelay $0x3  }
.LBB2_7:
0xae: {  	_ =	sfence.sel $0x180000  }
0xaf: {  	[bflag:$0x0] =	sbarrier.arrive $0xFFFF  }
0xb0: {  	_ =	strace $0x90000059  }
0xb1: {  	s0 =	stileid.u32;
	[bflag:$0x2] =	sbarrier.arrive $0xFFFF  }
0xb2: {  	p0 =	sne.s32 s0, $0x0;
	s0 =	rddreg [dreg:$0x4]  }
0xb3: {  	s0 =	sadd.s32 @!p0 $0x100000, s0  }
0xb4: {  	[sflag:s0] =	ssyncadd.tile.s32 @!p0 $0x1;
	_ =	shalt  }
.Lfunc_end2:
_tile_overlayer_lowered:
.L_overlay_start_2:
0xb5: {  	(tag) =	ssettag $0x2  }
0xb6: {  	s0 =	rddreg [dreg:$0x0];
	s2 =	stileid.u32  }
0xb7: {  	s1 =	rddreg [dreg:$0x1];
	p0 =	sne.s32 s2, $0x0  }
0xb8: {  	s3 =	rddreg [dreg:$0x2];
	[bflag:$0x3] =	sbarrier.arrive $0xFFFF;
	s2 =	simm.s32 @!p0 $0x1C03  }
0xb9: {  	[timem:s3], [sflag:s2] =	dma.local @!p0 [hbm:s0], s1  }
0xba: {  	s0 =	simm.s32 @!p0 $0x3  }
0xbb: {  	_ =	swait.ge @!p0 [sflag:s0], s1  }
0xbc: {  	s1 =	ssub.s32 @!p0 $0x0, s1;
	[sflag:s0] =	ssyncset.done @!p0 $0x0  }
0xbd: {  	[sflag:s0] =	ssyncadd.s32 @!p0 s1  }
0xbe: {  	[bflag:$0x3] =	sbarrier.arrive $0xFFFF  }
0xbf: {  	_ =	shalt  }

</sc_bundles>
